<compile_context>
chip_gen: v7x
topology: tpu7x:2x2x1
jax: 0.10.2.dev20260603
libtpu: 0.0.44.dev20260713+nightly
codegen_flags: <defaults>
</compile_context>

<pallas_src>
import functools

import jax
import jax.numpy as jnp
from jax.experimental import pallas as pl
from jax.experimental.pallas import tpu as pltpu
from jax.experimental.pallas import tpu_sc as plsc

K = 10
NC, NS = 2, 16
NW = NC * NS
CHUNK = 128
VOCAB_ = 400000
DIM_ = 300
VB = 4096
F_TC = 245760
COLS_SC = VOCAB_ - F_TC
DMAIN = 296
DPAD = 304


def _rb(v):
    c = v * jnp.float32(65537.0)
    return c - (c - v)


def _sc_score_body(w_hbm, wvt_hbm, tail_hbm, num_hbm, sq_hbm, wbuf, wrbuf,
                   buf, nbuf, sbuf, sems, tsems):
    nchunks = COLS_SC // CHUNK
    wid = jax.lax.axis_index("s") * NC + jax.lax.axis_index("c")
    nt = (nchunks - 1 - wid) // NW + 1

    pltpu.sync_copy(w_hbm, wbuf)
    for j in range(19):
        base = 16 * j if j < 18 else 284
        wv = _rb(wbuf[pl.ds(base, 16)])
        for i in range(16):
            wrbuf[pl.ds(16 * (base + i), 16)] = jnp.full(
                (16,), wv[i], jnp.float32)
    for i in range(4):
        wrbuf[pl.ds(16 * (300 + i), 16)] = jnp.zeros((16,), jnp.float32)

    def copy_main(t, par):
        g = wid + NW * t
        return pltpu.make_async_copy(
            wvt_hbm.at[pl.ds(0, DMAIN), pl.ds(F_TC + g * CHUNK, CHUNK)],
            buf.at[par, pl.ds(0, DMAIN), :], sems.at[par])

    def copy_tail(t, par):
        g = wid + NW * t
        return pltpu.make_async_copy(
            tail_hbm.at[pl.ds(0, 8), pl.ds(F_TC + g * CHUNK, CHUNK)],
            buf.at[par, pl.ds(DMAIN, 8), :], tsems.at[par])

    copy_main(0, 0).start()
    copy_tail(0, 0).start()

    def chunk_body(t, carry):
        par = jax.lax.rem(t, 2)
        g = wid + NW * t
        copy_main(t, par).wait()
        copy_tail(t, par).wait()

        @pl.when(t + 1 < nt)
        def _():
            copy_main(t + 1, 1 - par).start()
            copy_tail(t + 1, 1 - par).start()

        for gi in range(CHUNK // 16):
            z = jnp.zeros((16,), jnp.float32)

            @plsc.parallel_loop(0, DPAD, unroll=4, carry=(z, z))
            def _d(d, acc):
                acc_n, acc_s = acc
                wdv = wrbuf[pl.ds(16 * d, 16)]
                x = buf[par, d, pl.ds(16 * gi, 16)]
                acc_n = acc_n + _rb(x) * wdv
                acc_s = acc_s + x * x
                return (acc_n, acc_s)

            acc_n, acc_s = _d
            nbuf[par, pl.ds(16 * gi, 16)] = acc_n
            sbuf[par, pl.ds(16 * gi, 16)] = acc_s

        pltpu.sync_copy(nbuf.at[par], num_hbm.at[pl.ds(g * CHUNK, CHUNK)])
        pltpu.sync_copy(sbuf.at[par], sq_hbm.at[pl.ds(g * CHUNK, CHUNK)])
        return carry

    jax.lax.fori_loop(0, nt, chunk_body, 0)


@functools.cache
def _get_sc_score():
    return functools.partial(
        pl.kernel,
        out_type=(
            jax.ShapeDtypeStruct((COLS_SC,), jnp.float32),
            jax.ShapeDtypeStruct((COLS_SC,), jnp.float32),
        ),
        mesh=plsc.VectorSubcoreMesh(
            core_axis_name="c", subcore_axis_name="s", num_cores=NC,
            num_subcores=NS),
        scratch_types=(
            pltpu.VMEM((DIM_,), jnp.float32),
            pltpu.VMEM((16 * DPAD,), jnp.float32),
            pltpu.VMEM((2, DPAD, CHUNK), jnp.float32),
            pltpu.VMEM((2, CHUNK), jnp.float32),
            pltpu.VMEM((2, CHUNK), jnp.float32),
            pltpu.SemaphoreType.DMA((2,)),
            pltpu.SemaphoreType.DMA((2,)),
        ),
        compiler_params=pltpu.CompilerParams(needs_layout_passes=False),
    )(_sc_score_body)


def _tc_score_kernel(w_ref, wvt_ref, num_ref, sq_ref):
    tile = wvt_ref[...]
    wrow = w_ref[...]
    num = jnp.dot(wrow.astype(jnp.bfloat16), tile.astype(jnp.bfloat16),
                  preferred_element_type=jnp.float32)
    sq = jnp.sum(tile * tile, axis=0, keepdims=True)
    num_ref[...] = num.reshape(1, 1, -1)
    sq_ref[...] = sq.reshape(1, 1, -1)


def _topk_kernel(w_ref, n_ref, s_ref, out_ref):
    wsq = jnp.sum(w_ref[...] * w_ref[...])
    s = n_ref[...] / (jnp.sqrt(s_ref[...] + 1e-9) * jnp.sqrt(wsq))
    rows = s.shape[0]
    row = jax.lax.broadcasted_iota(jnp.int32, (rows, 128), 0)
    col = jax.lax.broadcasted_iota(jnp.int32, (rows, 128), 1)
    flat = row * 128 + col
    big = jnp.int32(2147483647)
    for i in range(K):
        m = jnp.max(s)
        idx = jnp.min(jnp.where(s == m, flat, big))
        out_ref[i] = idx
        s = jnp.where(flat == idx, -jnp.inf, s)


def kernel(w, word2vec, k):
    vocab, dim = word2vec.shape
    wvt = word2vec.T
    tail8 = jnp.concatenate(
        [jax.lax.slice(wvt, (DMAIN, 0), (dim, vocab)),
         jnp.zeros((8 - (dim - DMAIN), vocab), jnp.float32)])

    sc_n, sc_sq = _get_sc_score()(w, wvt, tail8)

    nb = F_TC // VB
    tc_n, tc_sq = pl.pallas_call(
        _tc_score_kernel,
        grid=(nb,),
        in_specs=[
            pl.BlockSpec((1, dim), lambda i: (0, 0)),
            pl.BlockSpec((dim, VB), lambda i: (0, i)),
        ],
        out_specs=[
            pl.BlockSpec((1, 1, VB), lambda i: (i, 0, 0)),
            pl.BlockSpec((1, 1, VB), lambda i: (i, 0, 0)),
        ],
        out_shape=[
            jax.ShapeDtypeStruct((nb, 1, VB), jnp.float32),
            jax.ShapeDtypeStruct((nb, 1, VB), jnp.float32),
        ],
    )(w.reshape(1, dim), wvt)

    num = jnp.concatenate([tc_n.reshape(-1), sc_n])
    sq = jnp.concatenate([tc_sq.reshape(-1), sc_sq])
    wcol = w.reshape(dim, 1)
    idx = pl.pallas_call(
        _topk_kernel,
        out_specs=pl.BlockSpec(memory_space=pltpu.SMEM),
        out_shape=jax.ShapeDtypeStruct((K,), jnp.int32),
    )(wcol, num.reshape(vocab // 128, 128), sq.reshape(vocab // 128, 128))
    return idx

# --- scband reference (transcript-rebuilt; emitter-appended) ---
"""Pipeline reference for scband-rnndecoder-18098992185720 (READ-ONLY COPY).

The authoritative reference and input builder live on the scoring server;
editing this copy changes nothing except your own understanding.
"""

import jax, jax.numpy as jnp
import numpy as np

VOCAB = 400000
DIM = 300
K = 10

def setup_inputs(seed: int = 0) -> dict:
    key = jax.random.key(seed)
    k1, k2 = jax.random.split(key)
    w = jax.random.normal(k1, (DIM,), dtype=jnp.float32)
    word2vec = jax.random.normal(k2, (VOCAB, DIM), dtype=jnp.float32)
    return {"w": w, "word2vec": word2vec, "k": 10}

def reference(w, word2vec, k):
    # Faithful translation of RNNDecoder.knn:
    # cos = (word2vec @ w) / (sqrt(sum(word2vec^2, dim=1) + 1e-9) * sqrt(sum(w^2)))
    num = jnp.matmul(word2vec, w)
    denom = jnp.sqrt(jnp.sum(word2vec * word2vec, axis=1) + 1e-09) * jnp.sqrt(jnp.sum(w * w))
    cos = num / denom
    _, topk = jax.lax.top_k(cos, K)
    topk = topk + (jnp.asarray(k) * 0).astype(topk.dtype)
    return topk

if __name__ == "__main__":
    import jax
    _d = setup_inputs()
    print(jax.jit(kernel)(*tuple(_d.values())))

</pallas_src>

<mosaic_0001>
#map = affine_map<(d0, d1) -> (0)>
#map1 = affine_map<(d0, d1) -> (0, 0)>
module attributes {stable_mosaic.version = 14 : i64} {
  func.func @_sc_score_body(%arg0: i32, %arg1: i32, %arg2: memref<300xf32, #tpu.memory_space<hbm>>, %arg3: memref<300x400000xf32, #tpu.memory_space<hbm>>, %arg4: memref<8x400000xf32, #tpu.memory_space<hbm>>, %arg5: memref<154240xf32, #tpu.memory_space<hbm>>, %arg6: memref<154240xf32, #tpu.memory_space<hbm>>, %arg7: memref<300xf32, #tpu.memory_space<vmem>>, %arg8: memref<4864xf32, #tpu.memory_space<vmem>>, %arg9: memref<2x304x128xf32, #tpu.memory_space<vmem>>, %arg10: memref<2x128xf32, #tpu.memory_space<vmem>>, %arg11: memref<2x128xf32, #tpu.memory_space<vmem>>, %arg12: memref<2x!tpu.dma_semaphore, #tpu.memory_space<semaphore_mem>>, %arg13: memref<2x!tpu.dma_semaphore, #tpu.memory_space<semaphore_mem>>) attributes {dimension_semantics = [#tpu.dimension_semantics<core_parallel>, #tpu.dimension_semantics<subcore_parallel>], iteration_bounds = array<i64: 2, 16>, scalar_prefetch = 0 : i64, scratch_operands = 7 : i64, tpu.core_type = #tpu.core_type<sc_vector_subcore>, window_params = [{transform_indices = #map}, {transform_indices = #map1}, {transform_indices = #map1}, {transform_indices = #map}, {transform_indices = #map}]} {
    %mul3A = arith.constant 2 : i32
    %mul3A_0 = arith.muli %arg1, %mul3A : i32
    %add3A = arith.addi %mul3A_0, %arg0 : i32
    %sub3A = arith.constant 1204 : i32
    %sub3A_1 = arith.subi %sub3A, %add3A : i32
    %jit3A = arith.constant 32 : i32
    %div3A = arith.divsi %sub3A_1, %jit3A : i32
    %sign3A = arith.constant 0 : i32
    %sign3A_2 = arith.cmpi sgt, %sub3A_1, %sign3A : i32
    %sign3A_3 = arith.extui %sign3A_2 : i1 to i32
    %sign3A_4 = arith.constant 0 : i32
    %sign3A_5 = arith.cmpi slt, %sub3A_1, %sign3A_4 : i32
    %sign3A_6 = arith.extui %sign3A_5 : i1 to i32
    %sign3A_7 = arith.subi %sign3A_3, %sign3A_6 : i32
    %sign3A_8 = arith.constant 0 : i32
    %sign3A_9 = arith.cmpi sgt, %jit3A, %sign3A_8 : i32
    %sign3A_10 = arith.extui %sign3A_9 : i1 to i32
    %sign3A_11 = arith.constant 0 : i32
    %sign3A_12 = arith.cmpi slt, %jit3A, %sign3A_11 : i32
    %sign3A_13 = arith.extui %sign3A_12 : i1 to i32
    %sign3A_14 = arith.subi %sign3A_10, %sign3A_13 : i32
    %ne3A = arith.cmpi ne, %sign3A_7, %sign3A_14 : i32
    %rem3A = arith.remsi %sub3A_1, %jit3A : i32
    %ne3A_15 = arith.constant 0 : i32
    %ne3A_16 = arith.cmpi ne, %rem3A, %ne3A_15 : i32
    %and3A = arith.andi %ne3A, %ne3A_16 : i1
    %sub3A_17 = arith.constant 1 : i32
    %sub3A_18 = arith.subi %div3A, %sub3A_17 : i32
    %select_n3A = arith.select %and3A, %sub3A_18, %div3A : i32
    %add3A_19 = arith.constant 1 : i32
    %add3A_20 = arith.addi %select_n3A, %add3A_19 : i32
    "tpu.region"() ({
      %run_scoped3A = tpu.sem_alloc : memref<!tpu.dma_semaphore, #tpu.memory_space<semaphore_mem>>
      tpu.enqueue_dma source(%arg2 : memref<300xf32, #tpu.memory_space<hbm>>) target(%arg7 : memref<300xf32, #tpu.memory_space<vmem>>) target_semaphore(%run_scoped3A : memref<!tpu.dma_semaphore, #tpu.memory_space<semaphore_mem>>)
      tpu.wait_dma2 semaphore(%run_scoped3A : memref<!tpu.dma_semaphore, #tpu.memory_space<semaphore_mem>>) src(%arg2 : memref<300xf32, #tpu.memory_space<hbm>>) dst(%arg7 : memref<300xf32, #tpu.memory_space<vmem>>)
      tpu.yield
    }) : () -> ()
    %get3A = arith.constant 0 : index
    %get3A_21 = tpu.vector_load %arg7[%get3A] {strides = array<i32>} : memref<300xf32, #tpu.memory_space<vmem>>, vector<16xf32>,
    %mul3A_22 = arith.constant 6.553700e+04 : f32
    %mul3A_23 = vector.broadcast %mul3A_22 : f32 to vector<16xf32>
    %mul3A_24 = arith.mulf %get3A_21, %mul3A_23 : vector<16xf32>
    %sub3A_25 = arith.subf %mul3A_24, %get3A_21 : vector<16xf32>
    %sub3A_26 = arith.subf %mul3A_24, %sub3A_25 : vector<16xf32>
    %slice3A = vector.extract_strided_slice %sub3A_26 {offsets = [0], sizes = [1], strides = [1]} : vector<16xf32> to vector<1xf32>
    %squeeze3A = vector.extract %slice3A[0] : f32 from vector<1xf32>
    %broadcast_in_dim3A = vector.broadcast %squeeze3A : f32 to vector<16xf32>
    %swap3A = arith.constant 0 : index
    %swap3A_27 = tpu.vector_load %arg8[%swap3A] {strides = array<i32>} : memref<4864xf32, #tpu.memory_space<vmem>>, vector<16xf32>,
    tpu.vector_store %arg8[%swap3A], %broadcast_in_dim3A {strides = array<i32>} : memref<4864xf32, #tpu.memory_space<vmem>>, vector<16xf32>,
    %slice3A_28 = vector.extract_strided_slice %sub3A_26 {offsets = [1], sizes = [1], strides = [1]} : vector<16xf32> to vector<1xf32>
    %squeeze3A_29 = vector.extract %slice3A_28[0] : f32 from vector<1xf32>
    %broadcast_in_dim3A_30 = vector.broadcast %squeeze3A_29 : f32 to vector<16xf32>
    %swap3A_31 = arith.constant 16 : index
    %swap3A_32 = tpu.vector_load %arg8[%swap3A_31] {strides = array<i32>} : memref<4864xf32, #tpu.memory_space<vmem>>, vector<16xf32>,
    tpu.vector_store %arg8[%swap3A_31], %broadcast_in_dim3A_30 {strides = array<i32>} : memref<4864xf32, #tpu.memory_space<vmem>>, vector<16xf32>,
    %slice3A_33 = vector.extract_strided_slice %sub3A_26 {offsets = [2], sizes = [1], strides = [1]} : vector<16xf32> to vector<1xf32>
    %squeeze3A_34 = vector.extract %slice3A_33[0] : f32 from vector<1xf32>
    %broadcast_in_dim3A_35 = vector.broadcast %squeeze3A_34 : f32 to vector<16xf32>
    %swap3A_36 = arith.constant 32 : index
    %swap3A_37 = tpu.vector_load %arg8[%swap3A_36] {strides = array<i32>} : memref<4864xf32, #tpu.memory_space<vmem>>, vector<16xf32>,
    tpu.vector_store %arg8[%swap3A_36], %broadcast_in_dim3A_35 {strides = array<i32>} : memref<4864xf32, #tpu.memory_space<vmem>>, vector<16xf32>,
    %slice3A_38 = vector.extract_strided_slice %sub3A_26 {offsets = [3], sizes = [1], strides = [1]} : vector<16xf32> to vector<1xf32>
    %squeeze3A_39 = vector.extract %slice3A_38[0] : f32 from vector<1xf32>
    %broadcast_in_dim3A_40 = vector.broadcast %squeeze3A_39 : f32 to vector<16xf32>
    %swap3A_41 = arith.constant 48 : index
    %swap3A_42 = tpu.vector_load %arg8[%swap3A_41] {strides = array<i32>} : memref<4864xf32, #tpu.memory_space<vmem>>, vector<16xf32>,
    tpu.vector_store %arg8[%swap3A_41], %broadcast_in_dim3A_40 {strides = array<i32>} : memref<4864xf32, #tpu.memory_space<vmem>>, vector<16xf32>,
    %slice3A_43 = vector.extract_strided_slice %sub3A_26 {offsets = [4], sizes = [1], strides = [1]} : vector<16xf32> to vector<1xf32>
    %squeeze3A_44 = vector.extract %slice3A_43[0] : f32 from vector<1xf32>
    %broadcast_in_dim3A_45 = vector.broadcast %squeeze3A_44 : f32 to vector<16xf32>
    %swap3A_46 = arith.constant 64 : index
    %swap3A_47 = tpu.vector_load %arg8[%swap3A_46] {strides = array<i32>} : memref<4864xf32, #tpu.memory_space<vmem>>, vector<16xf32>,
    tpu.vector_store %arg8[%swap3A_46], %broadcast_in_dim3A_45 {strides = array<i32>} : memref<4864xf32, #tpu.memory_space<vmem>>, vector<16xf32>,
    %slice3A_48 = vector.extract_strided_slice %sub3A_26 {offsets = [5], sizes = [1], strides = [1]} : vector<16xf32> to vector<1xf32>
    %squeeze3A_49 = vector.extract %slice3A_48[0] : f32 from vector<1xf32>
    %broadcast_in_dim3A_50 = vector.broadcast %squeeze3A_49 : f32 to vector<16xf32>
    %swap3A_51 = arith.constant 80 : index
    %swap3A_52 = tpu.vector_load %arg8[%swap3A_51] {strides = array<i32>} : memref<4864xf32, #tpu.memory_space<vmem>>, vector<16xf32>,
    tpu.vector_store %arg8[%swap3A_51], %broadcast_in_dim3A_50 {strides = array<i32>} : memref<4864xf32, #tpu.memory_space<vmem>>, vector<16xf32>,
    %slice3A_53 = vector.extract_strided_slice %sub3A_26 {offsets = [6], sizes = [1], strides = [1]} : vector<16xf32> to vector<1xf32>
    %squeeze3A_54 = vector.extract %slice3A_53[0] : f32 from vector<1xf32>
    %broadcast_in_dim3A_55 = vector.broadcast %squeeze3A_54 : f32 to vector<16xf32>
    %swap3A_56 = arith.constant 96 : index
    %swap3A_57 = tpu.vector_load %arg8[%swap3A_56] {strides = array<i32>} : memref<4864xf32, #tpu.memory_space<vmem>>, vector<16xf32>,
    tpu.vector_store %arg8[%swap3A_56], %broadcast_in_dim3A_55 {strides = array<i32>} : memref<4864xf32, #tpu.memory_space<vmem>>, vector<16xf32>,
    %slice3A_58 = vector.extract_strided_slice %sub3A_26 {offsets = [7], sizes = [1], strides = [1]} : vector<16xf32> to vector<1xf32>
    %squeeze3A_59 = vector.extract %slice3A_58[0] : f32 from vector<1xf32>
    %broadcast_in_dim3A_60 = vector.broadcast %squeeze3A_59 : f32 to vector<16xf32>
    %swap3A_61 = arith.constant 112 : index
    %swap3A_62 = tpu.vector_load %arg8[%swap3A_61] {strides = array<i32>} : memref<4864xf32, #tpu.memory_space<vmem>>, vector<16xf32>,
    tpu.vector_store %arg8[%swap3A_61], %broadcast_in_dim3A_60 {strides = array<i32>} : memref<4864xf32, #tpu.memory_space<vmem>>, vector<16xf32>,
    %slice3A_63 = vector.extract_strided_slice %sub3A_26 {offsets = [8], sizes = [1], strides = [1]} : vector<16xf32> to vector<1xf32>
    %squeeze3A_64 = vector.extract %slice3A_63[0] : f32 from vector<1xf32>
    %broadcast_in_dim3A_65 = vector.broadcast %squeeze3A_64 : f32 to vector<16xf32>
    %swap3A_66 = arith.constant 128 : index
    %swap3A_67 = tpu.vector_load %arg8[%swap3A_66] {strides = array<i32>} : memref<4864xf32, #tpu.memory_space<vmem>>, vector<16xf32>,
    tpu.vector_store %arg8[%swap3A_66], %broadcast_in_dim3A_65 {strides = array<i32>} : memref<4864xf32, #tpu.memory_space<vmem>>, vector<16xf32>,
    %slice3A_68 = vector.extract_strided_slice %sub3A_26 {offsets = [9], sizes = [1], strides = [1]} : vector<16xf32> to vector<1xf32>
    %squeeze3A_69 = vector.extract %slice3A_68[0] : f32 from vector<1xf32>
    %broadcast_in_dim3A_70 = vector.broadcast %squeeze3A_69 : f32 to vector<16xf32>
    %swap3A_71 = arith.constant 144 : index
    %swap3A_72 = tpu.vector_load %arg8[%swap3A_71] {strides = array<i32>} : memref<4864xf32, #tpu.memory_space<vmem>>, vector<16xf32>,
    tpu.vector_store %arg8[%swap3A_71], %broadcast_in_dim3A_70 {strides = array<i32>} : memref<4864xf32, #tpu.memory_space<vmem>>, vector<16xf32>,
    %slice3A_73 = vector.extract_strided_slice %sub3A_26 {offsets = [10], sizes = [1], strides = [1]} : vector<16xf32> to vector<1xf32>
    %squeeze3A_74 = vector.extract %slice3A_73[0] : f32 from vector<1xf32>
    %broadcast_in_dim3A_75 = vector.broadcast %squeeze3A_74 : f32 to vector<16xf32>
    %swap3A_76 = arith.constant 160 : index
    %swap3A_77 = tpu.vector_load %arg8[%swap3A_76] {strides = array<i32>} : memref<4864xf32, #tpu.memory_space<vmem>>, vector<16xf32>,
    tpu.vector_store %arg8[%swap3A_76], %broadcast_in_dim3A_75 {strides = array<i32>} : memref<4864xf32, #tpu.memory_space<vmem>>, vector<16xf32>,
    %slice3A_78 = vector.extract_strided_slice %sub3A_26 {offsets = [11], sizes = [1], strides = [1]} : vector<16xf32> to vector<1xf32>
    %squeeze3A_79 = vector.extract %slice3A_78[0] : f32 from vector<1xf32>
    %broadcast_in_dim3A_80 = vector.broadcast %squeeze3A_79 : f32 to vector<16xf32>
    %swap3A_81 = arith.constant 176 : index
    %swap3A_82 = tpu.vector_load %arg8[%swap3A_81] {strides = array<i32>} : memref<4864xf32, #tpu.memory_space<vmem>>, vector<16xf32>,
    tpu.vector_store %arg8[%swap3A_81], %broadcast_in_dim3A_80 {strides = array<i32>} : memref<4864xf32, #tpu.memory_space<vmem>>, vector<16xf32>,
    %slice3A_83 = vector.extract_strided_slice %sub3A_26 {offsets = [12], sizes = [1], strides = [1]} : vector<16xf32> to vector<1xf32>
    %squeeze3A_84 = vector.extract %slice3A_83[0] : f32 from vector<1xf32>
    %broadcast_in_dim3A_85 = vector.broadcast %squeeze3A_84 : f32 to vector<16xf32>
    %swap3A_86 = arith.constant 192 : index
    %swap3A_87 = tpu.vector_load %arg8[%swap3A_86] {strides = array<i32>} : memref<4864xf32, #tpu.memory_space<vmem>>, vector<16xf32>,
    tpu.vector_store %arg8[%swap3A_86], %broadcast_in_dim3A_85 {strides = array<i32>} : memref<4864xf32, #tpu.memory_space<vmem>>, vector<16xf32>,
    %slice3A_88 = vector.extract_strided_slice %sub3A_26 {offsets = [13], sizes = [1], strides = [1]} : vector<16xf32> to vector<1xf32>
    %squeeze3A_89 = vector.extract %slice3A_88[0] : f32 from vector<1xf32>
    %broadcast_in_dim3A_90 = vector.broadcast %squeeze3A_89 : f32 to vector<16xf32>
    %swap3A_91 = arith.constant 208 : index
    %swap3A_92 = tpu.vector_load %arg8[%swap3A_91] {strides = array<i32>} : memref<4864xf32, #tpu.memory_space<vmem>>, vector<16xf32>,
    tpu.vector_store %arg8[%swap3A_91], %broadcast_in_dim3A_90 {strides = array<i32>} : memref<4864xf32, #tpu.memory_space<vmem>>, vector<16xf32>,
    %slice3A_93 = vector.extract_strided_slice %sub3A_26 {offsets = [14], sizes = [1], strides = [1]} : vector<16xf32> to vector<1xf32>
    %squeeze3A_94 = vector.extract %slice3A_93[0] : f32 from vector<1xf32>
    %broadcast_in_dim3A_95 = vector.broadcast %squeeze3A_94 : f32 to vector<16xf32>
    %swap3A_96 = arith.constant 224 : index
    %swap3A_97 = tpu.vector_load %arg8[%swap3A_96] {strides = array<i32>} : memref<4864xf32, #tpu.memory_space<vmem>>, vector<16xf32>,
    tpu.vector_store %arg8[%swap3A_96], %broadcast_in_dim3A_95 {strides = array<i32>} : memref<4864xf32, #tpu.memory_space<vmem>>, vector<16xf32>,
    %slice3A_98 = vector.extract_strided_slice %sub3A_26 {offsets = [15], sizes = [1], strides = [1]} : vector<16xf32> to vector<1xf32>
    %squeeze3A_99 = vector.extract %slice3A_98[0] : f32 from vector<1xf32>
    %broadcast_in_dim3A_100 = vector.broadcast %squeeze3A_99 : f32 to vector<16xf32>
    %swap3A_101 = arith.constant 240 : index
    %swap3A_102 = tpu.vector_load %arg8[%swap3A_101] {strides = array<i32>} : memref<4864xf32, #tpu.memory_space<vmem>>, vector<16xf32>,
    tpu.vector_store %arg8[%swap3A_101], %broadcast_in_dim3A_100 {strides = array<i32>} : memref<4864xf32, #tpu.memory_space<vmem>>, vector<16xf32>,
    %get3A_103 = arith.constant 16 : index
    %get3A_104 = tpu.vector_load %arg7[%get3A_103] {strides = array<i32>} : memref<300xf32, #tpu.memory_space<vmem>>, vector<16xf32>,
    %mul3A_105 = arith.constant 6.553700e+04 : f32
    %mul3A_106 = vector.broadcast %mul3A_105 : f32 to vector<16xf32>
    %mul3A_107 = arith.mulf %get3A_104, %mul3A_106 : vector<16xf32>
    %sub3A_108 = arith.subf %mul3A_107, %get3A_104 : vector<16xf32>
    %sub3A_109 = arith.subf %mul3A_107, %sub3A_108 : vector<16xf32>
    %slice3A_110 = vector.extract_strided_slice %sub3A_109 {offsets = [0], sizes = [1], strides = [1]} : vector<16xf32> to vector<1xf32>
    %squeeze3A_111 = vector.extract %slice3A_110[0] : f32 from vector<1xf32>
    %broadcast_in_dim3A_112 = vector.broadcast %squeeze3A_111 : f32 to vector<16xf32>
    %swap3A_113 = arith.constant 256 : index
    %swap3A_114 = tpu.vector_load %arg8[%swap3A_113] {strides = array<i32>} : memref<4864xf32, #tpu.memory_space<vmem>>, vector<16xf32>,
    tpu.vector_store %arg8[%swap3A_113], %broadcast_in_dim3A_112 {strides = array<i32>} : memref<4864xf32, #tpu.memory_space<vmem>>, vector<16xf32>,
    %slice3A_115 = vector.extract_strided_slice %sub3A_109 {offsets = [1], sizes = [1], strides = [1]} : vector<16xf32> to vector<1xf32>
    %squeeze3A_116 = vector.extract %slice3A_115[0] : f32 from vector<1xf32>
    %broadcast_in_dim3A_117 = vector.broadcast %squeeze3A_116 : f32 to vector<16xf32>
    %swap3A_118 = arith.constant 272 : index
    %swap3A_119 = tpu.vector_load %arg8[%swap3A_118] {strides = array<i32>} : memref<4864xf32, #tpu.memory_space<vmem>>, vector<16xf32>,
    tpu.vector_store %arg8[%swap3A_118], %broadcast_in_dim3A_117 {strides = array<i32>} : memref<4864xf32, #tpu.memory_space<vmem>>, vector<16xf32>,
    %slice3A_120 = vector.extract_strided_slice %sub3A_109 {offsets = [2], sizes = [1], strides = [1]} : vector<16xf32> to vector<1xf32>
    %squeeze3A_121 = vector.extract %slice3A_120[0] : f32 from vector<1xf32>
    %broadcast_in_dim3A_122 = vector.broadcast %squeeze3A_121 : f32 to vector<16xf32>
    %swap3A_123 = arith.constant 288 : index
    %swap3A_124 = tpu.vector_load %arg8[%swap3A_123] {strides = array<i32>} : memref<4864xf32, #tpu.memory_space<vmem>>, vector<16xf32>,
    tpu.vector_store %arg8[%swap3A_123], %broadcast_in_dim3A_122 {strides = array<i32>} : memref<4864xf32, #tpu.memory_space<vmem>>, vector<16xf32>,
    %slice3A_125 = vector.extract_strided_slice %sub3A_109 {offsets = [3], sizes = [1], strides = [1]} : vector<16xf32> to vector<1xf32>
    %squeeze3A_126 = vector.extract %slice3A_125[0] : f32 from vector<1xf32>
    %broadcast_in_dim3A_127 = vector.broadcast %squeeze3A_126 : f32 to vector<16xf32>
    %swap3A_128 = arith.constant 304 : index
    %swap3A_129 = tpu.vector_load %arg8[%swap3A_128] {strides = array<i32>} : memref<4864xf32, #tpu.memory_space<vmem>>, vector<16xf32>,
    tpu.vector_store %arg8[%swap3A_128], %broadcast_in_dim3A_127 {strides = array<i32>} : memref<4864xf32, #tpu.memory_space<vmem>>, vector<16xf32>,
    %slice3A_130 = vector.extract_strided_slice %sub3A_109 {offsets = [4], sizes = [1], strides = [1]} : vector<16xf32> to vector<1xf32>
    %squeeze3A_131 = vector.extract %slice3A_130[0] : f32 from vector<1xf32>
    %broadcast_in_dim3A_132 = vector.broadcast %squeeze3A_131 : f32 to vector<16xf32>
    %swap3A_133 = arith.constant 320 : index
    %swap3A_134 = tpu.vector_load %arg8[%swap3A_133] {strides = array<i32>} : memref<4864xf32, #tpu.memory_space<vmem>>, vector<16xf32>,
    tpu.vector_store %arg8[%swap3A_133], %broadcast_in_dim3A_132 {strides = array<i32>} : memref<4864xf32, #tpu.memory_space<vmem>>, vector<16xf32>,
    %slice3A_135 = vector.extract_strided_slice %sub3A_109 {offsets = [5], sizes = [1], strides = [1]} : vector<16xf32> to vector<1xf32>
    %squeeze3A_136 = vector.extract %slice3A_135[0] : f32 from vector<1xf32>
    %broadcast_in_dim3A_137 = vector.broadcast %squeeze3A_136 : f32 to vector<16xf32>
    %swap3A_138 = arith.constant 336 : index
    %swap3A_139 = tpu.vector_load %arg8[%swap3A_138] {strides = array<i32>} : memref<4864xf32, #tpu.memory_space<vmem>>, vector<16xf32>,
    tpu.vector_store %arg8[%swap3A_138], %broadcast_in_dim3A_137 {strides = array<i32>} : memref<4864xf32, #tpu.memory_space<vmem>>, vector<16xf32>,
    %slice3A_140 = vector.extract_strided_slice %sub3A_109 {offsets = [6], sizes = [1], strides = [1]} : vector<16xf32> to vector<1xf32>
    %squeeze3A_141 = vector.extract %slice3A_140[0] : f32 from vector<1xf32>
    %broadcast_in_dim3A_142 = vector.broadcast %squeeze3A_141 : f32 to vector<16xf32>
    %swap3A_143 = arith.constant 352 : index
    %swap3A_144 = tpu.vector_load %arg8[%swap3A_143] {strides = array<i32>} : memref<4864xf32, #tpu.memory_space<vmem>>, vector<16xf32>,
    tpu.vector_store %arg8[%swap3A_143], %broadcast_in_dim3A_142 {strides = array<i32>} : memref<4864xf32, #tpu.memory_space<vmem>>, vector<16xf32>,
    %slice3A_145 = vector.extract_strided_slice %sub3A_109 {offsets = [7], sizes = [1], strides = [1]} : vector<16xf32> to vector<1xf32>
    %squeeze3A_146 = vector.extract %slice3A_145[0] : f32 from vector<1xf32>
    %broadcast_in_dim3A_147 = vector.broadcast %squeeze3A_146 : f32 to vector<16xf32>
    %swap3A_148 = arith.constant 368 : index
    %swap3A_149 = tpu.vector_load %arg8[%swap3A_148] {strides = array<i32>} : memref<4864xf32, #tpu.memory_space<vmem>>, vector<16xf32>,
    tpu.vector_store %arg8[%swap3A_148], %broadcast_in_dim3A_147 {strides = array<i32>} : memref<4864xf32, #tpu.memory_space<vmem>>, vector<16xf32>,
    %slice3A_150 = vector.extract_strided_slice %sub3A_109 {offsets = [8], sizes = [1], strides = [1]} : vector<16xf32> to vector<1xf32>
    %squeeze3A_151 = vector.extract %slice3A_150[0] : f32 from vector<1xf32>
    %broadcast_in_dim3A_152 = vector.broadcast %squeeze3A_151 : f32 to vector<16xf32>
    %swap3A_153 = arith.constant 384 : index
    %swap3A_154 = tpu.vector_load %arg8[%swap3A_153] {strides = array<i32>} : memref<4864xf32, #tpu.memory_space<vmem>>, vector<16xf32>,
    tpu.vector_store %arg8[%swap3A_153], %broadcast_in_dim3A_152 {strides = array<i32>} : memref<4864xf32, #tpu.memory_space<vmem>>, vector<16xf32>,
    %slice3A_155 = vector.extract_strided_slice %sub3A_109 {offsets = [9], sizes = [1], strides = [1]} : vector<16xf32> to vector<1xf32>
    %squeeze3A_156 = vector.extract %slice3A_155[0] : f32 from vector<1xf32>
    %broadcast_in_dim3A_157 = vector.broadcast %squeeze3A_156 : f32 to vector<16xf32>
    %swap3A_158 = arith.constant 400 : index
    %swap3A_159 = tpu.vector_load %arg8[%swap3A_158] {strides = array<i32>} : memref<4864xf32, #tpu.memory_space<vmem>>, vector<16xf32>,
    tpu.vector_store %arg8[%swap3A_158], %broadcast_in_dim3A_157 {strides = array<i32>} : memref<4864xf32, #tpu.memory_space<vmem>>, vector<16xf32>,
    %slice3A_160 = vector.extract_strided_slice %sub3A_109 {offsets = [10], sizes = [1], strides = [1]} : vector<16xf32> to vector<1xf32>
    %squeeze3A_161 = vector.extract %slice3A_160[0] : f32 from vector<1xf32>
    %broadcast_in_dim3A_162 = vector.broadcast %squeeze3A_161 : f32 to vector<16xf32>
    %swap3A_163 = arith.constant 416 : index
    %swap3A_164 = tpu.vector_load %arg8[%swap3A_163] {strides = array<i32>} : memref<4864xf32, #tpu.memory_space<vmem>>, vector<16xf32>,
    tpu.vector_store %arg8[%swap3A_163], %broadcast_in_dim3A_162 {strides = array<i32>} : memref<4864xf32, #tpu.memory_space<vmem>>, vector<16xf32>,
    %slice3A_165 = vector.extract_strided_slice %sub3A_109 {offsets = [11], sizes = [1], strides = [1]} : vector<16xf32> to vector<1xf32>
    %squeeze3A_166 = vector.extract %slice3A_165[0] : f32 from vector<1xf32>
    %broadcast_in_dim3A_167 = vector.broadcast %squeeze3A_166 : f32 to vector<16xf32>
    %swap3A_168 = arith.constant 432 : index
    %swap3A_169 = tpu.vector_load %arg8[%swap3A_168] {strides = array<i32>} : memref<4864xf32, #tpu.memory_space<vmem>>, vector<16xf32>,
    tpu.vector_store %arg8[%swap3A_168], %broadcast_in_dim3A_167 {strides = array<i32>} : memref<4864xf32, #tpu.memory_space<vmem>>, vector<16xf32>,
    %slice3A_170 = vector.extract_strided_slice %sub3A_109 {offsets = [12], sizes = [1], strides = [1]} : vector<16xf32> to vector<1xf32>
    %squeeze3A_171 = vector.extract %slice3A_170[0] : f32 from vector<1xf32>
    %broadcast_in_dim3A_172 = vector.broadcast %squeeze3A_171 : f32 to vector<16xf32>
    %swap3A_173 = arith.constant 448 : index
    %swap3A_174 = tpu.vector_load %arg8[%swap3A_173] {strides = array<i32>} : memref<4864xf32, #tpu.memory_space<vmem>>, vector<16xf32>,
    tpu.vector_store %arg8[%swap3A_173], %broadcast_in_dim3A_172 {strides = array<i32>} : memref<4864xf32, #tpu.memory_space<vmem>>, vector<16xf32>,
    %slice3A_175 = vector.extract_strided_slice %sub3A_109 {offsets = [13], sizes = [1], strides = [1]} : vector<16xf32> to vector<1xf32>
    %squeeze3A_176 = vector.extract %slice3A_175[0] : f32 from vector<1xf32>
    %broadcast_in_dim3A_177 = vector.broadcast %squeeze3A_176 : f32 to vector<16xf32>
    %swap3A_178 = arith.constant 464 : index
    %swap3A_179 = tpu.vector_load %arg8[%swap3A_178] {strides = array<i32>} : memref<4864xf32, #tpu.memory_space<vmem>>, vector<16xf32>,
    tpu.vector_store %arg8[%swap3A_178], %broadcast_in_dim3A_177 {strides = array<i32>} : memref<4864xf32, #tpu.memory_space<vmem>>, vector<16xf32>,
    %slice3A_180 = vector.extract_strided_slice %sub3A_109 {offsets = [14], sizes = [1], strides = [1]} : vector<16xf32> to vector<1xf32>
    %squeeze3A_181 = vector.extract %slice3A_180[0] : f32 from vector<1xf32>
    %broadcast_in_dim3A_182 = vector.broadcast %squeeze3A_181 : f32 to vector<16xf32>
    %swap3A_183 = arith.constant 480 : index
    %swap3A_184 = tpu.vector_load %arg8[%swap3A_183] {strides = array<i32>} : memref<4864xf32, #tpu.memory_space<vmem>>, vector<16xf32>,
    tpu.vector_store %arg8[%swap3A_183], %broadcast_in_dim3A_182 {strides = array<i32>} : memref<4864xf32, #tpu.memory_space<vmem>>, vector<16xf32>,
    %slice3A_185 = vector.extract_strided_slice %sub3A_109 {offsets = [15], sizes = [1], strides = [1]} : vector<16xf32> to vector<1xf32>
    %squeeze3A_186 = vector.extract %slice3A_185[0] : f32 from vector<1xf32>
    %broadcast_in_dim3A_187 = vector.broadcast %squeeze3A_186 : f32 to vector<16xf32>
    %swap3A_188 = arith.constant 496 : index
    %swap3A_189 = tpu.vector_load %arg8[%swap3A_188] {strides = array<i32>} : memref<4864xf32, #tpu.memory_space<vmem>>, vector<16xf32>,
    tpu.vector_store %arg8[%swap3A_188], %broadcast_in_dim3A_187 {strides = array<i32>} : memref<4864xf32, #tpu.memory_space<vmem>>, vector<16xf32>,
    %get3A_190 = arith.constant 32 : index
    %get3A_191 = tpu.vector_load %arg7[%get3A_190] {strides = array<i32>} : memref<300xf32, #tpu.memory_space<vmem>>, vector<16xf32>,
    %mul3A_192 = arith.constant 6.553700e+04 : f32
    %mul3A_193 = vector.broadcast %mul3A_192 : f32 to vector<16xf32>
    %mul3A_194 = arith.mulf %get3A_191, %mul3A_193 : vector<16xf32>
    %sub3A_195 = arith.subf %mul3A_194, %get3A_191 : vector<16xf32>
    %sub3A_196 = arith.subf %mul3A_194, %sub3A_195 : vector<16xf32>
    %slice3A_197 = vector.extract_strided_slice %sub3A_196 {offsets = [0], sizes = [1], strides = [1]} : vector<16xf32> to vector<1xf32>
    %squeeze3A_198 = vector.extract %slice3A_197[0] : f32 from vector<1xf32>
    %broadcast_in_dim3A_199 = vector.broadcast %squeeze3A_198 : f32 to vector<16xf32>
    %swap3A_200 = arith.constant 512 : index
    %swap3A_201 = tpu.vector_load %arg8[%swap3A_200] {strides = array<i32>} : memref<4864xf32, #tpu.memory_space<vmem>>, vector<16xf32>,
    tpu.vector_store %arg8[%swap3A_200], %broadcast_in_dim3A_199 {strides = array<i32>} : memref<4864xf32, #tpu.memory_space<vmem>>, vector<16xf32>,
    %slice3A_202 = vector.extract_strided_slice %sub3A_196 {offsets = [1], sizes = [1], strides = [1]} : vector<16xf32> to vector<1xf32>
    %squeeze3A_203 = vector.extract %slice3A_202[0] : f32 from vector<1xf32>
    %broadcast_in_dim3A_204 = vector.broadcast %squeeze3A_203 : f32 to vector<16xf32>
    %swap3A_205 = arith.constant 528 : index
    %swap3A_206 = tpu.vector_load %arg8[%swap3A_205] {strides = array<i32>} : memref<4864xf32, #tpu.memory_space<vmem>>, vector<16xf32>,
    tpu.vector_store %arg8[%swap3A_205], %broadcast_in_dim3A_204 {strides = array<i32>} : memref<4864xf32, #tpu.memory_space<vmem>>, vector<16xf32>,
    %slice3A_207 = vector.extract_strided_slice %sub3A_196 {offsets = [2], sizes = [1], strides = [1]} : vector<16xf32> to vector<1xf32>
    %squeeze3A_208 = vector.extract %slice3A_207[0] : f32 from vector<1xf32>
    %broadcast_in_dim3A_209 = vector.broadcast %squeeze3A_208 : f32 to vector<16xf32>
    %swap3A_210 = arith.constant 544 : index
    %swap3A_211 = tpu.vector_load %arg8[%swap3A_210] {strides = array<i32>} : memref<4864xf32, #tpu.memory_space<vmem>>, vector<16xf32>,
    tpu.vector_store %arg8[%swap3A_210], %broadcast_in_dim3A_209 {strides = array<i32>} : memref<4864xf32, #tpu.memory_space<vmem>>, vector<16xf32>,
    %slice3A_212 = vector.extract_strided_slice %sub3A_196 {offsets = [3], sizes = [1], strides = [1]} : vector<16xf32> to vector<1xf32>
    %squeeze3A_213 = vector.extract %slice3A_212[0] : f32 from vector<1xf32>
    %broadcast_in_dim3A_214 = vector.broadcast %squeeze3A_213 : f32 to vector<16xf32>
    %swap3A_215 = arith.constant 560 : index
    %swap3A_216 = tpu.vector_load %arg8[%swap3A_215] {strides = array<i32>} : memref<4864xf32, #tpu.memory_space<vmem>>, vector<16xf32>,
    tpu.vector_store %arg8[%swap3A_215], %broadcast_in_dim3A_214 {strides = array<i32>} : memref<4864xf32, #tpu.memory_space<vmem>>, vector<16xf32>,
    %slice3A_217 = vector.extract_strided_slice %sub3A_196 {offsets = [4], sizes = [1], strides = [1]} : vector<16xf32> to vector<1xf32>
    %squeeze3A_218 = vector.extract %slice3A_217[0] : f32 from vector<1xf32>
    %broadcast_in_dim3A_219 = vector.broadcast %squeeze3A_218 : f32 to vector<16xf32>
    %swap3A_220 = arith.constant 576 : index
    %swap3A_221 = tpu.vector_load %arg8[%swap3A_220] {strides = array<i32>} : memref<4864xf32, #tpu.memory_space<vmem>>, vector<16xf32>,
    tpu.vector_store %arg8[%swap3A_220], %broadcast_in_dim3A_219 {strides = array<i32>} : memref<4864xf32, #tpu.memory_space<vmem>>, vector<16xf32>,
    %slice3A_222 = vector.extract_strided_slice %sub3A_196 {offsets = [5], sizes = [1], strides = [1]} : vector<16xf32> to vector<1xf32>
    %squeeze3A_223 = vector.extract %slice3A_222[0] : f32 from vector<1xf32>
    %broadcast_in_dim3A_224 = vector.broadcast %squeeze3A_223 : f32 to vector<16xf32>
    %swap3A_225 = arith.constant 592 : index
    %swap3A_226 = tpu.vector_load %arg8[%swap3A_225] {strides = array<i32>} : memref<4864xf32, #tpu.memory_space<vmem>>, vector<16xf32>,
    tpu.vector_store %arg8[%swap3A_225], %broadcast_in_dim3A_224 {strides = array<i32>} : memref<4864xf32, #tpu.memory_space<vmem>>, vector<16xf32>,
    %slice3A_227 = vector.extract_strided_slice %sub3A_196 {offsets = [6], sizes = [1], strides = [1]} : vector<16xf32> to vector<1xf32>
    %squeeze3A_228 = vector.extract %slice3A_227[0] : f32 from vector<1xf32>
    %broadcast_in_dim3A_229 = vector.broadcast %squeeze3A_228 : f32 to vector<16xf32>
    %swap3A_230 = arith.constant 608 : index
    %swap3A_231 = tpu.vector_load %arg8[%swap3A_230] {strides = array<i32>} : memref<4864xf32, #tpu.memory_space<vmem>>, vector<16xf32>,
    tpu.vector_store %arg8[%swap3A_230], %broadcast_in_dim3A_229 {strides = array<i32>} : memref<4864xf32, #tpu.memory_space<vmem>>, vector<16xf32>,
    %slice3A_232 = vector.extract_strided_slice %sub3A_196 {offsets = [7], sizes = [1], strides = [1]} : vector<16xf32> to vector<1xf32>
    %squeeze3A_233 = vector.extract %slice3A_232[0] : f32 from vector<1xf32>
    %broadcast_in_dim3A_234 = vector.broadcast %squeeze3A_233 : f32 to vector<16xf32>
    %swap3A_235 = arith.constant 624 : index
    %swap3A_236 = tpu.vector_load %arg8[%swap3A_235] {strides = array<i32>} : memref<4864xf32, #tpu.memory_space<vmem>>, vector<16xf32>,
    tpu.vector_store %arg8[%swap3A_235], %broadcast_in_dim3A_234 {strides = array<i32>} : memref<4864xf32, #tpu.memory_space<vmem>>, vector<16xf32>,
    %slice3A_237 = vector.extract_strided_slice %sub3A_196 {offsets = [8], sizes = [1], strides = [1]} : vector<16xf32> to vector<1xf32>
    %squeeze3A_238 = vector.extract %slice3A_237[0] : f32 from vector<1xf32>
    %broadcast_in_dim3A_239 = vector.broadcast %squeeze3A_238 : f32 to vector<16xf32>
    %swap3A_240 = arith.constant 640 : index
    %swap3A_241 = tpu.vector_load %arg8[%swap3A_240] {strides = array<i32>} : memref<4864xf32, #tpu.memory_space<vmem>>, vector<16xf32>,
    tpu.vector_store %arg8[%swap3A_240], %broadcast_in_dim3A_239 {strides = array<i32>} : memref<4864xf32, #tpu.memory_space<vmem>>, vector<16xf32>,
    %slice3A_242 = vector.extract_strided_slice %sub3A_196 {offsets = [9], sizes = [1], strides = [1]} : vector<16xf32> to vector<1xf32>
    %squeeze3A_243 = vector.extract %slice3A_242[0] : f32 from vector<1xf32>
    %broadcast_in_dim3A_244 = vector.broadcast %squeeze3A_243 : f32 to vector<16xf32>
    %swap3A_245 = arith.constant 656 : index
    %swap3A_246 = tpu.vector_load %arg8[%swap3A_245] {strides = array<i32>} : memref<4864xf32, #tpu.memory_space<vmem>>, vector<16xf32>,
    tpu.vector_store %arg8[%swap3A_245], %broadcast_in_dim3A_244 {strides = array<i32>} : memref<4864xf32, #tpu.memory_space<vmem>>, vector<16xf32>,
    %slice3A_247 = vector.extract_strided_slice %sub3A_196 {offsets = [10], sizes = [1], strides = [1]} : vector<16xf32> to vector<1xf32>
    %squeeze3A_248 = vector.extract %slice3A_247[0] : f32 from vector<1xf32>
    %broadcast_in_dim3A_249 = vector.broadcast %squeeze3A_248 : f32 to vector<16xf32>
    %swap3A_250 = arith.constant 672 : index
    %swap3A_251 = tpu.vector_load %arg8[%swap3A_250] {strides = array<i32>} : memref<4864xf32, #tpu.memory_space<vmem>>, vector<16xf32>,
    tpu.vector_store %arg8[%swap3A_250], %broadcast_in_dim3A_249 {strides = array<i32>} : memref<4864xf32, #tpu.memory_space<vmem>>, vector<16xf32>,
    %slice3A_252 = vector.extract_strided_slice %sub3A_196 {offsets = [11], sizes = [1], strides = [1]} : vector<16xf32> to vector<1xf32>
    %squeeze3A_253 = vector.extract %slice3A_252[0] : f32 from vector<1xf32>
    %broadcast_in_dim3A_254 = vector.broadcast %squeeze3A_253 : f32 to vector<16xf32>
    %swap3A_255 = arith.constant 688 : index
    %swap3A_256 = tpu.vector_load %arg8[%swap3A_255] {strides = array<i32>} : memref<4864xf32, #tpu.memory_space<vmem>>, vector<16xf32>,
    tpu.vector_store %arg8[%swap3A_255], %broadcast_in_dim3A_254 {strides = array<i32>} : memref<4864xf32, #tpu.memory_space<vmem>>, vector<16xf32>,
    %slice3A_257 = vector.extract_strided_slice %sub3A_196 {offsets = [12], sizes = [1], strides = [1]} : vector<16xf32> to vector<1xf32>
    %squeeze3A_258 = vector.extract %slice3A_257[0] : f32 from vector<1xf32>
    %broadcast_in_dim3A_259 = vector.broadcast %squeeze3A_258 : f32 to vector<16xf32>
    %swap3A_260 = arith.constant 704 : index
    %swap3A_261 = tpu.vector_load %arg8[%swap3A_260] {strides = array<i32>} : memref<4864xf32, #tpu.memory_space<vmem>>, vector<16xf32>,
    tpu.vector_store %arg8[%swap3A_260], %broadcast_in_dim3A_259 {strides = array<i32>} : memref<4864xf32, #tpu.memory_space<vmem>>, vector<16xf32>,
    %slice3A_262 = vector.extract_strided_slice %sub3A_196 {offsets = [13], sizes = [1], strides = [1]} : vector<16xf32> to vector<1xf32>
    %squeeze3A_263 = vector.extract %slice3A_262[0] : f32 from vector<1xf32>
    %broadcast_in_dim3A_264 = vector.broadcast %squeeze3A_263 : f32 to vector<16xf32>
    %swap3A_265 = arith.constant 720 : index
    %swap3A_266 = tpu.vector_load %arg8[%swap3A_265] {strides = array<i32>} : memref<4864xf32, #tpu.memory_space<vmem>>, vector<16xf32>,
    tpu.vector_store %arg8[%swap3A_265], %broadcast_in_dim3A_264 {strides = array<i32>} : memref<4864xf32, #tpu.memory_space<vmem>>, vector<16xf32>,
    %slice3A_267 = vector.extract_strided_slice %sub3A_196 {offsets = [14], sizes = [1], strides = [1]} : vector<16xf32> to vector<1xf32>
    %squeeze3A_268 = vector.extract %slice3A_267[0] : f32 from vector<1xf32>
    %broadcast_in_dim3A_269 = vector.broadcast %squeeze3A_268 : f32 to vector<16xf32>
    %swap3A_270 = arith.constant 736 : index
    %swap3A_271 = tpu.vector_load %arg8[%swap3A_270] {strides = array<i32>} : memref<4864xf32, #tpu.memory_space<vmem>>, vector<16xf32>,
    tpu.vector_store %arg8[%swap3A_270], %broadcast_in_dim3A_269 {strides = array<i32>} : memref<4864xf32, #tpu.memory_space<vmem>>, vector<16xf32>,
    %slice3A_272 = vector.extract_strided_slice %sub3A_196 {offsets = [15], sizes = [1], strides = [1]} : vector<16xf32> to vector<1xf32>
    %squeeze3A_273 = vector.extract %slice3A_272[0] : f32 from vector<1xf32>
    %broadcast_in_dim3A_274 = vector.broadcast %squeeze3A_273 : f32 to vector<16xf32>
    %swap3A_275 = arith.constant 752 : index
    %swap3A_276 = tpu.vector_load %arg8[%swap3A_275] {strides = array<i32>} : memref<4864xf32, #tpu.memory_space<vmem>>, vector<16xf32>,
    tpu.vector_store %arg8[%swap3A_275], %broadcast_in_dim3A_274 {strides = array<i32>} : memref<4864xf32, #tpu.memory_space<vmem>>, vector<16xf32>,
    %get3A_277 = arith.constant 48 : index
    %get3A_278 = tpu.vector_load %arg7[%get3A_277] {strides = array<i32>} : memref<300xf32, #tpu.memory_space<vmem>>, vector<16xf32>,
    %mul3A_279 = arith.constant 6.553700e+04 : f32
    %mul3A_280 = vector.broadcast %mul3A_279 : f32 to vector<16xf32>
    %mul3A_281 = arith.mulf %get3A_278, %mul3A_280 : vector<16xf32>
    %sub3A_282 = arith.subf %mul3A_281, %get3A_278 : vector<16xf32>
    %sub3A_283 = arith.subf %mul3A_281, %sub3A_282 : vector<16xf32>
    %slice3A_284 = vector.extract_strided_slice %sub3A_283 {offsets = [0], sizes = [1], strides = [1]} : vector<16xf32> to vector<1xf32>
    %squeeze3A_285 = vector.extract %slice3A_284[0] : f32 from vector<1xf32>
    %broadcast_in_dim3A_286 = vector.broadcast %squeeze3A_285 : f32 to vector<16xf32>
    %swap3A_287 = arith.constant 768 : index
    %swap3A_288 = tpu.vector_load %arg8[%swap3A_287] {strides = array<i32>} : memref<4864xf32, #tpu.memory_space<vmem>>, vector<16xf32>,
    tpu.vector_store %arg8[%swap3A_287], %broadcast_in_dim3A_286 {strides = array<i32>} : memref<4864xf32, #tpu.memory_space<vmem>>, vector<16xf32>,
    %slice3A_289 = vector.extract_strided_slice %sub3A_283 {offsets = [1], sizes = [1], strides = [1]} : vector<16xf32> to vector<1xf32>
    %squeeze3A_290 = vector.extract %slice3A_289[0] : f32 from vector<1xf32>
    %broadcast_in_dim3A_291 = vector.broadcast %squeeze3A_290 : f32 to vector<16xf32>
    %swap3A_292 = arith.constant 784 : index
    %swap3A_293 = tpu.vector_load %arg8[%swap3A_292] {strides = array<i32>} : memref<4864xf32, #tpu.memory_space<vmem>>, vector<16xf32>,
    tpu.vector_store %arg8[%swap3A_292], %broadcast_in_dim3A_291 {strides = array<i32>} : memref<4864xf32, #tpu.memory_space<vmem>>, vector<16xf32>,
    %slice3A_294 = vector.extract_strided_slice %sub3A_283 {offsets = [2], sizes = [1], strides = [1]} : vector<16xf32> to vector<1xf32>
    %squeeze3A_295 = vector.extract %slice3A_294[0] : f32 from vector<1xf32>
    %broadcast_in_dim3A_296 = vector.broadcast %squeeze3A_295 : f32 to vector<16xf32>
    %swap3A_297 = arith.constant 800 : index
    %swap3A_298 = tpu.vector_load %arg8[%swap3A_297] {strides = array<i32>} : memref<4864xf32, #tpu.memory_space<vmem>>, vector<16xf32>,
    tpu.vector_store %arg8[%swap3A_297], %broadcast_in_dim3A_296 {strides = array<i32>} : memref<4864xf32, #tpu.memory_space<vmem>>, vector<16xf32>,
    %slice3A_299 = vector.extract_strided_slice %sub3A_283 {offsets = [3], sizes = [1], strides = [1]} : vector<16xf32> to vector<1xf32>
    %squeeze3A_300 = vector.extract %slice3A_299[0] : f32 from vector<1xf32>
    %broadcast_in_dim3A_301 = vector.broadcast %squeeze3A_300 : f32 to vector<16xf32>
    %swap3A_302 = arith.constant 816 : index
    %swap3A_303 = tpu.vector_load %arg8[%swap3A_302] {strides = array<i32>} : memref<4864xf32, #tpu.memory_space<vmem>>, vector<16xf32>,
    tpu.vector_store %arg8[%swap3A_302], %broadcast_in_dim3A_301 {strides = array<i32>} : memref<4864xf32, #tpu.memory_space<vmem>>, vector<16xf32>,
    %slice3A_304 = vector.extract_strided_slice %sub3A_283 {offsets = [4], sizes = [1], strides = [1]} : vector<16xf32> to vector<1xf32>
    %squeeze3A_305 = vector.extract %slice3A_304[0] : f32 from vector<1xf32>
    %broadcast_in_dim3A_306 = vector.broadcast %squeeze3A_305 : f32 to vector<16xf32>
    %swap3A_307 = arith.constant 832 : index
    %swap3A_308 = tpu.vector_load %arg8[%swap3A_307] {strides = array<i32>} : memref<4864xf32, #tpu.memory_space<vmem>>, vector<16xf32>,
    tpu.vector_store %arg8[%swap3A_307], %broadcast_in_dim3A_306 {strides = array<i32>} : memref<4864xf32, #tpu.memory_space<vmem>>, vector<16xf32>,
    %slice3A_309 = vector.extract_strided_slice %sub3A_283 {offsets = [5], sizes = [1], strides = [1]} : vector<16xf32> to vector<1xf32>
    %squeeze3A_310 = vector.extract %slice3A_309[0] : f32 from vector<1xf32>
    %broadcast_in_dim3A_311 = vector.broadcast %squeeze3A_310 : f32 to vector<16xf32>
    %swap3A_312 = arith.constant 848 : index
    %swap3A_313 = tpu.vector_load %arg8[%swap3A_312] {strides = array<i32>} : memref<4864xf32, #tpu.memory_space<vmem>>, vector<16xf32>,
    tpu.vector_store %arg8[%swap3A_312], %broadcast_in_dim3A_311 {strides = array<i32>} : memref<4864xf32, #tpu.memory_space<vmem>>, vector<16xf32>,
    %slice3A_314 = vector.extract_strided_slice %sub3A_283 {offsets = [6], sizes = [1], strides = [1]} : vector<16xf32> to vector<1xf32>
    %squeeze3A_315 = vector.extract %slice3A_314[0] : f32 from vector<1xf32>
    %broadcast_in_dim3A_316 = vector.broadcast %squeeze3A_315 : f32 to vector<16xf32>
    %swap3A_317 = arith.constant 864 : index
    %swap3A_318 = tpu.vector_load %arg8[%swap3A_317] {strides = array<i32>} : memref<4864xf32, #tpu.memory_space<vmem>>, vector<16xf32>,
    tpu.vector_store %arg8[%swap3A_317], %broadcast_in_dim3A_316 {strides = array<i32>} : memref<4864xf32, #tpu.memory_space<vmem>>, vector<16xf32>,
    %slice3A_319 = vector.extract_strided_slice %sub3A_283 {offsets = [7], sizes = [1], strides = [1]} : vector<16xf32> to vector<1xf32>
    %squeeze3A_320 = vector.extract %slice3A_319[0] : f32 from vector<1xf32>
    %broadcast_in_dim3A_321 = vector.broadcast %squeeze3A_320 : f32 to vector<16xf32>
    %swap3A_322 = arith.constant 880 : index
    %swap3A_323 = tpu.vector_load %arg8[%swap3A_322] {strides = array<i32>} : memref<4864xf32, #tpu.memory_space<vmem>>, vector<16xf32>,
    tpu.vector_store %arg8[%swap3A_322], %broadcast_in_dim3A_321 {strides = array<i32>} : memref<4864xf32, #tpu.memory_space<vmem>>, vector<16xf32>,
    %slice3A_324 = vector.extract_strided_slice %sub3A_283 {offsets = [8], sizes = [1], strides = [1]} : vector<16xf32> to vector<1xf32>
    %squeeze3A_325 = vector.extract %slice3A_324[0] : f32 from vector<1xf32>
    %broadcast_in_dim3A_326 = vector.broadcast %squeeze3A_325 : f32 to vector<16xf32>
    %swap3A_327 = arith.constant 896 : index
    %swap3A_328 = tpu.vector_load %arg8[%swap3A_327] {strides = array<i32>} : memref<4864xf32, #tpu.memory_space<vmem>>, vector<16xf32>,
    tpu.vector_store %arg8[%swap3A_327], %broadcast_in_dim3A_326 {strides = array<i32>} : memref<4864xf32, #tpu.memory_space<vmem>>, vector<16xf32>,
    %slice3A_329 = vector.extract_strided_slice %sub3A_283 {offsets = [9], sizes = [1], strides = [1]} : vector<16xf32> to vector<1xf32>
    %squeeze3A_330 = vector.extract %slice3A_329[0] : f32 from vector<1xf32>
    %broadcast_in_dim3A_331 = vector.broadcast %squeeze3A_330 : f32 to vector<16xf32>
    %swap3A_332 = arith.constant 912 : index
    %swap3A_333 = tpu.vector_load %arg8[%swap3A_332] {strides = array<i32>} : memref<4864xf32, #tpu.memory_space<vmem>>, vector<16xf32>,
    tpu.vector_store %arg8[%swap3A_332], %broadcast_in_dim3A_331 {strides = array<i32>} : memref<4864xf32, #tpu.memory_space<vmem>>, vector<16xf32>,
    %slice3A_334 = vector.extract_strided_slice %sub3A_283 {offsets = [10], sizes = [1], strides = [1]} : vector<16xf32> to vector<1xf32>
    %squeeze3A_335 = vector.extract %slice3A_334[0] : f32 from vector<1xf32>
    %broadcast_in_dim3A_336 = vector.broadcast %squeeze3A_335 : f32 to vector<16xf32>
    %swap3A_337 = arith.constant 928 : index
    %swap3A_338 = tpu.vector_load %arg8[%swap3A_337] {strides = array<i32>} : memref<4864xf32, #tpu.memory_space<vmem>>, vector<16xf32>,
    tpu.vector_store %arg8[%swap3A_337], %broadcast_in_dim3A_336 {strides = array<i32>} : memref<4864xf32, #tpu.memory_space<vmem>>, vector<16xf32>,
    %slice3A_339 = vector.extract_strided_slice %sub3A_283 {offsets = [11], sizes = [1], strides = [1]} : vector<16xf32> to vector<1xf32>
    %squeeze3A_340 = vector.extract %slice3A_339[0] : f32 from vector<1xf32>
    %broadcast_in_dim3A_341 = vector.broadcast %squeeze3A_340 : f32 to vector<16xf32>
    %swap3A_342 = arith.constant 944 : index
    %swap3A_343 = tpu.vector_load %arg8[%swap3A_342] {strides = array<i32>} : memref<4864xf32, #tpu.memory_space<vmem>>, vector<16xf32>,
    tpu.vector_store %arg8[%swap3A_342], %broadcast_in_dim3A_341 {strides = array<i32>} : memref<4864xf32, #tpu.memory_space<vmem>>, vector<16xf32>,
    %slice3A_344 = vector.extract_strided_slice %sub3A_283 {offsets = [12], sizes = [1], strides = [1]} : vector<16xf32> to vector<1xf32>
    %squeeze3A_345 = vector.extract %slice3A_344[0] : f32 from vector<1xf32>
    %broadcast_in_dim3A_346 = vector.broadcast %squeeze3A_345 : f32 to vector<16xf32>
    %swap3A_347 = arith.constant 960 : index
    %swap3A_348 = tpu.vector_load %arg8[%swap3A_347] {strides = array<i32>} : memref<4864xf32, #tpu.memory_space<vmem>>, vector<16xf32>,
    tpu.vector_store %arg8[%swap3A_347], %broadcast_in_dim3A_346 {strides = array<i32>} : memref<4864xf32, #tpu.memory_space<vmem>>, vector<16xf32>,
    %slice3A_349 = vector.extract_strided_slice %sub3A_283 {offsets = [13], sizes = [1], strides = [1]} : vector<16xf32> to vector<1xf32>
    %squeeze3A_350 = vector.extract %slice3A_349[0] : f32 from vector<1xf32>
    %broadcast_in_dim3A_351 = vector.broadcast %squeeze3A_350 : f32 to vector<16xf32>
    %swap3A_352 = arith.constant 976 : index
    %swap3A_353 = tpu.vector_load %arg8[%swap3A_352] {strides = array<i32>} : memref<4864xf32, #tpu.memory_space<vmem>>, vector<16xf32>,
    tpu.vector_store %arg8[%swap3A_352], %broadcast_in_dim3A_351 {strides = array<i32>} : memref<4864xf32, #tpu.memory_space<vmem>>, vector<16xf32>,
    %slice3A_354 = vector.extract_strided_slice %sub3A_283 {offsets = [14], sizes = [1], strides = [1]} : vector<16xf32> to vector<1xf32>
    %squeeze3A_355 = vector.extract %slice3A_354[0] : f32 from vector<1xf32>
    %broadcast_in_dim3A_356 = vector.broadcast %squeeze3A_355 : f32 to vector<16xf32>
    %swap3A_357 = arith.constant 992 : index
    %swap3A_358 = tpu.vector_load %arg8[%swap3A_357] {strides = array<i32>} : memref<4864xf32, #tpu.memory_space<vmem>>, vector<16xf32>,
    tpu.vector_store %arg8[%swap3A_357], %broadcast_in_dim3A_356 {strides = array<i32>} : memref<4864xf32, #tpu.memory_space<vmem>>, vector<16xf32>,
    %slice3A_359 = vector.extract_strided_slice %sub3A_283 {offsets = [15], sizes = [1], strides = [1]} : vector<16xf32> to vector<1xf32>
    %squeeze3A_360 = vector.extract %slice3A_359[0] : f32 from vector<1xf32>
    %broadcast_in_dim3A_361 = vector.broadcast %squeeze3A_360 : f32 to vector<16xf32>
    %swap3A_362 = arith.constant 1008 : index
    %swap3A_363 = tpu.vector_load %arg8[%swap3A_362] {strides = array<i32>} : memref<4864xf32, #tpu.memory_space<vmem>>, vector<16xf32>,
    tpu.vector_store %arg8[%swap3A_362], %broadcast_in_dim3A_361 {strides = array<i32>} : memref<4864xf32, #tpu.memory_space<vmem>>, vector<16xf32>,
    %get3A_364 = arith.constant 64 : index
    %get3A_365 = tpu.vector_load %arg7[%get3A_364] {strides = array<i32>} : memref<300xf32, #tpu.memory_space<vmem>>, vector<16xf32>,
    %mul3A_366 = arith.constant 6.553700e+04 : f32
    %mul3A_367 = vector.broadcast %mul3A_366 : f32 to vector<16xf32>
    %mul3A_368 = arith.mulf %get3A_365, %mul3A_367 : vector<16xf32>
    %sub3A_369 = arith.subf %mul3A_368, %get3A_365 : vector<16xf32>
    %sub3A_370 = arith.subf %mul3A_368, %sub3A_369 : vector<16xf32>
    %slice3A_371 = vector.extract_strided_slice %sub3A_370 {offsets = [0], sizes = [1], strides = [1]} : vector<16xf32> to vector<1xf32>
    %squeeze3A_372 = vector.extract %slice3A_371[0] : f32 from vector<1xf32>
    %broadcast_in_dim3A_373 = vector.broadcast %squeeze3A_372 : f32 to vector<16xf32>
    %swap3A_374 = arith.constant 1024 : index
    %swap3A_375 = tpu.vector_load %arg8[%swap3A_374] {strides = array<i32>} : memref<4864xf32, #tpu.memory_space<vmem>>, vector<16xf32>,
    tpu.vector_store %arg8[%swap3A_374], %broadcast_in_dim3A_373 {strides = array<i32>} : memref<4864xf32, #tpu.memory_space<vmem>>, vector<16xf32>,
    %slice3A_376 = vector.extract_strided_slice %sub3A_370 {offsets = [1], sizes = [1], strides = [1]} : vector<16xf32> to vector<1xf32>
    %squeeze3A_377 = vector.extract %slice3A_376[0] : f32 from vector<1xf32>
    %broadcast_in_dim3A_378 = vector.broadcast %squeeze3A_377 : f32 to vector<16xf32>
    %swap3A_379 = arith.constant 1040 : index
    %swap3A_380 = tpu.vector_load %arg8[%swap3A_379] {strides = array<i32>} : memref<4864xf32, #tpu.memory_space<vmem>>, vector<16xf32>,
    tpu.vector_store %arg8[%swap3A_379], %broadcast_in_dim3A_378 {strides = array<i32>} : memref<4864xf32, #tpu.memory_space<vmem>>, vector<16xf32>,
    %slice3A_381 = vector.extract_strided_slice %sub3A_370 {offsets = [2], sizes = [1], strides = [1]} : vector<16xf32> to vector<1xf32>
    %squeeze3A_382 = vector.extract %slice3A_381[0] : f32 from vector<1xf32>
    %broadcast_in_dim3A_383 = vector.broadcast %squeeze3A_382 : f32 to vector<16xf32>
    %swap3A_384 = arith.constant 1056 : index
    %swap3A_385 = tpu.vector_load %arg8[%swap3A_384] {strides = array<i32>} : memref<4864xf32, #tpu.memory_space<vmem>>, vector<16xf32>,
    tpu.vector_store %arg8[%swap3A_384], %broadcast_in_dim3A_383 {strides = array<i32>} : memref<4864xf32, #tpu.memory_space<vmem>>, vector<16xf32>,
    %slice3A_386 = vector.extract_strided_slice %sub3A_370 {offsets = [3], sizes = [1], strides = [1]} : vector<16xf32> to vector<1xf32>
    %squeeze3A_387 = vector.extract %slice3A_386[0] : f32 from vector<1xf32>
    %broadcast_in_dim3A_388 = vector.broadcast %squeeze3A_387 : f32 to vector<16xf32>
    %swap3A_389 = arith.constant 1072 : index
    %swap3A_390 = tpu.vector_load %arg8[%swap3A_389] {strides = array<i32>} : memref<4864xf32, #tpu.memory_space<vmem>>, vector<16xf32>,
    tpu.vector_store %arg8[%swap3A_389], %broadcast_in_dim3A_388 {strides = array<i32>} : memref<4864xf32, #tpu.memory_space<vmem>>, vector<16xf32>,
    %slice3A_391 = vector.extract_strided_slice %sub3A_370 {offsets = [4], sizes = [1], strides = [1]} : vector<16xf32> to vector<1xf32>
    %squeeze3A_392 = vector.extract %slice3A_391[0] : f32 from vector<1xf32>
    %broadcast_in_dim3A_393 = vector.broadcast %squeeze3A_392 : f32 to vector<16xf32>
    %swap3A_394 = arith.constant 1088 : index
    %swap3A_395 = tpu.vector_load %arg8[%swap3A_394] {strides = array<i32>} : memref<4864xf32, #tpu.memory_space<vmem>>, vector<16xf32>,
    tpu.vector_store %arg8[%swap3A_394], %broadcast_in_dim3A_393 {strides = array<i32>} : memref<4864xf32, #tpu.memory_space<vmem>>, vector<16xf32>,
    %slice3A_396 = vector.extract_strided_slice %sub3A_370 {offsets = [5], sizes = [1], strides = [1]} : vector<16xf32> to vector<1xf32>
    %squeeze3A_397 = vector.extract %slice3A_396[0] : f32 from vector<1xf32>
    %broadcast_in_dim3A_398 = vector.broadcast %squeeze3A_397 : f32 to vector<16xf32>
    %swap3A_399 = arith.constant 1104 : index
    %swap3A_400 = tpu.vector_load %arg8[%swap3A_399] {strides = array<i32>} : memref<4864xf32, #tpu.memory_space<vmem>>, vector<16xf32>,
    tpu.vector_store %arg8[%swap3A_399], %broadcast_in_dim3A_398 {strides = array<i32>} : memref<4864xf32, #tpu.memory_space<vmem>>, vector<16xf32>,
    %slice3A_401 = vector.extract_strided_slice %sub3A_370 {offsets = [6], sizes = [1], strides = [1]} : vector<16xf32> to vector<1xf32>
    %squeeze3A_402 = vector.extract %slice3A_401[0] : f32 from vector<1xf32>
    %broadcast_in_dim3A_403 = vector.broadcast %squeeze3A_402 : f32 to vector<16xf32>
    %swap3A_404 = arith.constant 1120 : index
    %swap3A_405 = tpu.vector_load %arg8[%swap3A_404] {strides = array<i32>} : memref<4864xf32, #tpu.memory_space<vmem>>, vector<16xf32>,
    tpu.vector_store %arg8[%swap3A_404], %broadcast_in_dim3A_403 {strides = array<i32>} : memref<4864xf32, #tpu.memory_space<vmem>>, vector<16xf32>,
    %slice3A_406 = vector.extract_strided_slice %sub3A_370 {offsets = [7], sizes = [1], strides = [1]} : vector<16xf32> to vector<1xf32>
    %squeeze3A_407 = vector.extract %slice3A_406[0] : f32 from vector<1xf32>
    %broadcast_in_dim3A_408 = vector.broadcast %squeeze3A_407 : f32 to vector<16xf32>
    %swap3A_409 = arith.constant 1136 : index
    %swap3A_410 = tpu.vector_load %arg8[%swap3A_409] {strides = array<i32>} : memref<4864xf32, #tpu.memory_space<vmem>>, vector<16xf32>,
    tpu.vector_store %arg8[%swap3A_409], %broadcast_in_dim3A_408 {strides = array<i32>} : memref<4864xf32, #tpu.memory_space<vmem>>, vector<16xf32>,
    %slice3A_411 = vector.extract_strided_slice %sub3A_370 {offsets = [8], sizes = [1], strides = [1]} : vector<16xf32> to vector<1xf32>
    %squeeze3A_412 = vector.extract %slice3A_411[0] : f32 from vector<1xf32>
    %broadcast_in_dim3A_413 = vector.broadcast %squeeze3A_412 : f32 to vector<16xf32>
    %swap3A_414 = arith.constant 1152 : index
    %swap3A_415 = tpu.vector_load %arg8[%swap3A_414] {strides = array<i32>} : memref<4864xf32, #tpu.memory_space<vmem>>, vector<16xf32>,
    tpu.vector_store %arg8[%swap3A_414], %broadcast_in_dim3A_413 {strides = array<i32>} : memref<4864xf32, #tpu.memory_space<vmem>>, vector<16xf32>,
    %slice3A_416 = vector.extract_strided_slice %sub3A_370 {offsets = [9], sizes = [1], strides = [1]} : vector<16xf32> to vector<1xf32>
    %squeeze3A_417 = vector.extract %slice3A_416[0] : f32 from vector<1xf32>
    %broadcast_in_dim3A_418 = vector.broadcast %squeeze3A_417 : f32 to vector<16xf32>
    %swap3A_419 = arith.constant 1168 : index
    %swap3A_420 = tpu.vector_load %arg8[%swap3A_419] {strides = array<i32>} : memref<4864xf32, #tpu.memory_space<vmem>>, vector<16xf32>,
    tpu.vector_store %arg8[%swap3A_419], %broadcast_in_dim3A_418 {strides = array<i32>} : memref<4864xf32, #tpu.memory_space<vmem>>, vector<16xf32>,
    %slice3A_421 = vector.extract_strided_slice %sub3A_370 {offsets = [10], sizes = [1], strides = [1]} : vector<16xf32> to vector<1xf32>
    %squeeze3A_422 = vector.extract %slice3A_421[0] : f32 from vector<1xf32>
    %broadcast_in_dim3A_423 = vector.broadcast %squeeze3A_422 : f32 to vector<16xf32>
    %swap3A_424 = arith.constant 1184 : index
    %swap3A_425 = tpu.vector_load %arg8[%swap3A_424] {strides = array<i32>} : memref<4864xf32, #tpu.memory_space<vmem>>, vector<16xf32>,
    tpu.vector_store %arg8[%swap3A_424], %broadcast_in_dim3A_423 {strides = array<i32>} : memref<4864xf32, #tpu.memory_space<vmem>>, vector<16xf32>,
    %slice3A_426 = vector.extract_strided_slice %sub3A_370 {offsets = [11], sizes = [1], strides = [1]} : vector<16xf32> to vector<1xf32>
    %squeeze3A_427 = vector.extract %slice3A_426[0] : f32 from vector<1xf32>
    %broadcast_in_dim3A_428 = vector.broadcast %squeeze3A_427 : f32 to vector<16xf32>
    %swap3A_429 = arith.constant 1200 : index
    %swap3A_430 = tpu.vector_load %arg8[%swap3A_429] {strides = array<i32>} : memref<4864xf32, #tpu.memory_space<vmem>>, vector<16xf32>,
    tpu.vector_store %arg8[%swap3A_429], %broadcast_in_dim3A_428 {strides = array<i32>} : memref<4864xf32, #tpu.memory_space<vmem>>, vector<16xf32>,
    %slice3A_431 = vector.extract_strided_slice %sub3A_370 {offsets = [12], sizes = [1], strides = [1]} : vector<16xf32> to vector<1xf32>
    %squeeze3A_432 = vector.extract %slice3A_431[0] : f32 from vector<1xf32>
    %broadcast_in_dim3A_433 = vector.broadcast %squeeze3A_432 : f32 to vector<16xf32>
    %swap3A_434 = arith.constant 1216 : index
    %swap3A_435 = tpu.vector_load %arg8[%swap3A_434] {strides = array<i32>} : memref<4864xf32, #tpu.memory_space<vmem>>, vector<16xf32>,
    tpu.vector_store %arg8[%swap3A_434], %broadcast_in_dim3A_433 {strides = array<i32>} : memref<4864xf32, #tpu.memory_space<vmem>>, vector<16xf32>,
    %slice3A_436 = vector.extract_strided_slice %sub3A_370 {offsets = [13], sizes = [1], strides = [1]} : vector<16xf32> to vector<1xf32>
    %squeeze3A_437 = vector.extract %slice3A_436[0] : f32 from vector<1xf32>
    %broadcast_in_dim3A_438 = vector.broadcast %squeeze3A_437 : f32 to vector<16xf32>
    %swap3A_439 = arith.constant 1232 : index
    %swap3A_440 = tpu.vector_load %arg8[%swap3A_439] {strides = array<i32>} : memref<4864xf32, #tpu.memory_space<vmem>>, vector<16xf32>,
    tpu.vector_store %arg8[%swap3A_439], %broadcast_in_dim3A_438 {strides = array<i32>} : memref<4864xf32, #tpu.memory_space<vmem>>, vector<16xf32>,
    %slice3A_441 = vector.extract_strided_slice %sub3A_370 {offsets = [14], sizes = [1], strides = [1]} : vector<16xf32> to vector<1xf32>
    %squeeze3A_442 = vector.extract %slice3A_441[0] : f32 from vector<1xf32>
    %broadcast_in_dim3A_443 = vector.broadcast %squeeze3A_442 : f32 to vector<16xf32>
    %swap3A_444 = arith.constant 1248 : index
    %swap3A_445 = tpu.vector_load %arg8[%swap3A_444] {strides = array<i32>} : memref<4864xf32, #tpu.memory_space<vmem>>, vector<16xf32>,
    tpu.vector_store %arg8[%swap3A_444], %broadcast_in_dim3A_443 {strides = array<i32>} : memref<4864xf32, #tpu.memory_space<vmem>>, vector<16xf32>,
    %slice3A_446 = vector.extract_strided_slice %sub3A_370 {offsets = [15], sizes = [1], strides = [1]} : vector<16xf32> to vector<1xf32>
    %squeeze3A_447 = vector.extract %slice3A_446[0] : f32 from vector<1xf32>
    %broadcast_in_dim3A_448 = vector.broadcast %squeeze3A_447 : f32 to vector<16xf32>
    %swap3A_449 = arith.constant 1264 : index
    %swap3A_450 = tpu.vector_load %arg8[%swap3A_449] {strides = array<i32>} : memref<4864xf32, #tpu.memory_space<vmem>>, vector<16xf32>,
    tpu.vector_store %arg8[%swap3A_449], %broadcast_in_dim3A_448 {strides = array<i32>} : memref<4864xf32, #tpu.memory_space<vmem>>, vector<16xf32>,
    %get3A_451 = arith.constant 80 : index
    %get3A_452 = tpu.vector_load %arg7[%get3A_451] {strides = array<i32>} : memref<300xf32, #tpu.memory_space<vmem>>, vector<16xf32>,
    %mul3A_453 = arith.constant 6.553700e+04 : f32
    %mul3A_454 = vector.broadcast %mul3A_453 : f32 to vector<16xf32>
    %mul3A_455 = arith.mulf %get3A_452, %mul3A_454 : vector<16xf32>
    %sub3A_456 = arith.subf %mul3A_455, %get3A_452 : vector<16xf32>
    %sub3A_457 = arith.subf %mul3A_455, %sub3A_456 : vector<16xf32>
    %slice3A_458 = vector.extract_strided_slice %sub3A_457 {offsets = [0], sizes = [1], strides = [1]} : vector<16xf32> to vector<1xf32>
    %squeeze3A_459 = vector.extract %slice3A_458[0] : f32 from vector<1xf32>
    %broadcast_in_dim3A_460 = vector.broadcast %squeeze3A_459 : f32 to vector<16xf32>
    %swap3A_461 = arith.constant 1280 : index
    %swap3A_462 = tpu.vector_load %arg8[%swap3A_461] {strides = array<i32>} : memref<4864xf32, #tpu.memory_space<vmem>>, vector<16xf32>,
    tpu.vector_store %arg8[%swap3A_461], %broadcast_in_dim3A_460 {strides = array<i32>} : memref<4864xf32, #tpu.memory_space<vmem>>, vector<16xf32>,
    %slice3A_463 = vector.extract_strided_slice %sub3A_457 {offsets = [1], sizes = [1], strides = [1]} : vector<16xf32> to vector<1xf32>
    %squeeze3A_464 = vector.extract %slice3A_463[0] : f32 from vector<1xf32>
    %broadcast_in_dim3A_465 = vector.broadcast %squeeze3A_464 : f32 to vector<16xf32>
    %swap3A_466 = arith.constant 1296 : index
    %swap3A_467 = tpu.vector_load %arg8[%swap3A_466] {strides = array<i32>} : memref<4864xf32, #tpu.memory_space<vmem>>, vector<16xf32>,
    tpu.vector_store %arg8[%swap3A_466], %broadcast_in_dim3A_465 {strides = array<i32>} : memref<4864xf32, #tpu.memory_space<vmem>>, vector<16xf32>,
    %slice3A_468 = vector.extract_strided_slice %sub3A_457 {offsets = [2], sizes = [1], strides = [1]} : vector<16xf32> to vector<1xf32>
    %squeeze3A_469 = vector.extract %slice3A_468[0] : f32 from vector<1xf32>
    %broadcast_in_dim3A_470 = vector.broadcast %squeeze3A_469 : f32 to vector<16xf32>
    %swap3A_471 = arith.constant 1312 : index
    %swap3A_472 = tpu.vector_load %arg8[%swap3A_471] {strides = array<i32>} : memref<4864xf32, #tpu.memory_space<vmem>>, vector<16xf32>,
    tpu.vector_store %arg8[%swap3A_471], %broadcast_in_dim3A_470 {strides = array<i32>} : memref<4864xf32, #tpu.memory_space<vmem>>, vector<16xf32>,
    %slice3A_473 = vector.extract_strided_slice %sub3A_457 {offsets = [3], sizes = [1], strides = [1]} : vector<16xf32> to vector<1xf32>
    %squeeze3A_474 = vector.extract %slice3A_473[0] : f32 from vector<1xf32>
    %broadcast_in_dim3A_475 = vector.broadcast %squeeze3A_474 : f32 to vector<16xf32>
    %swap3A_476 = arith.constant 1328 : index
    %swap3A_477 = tpu.vector_load %arg8[%swap3A_476] {strides = array<i32>} : memref<4864xf32, #tpu.memory_space<vmem>>, vector<16xf32>,
    tpu.vector_store %arg8[%swap3A_476], %broadcast_in_dim3A_475 {strides = array<i32>} : memref<4864xf32, #tpu.memory_space<vmem>>, vector<16xf32>,
    %slice3A_478 = vector.extract_strided_slice %sub3A_457 {offsets = [4], sizes = [1], strides = [1]} : vector<16xf32> to vector<1xf32>
    %squeeze3A_479 = vector.extract %slice3A_478[0] : f32 from vector<1xf32>
    %broadcast_in_dim3A_480 = vector.broadcast %squeeze3A_479 : f32 to vector<16xf32>
    %swap3A_481 = arith.constant 1344 : index
    %swap3A_482 = tpu.vector_load %arg8[%swap3A_481] {strides = array<i32>} : memref<4864xf32, #tpu.memory_space<vmem>>, vector<16xf32>,
    tpu.vector_store %arg8[%swap3A_481], %broadcast_in_dim3A_480 {strides = array<i32>} : memref<4864xf32, #tpu.memory_space<vmem>>, vector<16xf32>,
    %slice3A_483 = vector.extract_strided_slice %sub3A_457 {offsets = [5], sizes = [1], strides = [1]} : vector<16xf32> to vector<1xf32>
    %squeeze3A_484 = vector.extract %slice3A_483[0] : f32 from vector<1xf32>
    %broadcast_in_dim3A_485 = vector.broadcast %squeeze3A_484 : f32 to vector<16xf32>
    %swap3A_486 = arith.constant 1360 : index
    %swap3A_487 = tpu.vector_load %arg8[%swap3A_486] {strides = array<i32>} : memref<4864xf32, #tpu.memory_space<vmem>>, vector<16xf32>,
    tpu.vector_store %arg8[%swap3A_486], %broadcast_in_dim3A_485 {strides = array<i32>} : memref<4864xf32, #tpu.memory_space<vmem>>, vector<16xf32>,
    %slice3A_488 = vector.extract_strided_slice %sub3A_457 {offsets = [6], sizes = [1], strides = [1]} : vector<16xf32> to vector<1xf32>
    %squeeze3A_489 = vector.extract %slice3A_488[0] : f32 from vector<1xf32>
    %broadcast_in_dim3A_490 = vector.broadcast %squeeze3A_489 : f32 to vector<16xf32>
    %swap3A_491 = arith.constant 1376 : index
    %swap3A_492 = tpu.vector_load %arg8[%swap3A_491] {strides = array<i32>} : memref<4864xf32, #tpu.memory_space<vmem>>, vector<16xf32>,
    tpu.vector_store %arg8[%swap3A_491], %broadcast_in_dim3A_490 {strides = array<i32>} : memref<4864xf32, #tpu.memory_space<vmem>>, vector<16xf32>,
    %slice3A_493 = vector.extract_strided_slice %sub3A_457 {offsets = [7], sizes = [1], strides = [1]} : vector<16xf32> to vector<1xf32>
    %squeeze3A_494 = vector.extract %slice3A_493[0] : f32 from vector<1xf32>
    %broadcast_in_dim3A_495 = vector.broadcast %squeeze3A_494 : f32 to vector<16xf32>
    %swap3A_496 = arith.constant 1392 : index
    %swap3A_497 = tpu.vector_load %arg8[%swap3A_496] {strides = array<i32>} : memref<4864xf32, #tpu.memory_space<vmem>>, vector<16xf32>,
    tpu.vector_store %arg8[%swap3A_496], %broadcast_in_dim3A_495 {strides = array<i32>} : memref<4864xf32, #tpu.memory_space<vmem>>, vector<16xf32>,
    %slice3A_498 = vector.extract_strided_slice %sub3A_457 {offsets = [8], sizes = [1], strides = [1]} : vector<16xf32> to vector<1xf32>
    %squeeze3A_499 = vector.extract %slice3A_498[0] : f32 from vector<1xf32>
    %broadcast_in_dim3A_500 = vector.broadcast %squeeze3A_499 : f32 to vector<16xf32>
    %swap3A_501 = arith.constant 1408 : index
    %swap3A_502 = tpu.vector_load %arg8[%swap3A_501] {strides = array<i32>} : memref<4864xf32, #tpu.memory_space<vmem>>, vector<16xf32>,
    tpu.vector_store %arg8[%swap3A_501], %broadcast_in_dim3A_500 {strides = array<i32>} : memref<4864xf32, #tpu.memory_space<vmem>>, vector<16xf32>,
    %slice3A_503 = vector.extract_strided_slice %sub3A_457 {offsets = [9], sizes = [1], strides = [1]} : vector<16xf32> to vector<1xf32>
    %squeeze3A_504 = vector.extract %slice3A_503[0] : f32 from vector<1xf32>
    %broadcast_in_dim3A_505 = vector.broadcast %squeeze3A_504 : f32 to vector<16xf32>
    %swap3A_506 = arith.constant 1424 : index
    %swap3A_507 = tpu.vector_load %arg8[%swap3A_506] {strides = array<i32>} : memref<4864xf32, #tpu.memory_space<vmem>>, vector<16xf32>,
    tpu.vector_store %arg8[%swap3A_506], %broadcast_in_dim3A_505 {strides = array<i32>} : memref<4864xf32, #tpu.memory_space<vmem>>, vector<16xf32>,
    %slice3A_508 = vector.extract_strided_slice %sub3A_457 {offsets = [10], sizes = [1], strides = [1]} : vector<16xf32> to vector<1xf32>
    %squeeze3A_509 = vector.extract %slice3A_508[0] : f32 from vector<1xf32>
    %broadcast_in_dim3A_510 = vector.broadcast %squeeze3A_509 : f32 to vector<16xf32>
    %swap3A_511 = arith.constant 1440 : index
    %swap3A_512 = tpu.vector_load %arg8[%swap3A_511] {strides = array<i32>} : memref<4864xf32, #tpu.memory_space<vmem>>, vector<16xf32>,
    tpu.vector_store %arg8[%swap3A_511], %broadcast_in_dim3A_510 {strides = array<i32>} : memref<4864xf32, #tpu.memory_space<vmem>>, vector<16xf32>,
    %slice3A_513 = vector.extract_strided_slice %sub3A_457 {offsets = [11], sizes = [1], strides = [1]} : vector<16xf32> to vector<1xf32>
    %squeeze3A_514 = vector.extract %slice3A_513[0] : f32 from vector<1xf32>
    %broadcast_in_dim3A_515 = vector.broadcast %squeeze3A_514 : f32 to vector<16xf32>
    %swap3A_516 = arith.constant 1456 : index
    %swap3A_517 = tpu.vector_load %arg8[%swap3A_516] {strides = array<i32>} : memref<4864xf32, #tpu.memory_space<vmem>>, vector<16xf32>,
    tpu.vector_store %arg8[%swap3A_516], %broadcast_in_dim3A_515 {strides = array<i32>} : memref<4864xf32, #tpu.memory_space<vmem>>, vector<16xf32>,
    %slice3A_518 = vector.extract_strided_slice %sub3A_457 {offsets = [12], sizes = [1], strides = [1]} : vector<16xf32> to vector<1xf32>
    %squeeze3A_519 = vector.extract %slice3A_518[0] : f32 from vector<1xf32>
    %broadcast_in_dim3A_520 = vector.broadcast %squeeze3A_519 : f32 to vector<16xf32>
    %swap3A_521 = arith.constant 1472 : index
    %swap3A_522 = tpu.vector_load %arg8[%swap3A_521] {strides = array<i32>} : memref<4864xf32, #tpu.memory_space<vmem>>, vector<16xf32>,
    tpu.vector_store %arg8[%swap3A_521], %broadcast_in_dim3A_520 {strides = array<i32>} : memref<4864xf32, #tpu.memory_space<vmem>>, vector<16xf32>,
    %slice3A_523 = vector.extract_strided_slice %sub3A_457 {offsets = [13], sizes = [1], strides = [1]} : vector<16xf32> to vector<1xf32>
    %squeeze3A_524 = vector.extract %slice3A_523[0] : f32 from vector<1xf32>
    %broadcast_in_dim3A_525 = vector.broadcast %squeeze3A_524 : f32 to vector<16xf32>
    %swap3A_526 = arith.constant 1488 : index
    %swap3A_527 = tpu.vector_load %arg8[%swap3A_526] {strides = array<i32>} : memref<4864xf32, #tpu.memory_space<vmem>>, vector<16xf32>,
    tpu.vector_store %arg8[%swap3A_526], %broadcast_in_dim3A_525 {strides = array<i32>} : memref<4864xf32, #tpu.memory_space<vmem>>, vector<16xf32>,
    %slice3A_528 = vector.extract_strided_slice %sub3A_457 {offsets = [14], sizes = [1], strides = [1]} : vector<16xf32> to vector<1xf32>
    %squeeze3A_529 = vector.extract %slice3A_528[0] : f32 from vector<1xf32>
    %broadcast_in_dim3A_530 = vector.broadcast %squeeze3A_529 : f32 to vector<16xf32>
    %swap3A_531 = arith.constant 1504 : index
    %swap3A_532 = tpu.vector_load %arg8[%swap3A_531] {strides = array<i32>} : memref<4864xf32, #tpu.memory_space<vmem>>, vector<16xf32>,
    tpu.vector_store %arg8[%swap3A_531], %broadcast_in_dim3A_530 {strides = array<i32>} : memref<4864xf32, #tpu.memory_space<vmem>>, vector<16xf32>,
    %slice3A_533 = vector.extract_strided_slice %sub3A_457 {offsets = [15], sizes = [1], strides = [1]} : vector<16xf32> to vector<1xf32>
    %squeeze3A_534 = vector.extract %slice3A_533[0] : f32 from vector<1xf32>
    %broadcast_in_dim3A_535 = vector.broadcast %squeeze3A_534 : f32 to vector<16xf32>
    %swap3A_536 = arith.constant 1520 : index
    %swap3A_537 = tpu.vector_load %arg8[%swap3A_536] {strides = array<i32>} : memref<4864xf32, #tpu.memory_space<vmem>>, vector<16xf32>,
    tpu.vector_store %arg8[%swap3A_536], %broadcast_in_dim3A_535 {strides = array<i32>} : memref<4864xf32, #tpu.memory_space<vmem>>, vector<16xf32>,
    %get3A_538 = arith.constant 96 : index
    %get3A_539 = tpu.vector_load %arg7[%get3A_538] {strides = array<i32>} : memref<300xf32, #tpu.memory_space<vmem>>, vector<16xf32>,
    %mul3A_540 = arith.constant 6.553700e+04 : f32
    %mul3A_541 = vector.broadcast %mul3A_540 : f32 to vector<16xf32>
    %mul3A_542 = arith.mulf %get3A_539, %mul3A_541 : vector<16xf32>
    %sub3A_543 = arith.subf %mul3A_542, %get3A_539 : vector<16xf32>
    %sub3A_544 = arith.subf %mul3A_542, %sub3A_543 : vector<16xf32>
    %slice3A_545 = vector.extract_strided_slice %sub3A_544 {offsets = [0], sizes = [1], strides = [1]} : vector<16xf32> to vector<1xf32>
    %squeeze3A_546 = vector.extract %slice3A_545[0] : f32 from vector<1xf32>
    %broadcast_in_dim3A_547 = vector.broadcast %squeeze3A_546 : f32 to vector<16xf32>
    %swap3A_548 = arith.constant 1536 : index
    %swap3A_549 = tpu.vector_load %arg8[%swap3A_548] {strides = array<i32>} : memref<4864xf32, #tpu.memory_space<vmem>>, vector<16xf32>,
    tpu.vector_store %arg8[%swap3A_548], %broadcast_in_dim3A_547 {strides = array<i32>} : memref<4864xf32, #tpu.memory_space<vmem>>, vector<16xf32>,
    %slice3A_550 = vector.extract_strided_slice %sub3A_544 {offsets = [1], sizes = [1], strides = [1]} : vector<16xf32> to vector<1xf32>
    %squeeze3A_551 = vector.extract %slice3A_550[0] : f32 from vector<1xf32>
    %broadcast_in_dim3A_552 = vector.broadcast %squeeze3A_551 : f32 to vector<16xf32>
    %swap3A_553 = arith.constant 1552 : index
    %swap3A_554 = tpu.vector_load %arg8[%swap3A_553] {strides = array<i32>} : memref<4864xf32, #tpu.memory_space<vmem>>, vector<16xf32>,
    tpu.vector_store %arg8[%swap3A_553], %broadcast_in_dim3A_552 {strides = array<i32>} : memref<4864xf32, #tpu.memory_space<vmem>>, vector<16xf32>,
    %slice3A_555 = vector.extract_strided_slice %sub3A_544 {offsets = [2], sizes = [1], strides = [1]} : vector<16xf32> to vector<1xf32>
    %squeeze3A_556 = vector.extract %slice3A_555[0] : f32 from vector<1xf32>
    %broadcast_in_dim3A_557 = vector.broadcast %squeeze3A_556 : f32 to vector<16xf32>
    %swap3A_558 = arith.constant 1568 : index
    %swap3A_559 = tpu.vector_load %arg8[%swap3A_558] {strides = array<i32>} : memref<4864xf32, #tpu.memory_space<vmem>>, vector<16xf32>,
    tpu.vector_store %arg8[%swap3A_558], %broadcast_in_dim3A_557 {strides = array<i32>} : memref<4864xf32, #tpu.memory_space<vmem>>, vector<16xf32>,
    %slice3A_560 = vector.extract_strided_slice %sub3A_544 {offsets = [3], sizes = [1], strides = [1]} : vector<16xf32> to vector<1xf32>
    %squeeze3A_561 = vector.extract %slice3A_560[0] : f32 from vector<1xf32>
    %broadcast_in_dim3A_562 = vector.broadcast %squeeze3A_561 : f32 to vector<16xf32>
    %swap3A_563 = arith.constant 1584 : index
    %swap3A_564 = tpu.vector_load %arg8[%swap3A_563] {strides = array<i32>} : memref<4864xf32, #tpu.memory_space<vmem>>, vector<16xf32>,
    tpu.vector_store %arg8[%swap3A_563], %broadcast_in_dim3A_562 {strides = array<i32>} : memref<4864xf32, #tpu.memory_space<vmem>>, vector<16xf32>,
    %slice3A_565 = vector.extract_strided_slice %sub3A_544 {offsets = [4], sizes = [1], strides = [1]} : vector<16xf32> to vector<1xf32>
    %squeeze3A_566 = vector.extract %slice3A_565[0] : f32 from vector<1xf32>
    %broadcast_in_dim3A_567 = vector.broadcast %squeeze3A_566 : f32 to vector<16xf32>
    %swap3A_568 = arith.constant 1600 : index
    %swap3A_569 = tpu.vector_load %arg8[%swap3A_568] {strides = array<i32>} : memref<4864xf32, #tpu.memory_space<vmem>>, vector<16xf32>,
    tpu.vector_store %arg8[%swap3A_568], %broadcast_in_dim3A_567 {strides = array<i32>} : memref<4864xf32, #tpu.memory_space<vmem>>, vector<16xf32>,
    %slice3A_570 = vector.extract_strided_slice %sub3A_544 {offsets = [5], sizes = [1], strides = [1]} : vector<16xf32> to vector<1xf32>
    %squeeze3A_571 = vector.extract %slice3A_570[0] : f32 from vector<1xf32>
    %broadcast_in_dim3A_572 = vector.broadcast %squeeze3A_571 : f32 to vector<16xf32>
    %swap3A_573 = arith.constant 1616 : index
    %swap3A_574 = tpu.vector_load %arg8[%swap3A_573] {strides = array<i32>} : memref<4864xf32, #tpu.memory_space<vmem>>, vector<16xf32>,
    tpu.vector_store %arg8[%swap3A_573], %broadcast_in_dim3A_572 {strides = array<i32>} : memref<4864xf32, #tpu.memory_space<vmem>>, vector<16xf32>,
    %slice3A_575 = vector.extract_strided_slice %sub3A_544 {offsets = [6], sizes = [1], strides = [1]} : vector<16xf32> to vector<1xf32>
    %squeeze3A_576 = vector.extract %slice3A_575[0] : f32 from vector<1xf32>
    %broadcast_in_dim3A_577 = vector.broadcast %squeeze3A_576 : f32 to vector<16xf32>
    %swap3A_578 = arith.constant 1632 : index
    %swap3A_579 = tpu.vector_load %arg8[%swap3A_578] {strides = array<i32>} : memref<4864xf32, #tpu.memory_space<vmem>>, vector<16xf32>,
    tpu.vector_store %arg8[%swap3A_578], %broadcast_in_dim3A_577 {strides = array<i32>} : memref<4864xf32, #tpu.memory_space<vmem>>, vector<16xf32>,
    %slice3A_580 = vector.extract_strided_slice %sub3A_544 {offsets = [7], sizes = [1], strides = [1]} : vector<16xf32> to vector<1xf32>
    %squeeze3A_581 = vector.extract %slice3A_580[0] : f32 from vector<1xf32>
    %broadcast_in_dim3A_582 = vector.broadcast %squeeze3A_581 : f32 to vector<16xf32>
    %swap3A_583 = arith.constant 1648 : index
    %swap3A_584 = tpu.vector_load %arg8[%swap3A_583] {strides = array<i32>} : memref<4864xf32, #tpu.memory_space<vmem>>, vector<16xf32>,
    tpu.vector_store %arg8[%swap3A_583], %broadcast_in_dim3A_582 {strides = array<i32>} : memref<4864xf32, #tpu.memory_space<vmem>>, vector<16xf32>,
    %slice3A_585 = vector.extract_strided_slice %sub3A_544 {offsets = [8], sizes = [1], strides = [1]} : vector<16xf32> to vector<1xf32>
    %squeeze3A_586 = vector.extract %slice3A_585[0] : f32 from vector<1xf32>
    %broadcast_in_dim3A_587 = vector.broadcast %squeeze3A_586 : f32 to vector<16xf32>
    %swap3A_588 = arith.constant 1664 : index
    %swap3A_589 = tpu.vector_load %arg8[%swap3A_588] {strides = array<i32>} : memref<4864xf32, #tpu.memory_space<vmem>>, vector<16xf32>,
    tpu.vector_store %arg8[%swap3A_588], %broadcast_in_dim3A_587 {strides = array<i32>} : memref<4864xf32, #tpu.memory_space<vmem>>, vector<16xf32>,
    %slice3A_590 = vector.extract_strided_slice %sub3A_544 {offsets = [9], sizes = [1], strides = [1]} : vector<16xf32> to vector<1xf32>
    %squeeze3A_591 = vector.extract %slice3A_590[0] : f32 from vector<1xf32>
    %broadcast_in_dim3A_592 = vector.broadcast %squeeze3A_591 : f32 to vector<16xf32>
    %swap3A_593 = arith.constant 1680 : index
    %swap3A_594 = tpu.vector_load %arg8[%swap3A_593] {strides = array<i32>} : memref<4864xf32, #tpu.memory_space<vmem>>, vector<16xf32>,
    tpu.vector_store %arg8[%swap3A_593], %broadcast_in_dim3A_592 {strides = array<i32>} : memref<4864xf32, #tpu.memory_space<vmem>>, vector<16xf32>,
    %slice3A_595 = vector.extract_strided_slice %sub3A_544 {offsets = [10], sizes = [1], strides = [1]} : vector<16xf32> to vector<1xf32>
    %squeeze3A_596 = vector.extract %slice3A_595[0] : f32 from vector<1xf32>
    %broadcast_in_dim3A_597 = vector.broadcast %squeeze3A_596 : f32 to vector<16xf32>
    %swap3A_598 = arith.constant 1696 : index
    %swap3A_599 = tpu.vector_load %arg8[%swap3A_598] {strides = array<i32>} : memref<4864xf32, #tpu.memory_space<vmem>>, vector<16xf32>,
    tpu.vector_store %arg8[%swap3A_598], %broadcast_in_dim3A_597 {strides = array<i32>} : memref<4864xf32, #tpu.memory_space<vmem>>, vector<16xf32>,
    %slice3A_600 = vector.extract_strided_slice %sub3A_544 {offsets = [11], sizes = [1], strides = [1]} : vector<16xf32> to vector<1xf32>
    %squeeze3A_601 = vector.extract %slice3A_600[0] : f32 from vector<1xf32>
    %broadcast_in_dim3A_602 = vector.broadcast %squeeze3A_601 : f32 to vector<16xf32>
    %swap3A_603 = arith.constant 1712 : index
    %swap3A_604 = tpu.vector_load %arg8[%swap3A_603] {strides = array<i32>} : memref<4864xf32, #tpu.memory_space<vmem>>, vector<16xf32>,
    tpu.vector_store %arg8[%swap3A_603], %broadcast_in_dim3A_602 {strides = array<i32>} : memref<4864xf32, #tpu.memory_space<vmem>>, vector<16xf32>,
    %slice3A_605 = vector.extract_strided_slice %sub3A_544 {offsets = [12], sizes = [1], strides = [1]} : vector<16xf32> to vector<1xf32>
    %squeeze3A_606 = vector.extract %slice3A_605[0] : f32 from vector<1xf32>
    %broadcast_in_dim3A_607 = vector.broadcast %squeeze3A_606 : f32 to vector<16xf32>
    %swap3A_608 = arith.constant 1728 : index
    %swap3A_609 = tpu.vector_load %arg8[%swap3A_608] {strides = array<i32>} : memref<4864xf32, #tpu.memory_space<vmem>>, vector<16xf32>,
    tpu.vector_store %arg8[%swap3A_608], %broadcast_in_dim3A_607 {strides = array<i32>} : memref<4864xf32, #tpu.memory_space<vmem>>, vector<16xf32>,
    %slice3A_610 = vector.extract_strided_slice %sub3A_544 {offsets = [13], sizes = [1], strides = [1]} : vector<16xf32> to vector<1xf32>
    %squeeze3A_611 = vector.extract %slice3A_610[0] : f32 from vector<1xf32>
    %broadcast_in_dim3A_612 = vector.broadcast %squeeze3A_611 : f32 to vector<16xf32>
    %swap3A_613 = arith.constant 1744 : index
    %swap3A_614 = tpu.vector_load %arg8[%swap3A_613] {strides = array<i32>} : memref<4864xf32, #tpu.memory_space<vmem>>, vector<16xf32>,
    tpu.vector_store %arg8[%swap3A_613], %broadcast_in_dim3A_612 {strides = array<i32>} : memref<4864xf32, #tpu.memory_space<vmem>>, vector<16xf32>,
    %slice3A_615 = vector.extract_strided_slice %sub3A_544 {offsets = [14], sizes = [1], strides = [1]} : vector<16xf32> to vector<1xf32>
    %squeeze3A_616 = vector.extract %slice3A_615[0] : f32 from vector<1xf32>
    %broadcast_in_dim3A_617 = vector.broadcast %squeeze3A_616 : f32 to vector<16xf32>
    %swap3A_618 = arith.constant 1760 : index
    %swap3A_619 = tpu.vector_load %arg8[%swap3A_618] {strides = array<i32>} : memref<4864xf32, #tpu.memory_space<vmem>>, vector<16xf32>,
    tpu.vector_store %arg8[%swap3A_618], %broadcast_in_dim3A_617 {strides = array<i32>} : memref<4864xf32, #tpu.memory_space<vmem>>, vector<16xf32>,
    %slice3A_620 = vector.extract_strided_slice %sub3A_544 {offsets = [15], sizes = [1], strides = [1]} : vector<16xf32> to vector<1xf32>
    %squeeze3A_621 = vector.extract %slice3A_620[0] : f32 from vector<1xf32>
    %broadcast_in_dim3A_622 = vector.broadcast %squeeze3A_621 : f32 to vector<16xf32>
    %swap3A_623 = arith.constant 1776 : index
    %swap3A_624 = tpu.vector_load %arg8[%swap3A_623] {strides = array<i32>} : memref<4864xf32, #tpu.memory_space<vmem>>, vector<16xf32>,
    tpu.vector_store %arg8[%swap3A_623], %broadcast_in_dim3A_622 {strides = array<i32>} : memref<4864xf32, #tpu.memory_space<vmem>>, vector<16xf32>,
    %get3A_625 = arith.constant 112 : index
    %get3A_626 = tpu.vector_load %arg7[%get3A_625] {strides = array<i32>} : memref<300xf32, #tpu.memory_space<vmem>>, vector<16xf32>,
    %mul3A_627 = arith.constant 6.553700e+04 : f32
    %mul3A_628 = vector.broadcast %mul3A_627 : f32 to vector<16xf32>
    %mul3A_629 = arith.mulf %get3A_626, %mul3A_628 : vector<16xf32>
    %sub3A_630 = arith.subf %mul3A_629, %get3A_626 : vector<16xf32>
    %sub3A_631 = arith.subf %mul3A_629, %sub3A_630 : vector<16xf32>
    %slice3A_632 = vector.extract_strided_slice %sub3A_631 {offsets = [0], sizes = [1], strides = [1]} : vector<16xf32> to vector<1xf32>
    %squeeze3A_633 = vector.extract %slice3A_632[0] : f32 from vector<1xf32>
    %broadcast_in_dim3A_634 = vector.broadcast %squeeze3A_633 : f32 to vector<16xf32>
    %swap3A_635 = arith.constant 1792 : index
    %swap3A_636 = tpu.vector_load %arg8[%swap3A_635] {strides = array<i32>} : memref<4864xf32, #tpu.memory_space<vmem>>, vector<16xf32>,
    tpu.vector_store %arg8[%swap3A_635], %broadcast_in_dim3A_634 {strides = array<i32>} : memref<4864xf32, #tpu.memory_space<vmem>>, vector<16xf32>,
    %slice3A_637 = vector.extract_strided_slice %sub3A_631 {offsets = [1], sizes = [1], strides = [1]} : vector<16xf32> to vector<1xf32>
    %squeeze3A_638 = vector.extract %slice3A_637[0] : f32 from vector<1xf32>
    %broadcast_in_dim3A_639 = vector.broadcast %squeeze3A_638 : f32 to vector<16xf32>
    %swap3A_640 = arith.constant 1808 : index
    %swap3A_641 = tpu.vector_load %arg8[%swap3A_640] {strides = array<i32>} : memref<4864xf32, #tpu.memory_space<vmem>>, vector<16xf32>,
    tpu.vector_store %arg8[%swap3A_640], %broadcast_in_dim3A_639 {strides = array<i32>} : memref<4864xf32, #tpu.memory_space<vmem>>, vector<16xf32>,
    %slice3A_642 = vector.extract_strided_slice %sub3A_631 {offsets = [2], sizes = [1], strides = [1]} : vector<16xf32> to vector<1xf32>
    %squeeze3A_643 = vector.extract %slice3A_642[0] : f32 from vector<1xf32>
    %broadcast_in_dim3A_644 = vector.broadcast %squeeze3A_643 : f32 to vector<16xf32>
    %swap3A_645 = arith.constant 1824 : index
    %swap3A_646 = tpu.vector_load %arg8[%swap3A_645] {strides = array<i32>} : memref<4864xf32, #tpu.memory_space<vmem>>, vector<16xf32>,
    tpu.vector_store %arg8[%swap3A_645], %broadcast_in_dim3A_644 {strides = array<i32>} : memref<4864xf32, #tpu.memory_space<vmem>>, vector<16xf32>,
    %slice3A_647 = vector.extract_strided_slice %sub3A_631 {offsets = [3], sizes = [1], strides = [1]} : vector<16xf32> to vector<1xf32>
    %squeeze3A_648 = vector.extract %slice3A_647[0] : f32 from vector<1xf32>
    %broadcast_in_dim3A_649 = vector.broadcast %squeeze3A_648 : f32 to vector<16xf32>
    %swap3A_650 = arith.constant 1840 : index
    %swap3A_651 = tpu.vector_load %arg8[%swap3A_650] {strides = array<i32>} : memref<4864xf32, #tpu.memory_space<vmem>>, vector<16xf32>,
    tpu.vector_store %arg8[%swap3A_650], %broadcast_in_dim3A_649 {strides = array<i32>} : memref<4864xf32, #tpu.memory_space<vmem>>, vector<16xf32>,
    %slice3A_652 = vector.extract_strided_slice %sub3A_631 {offsets = [4], sizes = [1], strides = [1]} : vector<16xf32> to vector<1xf32>
    %squeeze3A_653 = vector.extract %slice3A_652[0] : f32 from vector<1xf32>
    %broadcast_in_dim3A_654 = vector.broadcast %squeeze3A_653 : f32 to vector<16xf32>
    %swap3A_655 = arith.constant 1856 : index
    %swap3A_656 = tpu.vector_load %arg8[%swap3A_655] {strides = array<i32>} : memref<4864xf32, #tpu.memory_space<vmem>>, vector<16xf32>,
    tpu.vector_store %arg8[%swap3A_655], %broadcast_in_dim3A_654 {strides = array<i32>} : memref<4864xf32, #tpu.memory_space<vmem>>, vector<16xf32>,
    %slice3A_657 = vector.extract_strided_slice %sub3A_631 {offsets = [5], sizes = [1], strides = [1]} : vector<16xf32> to vector<1xf32>
    %squeeze3A_658 = vector.extract %slice3A_657[0] : f32 from vector<1xf32>
    %broadcast_in_dim3A_659 = vector.broadcast %squeeze3A_658 : f32 to vector<16xf32>
    %swap3A_660 = arith.constant 1872 : index
    %swap3A_661 = tpu.vector_load %arg8[%swap3A_660] {strides = array<i32>} : memref<4864xf32, #tpu.memory_space<vmem>>, vector<16xf32>,
    tpu.vector_store %arg8[%swap3A_660], %broadcast_in_dim3A_659 {strides = array<i32>} : memref<4864xf32, #tpu.memory_space<vmem>>, vector<16xf32>,
    %slice3A_662 = vector.extract_strided_slice %sub3A_631 {offsets = [6], sizes = [1], strides = [1]} : vector<16xf32> to vector<1xf32>
    %squeeze3A_663 = vector.extract %slice3A_662[0] : f32 from vector<1xf32>
    %broadcast_in_dim3A_664 = vector.broadcast %squeeze3A_663 : f32 to vector<16xf32>
    %swap3A_665 = arith.constant 1888 : index
    %swap3A_666 = tpu.vector_load %arg8[%swap3A_665] {strides = array<i32>} : memref<4864xf32, #tpu.memory_space<vmem>>, vector<16xf32>,
    tpu.vector_store %arg8[%swap3A_665], %broadcast_in_dim3A_664 {strides = array<i32>} : memref<4864xf32, #tpu.memory_space<vmem>>, vector<16xf32>,
    %slice3A_667 = vector.extract_strided_slice %sub3A_631 {offsets = [7], sizes = [1], strides = [1]} : vector<16xf32> to vector<1xf32>
    %squeeze3A_668 = vector.extract %slice3A_667[0] : f32 from vector<1xf32>
    %broadcast_in_dim3A_669 = vector.broadcast %squeeze3A_668 : f32 to vector<16xf32>
    %swap3A_670 = arith.constant 1904 : index
    %swap3A_671 = tpu.vector_load %arg8[%swap3A_670] {strides = array<i32>} : memref<4864xf32, #tpu.memory_space<vmem>>, vector<16xf32>,
    tpu.vector_store %arg8[%swap3A_670], %broadcast_in_dim3A_669 {strides = array<i32>} : memref<4864xf32, #tpu.memory_space<vmem>>, vector<16xf32>,
    %slice3A_672 = vector.extract_strided_slice %sub3A_631 {offsets = [8], sizes = [1], strides = [1]} : vector<16xf32> to vector<1xf32>
    %squeeze3A_673 = vector.extract %slice3A_672[0] : f32 from vector<1xf32>
    %broadcast_in_dim3A_674 = vector.broadcast %squeeze3A_673 : f32 to vector<16xf32>
    %swap3A_675 = arith.constant 1920 : index
    %swap3A_676 = tpu.vector_load %arg8[%swap3A_675] {strides = array<i32>} : memref<4864xf32, #tpu.memory_space<vmem>>, vector<16xf32>,
    tpu.vector_store %arg8[%swap3A_675], %broadcast_in_dim3A_674 {strides = array<i32>} : memref<4864xf32, #tpu.memory_space<vmem>>, vector<16xf32>,
    %slice3A_677 = vector.extract_strided_slice %sub3A_631 {offsets = [9], sizes = [1], strides = [1]} : vector<16xf32> to vector<1xf32>
    %squeeze3A_678 = vector.extract %slice3A_677[0] : f32 from vector<1xf32>
    %broadcast_in_dim3A_679 = vector.broadcast %squeeze3A_678 : f32 to vector<16xf32>
    %swap3A_680 = arith.constant 1936 : index
    %swap3A_681 = tpu.vector_load %arg8[%swap3A_680] {strides = array<i32>} : memref<4864xf32, #tpu.memory_space<vmem>>, vector<16xf32>,
    tpu.vector_store %arg8[%swap3A_680], %broadcast_in_dim3A_679 {strides = array<i32>} : memref<4864xf32, #tpu.memory_space<vmem>>, vector<16xf32>,
    %slice3A_682 = vector.extract_strided_slice %sub3A_631 {offsets = [10], sizes = [1], strides = [1]} : vector<16xf32> to vector<1xf32>
    %squeeze3A_683 = vector.extract %slice3A_682[0] : f32 from vector<1xf32>
    %broadcast_in_dim3A_684 = vector.broadcast %squeeze3A_683 : f32 to vector<16xf32>
    %swap3A_685 = arith.constant 1952 : index
    %swap3A_686 = tpu.vector_load %arg8[%swap3A_685] {strides = array<i32>} : memref<4864xf32, #tpu.memory_space<vmem>>, vector<16xf32>,
    tpu.vector_store %arg8[%swap3A_685], %broadcast_in_dim3A_684 {strides = array<i32>} : memref<4864xf32, #tpu.memory_space<vmem>>, vector<16xf32>,
    %slice3A_687 = vector.extract_strided_slice %sub3A_631 {offsets = [11], sizes = [1], strides = [1]} : vector<16xf32> to vector<1xf32>
    %squeeze3A_688 = vector.extract %slice3A_687[0] : f32 from vector<1xf32>
    %broadcast_in_dim3A_689 = vector.broadcast %squeeze3A_688 : f32 to vector<16xf32>
    %swap3A_690 = arith.constant 1968 : index
    %swap3A_691 = tpu.vector_load %arg8[%swap3A_690] {strides = array<i32>} : memref<4864xf32, #tpu.memory_space<vmem>>, vector<16xf32>,
    tpu.vector_store %arg8[%swap3A_690], %broadcast_in_dim3A_689 {strides = array<i32>} : memref<4864xf32, #tpu.memory_space<vmem>>, vector<16xf32>,
    %slice3A_692 = vector.extract_strided_slice %sub3A_631 {offsets = [12], sizes = [1], strides = [1]} : vector<16xf32> to vector<1xf32>
    %squeeze3A_693 = vector.extract %slice3A_692[0] : f32 from vector<1xf32>
    %broadcast_in_dim3A_694 = vector.broadcast %squeeze3A_693 : f32 to vector<16xf32>
    %swap3A_695 = arith.constant 1984 : index
    %swap3A_696 = tpu.vector_load %arg8[%swap3A_695] {strides = array<i32>} : memref<4864xf32, #tpu.memory_space<vmem>>, vector<16xf32>,
    tpu.vector_store %arg8[%swap3A_695], %broadcast_in_dim3A_694 {strides = array<i32>} : memref<4864xf32, #tpu.memory_space<vmem>>, vector<16xf32>,
    %slice3A_697 = vector.extract_strided_slice %sub3A_631 {offsets = [13], sizes = [1], strides = [1]} : vector<16xf32> to vector<1xf32>
    %squeeze3A_698 = vector.extract %slice3A_697[0] : f32 from vector<1xf32>
    %broadcast_in_dim3A_699 = vector.broadcast %squeeze3A_698 : f32 to vector<16xf32>
    %swap3A_700 = arith.constant 2000 : index
    %swap3A_701 = tpu.vector_load %arg8[%swap3A_700] {strides = array<i32>} : memref<4864xf32, #tpu.memory_space<vmem>>, vector<16xf32>,
    tpu.vector_store %arg8[%swap3A_700], %broadcast_in_dim3A_699 {strides = array<i32>} : memref<4864xf32, #tpu.memory_space<vmem>>, vector<16xf32>,
    %slice3A_702 = vector.extract_strided_slice %sub3A_631 {offsets = [14], sizes = [1], strides = [1]} : vector<16xf32> to vector<1xf32>
    %squeeze3A_703 = vector.extract %slice3A_702[0] : f32 from vector<1xf32>
    %broadcast_in_dim3A_704 = vector.broadcast %squeeze3A_703 : f32 to vector<16xf32>
    %swap3A_705 = arith.constant 2016 : index
    %swap3A_706 = tpu.vector_load %arg8[%swap3A_705] {strides = array<i32>} : memref<4864xf32, #tpu.memory_space<vmem>>, vector<16xf32>,
    tpu.vector_store %arg8[%swap3A_705], %broadcast_in_dim3A_704 {strides = array<i32>} : memref<4864xf32, #tpu.memory_space<vmem>>, vector<16xf32>,
    %slice3A_707 = vector.extract_strided_slice %sub3A_631 {offsets = [15], sizes = [1], strides = [1]} : vector<16xf32> to vector<1xf32>
    %squeeze3A_708 = vector.extract %slice3A_707[0] : f32 from vector<1xf32>
    %broadcast_in_dim3A_709 = vector.broadcast %squeeze3A_708 : f32 to vector<16xf32>
    %swap3A_710 = arith.constant 2032 : index
    %swap3A_711 = tpu.vector_load %arg8[%swap3A_710] {strides = array<i32>} : memref<4864xf32, #tpu.memory_space<vmem>>, vector<16xf32>,
    tpu.vector_store %arg8[%swap3A_710], %broadcast_in_dim3A_709 {strides = array<i32>} : memref<4864xf32, #tpu.memory_space<vmem>>, vector<16xf32>,
    %get3A_712 = arith.constant 128 : index
    %get3A_713 = tpu.vector_load %arg7[%get3A_712] {strides = array<i32>} : memref<300xf32, #tpu.memory_space<vmem>>, vector<16xf32>,
    %mul3A_714 = arith.constant 6.553700e+04 : f32
    %mul3A_715 = vector.broadcast %mul3A_714 : f32 to vector<16xf32>
    %mul3A_716 = arith.mulf %get3A_713, %mul3A_715 : vector<16xf32>
    %sub3A_717 = arith.subf %mul3A_716, %get3A_713 : vector<16xf32>
    %sub3A_718 = arith.subf %mul3A_716, %sub3A_717 : vector<16xf32>
    %slice3A_719 = vector.extract_strided_slice %sub3A_718 {offsets = [0], sizes = [1], strides = [1]} : vector<16xf32> to vector<1xf32>
    %squeeze3A_720 = vector.extract %slice3A_719[0] : f32 from vector<1xf32>
    %broadcast_in_dim3A_721 = vector.broadcast %squeeze3A_720 : f32 to vector<16xf32>
    %swap3A_722 = arith.constant 2048 : index
    %swap3A_723 = tpu.vector_load %arg8[%swap3A_722] {strides = array<i32>} : memref<4864xf32, #tpu.memory_space<vmem>>, vector<16xf32>,
    tpu.vector_store %arg8[%swap3A_722], %broadcast_in_dim3A_721 {strides = array<i32>} : memref<4864xf32, #tpu.memory_space<vmem>>, vector<16xf32>,
    %slice3A_724 = vector.extract_strided_slice %sub3A_718 {offsets = [1], sizes = [1], strides = [1]} : vector<16xf32> to vector<1xf32>
    %squeeze3A_725 = vector.extract %slice3A_724[0] : f32 from vector<1xf32>
    %broadcast_in_dim3A_726 = vector.broadcast %squeeze3A_725 : f32 to vector<16xf32>
    %swap3A_727 = arith.constant 2064 : index
    %swap3A_728 = tpu.vector_load %arg8[%swap3A_727] {strides = array<i32>} : memref<4864xf32, #tpu.memory_space<vmem>>, vector<16xf32>,
    tpu.vector_store %arg8[%swap3A_727], %broadcast_in_dim3A_726 {strides = array<i32>} : memref<4864xf32, #tpu.memory_space<vmem>>, vector<16xf32>,
    %slice3A_729 = vector.extract_strided_slice %sub3A_718 {offsets = [2], sizes = [1], strides = [1]} : vector<16xf32> to vector<1xf32>
    %squeeze3A_730 = vector.extract %slice3A_729[0] : f32 from vector<1xf32>
    %broadcast_in_dim3A_731 = vector.broadcast %squeeze3A_730 : f32 to vector<16xf32>
    %swap3A_732 = arith.constant 2080 : index
    %swap3A_733 = tpu.vector_load %arg8[%swap3A_732] {strides = array<i32>} : memref<4864xf32, #tpu.memory_space<vmem>>, vector<16xf32>,
    tpu.vector_store %arg8[%swap3A_732], %broadcast_in_dim3A_731 {strides = array<i32>} : memref<4864xf32, #tpu.memory_space<vmem>>, vector<16xf32>,
    %slice3A_734 = vector.extract_strided_slice %sub3A_718 {offsets = [3], sizes = [1], strides = [1]} : vector<16xf32> to vector<1xf32>
    %squeeze3A_735 = vector.extract %slice3A_734[0] : f32 from vector<1xf32>
    %broadcast_in_dim3A_736 = vector.broadcast %squeeze3A_735 : f32 to vector<16xf32>
    %swap3A_737 = arith.constant 2096 : index
    %swap3A_738 = tpu.vector_load %arg8[%swap3A_737] {strides = array<i32>} : memref<4864xf32, #tpu.memory_space<vmem>>, vector<16xf32>,
    tpu.vector_store %arg8[%swap3A_737], %broadcast_in_dim3A_736 {strides = array<i32>} : memref<4864xf32, #tpu.memory_space<vmem>>, vector<16xf32>,
    %slice3A_739 = vector.extract_strided_slice %sub3A_718 {offsets = [4], sizes = [1], strides = [1]} : vector<16xf32> to vector<1xf32>
    %squeeze3A_740 = vector.extract %slice3A_739[0] : f32 from vector<1xf32>
    %broadcast_in_dim3A_741 = vector.broadcast %squeeze3A_740 : f32 to vector<16xf32>
    %swap3A_742 = arith.constant 2112 : index
    %swap3A_743 = tpu.vector_load %arg8[%swap3A_742] {strides = array<i32>} : memref<4864xf32, #tpu.memory_space<vmem>>, vector<16xf32>,
    tpu.vector_store %arg8[%swap3A_742], %broadcast_in_dim3A_741 {strides = array<i32>} : memref<4864xf32, #tpu.memory_space<vmem>>, vector<16xf32>,
    %slice3A_744 = vector.extract_strided_slice %sub3A_718 {offsets = [5], sizes = [1], strides = [1]} : vector<16xf32> to vector<1xf32>
    %squeeze3A_745 = vector.extract %slice3A_744[0] : f32 from vector<1xf32>
    %broadcast_in_dim3A_746 = vector.broadcast %squeeze3A_745 : f32 to vector<16xf32>
    %swap3A_747 = arith.constant 2128 : index
    %swap3A_748 = tpu.vector_load %arg8[%swap3A_747] {strides = array<i32>} : memref<4864xf32, #tpu.memory_space<vmem>>, vector<16xf32>,
    tpu.vector_store %arg8[%swap3A_747], %broadcast_in_dim3A_746 {strides = array<i32>} : memref<4864xf32, #tpu.memory_space<vmem>>, vector<16xf32>,
    %slice3A_749 = vector.extract_strided_slice %sub3A_718 {offsets = [6], sizes = [1], strides = [1]} : vector<16xf32> to vector<1xf32>
    %squeeze3A_750 = vector.extract %slice3A_749[0] : f32 from vector<1xf32>
    %broadcast_in_dim3A_751 = vector.broadcast %squeeze3A_750 : f32 to vector<16xf32>
    %swap3A_752 = arith.constant 2144 : index
    %swap3A_753 = tpu.vector_load %arg8[%swap3A_752] {strides = array<i32>} : memref<4864xf32, #tpu.memory_space<vmem>>, vector<16xf32>,
    tpu.vector_store %arg8[%swap3A_752], %broadcast_in_dim3A_751 {strides = array<i32>} : memref<4864xf32, #tpu.memory_space<vmem>>, vector<16xf32>,
    %slice3A_754 = vector.extract_strided_slice %sub3A_718 {offsets = [7], sizes = [1], strides = [1]} : vector<16xf32> to vector<1xf32>
    %squeeze3A_755 = vector.extract %slice3A_754[0] : f32 from vector<1xf32>
    %broadcast_in_dim3A_756 = vector.broadcast %squeeze3A_755 : f32 to vector<16xf32>
    %swap3A_757 = arith.constant 2160 : index
    %swap3A_758 = tpu.vector_load %arg8[%swap3A_757] {strides = array<i32>} : memref<4864xf32, #tpu.memory_space<vmem>>, vector<16xf32>,
    tpu.vector_store %arg8[%swap3A_757], %broadcast_in_dim3A_756 {strides = array<i32>} : memref<4864xf32, #tpu.memory_space<vmem>>, vector<16xf32>,
    %slice3A_759 = vector.extract_strided_slice %sub3A_718 {offsets = [8], sizes = [1], strides = [1]} : vector<16xf32> to vector<1xf32>
    %squeeze3A_760 = vector.extract %slice3A_759[0] : f32 from vector<1xf32>
    %broadcast_in_dim3A_761 = vector.broadcast %squeeze3A_760 : f32 to vector<16xf32>
    %swap3A_762 = arith.constant 2176 : index
    %swap3A_763 = tpu.vector_load %arg8[%swap3A_762] {strides = array<i32>} : memref<4864xf32, #tpu.memory_space<vmem>>, vector<16xf32>,
    tpu.vector_store %arg8[%swap3A_762], %broadcast_in_dim3A_761 {strides = array<i32>} : memref<4864xf32, #tpu.memory_space<vmem>>, vector<16xf32>,
    %slice3A_764 = vector.extract_strided_slice %sub3A_718 {offsets = [9], sizes = [1], strides = [1]} : vector<16xf32> to vector<1xf32>
    %squeeze3A_765 = vector.extract %slice3A_764[0] : f32 from vector<1xf32>
    %broadcast_in_dim3A_766 = vector.broadcast %squeeze3A_765 : f32 to vector<16xf32>
    %swap3A_767 = arith.constant 2192 : index
    %swap3A_768 = tpu.vector_load %arg8[%swap3A_767] {strides = array<i32>} : memref<4864xf32, #tpu.memory_space<vmem>>, vector<16xf32>,
    tpu.vector_store %arg8[%swap3A_767], %broadcast_in_dim3A_766 {strides = array<i32>} : memref<4864xf32, #tpu.memory_space<vmem>>, vector<16xf32>,
    %slice3A_769 = vector.extract_strided_slice %sub3A_718 {offsets = [10], sizes = [1], strides = [1]} : vector<16xf32> to vector<1xf32>
    %squeeze3A_770 = vector.extract %slice3A_769[0] : f32 from vector<1xf32>
    %broadcast_in_dim3A_771 = vector.broadcast %squeeze3A_770 : f32 to vector<16xf32>
    %swap3A_772 = arith.constant 2208 : index
    %swap3A_773 = tpu.vector_load %arg8[%swap3A_772] {strides = array<i32>} : memref<4864xf32, #tpu.memory_space<vmem>>, vector<16xf32>,
    tpu.vector_store %arg8[%swap3A_772], %broadcast_in_dim3A_771 {strides = array<i32>} : memref<4864xf32, #tpu.memory_space<vmem>>, vector<16xf32>,
    %slice3A_774 = vector.extract_strided_slice %sub3A_718 {offsets = [11], sizes = [1], strides = [1]} : vector<16xf32> to vector<1xf32>
    %squeeze3A_775 = vector.extract %slice3A_774[0] : f32 from vector<1xf32>
    %broadcast_in_dim3A_776 = vector.broadcast %squeeze3A_775 : f32 to vector<16xf32>
    %swap3A_777 = arith.constant 2224 : index
    %swap3A_778 = tpu.vector_load %arg8[%swap3A_777] {strides = array<i32>} : memref<4864xf32, #tpu.memory_space<vmem>>, vector<16xf32>,
    tpu.vector_store %arg8[%swap3A_777], %broadcast_in_dim3A_776 {strides = array<i32>} : memref<4864xf32, #tpu.memory_space<vmem>>, vector<16xf32>,
    %slice3A_779 = vector.extract_strided_slice %sub3A_718 {offsets = [12], sizes = [1], strides = [1]} : vector<16xf32> to vector<1xf32>
    %squeeze3A_780 = vector.extract %slice3A_779[0] : f32 from vector<1xf32>
    %broadcast_in_dim3A_781 = vector.broadcast %squeeze3A_780 : f32 to vector<16xf32>
    %swap3A_782 = arith.constant 2240 : index
    %swap3A_783 = tpu.vector_load %arg8[%swap3A_782] {strides = array<i32>} : memref<4864xf32, #tpu.memory_space<vmem>>, vector<16xf32>,
    tpu.vector_store %arg8[%swap3A_782], %broadcast_in_dim3A_781 {strides = array<i32>} : memref<4864xf32, #tpu.memory_space<vmem>>, vector<16xf32>,
    %slice3A_784 = vector.extract_strided_slice %sub3A_718 {offsets = [13], sizes = [1], strides = [1]} : vector<16xf32> to vector<1xf32>
    %squeeze3A_785 = vector.extract %slice3A_784[0] : f32 from vector<1xf32>
    %broadcast_in_dim3A_786 = vector.broadcast %squeeze3A_785 : f32 to vector<16xf32>
    %swap3A_787 = arith.constant 2256 : index
    %swap3A_788 = tpu.vector_load %arg8[%swap3A_787] {strides = array<i32>} : memref<4864xf32, #tpu.memory_space<vmem>>, vector<16xf32>,
    tpu.vector_store %arg8[%swap3A_787], %broadcast_in_dim3A_786 {strides = array<i32>} : memref<4864xf32, #tpu.memory_space<vmem>>, vector<16xf32>,
    %slice3A_789 = vector.extract_strided_slice %sub3A_718 {offsets = [14], sizes = [1], strides = [1]} : vector<16xf32> to vector<1xf32>
    %squeeze3A_790 = vector.extract %slice3A_789[0] : f32 from vector<1xf32>
    %broadcast_in_dim3A_791 = vector.broadcast %squeeze3A_790 : f32 to vector<16xf32>
    %swap3A_792 = arith.constant 2272 : index
    %swap3A_793 = tpu.vector_load %arg8[%swap3A_792] {strides = array<i32>} : memref<4864xf32, #tpu.memory_space<vmem>>, vector<16xf32>,
    tpu.vector_store %arg8[%swap3A_792], %broadcast_in_dim3A_791 {strides = array<i32>} : memref<4864xf32, #tpu.memory_space<vmem>>, vector<16xf32>,
    %slice3A_794 = vector.extract_strided_slice %sub3A_718 {offsets = [15], sizes = [1], strides = [1]} : vector<16xf32> to vector<1xf32>
    %squeeze3A_795 = vector.extract %slice3A_794[0] : f32 from vector<1xf32>
    %broadcast_in_dim3A_796 = vector.broadcast %squeeze3A_795 : f32 to vector<16xf32>
    %swap3A_797 = arith.constant 2288 : index
    %swap3A_798 = tpu.vector_load %arg8[%swap3A_797] {strides = array<i32>} : memref<4864xf32, #tpu.memory_space<vmem>>, vector<16xf32>,
    tpu.vector_store %arg8[%swap3A_797], %broadcast_in_dim3A_796 {strides = array<i32>} : memref<4864xf32, #tpu.memory_space<vmem>>, vector<16xf32>,
    %get3A_799 = arith.constant 144 : index
    %get3A_800 = tpu.vector_load %arg7[%get3A_799] {strides = array<i32>} : memref<300xf32, #tpu.memory_space<vmem>>, vector<16xf32>,
    %mul3A_801 = arith.constant 6.553700e+04 : f32
    %mul3A_802 = vector.broadcast %mul3A_801 : f32 to vector<16xf32>
    %mul3A_803 = arith.mulf %get3A_800, %mul3A_802 : vector<16xf32>
    %sub3A_804 = arith.subf %mul3A_803, %get3A_800 : vector<16xf32>
    %sub3A_805 = arith.subf %mul3A_803, %sub3A_804 : vector<16xf32>
    %slice3A_806 = vector.extract_strided_slice %sub3A_805 {offsets = [0], sizes = [1], strides = [1]} : vector<16xf32> to vector<1xf32>
    %squeeze3A_807 = vector.extract %slice3A_806[0] : f32 from vector<1xf32>
    %broadcast_in_dim3A_808 = vector.broadcast %squeeze3A_807 : f32 to vector<16xf32>
    %swap3A_809 = arith.constant 2304 : index
    %swap3A_810 = tpu.vector_load %arg8[%swap3A_809] {strides = array<i32>} : memref<4864xf32, #tpu.memory_space<vmem>>, vector<16xf32>,
    tpu.vector_store %arg8[%swap3A_809], %broadcast_in_dim3A_808 {strides = array<i32>} : memref<4864xf32, #tpu.memory_space<vmem>>, vector<16xf32>,
    %slice3A_811 = vector.extract_strided_slice %sub3A_805 {offsets = [1], sizes = [1], strides = [1]} : vector<16xf32> to vector<1xf32>
    %squeeze3A_812 = vector.extract %slice3A_811[0] : f32 from vector<1xf32>
    %broadcast_in_dim3A_813 = vector.broadcast %squeeze3A_812 : f32 to vector<16xf32>
    %swap3A_814 = arith.constant 2320 : index
    %swap3A_815 = tpu.vector_load %arg8[%swap3A_814] {strides = array<i32>} : memref<4864xf32, #tpu.memory_space<vmem>>, vector<16xf32>,
    tpu.vector_store %arg8[%swap3A_814], %broadcast_in_dim3A_813 {strides = array<i32>} : memref<4864xf32, #tpu.memory_space<vmem>>, vector<16xf32>,
    %slice3A_816 = vector.extract_strided_slice %sub3A_805 {offsets = [2], sizes = [1], strides = [1]} : vector<16xf32> to vector<1xf32>
    %squeeze3A_817 = vector.extract %slice3A_816[0] : f32 from vector<1xf32>
    %broadcast_in_dim3A_818 = vector.broadcast %squeeze3A_817 : f32 to vector<16xf32>
    %swap3A_819 = arith.constant 2336 : index
    %swap3A_820 = tpu.vector_load %arg8[%swap3A_819] {strides = array<i32>} : memref<4864xf32, #tpu.memory_space<vmem>>, vector<16xf32>,
    tpu.vector_store %arg8[%swap3A_819], %broadcast_in_dim3A_818 {strides = array<i32>} : memref<4864xf32, #tpu.memory_space<vmem>>, vector<16xf32>,
    %slice3A_821 = vector.extract_strided_slice %sub3A_805 {offsets = [3], sizes = [1], strides = [1]} : vector<16xf32> to vector<1xf32>
    %squeeze3A_822 = vector.extract %slice3A_821[0] : f32 from vector<1xf32>
    %broadcast_in_dim3A_823 = vector.broadcast %squeeze3A_822 : f32 to vector<16xf32>
    %swap3A_824 = arith.constant 2352 : index
    %swap3A_825 = tpu.vector_load %arg8[%swap3A_824] {strides = array<i32>} : memref<4864xf32, #tpu.memory_space<vmem>>, vector<16xf32>,
    tpu.vector_store %arg8[%swap3A_824], %broadcast_in_dim3A_823 {strides = array<i32>} : memref<4864xf32, #tpu.memory_space<vmem>>, vector<16xf32>,
    %slice3A_826 = vector.extract_strided_slice %sub3A_805 {offsets = [4], sizes = [1], strides = [1]} : vector<16xf32> to vector<1xf32>
    %squeeze3A_827 = vector.extract %slice3A_826[0] : f32 from vector<1xf32>
    %broadcast_in_dim3A_828 = vector.broadcast %squeeze3A_827 : f32 to vector<16xf32>
    %swap3A_829 = arith.constant 2368 : index
    %swap3A_830 = tpu.vector_load %arg8[%swap3A_829] {strides = array<i32>} : memref<4864xf32, #tpu.memory_space<vmem>>, vector<16xf32>,
    tpu.vector_store %arg8[%swap3A_829], %broadcast_in_dim3A_828 {strides = array<i32>} : memref<4864xf32, #tpu.memory_space<vmem>>, vector<16xf32>,
    %slice3A_831 = vector.extract_strided_slice %sub3A_805 {offsets = [5], sizes = [1], strides = [1]} : vector<16xf32> to vector<1xf32>
    %squeeze3A_832 = vector.extract %slice3A_831[0] : f32 from vector<1xf32>
    %broadcast_in_dim3A_833 = vector.broadcast %squeeze3A_832 : f32 to vector<16xf32>
    %swap3A_834 = arith.constant 2384 : index
    %swap3A_835 = tpu.vector_load %arg8[%swap3A_834] {strides = array<i32>} : memref<4864xf32, #tpu.memory_space<vmem>>, vector<16xf32>,
    tpu.vector_store %arg8[%swap3A_834], %broadcast_in_dim3A_833 {strides = array<i32>} : memref<4864xf32, #tpu.memory_space<vmem>>, vector<16xf32>,
    %slice3A_836 = vector.extract_strided_slice %sub3A_805 {offsets = [6], sizes = [1], strides = [1]} : vector<16xf32> to vector<1xf32>
    %squeeze3A_837 = vector.extract %slice3A_836[0] : f32 from vector<1xf32>
    %broadcast_in_dim3A_838 = vector.broadcast %squeeze3A_837 : f32 to vector<16xf32>
    %swap3A_839 = arith.constant 2400 : index
    %swap3A_840 = tpu.vector_load %arg8[%swap3A_839] {strides = array<i32>} : memref<4864xf32, #tpu.memory_space<vmem>>, vector<16xf32>,
    tpu.vector_store %arg8[%swap3A_839], %broadcast_in_dim3A_838 {strides = array<i32>} : memref<4864xf32, #tpu.memory_space<vmem>>, vector<16xf32>,
    %slice3A_841 = vector.extract_strided_slice %sub3A_805 {offsets = [7], sizes = [1], strides = [1]} : vector<16xf32> to vector<1xf32>
    %squeeze3A_842 = vector.extract %slice3A_841[0] : f32 from vector<1xf32>
    %broadcast_in_dim3A_843 = vector.broadcast %squeeze3A_842 : f32 to vector<16xf32>
    %swap3A_844 = arith.constant 2416 : index
    %swap3A_845 = tpu.vector_load %arg8[%swap3A_844] {strides = array<i32>} : memref<4864xf32, #tpu.memory_space<vmem>>, vector<16xf32>,
    tpu.vector_store %arg8[%swap3A_844], %broadcast_in_dim3A_843 {strides = array<i32>} : memref<4864xf32, #tpu.memory_space<vmem>>, vector<16xf32>,
    %slice3A_846 = vector.extract_strided_slice %sub3A_805 {offsets = [8], sizes = [1], strides = [1]} : vector<16xf32> to vector<1xf32>
    %squeeze3A_847 = vector.extract %slice3A_846[0] : f32 from vector<1xf32>
    %broadcast_in_dim3A_848 = vector.broadcast %squeeze3A_847 : f32 to vector<16xf32>
    %swap3A_849 = arith.constant 2432 : index
    %swap3A_850 = tpu.vector_load %arg8[%swap3A_849] {strides = array<i32>} : memref<4864xf32, #tpu.memory_space<vmem>>, vector<16xf32>,
    tpu.vector_store %arg8[%swap3A_849], %broadcast_in_dim3A_848 {strides = array<i32>} : memref<4864xf32, #tpu.memory_space<vmem>>, vector<16xf32>,
    %slice3A_851 = vector.extract_strided_slice %sub3A_805 {offsets = [9], sizes = [1], strides = [1]} : vector<16xf32> to vector<1xf32>
    %squeeze3A_852 = vector.extract %slice3A_851[0] : f32 from vector<1xf32>
    %broadcast_in_dim3A_853 = vector.broadcast %squeeze3A_852 : f32 to vector<16xf32>
    %swap3A_854 = arith.constant 2448 : index
    %swap3A_855 = tpu.vector_load %arg8[%swap3A_854] {strides = array<i32>} : memref<4864xf32, #tpu.memory_space<vmem>>, vector<16xf32>,
    tpu.vector_store %arg8[%swap3A_854], %broadcast_in_dim3A_853 {strides = array<i32>} : memref<4864xf32, #tpu.memory_space<vmem>>, vector<16xf32>,
    %slice3A_856 = vector.extract_strided_slice %sub3A_805 {offsets = [10], sizes = [1], strides = [1]} : vector<16xf32> to vector<1xf32>
    %squeeze3A_857 = vector.extract %slice3A_856[0] : f32 from vector<1xf32>
    %broadcast_in_dim3A_858 = vector.broadcast %squeeze3A_857 : f32 to vector<16xf32>
    %swap3A_859 = arith.constant 2464 : index
    %swap3A_860 = tpu.vector_load %arg8[%swap3A_859] {strides = array<i32>} : memref<4864xf32, #tpu.memory_space<vmem>>, vector<16xf32>,
    tpu.vector_store %arg8[%swap3A_859], %broadcast_in_dim3A_858 {strides = array<i32>} : memref<4864xf32, #tpu.memory_space<vmem>>, vector<16xf32>,
    %slice3A_861 = vector.extract_strided_slice %sub3A_805 {offsets = [11], sizes = [1], strides = [1]} : vector<16xf32> to vector<1xf32>
    %squeeze3A_862 = vector.extract %slice3A_861[0] : f32 from vector<1xf32>
    %broadcast_in_dim3A_863 = vector.broadcast %squeeze3A_862 : f32 to vector<16xf32>
    %swap3A_864 = arith.constant 2480 : index
    %swap3A_865 = tpu.vector_load %arg8[%swap3A_864] {strides = array<i32>} : memref<4864xf32, #tpu.memory_space<vmem>>, vector<16xf32>,
    tpu.vector_store %arg8[%swap3A_864], %broadcast_in_dim3A_863 {strides = array<i32>} : memref<4864xf32, #tpu.memory_space<vmem>>, vector<16xf32>,
    %slice3A_866 = vector.extract_strided_slice %sub3A_805 {offsets = [12], sizes = [1], strides = [1]} : vector<16xf32> to vector<1xf32>
    %squeeze3A_867 = vector.extract %slice3A_866[0] : f32 from vector<1xf32>
    %broadcast_in_dim3A_868 = vector.broadcast %squeeze3A_867 : f32 to vector<16xf32>
    %swap3A_869 = arith.constant 2496 : index
    %swap3A_870 = tpu.vector_load %arg8[%swap3A_869] {strides = array<i32>} : memref<4864xf32, #tpu.memory_space<vmem>>, vector<16xf32>,
    tpu.vector_store %arg8[%swap3A_869], %broadcast_in_dim3A_868 {strides = array<i32>} : memref<4864xf32, #tpu.memory_space<vmem>>, vector<16xf32>,
    %slice3A_871 = vector.extract_strided_slice %sub3A_805 {offsets = [13], sizes = [1], strides = [1]} : vector<16xf32> to vector<1xf32>
    %squeeze3A_872 = vector.extract %slice3A_871[0] : f32 from vector<1xf32>
    %broadcast_in_dim3A_873 = vector.broadcast %squeeze3A_872 : f32 to vector<16xf32>
    %swap3A_874 = arith.constant 2512 : index
    %swap3A_875 = tpu.vector_load %arg8[%swap3A_874] {strides = array<i32>} : memref<4864xf32, #tpu.memory_space<vmem>>, vector<16xf32>,
    tpu.vector_store %arg8[%swap3A_874], %broadcast_in_dim3A_873 {strides = array<i32>} : memref<4864xf32, #tpu.memory_space<vmem>>, vector<16xf32>,
    %slice3A_876 = vector.extract_strided_slice %sub3A_805 {offsets = [14], sizes = [1], strides = [1]} : vector<16xf32> to vector<1xf32>
    %squeeze3A_877 = vector.extract %slice3A_876[0] : f32 from vector<1xf32>
    %broadcast_in_dim3A_878 = vector.broadcast %squeeze3A_877 : f32 to vector<16xf32>
    %swap3A_879 = arith.constant 2528 : index
    %swap3A_880 = tpu.vector_load %arg8[%swap3A_879] {strides = array<i32>} : memref<4864xf32, #tpu.memory_space<vmem>>, vector<16xf32>,
    tpu.vector_store %arg8[%swap3A_879], %broadcast_in_dim3A_878 {strides = array<i32>} : memref<4864xf32, #tpu.memory_space<vmem>>, vector<16xf32>,
    %slice3A_881 = vector.extract_strided_slice %sub3A_805 {offsets = [15], sizes = [1], strides = [1]} : vector<16xf32> to vector<1xf32>
    %squeeze3A_882 = vector.extract %slice3A_881[0] : f32 from vector<1xf32>
    %broadcast_in_dim3A_883 = vector.broadcast %squeeze3A_882 : f32 to vector<16xf32>
    %swap3A_884 = arith.constant 2544 : index
    %swap3A_885 = tpu.vector_load %arg8[%swap3A_884] {strides = array<i32>} : memref<4864xf32, #tpu.memory_space<vmem>>, vector<16xf32>,
    tpu.vector_store %arg8[%swap3A_884], %broadcast_in_dim3A_883 {strides = array<i32>} : memref<4864xf32, #tpu.memory_space<vmem>>, vector<16xf32>,
    %get3A_886 = arith.constant 160 : index
    %get3A_887 = tpu.vector_load %arg7[%get3A_886] {strides = array<i32>} : memref<300xf32, #tpu.memory_space<vmem>>, vector<16xf32>,
    %mul3A_888 = arith.constant 6.553700e+04 : f32
    %mul3A_889 = vector.broadcast %mul3A_888 : f32 to vector<16xf32>
    %mul3A_890 = arith.mulf %get3A_887, %mul3A_889 : vector<16xf32>
    %sub3A_891 = arith.subf %mul3A_890, %get3A_887 : vector<16xf32>
    %sub3A_892 = arith.subf %mul3A_890, %sub3A_891 : vector<16xf32>
    %slice3A_893 = vector.extract_strided_slice %sub3A_892 {offsets = [0], sizes = [1], strides = [1]} : vector<16xf32> to vector<1xf32>
    %squeeze3A_894 = vector.extract %slice3A_893[0] : f32 from vector<1xf32>
    %broadcast_in_dim3A_895 = vector.broadcast %squeeze3A_894 : f32 to vector<16xf32>
    %swap3A_896 = arith.constant 2560 : index
    %swap3A_897 = tpu.vector_load %arg8[%swap3A_896] {strides = array<i32>} : memref<4864xf32, #tpu.memory_space<vmem>>, vector<16xf32>,
    tpu.vector_store %arg8[%swap3A_896], %broadcast_in_dim3A_895 {strides = array<i32>} : memref<4864xf32, #tpu.memory_space<vmem>>, vector<16xf32>,
    %slice3A_898 = vector.extract_strided_slice %sub3A_892 {offsets = [1], sizes = [1], strides = [1]} : vector<16xf32> to vector<1xf32>
    %squeeze3A_899 = vector.extract %slice3A_898[0] : f32 from vector<1xf32>
    %broadcast_in_dim3A_900 = vector.broadcast %squeeze3A_899 : f32 to vector<16xf32>
    %swap3A_901 = arith.constant 2576 : index
    %swap3A_902 = tpu.vector_load %arg8[%swap3A_901] {strides = array<i32>} : memref<4864xf32, #tpu.memory_space<vmem>>, vector<16xf32>,
    tpu.vector_store %arg8[%swap3A_901], %broadcast_in_dim3A_900 {strides = array<i32>} : memref<4864xf32, #tpu.memory_space<vmem>>, vector<16xf32>,
    %slice3A_903 = vector.extract_strided_slice %sub3A_892 {offsets = [2], sizes = [1], strides = [1]} : vector<16xf32> to vector<1xf32>
    %squeeze3A_904 = vector.extract %slice3A_903[0] : f32 from vector<1xf32>
    %broadcast_in_dim3A_905 = vector.broadcast %squeeze3A_904 : f32 to vector<16xf32>
    %swap3A_906 = arith.constant 2592 : index
    %swap3A_907 = tpu.vector_load %arg8[%swap3A_906] {strides = array<i32>} : memref<4864xf32, #tpu.memory_space<vmem>>, vector<16xf32>,
    tpu.vector_store %arg8[%swap3A_906], %broadcast_in_dim3A_905 {strides = array<i32>} : memref<4864xf32, #tpu.memory_space<vmem>>, vector<16xf32>,
    %slice3A_908 = vector.extract_strided_slice %sub3A_892 {offsets = [3], sizes = [1], strides = [1]} : vector<16xf32> to vector<1xf32>
    %squeeze3A_909 = vector.extract %slice3A_908[0] : f32 from vector<1xf32>
    %broadcast_in_dim3A_910 = vector.broadcast %squeeze3A_909 : f32 to vector<16xf32>
    %swap3A_911 = arith.constant 2608 : index
    %swap3A_912 = tpu.vector_load %arg8[%swap3A_911] {strides = array<i32>} : memref<4864xf32, #tpu.memory_space<vmem>>, vector<16xf32>,
    tpu.vector_store %arg8[%swap3A_911], %broadcast_in_dim3A_910 {strides = array<i32>} : memref<4864xf32, #tpu.memory_space<vmem>>, vector<16xf32>,
    %slice3A_913 = vector.extract_strided_slice %sub3A_892 {offsets = [4], sizes = [1], strides = [1]} : vector<16xf32> to vector<1xf32>
    %squeeze3A_914 = vector.extract %slice3A_913[0] : f32 from vector<1xf32>
    %broadcast_in_dim3A_915 = vector.broadcast %squeeze3A_914 : f32 to vector<16xf32>
    %swap3A_916 = arith.constant 2624 : index
    %swap3A_917 = tpu.vector_load %arg8[%swap3A_916] {strides = array<i32>} : memref<4864xf32, #tpu.memory_space<vmem>>, vector<16xf32>,
    tpu.vector_store %arg8[%swap3A_916], %broadcast_in_dim3A_915 {strides = array<i32>} : memref<4864xf32, #tpu.memory_space<vmem>>, vector<16xf32>,
    %slice3A_918 = vector.extract_strided_slice %sub3A_892 {offsets = [5], sizes = [1], strides = [1]} : vector<16xf32> to vector<1xf32>
    %squeeze3A_919 = vector.extract %slice3A_918[0] : f32 from vector<1xf32>
    %broadcast_in_dim3A_920 = vector.broadcast %squeeze3A_919 : f32 to vector<16xf32>
    %swap3A_921 = arith.constant 2640 : index
    %swap3A_922 = tpu.vector_load %arg8[%swap3A_921] {strides = array<i32>} : memref<4864xf32, #tpu.memory_space<vmem>>, vector<16xf32>,
    tpu.vector_store %arg8[%swap3A_921], %broadcast_in_dim3A_920 {strides = array<i32>} : memref<4864xf32, #tpu.memory_space<vmem>>, vector<16xf32>,
    %slice3A_923 = vector.extract_strided_slice %sub3A_892 {offsets = [6], sizes = [1], strides = [1]} : vector<16xf32> to vector<1xf32>
    %squeeze3A_924 = vector.extract %slice3A_923[0] : f32 from vector<1xf32>
    %broadcast_in_dim3A_925 = vector.broadcast %squeeze3A_924 : f32 to vector<16xf32>
    %swap3A_926 = arith.constant 2656 : index
    %swap3A_927 = tpu.vector_load %arg8[%swap3A_926] {strides = array<i32>} : memref<4864xf32, #tpu.memory_space<vmem>>, vector<16xf32>,
    tpu.vector_store %arg8[%swap3A_926], %broadcast_in_dim3A_925 {strides = array<i32>} : memref<4864xf32, #tpu.memory_space<vmem>>, vector<16xf32>,
    %slice3A_928 = vector.extract_strided_slice %sub3A_892 {offsets = [7], sizes = [1], strides = [1]} : vector<16xf32> to vector<1xf32>
    %squeeze3A_929 = vector.extract %slice3A_928[0] : f32 from vector<1xf32>
    %broadcast_in_dim3A_930 = vector.broadcast %squeeze3A_929 : f32 to vector<16xf32>
    %swap3A_931 = arith.constant 2672 : index
    %swap3A_932 = tpu.vector_load %arg8[%swap3A_931] {strides = array<i32>} : memref<4864xf32, #tpu.memory_space<vmem>>, vector<16xf32>,
    tpu.vector_store %arg8[%swap3A_931], %broadcast_in_dim3A_930 {strides = array<i32>} : memref<4864xf32, #tpu.memory_space<vmem>>, vector<16xf32>,
    %slice3A_933 = vector.extract_strided_slice %sub3A_892 {offsets = [8], sizes = [1], strides = [1]} : vector<16xf32> to vector<1xf32>
    %squeeze3A_934 = vector.extract %slice3A_933[0] : f32 from vector<1xf32>
    %broadcast_in_dim3A_935 = vector.broadcast %squeeze3A_934 : f32 to vector<16xf32>
    %swap3A_936 = arith.constant 2688 : index
    %swap3A_937 = tpu.vector_load %arg8[%swap3A_936] {strides = array<i32>} : memref<4864xf32, #tpu.memory_space<vmem>>, vector<16xf32>,
    tpu.vector_store %arg8[%swap3A_936], %broadcast_in_dim3A_935 {strides = array<i32>} : memref<4864xf32, #tpu.memory_space<vmem>>, vector<16xf32>,
    %slice3A_938 = vector.extract_strided_slice %sub3A_892 {offsets = [9], sizes = [1], strides = [1]} : vector<16xf32> to vector<1xf32>
    %squeeze3A_939 = vector.extract %slice3A_938[0] : f32 from vector<1xf32>
    %broadcast_in_dim3A_940 = vector.broadcast %squeeze3A_939 : f32 to vector<16xf32>
    %swap3A_941 = arith.constant 2704 : index
    %swap3A_942 = tpu.vector_load %arg8[%swap3A_941] {strides = array<i32>} : memref<4864xf32, #tpu.memory_space<vmem>>, vector<16xf32>,
    tpu.vector_store %arg8[%swap3A_941], %broadcast_in_dim3A_940 {strides = array<i32>} : memref<4864xf32, #tpu.memory_space<vmem>>, vector<16xf32>,
    %slice3A_943 = vector.extract_strided_slice %sub3A_892 {offsets = [10], sizes = [1], strides = [1]} : vector<16xf32> to vector<1xf32>
    %squeeze3A_944 = vector.extract %slice3A_943[0] : f32 from vector<1xf32>
    %broadcast_in_dim3A_945 = vector.broadcast %squeeze3A_944 : f32 to vector<16xf32>
    %swap3A_946 = arith.constant 2720 : index
    %swap3A_947 = tpu.vector_load %arg8[%swap3A_946] {strides = array<i32>} : memref<4864xf32, #tpu.memory_space<vmem>>, vector<16xf32>,
    tpu.vector_store %arg8[%swap3A_946], %broadcast_in_dim3A_945 {strides = array<i32>} : memref<4864xf32, #tpu.memory_space<vmem>>, vector<16xf32>,
    %slice3A_948 = vector.extract_strided_slice %sub3A_892 {offsets = [11], sizes = [1], strides = [1]} : vector<16xf32> to vector<1xf32>
    %squeeze3A_949 = vector.extract %slice3A_948[0] : f32 from vector<1xf32>
    %broadcast_in_dim3A_950 = vector.broadcast %squeeze3A_949 : f32 to vector<16xf32>
    %swap3A_951 = arith.constant 2736 : index
    %swap3A_952 = tpu.vector_load %arg8[%swap3A_951] {strides = array<i32>} : memref<4864xf32, #tpu.memory_space<vmem>>, vector<16xf32>,
    tpu.vector_store %arg8[%swap3A_951], %broadcast_in_dim3A_950 {strides = array<i32>} : memref<4864xf32, #tpu.memory_space<vmem>>, vector<16xf32>,
    %slice3A_953 = vector.extract_strided_slice %sub3A_892 {offsets = [12], sizes = [1], strides = [1]} : vector<16xf32> to vector<1xf32>
    %squeeze3A_954 = vector.extract %slice3A_953[0] : f32 from vector<1xf32>
    %broadcast_in_dim3A_955 = vector.broadcast %squeeze3A_954 : f32 to vector<16xf32>
    %swap3A_956 = arith.constant 2752 : index
    %swap3A_957 = tpu.vector_load %arg8[%swap3A_956] {strides = array<i32>} : memref<4864xf32, #tpu.memory_space<vmem>>, vector<16xf32>,
    tpu.vector_store %arg8[%swap3A_956], %broadcast_in_dim3A_955 {strides = array<i32>} : memref<4864xf32, #tpu.memory_space<vmem>>, vector<16xf32>,
    %slice3A_958 = vector.extract_strided_slice %sub3A_892 {offsets = [13], sizes = [1], strides = [1]} : vector<16xf32> to vector<1xf32>
    %squeeze3A_959 = vector.extract %slice3A_958[0] : f32 from vector<1xf32>
    %broadcast_in_dim3A_960 = vector.broadcast %squeeze3A_959 : f32 to vector<16xf32>
    %swap3A_961 = arith.constant 2768 : index
    %swap3A_962 = tpu.vector_load %arg8[%swap3A_961] {strides = array<i32>} : memref<4864xf32, #tpu.memory_space<vmem>>, vector<16xf32>,
    tpu.vector_store %arg8[%swap3A_961], %broadcast_in_dim3A_960 {strides = array<i32>} : memref<4864xf32, #tpu.memory_space<vmem>>, vector<16xf32>,
    %slice3A_963 = vector.extract_strided_slice %sub3A_892 {offsets = [14], sizes = [1], strides = [1]} : vector<16xf32> to vector<1xf32>
    %squeeze3A_964 = vector.extract %slice3A_963[0] : f32 from vector<1xf32>
    %broadcast_in_dim3A_965 = vector.broadcast %squeeze3A_964 : f32 to vector<16xf32>
    %swap3A_966 = arith.constant 2784 : index
    %swap3A_967 = tpu.vector_load %arg8[%swap3A_966] {strides = array<i32>} : memref<4864xf32, #tpu.memory_space<vmem>>, vector<16xf32>,
    tpu.vector_store %arg8[%swap3A_966], %broadcast_in_dim3A_965 {strides = array<i32>} : memref<4864xf32, #tpu.memory_space<vmem>>, vector<16xf32>,
    %slice3A_968 = vector.extract_strided_slice %sub3A_892 {offsets = [15], sizes = [1], strides = [1]} : vector<16xf32> to vector<1xf32>
    %squeeze3A_969 = vector.extract %slice3A_968[0] : f32 from vector<1xf32>
    %broadcast_in_dim3A_970 = vector.broadcast %squeeze3A_969 : f32 to vector<16xf32>
    %swap3A_971 = arith.constant 2800 : index
    %swap3A_972 = tpu.vector_load %arg8[%swap3A_971] {strides = array<i32>} : memref<4864xf32, #tpu.memory_space<vmem>>, vector<16xf32>,
    tpu.vector_store %arg8[%swap3A_971], %broadcast_in_dim3A_970 {strides = array<i32>} : memref<4864xf32, #tpu.memory_space<vmem>>, vector<16xf32>,
    %get3A_973 = arith.constant 176 : index
    %get3A_974 = tpu.vector_load %arg7[%get3A_973] {strides = array<i32>} : memref<300xf32, #tpu.memory_space<vmem>>, vector<16xf32>,
    %mul3A_975 = arith.constant 6.553700e+04 : f32
    %mul3A_976 = vector.broadcast %mul3A_975 : f32 to vector<16xf32>
    %mul3A_977 = arith.mulf %get3A_974, %mul3A_976 : vector<16xf32>
    %sub3A_978 = arith.subf %mul3A_977, %get3A_974 : vector<16xf32>
    %sub3A_979 = arith.subf %mul3A_977, %sub3A_978 : vector<16xf32>
    %slice3A_980 = vector.extract_strided_slice %sub3A_979 {offsets = [0], sizes = [1], strides = [1]} : vector<16xf32> to vector<1xf32>
    %squeeze3A_981 = vector.extract %slice3A_980[0] : f32 from vector<1xf32>
    %broadcast_in_dim3A_982 = vector.broadcast %squeeze3A_981 : f32 to vector<16xf32>
    %swap3A_983 = arith.constant 2816 : index
    %swap3A_984 = tpu.vector_load %arg8[%swap3A_983] {strides = array<i32>} : memref<4864xf32, #tpu.memory_space<vmem>>, vector<16xf32>,
    tpu.vector_store %arg8[%swap3A_983], %broadcast_in_dim3A_982 {strides = array<i32>} : memref<4864xf32, #tpu.memory_space<vmem>>, vector<16xf32>,
    %slice3A_985 = vector.extract_strided_slice %sub3A_979 {offsets = [1], sizes = [1], strides = [1]} : vector<16xf32> to vector<1xf32>
    %squeeze3A_986 = vector.extract %slice3A_985[0] : f32 from vector<1xf32>
    %broadcast_in_dim3A_987 = vector.broadcast %squeeze3A_986 : f32 to vector<16xf32>
    %swap3A_988 = arith.constant 2832 : index
    %swap3A_989 = tpu.vector_load %arg8[%swap3A_988] {strides = array<i32>} : memref<4864xf32, #tpu.memory_space<vmem>>, vector<16xf32>,
    tpu.vector_store %arg8[%swap3A_988], %broadcast_in_dim3A_987 {strides = array<i32>} : memref<4864xf32, #tpu.memory_space<vmem>>, vector<16xf32>,
    %slice3A_990 = vector.extract_strided_slice %sub3A_979 {offsets = [2], sizes = [1], strides = [1]} : vector<16xf32> to vector<1xf32>
    %squeeze3A_991 = vector.extract %slice3A_990[0] : f32 from vector<1xf32>
    %broadcast_in_dim3A_992 = vector.broadcast %squeeze3A_991 : f32 to vector<16xf32>
    %swap3A_993 = arith.constant 2848 : index
    %swap3A_994 = tpu.vector_load %arg8[%swap3A_993] {strides = array<i32>} : memref<4864xf32, #tpu.memory_space<vmem>>, vector<16xf32>,
    tpu.vector_store %arg8[%swap3A_993], %broadcast_in_dim3A_992 {strides = array<i32>} : memref<4864xf32, #tpu.memory_space<vmem>>, vector<16xf32>,
    %slice3A_995 = vector.extract_strided_slice %sub3A_979 {offsets = [3], sizes = [1], strides = [1]} : vector<16xf32> to vector<1xf32>
    %squeeze3A_996 = vector.extract %slice3A_995[0] : f32 from vector<1xf32>
    %broadcast_in_dim3A_997 = vector.broadcast %squeeze3A_996 : f32 to vector<16xf32>
    %swap3A_998 = arith.constant 2864 : index
    %swap3A_999 = tpu.vector_load %arg8[%swap3A_998] {strides = array<i32>} : memref<4864xf32, #tpu.memory_space<vmem>>, vector<16xf32>,
    tpu.vector_store %arg8[%swap3A_998], %broadcast_in_dim3A_997 {strides = array<i32>} : memref<4864xf32, #tpu.memory_space<vmem>>, vector<16xf32>,
    %slice3A_1000 = vector.extract_strided_slice %sub3A_979 {offsets = [4], sizes = [1], strides = [1]} : vector<16xf32> to vector<1xf32>
    %squeeze3A_1001 = vector.extract %slice3A_1000[0] : f32 from vector<1xf32>
    %broadcast_in_dim3A_1002 = vector.broadcast %squeeze3A_1001 : f32 to vector<16xf32>
    %swap3A_1003 = arith.constant 2880 : index
    %swap3A_1004 = tpu.vector_load %arg8[%swap3A_1003] {strides = array<i32>} : memref<4864xf32, #tpu.memory_space<vmem>>, vector<16xf32>,
    tpu.vector_store %arg8[%swap3A_1003], %broadcast_in_dim3A_1002 {strides = array<i32>} : memref<4864xf32, #tpu.memory_space<vmem>>, vector<16xf32>,
    %slice3A_1005 = vector.extract_strided_slice %sub3A_979 {offsets = [5], sizes = [1], strides = [1]} : vector<16xf32> to vector<1xf32>
    %squeeze3A_1006 = vector.extract %slice3A_1005[0] : f32 from vector<1xf32>
    %broadcast_in_dim3A_1007 = vector.broadcast %squeeze3A_1006 : f32 to vector<16xf32>
    %swap3A_1008 = arith.constant 2896 : index
    %swap3A_1009 = tpu.vector_load %arg8[%swap3A_1008] {strides = array<i32>} : memref<4864xf32, #tpu.memory_space<vmem>>, vector<16xf32>,
    tpu.vector_store %arg8[%swap3A_1008], %broadcast_in_dim3A_1007 {strides = array<i32>} : memref<4864xf32, #tpu.memory_space<vmem>>, vector<16xf32>,
    %slice3A_1010 = vector.extract_strided_slice %sub3A_979 {offsets = [6], sizes = [1], strides = [1]} : vector<16xf32> to vector<1xf32>
    %squeeze3A_1011 = vector.extract %slice3A_1010[0] : f32 from vector<1xf32>
    %broadcast_in_dim3A_1012 = vector.broadcast %squeeze3A_1011 : f32 to vector<16xf32>
    %swap3A_1013 = arith.constant 2912 : index
    %swap3A_1014 = tpu.vector_load %arg8[%swap3A_1013] {strides = array<i32>} : memref<4864xf32, #tpu.memory_space<vmem>>, vector<16xf32>,
    tpu.vector_store %arg8[%swap3A_1013], %broadcast_in_dim3A_1012 {strides = array<i32>} : memref<4864xf32, #tpu.memory_space<vmem>>, vector<16xf32>,
    %slice3A_1015 = vector.extract_strided_slice %sub3A_979 {offsets = [7], sizes = [1], strides = [1]} : vector<16xf32> to vector<1xf32>
    %squeeze3A_1016 = vector.extract %slice3A_1015[0] : f32 from vector<1xf32>
    %broadcast_in_dim3A_1017 = vector.broadcast %squeeze3A_1016 : f32 to vector<16xf32>
    %swap3A_1018 = arith.constant 2928 : index
    %swap3A_1019 = tpu.vector_load %arg8[%swap3A_1018] {strides = array<i32>} : memref<4864xf32, #tpu.memory_space<vmem>>, vector<16xf32>,
    tpu.vector_store %arg8[%swap3A_1018], %broadcast_in_dim3A_1017 {strides = array<i32>} : memref<4864xf32, #tpu.memory_space<vmem>>, vector<16xf32>,
    %slice3A_1020 = vector.extract_strided_slice %sub3A_979 {offsets = [8], sizes = [1], strides = [1]} : vector<16xf32> to vector<1xf32>
    %squeeze3A_1021 = vector.extract %slice3A_1020[0] : f32 from vector<1xf32>
    %broadcast_in_dim3A_1022 = vector.broadcast %squeeze3A_1021 : f32 to vector<16xf32>
    %swap3A_1023 = arith.constant 2944 : index
    %swap3A_1024 = tpu.vector_load %arg8[%swap3A_1023] {strides = array<i32>} : memref<4864xf32, #tpu.memory_space<vmem>>, vector<16xf32>,
    tpu.vector_store %arg8[%swap3A_1023], %broadcast_in_dim3A_1022 {strides = array<i32>} : memref<4864xf32, #tpu.memory_space<vmem>>, vector<16xf32>,
    %slice3A_1025 = vector.extract_strided_slice %sub3A_979 {offsets = [9], sizes = [1], strides = [1]} : vector<16xf32> to vector<1xf32>
    %squeeze3A_1026 = vector.extract %slice3A_1025[0] : f32 from vector<1xf32>
    %broadcast_in_dim3A_1027 = vector.broadcast %squeeze3A_1026 : f32 to vector<16xf32>
    %swap3A_1028 = arith.constant 2960 : index
    %swap3A_1029 = tpu.vector_load %arg8[%swap3A_1028] {strides = array<i32>} : memref<4864xf32, #tpu.memory_space<vmem>>, vector<16xf32>,
    tpu.vector_store %arg8[%swap3A_1028], %broadcast_in_dim3A_1027 {strides = array<i32>} : memref<4864xf32, #tpu.memory_space<vmem>>, vector<16xf32>,
    %slice3A_1030 = vector.extract_strided_slice %sub3A_979 {offsets = [10], sizes = [1], strides = [1]} : vector<16xf32> to vector<1xf32>
    %squeeze3A_1031 = vector.extract %slice3A_1030[0] : f32 from vector<1xf32>
    %broadcast_in_dim3A_1032 = vector.broadcast %squeeze3A_1031 : f32 to vector<16xf32>
    %swap3A_1033 = arith.constant 2976 : index
    %swap3A_1034 = tpu.vector_load %arg8[%swap3A_1033] {strides = array<i32>} : memref<4864xf32, #tpu.memory_space<vmem>>, vector<16xf32>,
    tpu.vector_store %arg8[%swap3A_1033], %broadcast_in_dim3A_1032 {strides = array<i32>} : memref<4864xf32, #tpu.memory_space<vmem>>, vector<16xf32>,
    %slice3A_1035 = vector.extract_strided_slice %sub3A_979 {offsets = [11], sizes = [1], strides = [1]} : vector<16xf32> to vector<1xf32>
    %squeeze3A_1036 = vector.extract %slice3A_1035[0] : f32 from vector<1xf32>
    %broadcast_in_dim3A_1037 = vector.broadcast %squeeze3A_1036 : f32 to vector<16xf32>
    %swap3A_1038 = arith.constant 2992 : index
    %swap3A_1039 = tpu.vector_load %arg8[%swap3A_1038] {strides = array<i32>} : memref<4864xf32, #tpu.memory_space<vmem>>, vector<16xf32>,
    tpu.vector_store %arg8[%swap3A_1038], %broadcast_in_dim3A_1037 {strides = array<i32>} : memref<4864xf32, #tpu.memory_space<vmem>>, vector<16xf32>,
    %slice3A_1040 = vector.extract_strided_slice %sub3A_979 {offsets = [12], sizes = [1], strides = [1]} : vector<16xf32> to vector<1xf32>
    %squeeze3A_1041 = vector.extract %slice3A_1040[0] : f32 from vector<1xf32>
    %broadcast_in_dim3A_1042 = vector.broadcast %squeeze3A_1041 : f32 to vector<16xf32>
    %swap3A_1043 = arith.constant 3008 : index
    %swap3A_1044 = tpu.vector_load %arg8[%swap3A_1043] {strides = array<i32>} : memref<4864xf32, #tpu.memory_space<vmem>>, vector<16xf32>,
    tpu.vector_store %arg8[%swap3A_1043], %broadcast_in_dim3A_1042 {strides = array<i32>} : memref<4864xf32, #tpu.memory_space<vmem>>, vector<16xf32>,
    %slice3A_1045 = vector.extract_strided_slice %sub3A_979 {offsets = [13], sizes = [1], strides = [1]} : vector<16xf32> to vector<1xf32>
    %squeeze3A_1046 = vector.extract %slice3A_1045[0] : f32 from vector<1xf32>
    %broadcast_in_dim3A_1047 = vector.broadcast %squeeze3A_1046 : f32 to vector<16xf32>
    %swap3A_1048 = arith.constant 3024 : index
    %swap3A_1049 = tpu.vector_load %arg8[%swap3A_1048] {strides = array<i32>} : memref<4864xf32, #tpu.memory_space<vmem>>, vector<16xf32>,
    tpu.vector_store %arg8[%swap3A_1048], %broadcast_in_dim3A_1047 {strides = array<i32>} : memref<4864xf32, #tpu.memory_space<vmem>>, vector<16xf32>,
    %slice3A_1050 = vector.extract_strided_slice %sub3A_979 {offsets = [14], sizes = [1], strides = [1]} : vector<16xf32> to vector<1xf32>
    %squeeze3A_1051 = vector.extract %slice3A_1050[0] : f32 from vector<1xf32>
    %broadcast_in_dim3A_1052 = vector.broadcast %squeeze3A_1051 : f32 to vector<16xf32>
    %swap3A_1053 = arith.constant 3040 : index
    %swap3A_1054 = tpu.vector_load %arg8[%swap3A_1053] {strides = array<i32>} : memref<4864xf32, #tpu.memory_space<vmem>>, vector<16xf32>,
    tpu.vector_store %arg8[%swap3A_1053], %broadcast_in_dim3A_1052 {strides = array<i32>} : memref<4864xf32, #tpu.memory_space<vmem>>, vector<16xf32>,
    %slice3A_1055 = vector.extract_strided_slice %sub3A_979 {offsets = [15], sizes = [1], strides = [1]} : vector<16xf32> to vector<1xf32>
    %squeeze3A_1056 = vector.extract %slice3A_1055[0] : f32 from vector<1xf32>
    %broadcast_in_dim3A_1057 = vector.broadcast %squeeze3A_1056 : f32 to vector<16xf32>
    %swap3A_1058 = arith.constant 3056 : index
    %swap3A_1059 = tpu.vector_load %arg8[%swap3A_1058] {strides = array<i32>} : memref<4864xf32, #tpu.memory_space<vmem>>, vector<16xf32>,
    tpu.vector_store %arg8[%swap3A_1058], %broadcast_in_dim3A_1057 {strides = array<i32>} : memref<4864xf32, #tpu.memory_space<vmem>>, vector<16xf32>,
    %get3A_1060 = arith.constant 192 : index
    %get3A_1061 = tpu.vector_load %arg7[%get3A_1060] {strides = array<i32>} : memref<300xf32, #tpu.memory_space<vmem>>, vector<16xf32>,
    %mul3A_1062 = arith.constant 6.553700e+04 : f32
    %mul3A_1063 = vector.broadcast %mul3A_1062 : f32 to vector<16xf32>
    %mul3A_1064 = arith.mulf %get3A_1061, %mul3A_1063 : vector<16xf32>
    %sub3A_1065 = arith.subf %mul3A_1064, %get3A_1061 : vector<16xf32>
    %sub3A_1066 = arith.subf %mul3A_1064, %sub3A_1065 : vector<16xf32>
    %slice3A_1067 = vector.extract_strided_slice %sub3A_1066 {offsets = [0], sizes = [1], strides = [1]} : vector<16xf32> to vector<1xf32>
    %squeeze3A_1068 = vector.extract %slice3A_1067[0] : f32 from vector<1xf32>
    %broadcast_in_dim3A_1069 = vector.broadcast %squeeze3A_1068 : f32 to vector<16xf32>
    %swap3A_1070 = arith.constant 3072 : index
    %swap3A_1071 = tpu.vector_load %arg8[%swap3A_1070] {strides = array<i32>} : memref<4864xf32, #tpu.memory_space<vmem>>, vector<16xf32>,
    tpu.vector_store %arg8[%swap3A_1070], %broadcast_in_dim3A_1069 {strides = array<i32>} : memref<4864xf32, #tpu.memory_space<vmem>>, vector<16xf32>,
    %slice3A_1072 = vector.extract_strided_slice %sub3A_1066 {offsets = [1], sizes = [1], strides = [1]} : vector<16xf32> to vector<1xf32>
    %squeeze3A_1073 = vector.extract %slice3A_1072[0] : f32 from vector<1xf32>
    %broadcast_in_dim3A_1074 = vector.broadcast %squeeze3A_1073 : f32 to vector<16xf32>
    %swap3A_1075 = arith.constant 3088 : index
    %swap3A_1076 = tpu.vector_load %arg8[%swap3A_1075] {strides = array<i32>} : memref<4864xf32, #tpu.memory_space<vmem>>, vector<16xf32>,
    tpu.vector_store %arg8[%swap3A_1075], %broadcast_in_dim3A_1074 {strides = array<i32>} : memref<4864xf32, #tpu.memory_space<vmem>>, vector<16xf32>,
    %slice3A_1077 = vector.extract_strided_slice %sub3A_1066 {offsets = [2], sizes = [1], strides = [1]} : vector<16xf32> to vector<1xf32>
    %squeeze3A_1078 = vector.extract %slice3A_1077[0] : f32 from vector<1xf32>
    %broadcast_in_dim3A_1079 = vector.broadcast %squeeze3A_1078 : f32 to vector<16xf32>
    %swap3A_1080 = arith.constant 3104 : index
    %swap3A_1081 = tpu.vector_load %arg8[%swap3A_1080] {strides = array<i32>} : memref<4864xf32, #tpu.memory_space<vmem>>, vector<16xf32>,
    tpu.vector_store %arg8[%swap3A_1080], %broadcast_in_dim3A_1079 {strides = array<i32>} : memref<4864xf32, #tpu.memory_space<vmem>>, vector<16xf32>,
    %slice3A_1082 = vector.extract_strided_slice %sub3A_1066 {offsets = [3], sizes = [1], strides = [1]} : vector<16xf32> to vector<1xf32>
    %squeeze3A_1083 = vector.extract %slice3A_1082[0] : f32 from vector<1xf32>
    %broadcast_in_dim3A_1084 = vector.broadcast %squeeze3A_1083 : f32 to vector<16xf32>
    %swap3A_1085 = arith.constant 3120 : index
    %swap3A_1086 = tpu.vector_load %arg8[%swap3A_1085] {strides = array<i32>} : memref<4864xf32, #tpu.memory_space<vmem>>, vector<16xf32>,
    tpu.vector_store %arg8[%swap3A_1085], %broadcast_in_dim3A_1084 {strides = array<i32>} : memref<4864xf32, #tpu.memory_space<vmem>>, vector<16xf32>,
    %slice3A_1087 = vector.extract_strided_slice %sub3A_1066 {offsets = [4], sizes = [1], strides = [1]} : vector<16xf32> to vector<1xf32>
    %squeeze3A_1088 = vector.extract %slice3A_1087[0] : f32 from vector<1xf32>
    %broadcast_in_dim3A_1089 = vector.broadcast %squeeze3A_1088 : f32 to vector<16xf32>
    %swap3A_1090 = arith.constant 3136 : index
    %swap3A_1091 = tpu.vector_load %arg8[%swap3A_1090] {strides = array<i32>} : memref<4864xf32, #tpu.memory_space<vmem>>, vector<16xf32>,
    tpu.vector_store %arg8[%swap3A_1090], %broadcast_in_dim3A_1089 {strides = array<i32>} : memref<4864xf32, #tpu.memory_space<vmem>>, vector<16xf32>,
    %slice3A_1092 = vector.extract_strided_slice %sub3A_1066 {offsets = [5], sizes = [1], strides = [1]} : vector<16xf32> to vector<1xf32>
    %squeeze3A_1093 = vector.extract %slice3A_1092[0] : f32 from vector<1xf32>
    %broadcast_in_dim3A_1094 = vector.broadcast %squeeze3A_1093 : f32 to vector<16xf32>
    %swap3A_1095 = arith.constant 3152 : index
    %swap3A_1096 = tpu.vector_load %arg8[%swap3A_1095] {strides = array<i32>} : memref<4864xf32, #tpu.memory_space<vmem>>, vector<16xf32>,
    tpu.vector_store %arg8[%swap3A_1095], %broadcast_in_dim3A_1094 {strides = array<i32>} : memref<4864xf32, #tpu.memory_space<vmem>>, vector<16xf32>,
    %slice3A_1097 = vector.extract_strided_slice %sub3A_1066 {offsets = [6], sizes = [1], strides = [1]} : vector<16xf32> to vector<1xf32>
    %squeeze3A_1098 = vector.extract %slice3A_1097[0] : f32 from vector<1xf32>
    %broadcast_in_dim3A_1099 = vector.broadcast %squeeze3A_1098 : f32 to vector<16xf32>
    %swap3A_1100 = arith.constant 3168 : index
    %swap3A_1101 = tpu.vector_load %arg8[%swap3A_1100] {strides = array<i32>} : memref<4864xf32, #tpu.memory_space<vmem>>, vector<16xf32>,
    tpu.vector_store %arg8[%swap3A_1100], %broadcast_in_dim3A_1099 {strides = array<i32>} : memref<4864xf32, #tpu.memory_space<vmem>>, vector<16xf32>,
    %slice3A_1102 = vector.extract_strided_slice %sub3A_1066 {offsets = [7], sizes = [1], strides = [1]} : vector<16xf32> to vector<1xf32>
    %squeeze3A_1103 = vector.extract %slice3A_1102[0] : f32 from vector<1xf32>
    %broadcast_in_dim3A_1104 = vector.broadcast %squeeze3A_1103 : f32 to vector<16xf32>
    %swap3A_1105 = arith.constant 3184 : index
    %swap3A_1106 = tpu.vector_load %arg8[%swap3A_1105] {strides = array<i32>} : memref<4864xf32, #tpu.memory_space<vmem>>, vector<16xf32>,
    tpu.vector_store %arg8[%swap3A_1105], %broadcast_in_dim3A_1104 {strides = array<i32>} : memref<4864xf32, #tpu.memory_space<vmem>>, vector<16xf32>,
    %slice3A_1107 = vector.extract_strided_slice %sub3A_1066 {offsets = [8], sizes = [1], strides = [1]} : vector<16xf32> to vector<1xf32>
    %squeeze3A_1108 = vector.extract %slice3A_1107[0] : f32 from vector<1xf32>
    %broadcast_in_dim3A_1109 = vector.broadcast %squeeze3A_1108 : f32 to vector<16xf32>
    %swap3A_1110 = arith.constant 3200 : index
    %swap3A_1111 = tpu.vector_load %arg8[%swap3A_1110] {strides = array<i32>} : memref<4864xf32, #tpu.memory_space<vmem>>, vector<16xf32>,
    tpu.vector_store %arg8[%swap3A_1110], %broadcast_in_dim3A_1109 {strides = array<i32>} : memref<4864xf32, #tpu.memory_space<vmem>>, vector<16xf32>,
    %slice3A_1112 = vector.extract_strided_slice %sub3A_1066 {offsets = [9], sizes = [1], strides = [1]} : vector<16xf32> to vector<1xf32>
    %squeeze3A_1113 = vector.extract %slice3A_1112[0] : f32 from vector<1xf32>
    %broadcast_in_dim3A_1114 = vector.broadcast %squeeze3A_1113 : f32 to vector<16xf32>
    %swap3A_1115 = arith.constant 3216 : index
    %swap3A_1116 = tpu.vector_load %arg8[%swap3A_1115] {strides = array<i32>} : memref<4864xf32, #tpu.memory_space<vmem>>, vector<16xf32>,
    tpu.vector_store %arg8[%swap3A_1115], %broadcast_in_dim3A_1114 {strides = array<i32>} : memref<4864xf32, #tpu.memory_space<vmem>>, vector<16xf32>,
    %slice3A_1117 = vector.extract_strided_slice %sub3A_1066 {offsets = [10], sizes = [1], strides = [1]} : vector<16xf32> to vector<1xf32>
    %squeeze3A_1118 = vector.extract %slice3A_1117[0] : f32 from vector<1xf32>
    %broadcast_in_dim3A_1119 = vector.broadcast %squeeze3A_1118 : f32 to vector<16xf32>
    %swap3A_1120 = arith.constant 3232 : index
    %swap3A_1121 = tpu.vector_load %arg8[%swap3A_1120] {strides = array<i32>} : memref<4864xf32, #tpu.memory_space<vmem>>, vector<16xf32>,
    tpu.vector_store %arg8[%swap3A_1120], %broadcast_in_dim3A_1119 {strides = array<i32>} : memref<4864xf32, #tpu.memory_space<vmem>>, vector<16xf32>,
    %slice3A_1122 = vector.extract_strided_slice %sub3A_1066 {offsets = [11], sizes = [1], strides = [1]} : vector<16xf32> to vector<1xf32>
    %squeeze3A_1123 = vector.extract %slice3A_1122[0] : f32 from vector<1xf32>
    %broadcast_in_dim3A_1124 = vector.broadcast %squeeze3A_1123 : f32 to vector<16xf32>
    %swap3A_1125 = arith.constant 3248 : index
    %swap3A_1126 = tpu.vector_load %arg8[%swap3A_1125] {strides = array<i32>} : memref<4864xf32, #tpu.memory_space<vmem>>, vector<16xf32>,
    tpu.vector_store %arg8[%swap3A_1125], %broadcast_in_dim3A_1124 {strides = array<i32>} : memref<4864xf32, #tpu.memory_space<vmem>>, vector<16xf32>,
    %slice3A_1127 = vector.extract_strided_slice %sub3A_1066 {offsets = [12], sizes = [1], strides = [1]} : vector<16xf32> to vector<1xf32>
    %squeeze3A_1128 = vector.extract %slice3A_1127[0] : f32 from vector<1xf32>
    %broadcast_in_dim3A_1129 = vector.broadcast %squeeze3A_1128 : f32 to vector<16xf32>
    %swap3A_1130 = arith.constant 3264 : index
    %swap3A_1131 = tpu.vector_load %arg8[%swap3A_1130] {strides = array<i32>} : memref<4864xf32, #tpu.memory_space<vmem>>, vector<16xf32>,
    tpu.vector_store %arg8[%swap3A_1130], %broadcast_in_dim3A_1129 {strides = array<i32>} : memref<4864xf32, #tpu.memory_space<vmem>>, vector<16xf32>,
    %slice3A_1132 = vector.extract_strided_slice %sub3A_1066 {offsets = [13], sizes = [1], strides = [1]} : vector<16xf32> to vector<1xf32>
    %squeeze3A_1133 = vector.extract %slice3A_1132[0] : f32 from vector<1xf32>
    %broadcast_in_dim3A_1134 = vector.broadcast %squeeze3A_1133 : f32 to vector<16xf32>
    %swap3A_1135 = arith.constant 3280 : index
    %swap3A_1136 = tpu.vector_load %arg8[%swap3A_1135] {strides = array<i32>} : memref<4864xf32, #tpu.memory_space<vmem>>, vector<16xf32>,
    tpu.vector_store %arg8[%swap3A_1135], %broadcast_in_dim3A_1134 {strides = array<i32>} : memref<4864xf32, #tpu.memory_space<vmem>>, vector<16xf32>,
    %slice3A_1137 = vector.extract_strided_slice %sub3A_1066 {offsets = [14], sizes = [1], strides = [1]} : vector<16xf32> to vector<1xf32>
    %squeeze3A_1138 = vector.extract %slice3A_1137[0] : f32 from vector<1xf32>
    %broadcast_in_dim3A_1139 = vector.broadcast %squeeze3A_1138 : f32 to vector<16xf32>
    %swap3A_1140 = arith.constant 3296 : index
    %swap3A_1141 = tpu.vector_load %arg8[%swap3A_1140] {strides = array<i32>} : memref<4864xf32, #tpu.memory_space<vmem>>, vector<16xf32>,
    tpu.vector_store %arg8[%swap3A_1140], %broadcast_in_dim3A_1139 {strides = array<i32>} : memref<4864xf32, #tpu.memory_space<vmem>>, vector<16xf32>,
    %slice3A_1142 = vector.extract_strided_slice %sub3A_1066 {offsets = [15], sizes = [1], strides = [1]} : vector<16xf32> to vector<1xf32>
    %squeeze3A_1143 = vector.extract %slice3A_1142[0] : f32 from vector<1xf32>
    %broadcast_in_dim3A_1144 = vector.broadcast %squeeze3A_1143 : f32 to vector<16xf32>
    %swap3A_1145 = arith.constant 3312 : index
    %swap3A_1146 = tpu.vector_load %arg8[%swap3A_1145] {strides = array<i32>} : memref<4864xf32, #tpu.memory_space<vmem>>, vector<16xf32>,
    tpu.vector_store %arg8[%swap3A_1145], %broadcast_in_dim3A_1144 {strides = array<i32>} : memref<4864xf32, #tpu.memory_space<vmem>>, vector<16xf32>,
    %get3A_1147 = arith.constant 208 : index
    %get3A_1148 = tpu.vector_load %arg7[%get3A_1147] {strides = array<i32>} : memref<300xf32, #tpu.memory_space<vmem>>, vector<16xf32>,
    %mul3A_1149 = arith.constant 6.553700e+04 : f32
    %mul3A_1150 = vector.broadcast %mul3A_1149 : f32 to vector<16xf32>
    %mul3A_1151 = arith.mulf %get3A_1148, %mul3A_1150 : vector<16xf32>
    %sub3A_1152 = arith.subf %mul3A_1151, %get3A_1148 : vector<16xf32>
    %sub3A_1153 = arith.subf %mul3A_1151, %sub3A_1152 : vector<16xf32>
    %slice3A_1154 = vector.extract_strided_slice %sub3A_1153 {offsets = [0], sizes = [1], strides = [1]} : vector<16xf32> to vector<1xf32>
    %squeeze3A_1155 = vector.extract %slice3A_1154[0] : f32 from vector<1xf32>
    %broadcast_in_dim3A_1156 = vector.broadcast %squeeze3A_1155 : f32 to vector<16xf32>
    %swap3A_1157 = arith.constant 3328 : index
    %swap3A_1158 = tpu.vector_load %arg8[%swap3A_1157] {strides = array<i32>} : memref<4864xf32, #tpu.memory_space<vmem>>, vector<16xf32>,
    tpu.vector_store %arg8[%swap3A_1157], %broadcast_in_dim3A_1156 {strides = array<i32>} : memref<4864xf32, #tpu.memory_space<vmem>>, vector<16xf32>,
    %slice3A_1159 = vector.extract_strided_slice %sub3A_1153 {offsets = [1], sizes = [1], strides = [1]} : vector<16xf32> to vector<1xf32>
    %squeeze3A_1160 = vector.extract %slice3A_1159[0] : f32 from vector<1xf32>
    %broadcast_in_dim3A_1161 = vector.broadcast %squeeze3A_1160 : f32 to vector<16xf32>
    %swap3A_1162 = arith.constant 3344 : index
    %swap3A_1163 = tpu.vector_load %arg8[%swap3A_1162] {strides = array<i32>} : memref<4864xf32, #tpu.memory_space<vmem>>, vector<16xf32>,
    tpu.vector_store %arg8[%swap3A_1162], %broadcast_in_dim3A_1161 {strides = array<i32>} : memref<4864xf32, #tpu.memory_space<vmem>>, vector<16xf32>,
    %slice3A_1164 = vector.extract_strided_slice %sub3A_1153 {offsets = [2], sizes = [1], strides = [1]} : vector<16xf32> to vector<1xf32>
    %squeeze3A_1165 = vector.extract %slice3A_1164[0] : f32 from vector<1xf32>
    %broadcast_in_dim3A_1166 = vector.broadcast %squeeze3A_1165 : f32 to vector<16xf32>
    %swap3A_1167 = arith.constant 3360 : index
    %swap3A_1168 = tpu.vector_load %arg8[%swap3A_1167] {strides = array<i32>} : memref<4864xf32, #tpu.memory_space<vmem>>, vector<16xf32>,
    tpu.vector_store %arg8[%swap3A_1167], %broadcast_in_dim3A_1166 {strides = array<i32>} : memref<4864xf32, #tpu.memory_space<vmem>>, vector<16xf32>,
    %slice3A_1169 = vector.extract_strided_slice %sub3A_1153 {offsets = [3], sizes = [1], strides = [1]} : vector<16xf32> to vector<1xf32>
    %squeeze3A_1170 = vector.extract %slice3A_1169[0] : f32 from vector<1xf32>
    %broadcast_in_dim3A_1171 = vector.broadcast %squeeze3A_1170 : f32 to vector<16xf32>
    %swap3A_1172 = arith.constant 3376 : index
    %swap3A_1173 = tpu.vector_load %arg8[%swap3A_1172] {strides = array<i32>} : memref<4864xf32, #tpu.memory_space<vmem>>, vector<16xf32>,
    tpu.vector_store %arg8[%swap3A_1172], %broadcast_in_dim3A_1171 {strides = array<i32>} : memref<4864xf32, #tpu.memory_space<vmem>>, vector<16xf32>,
    %slice3A_1174 = vector.extract_strided_slice %sub3A_1153 {offsets = [4], sizes = [1], strides = [1]} : vector<16xf32> to vector<1xf32>
    %squeeze3A_1175 = vector.extract %slice3A_1174[0] : f32 from vector<1xf32>
    %broadcast_in_dim3A_1176 = vector.broadcast %squeeze3A_1175 : f32 to vector<16xf32>
    %swap3A_1177 = arith.constant 3392 : index
    %swap3A_1178 = tpu.vector_load %arg8[%swap3A_1177] {strides = array<i32>} : memref<4864xf32, #tpu.memory_space<vmem>>, vector<16xf32>,
    tpu.vector_store %arg8[%swap3A_1177], %broadcast_in_dim3A_1176 {strides = array<i32>} : memref<4864xf32, #tpu.memory_space<vmem>>, vector<16xf32>,
    %slice3A_1179 = vector.extract_strided_slice %sub3A_1153 {offsets = [5], sizes = [1], strides = [1]} : vector<16xf32> to vector<1xf32>
    %squeeze3A_1180 = vector.extract %slice3A_1179[0] : f32 from vector<1xf32>
    %broadcast_in_dim3A_1181 = vector.broadcast %squeeze3A_1180 : f32 to vector<16xf32>
    %swap3A_1182 = arith.constant 3408 : index
    %swap3A_1183 = tpu.vector_load %arg8[%swap3A_1182] {strides = array<i32>} : memref<4864xf32, #tpu.memory_space<vmem>>, vector<16xf32>,
    tpu.vector_store %arg8[%swap3A_1182], %broadcast_in_dim3A_1181 {strides = array<i32>} : memref<4864xf32, #tpu.memory_space<vmem>>, vector<16xf32>,
    %slice3A_1184 = vector.extract_strided_slice %sub3A_1153 {offsets = [6], sizes = [1], strides = [1]} : vector<16xf32> to vector<1xf32>
    %squeeze3A_1185 = vector.extract %slice3A_1184[0] : f32 from vector<1xf32>
    %broadcast_in_dim3A_1186 = vector.broadcast %squeeze3A_1185 : f32 to vector<16xf32>
    %swap3A_1187 = arith.constant 3424 : index
    %swap3A_1188 = tpu.vector_load %arg8[%swap3A_1187] {strides = array<i32>} : memref<4864xf32, #tpu.memory_space<vmem>>, vector<16xf32>,
    tpu.vector_store %arg8[%swap3A_1187], %broadcast_in_dim3A_1186 {strides = array<i32>} : memref<4864xf32, #tpu.memory_space<vmem>>, vector<16xf32>,
    %slice3A_1189 = vector.extract_strided_slice %sub3A_1153 {offsets = [7], sizes = [1], strides = [1]} : vector<16xf32> to vector<1xf32>
    %squeeze3A_1190 = vector.extract %slice3A_1189[0] : f32 from vector<1xf32>
    %broadcast_in_dim3A_1191 = vector.broadcast %squeeze3A_1190 : f32 to vector<16xf32>
    %swap3A_1192 = arith.constant 3440 : index
    %swap3A_1193 = tpu.vector_load %arg8[%swap3A_1192] {strides = array<i32>} : memref<4864xf32, #tpu.memory_space<vmem>>, vector<16xf32>,
    tpu.vector_store %arg8[%swap3A_1192], %broadcast_in_dim3A_1191 {strides = array<i32>} : memref<4864xf32, #tpu.memory_space<vmem>>, vector<16xf32>,
    %slice3A_1194 = vector.extract_strided_slice %sub3A_1153 {offsets = [8], sizes = [1], strides = [1]} : vector<16xf32> to vector<1xf32>
    %squeeze3A_1195 = vector.extract %slice3A_1194[0] : f32 from vector<1xf32>
    %broadcast_in_dim3A_1196 = vector.broadcast %squeeze3A_1195 : f32 to vector<16xf32>
    %swap3A_1197 = arith.constant 3456 : index
    %swap3A_1198 = tpu.vector_load %arg8[%swap3A_1197] {strides = array<i32>} : memref<4864xf32, #tpu.memory_space<vmem>>, vector<16xf32>,
    tpu.vector_store %arg8[%swap3A_1197], %broadcast_in_dim3A_1196 {strides = array<i32>} : memref<4864xf32, #tpu.memory_space<vmem>>, vector<16xf32>,
    %slice3A_1199 = vector.extract_strided_slice %sub3A_1153 {offsets = [9], sizes = [1], strides = [1]} : vector<16xf32> to vector<1xf32>
    %squeeze3A_1200 = vector.extract %slice3A_1199[0] : f32 from vector<1xf32>
    %broadcast_in_dim3A_1201 = vector.broadcast %squeeze3A_1200 : f32 to vector<16xf32>
    %swap3A_1202 = arith.constant 3472 : index
    %swap3A_1203 = tpu.vector_load %arg8[%swap3A_1202] {strides = array<i32>} : memref<4864xf32, #tpu.memory_space<vmem>>, vector<16xf32>,
    tpu.vector_store %arg8[%swap3A_1202], %broadcast_in_dim3A_1201 {strides = array<i32>} : memref<4864xf32, #tpu.memory_space<vmem>>, vector<16xf32>,
    %slice3A_1204 = vector.extract_strided_slice %sub3A_1153 {offsets = [10], sizes = [1], strides = [1]} : vector<16xf32> to vector<1xf32>
    %squeeze3A_1205 = vector.extract %slice3A_1204[0] : f32 from vector<1xf32>
    %broadcast_in_dim3A_1206 = vector.broadcast %squeeze3A_1205 : f32 to vector<16xf32>
    %swap3A_1207 = arith.constant 3488 : index
    %swap3A_1208 = tpu.vector_load %arg8[%swap3A_1207] {strides = array<i32>} : memref<4864xf32, #tpu.memory_space<vmem>>, vector<16xf32>,
    tpu.vector_store %arg8[%swap3A_1207], %broadcast_in_dim3A_1206 {strides = array<i32>} : memref<4864xf32, #tpu.memory_space<vmem>>, vector<16xf32>,
    %slice3A_1209 = vector.extract_strided_slice %sub3A_1153 {offsets = [11], sizes = [1], strides = [1]} : vector<16xf32> to vector<1xf32>
    %squeeze3A_1210 = vector.extract %slice3A_1209[0] : f32 from vector<1xf32>
    %broadcast_in_dim3A_1211 = vector.broadcast %squeeze3A_1210 : f32 to vector<16xf32>
    %swap3A_1212 = arith.constant 3504 : index
    %swap3A_1213 = tpu.vector_load %arg8[%swap3A_1212] {strides = array<i32>} : memref<4864xf32, #tpu.memory_space<vmem>>, vector<16xf32>,
    tpu.vector_store %arg8[%swap3A_1212], %broadcast_in_dim3A_1211 {strides = array<i32>} : memref<4864xf32, #tpu.memory_space<vmem>>, vector<16xf32>,
    %slice3A_1214 = vector.extract_strided_slice %sub3A_1153 {offsets = [12], sizes = [1], strides = [1]} : vector<16xf32> to vector<1xf32>
    %squeeze3A_1215 = vector.extract %slice3A_1214[0] : f32 from vector<1xf32>
    %broadcast_in_dim3A_1216 = vector.broadcast %squeeze3A_1215 : f32 to vector<16xf32>
    %swap3A_1217 = arith.constant 3520 : index
    %swap3A_1218 = tpu.vector_load %arg8[%swap3A_1217] {strides = array<i32>} : memref<4864xf32, #tpu.memory_space<vmem>>, vector<16xf32>,
    tpu.vector_store %arg8[%swap3A_1217], %broadcast_in_dim3A_1216 {strides = array<i32>} : memref<4864xf32, #tpu.memory_space<vmem>>, vector<16xf32>,
    %slice3A_1219 = vector.extract_strided_slice %sub3A_1153 {offsets = [13], sizes = [1], strides = [1]} : vector<16xf32> to vector<1xf32>
    %squeeze3A_1220 = vector.extract %slice3A_1219[0] : f32 from vector<1xf32>
    %broadcast_in_dim3A_1221 = vector.broadcast %squeeze3A_1220 : f32 to vector<16xf32>
    %swap3A_1222 = arith.constant 3536 : index
    %swap3A_1223 = tpu.vector_load %arg8[%swap3A_1222] {strides = array<i32>} : memref<4864xf32, #tpu.memory_space<vmem>>, vector<16xf32>,
    tpu.vector_store %arg8[%swap3A_1222], %broadcast_in_dim3A_1221 {strides = array<i32>} : memref<4864xf32, #tpu.memory_space<vmem>>, vector<16xf32>,
    %slice3A_1224 = vector.extract_strided_slice %sub3A_1153 {offsets = [14], sizes = [1], strides = [1]} : vector<16xf32> to vector<1xf32>
    %squeeze3A_1225 = vector.extract %slice3A_1224[0] : f32 from vector<1xf32>
    %broadcast_in_dim3A_1226 = vector.broadcast %squeeze3A_1225 : f32 to vector<16xf32>
    %swap3A_1227 = arith.constant 3552 : index
    %swap3A_1228 = tpu.vector_load %arg8[%swap3A_1227] {strides = array<i32>} : memref<4864xf32, #tpu.memory_space<vmem>>, vector<16xf32>,
    tpu.vector_store %arg8[%swap3A_1227], %broadcast_in_dim3A_1226 {strides = array<i32>} : memref<4864xf32, #tpu.memory_space<vmem>>, vector<16xf32>,
    %slice3A_1229 = vector.extract_strided_slice %sub3A_1153 {offsets = [15], sizes = [1], strides = [1]} : vector<16xf32> to vector<1xf32>
    %squeeze3A_1230 = vector.extract %slice3A_1229[0] : f32 from vector<1xf32>
    %broadcast_in_dim3A_1231 = vector.broadcast %squeeze3A_1230 : f32 to vector<16xf32>
    %swap3A_1232 = arith.constant 3568 : index
    %swap3A_1233 = tpu.vector_load %arg8[%swap3A_1232] {strides = array<i32>} : memref<4864xf32, #tpu.memory_space<vmem>>, vector<16xf32>,
    tpu.vector_store %arg8[%swap3A_1232], %broadcast_in_dim3A_1231 {strides = array<i32>} : memref<4864xf32, #tpu.memory_space<vmem>>, vector<16xf32>,
    %get3A_1234 = arith.constant 224 : index
    %get3A_1235 = tpu.vector_load %arg7[%get3A_1234] {strides = array<i32>} : memref<300xf32, #tpu.memory_space<vmem>>, vector<16xf32>,
    %mul3A_1236 = arith.constant 6.553700e+04 : f32
    %mul3A_1237 = vector.broadcast %mul3A_1236 : f32 to vector<16xf32>
    %mul3A_1238 = arith.mulf %get3A_1235, %mul3A_1237 : vector<16xf32>
    %sub3A_1239 = arith.subf %mul3A_1238, %get3A_1235 : vector<16xf32>
    %sub3A_1240 = arith.subf %mul3A_1238, %sub3A_1239 : vector<16xf32>
    %slice3A_1241 = vector.extract_strided_slice %sub3A_1240 {offsets = [0], sizes = [1], strides = [1]} : vector<16xf32> to vector<1xf32>
    %squeeze3A_1242 = vector.extract %slice3A_1241[0] : f32 from vector<1xf32>
    %broadcast_in_dim3A_1243 = vector.broadcast %squeeze3A_1242 : f32 to vector<16xf32>
    %swap3A_1244 = arith.constant 3584 : index
    %swap3A_1245 = tpu.vector_load %arg8[%swap3A_1244] {strides = array<i32>} : memref<4864xf32, #tpu.memory_space<vmem>>, vector<16xf32>,
    tpu.vector_store %arg8[%swap3A_1244], %broadcast_in_dim3A_1243 {strides = array<i32>} : memref<4864xf32, #tpu.memory_space<vmem>>, vector<16xf32>,
    %slice3A_1246 = vector.extract_strided_slice %sub3A_1240 {offsets = [1], sizes = [1], strides = [1]} : vector<16xf32> to vector<1xf32>
    %squeeze3A_1247 = vector.extract %slice3A_1246[0] : f32 from vector<1xf32>
    %broadcast_in_dim3A_1248 = vector.broadcast %squeeze3A_1247 : f32 to vector<16xf32>
    %swap3A_1249 = arith.constant 3600 : index
    %swap3A_1250 = tpu.vector_load %arg8[%swap3A_1249] {strides = array<i32>} : memref<4864xf32, #tpu.memory_space<vmem>>, vector<16xf32>,
    tpu.vector_store %arg8[%swap3A_1249], %broadcast_in_dim3A_1248 {strides = array<i32>} : memref<4864xf32, #tpu.memory_space<vmem>>, vector<16xf32>,
    %slice3A_1251 = vector.extract_strided_slice %sub3A_1240 {offsets = [2], sizes = [1], strides = [1]} : vector<16xf32> to vector<1xf32>
    %squeeze3A_1252 = vector.extract %slice3A_1251[0] : f32 from vector<1xf32>
    %broadcast_in_dim3A_1253 = vector.broadcast %squeeze3A_1252 : f32 to vector<16xf32>
    %swap3A_1254 = arith.constant 3616 : index
    %swap3A_1255 = tpu.vector_load %arg8[%swap3A_1254] {strides = array<i32>} : memref<4864xf32, #tpu.memory_space<vmem>>, vector<16xf32>,
    tpu.vector_store %arg8[%swap3A_1254], %broadcast_in_dim3A_1253 {strides = array<i32>} : memref<4864xf32, #tpu.memory_space<vmem>>, vector<16xf32>,
    %slice3A_1256 = vector.extract_strided_slice %sub3A_1240 {offsets = [3], sizes = [1], strides = [1]} : vector<16xf32> to vector<1xf32>
    %squeeze3A_1257 = vector.extract %slice3A_1256[0] : f32 from vector<1xf32>
    %broadcast_in_dim3A_1258 = vector.broadcast %squeeze3A_1257 : f32 to vector<16xf32>
    %swap3A_1259 = arith.constant 3632 : index
    %swap3A_1260 = tpu.vector_load %arg8[%swap3A_1259] {strides = array<i32>} : memref<4864xf32, #tpu.memory_space<vmem>>, vector<16xf32>,
    tpu.vector_store %arg8[%swap3A_1259], %broadcast_in_dim3A_1258 {strides = array<i32>} : memref<4864xf32, #tpu.memory_space<vmem>>, vector<16xf32>,
    %slice3A_1261 = vector.extract_strided_slice %sub3A_1240 {offsets = [4], sizes = [1], strides = [1]} : vector<16xf32> to vector<1xf32>
    %squeeze3A_1262 = vector.extract %slice3A_1261[0] : f32 from vector<1xf32>
    %broadcast_in_dim3A_1263 = vector.broadcast %squeeze3A_1262 : f32 to vector<16xf32>
    %swap3A_1264 = arith.constant 3648 : index
    %swap3A_1265 = tpu.vector_load %arg8[%swap3A_1264] {strides = array<i32>} : memref<4864xf32, #tpu.memory_space<vmem>>, vector<16xf32>,
    tpu.vector_store %arg8[%swap3A_1264], %broadcast_in_dim3A_1263 {strides = array<i32>} : memref<4864xf32, #tpu.memory_space<vmem>>, vector<16xf32>,
    %slice3A_1266 = vector.extract_strided_slice %sub3A_1240 {offsets = [5], sizes = [1], strides = [1]} : vector<16xf32> to vector<1xf32>
    %squeeze3A_1267 = vector.extract %slice3A_1266[0] : f32 from vector<1xf32>
    %broadcast_in_dim3A_1268 = vector.broadcast %squeeze3A_1267 : f32 to vector<16xf32>
    %swap3A_1269 = arith.constant 3664 : index
    %swap3A_1270 = tpu.vector_load %arg8[%swap3A_1269] {strides = array<i32>} : memref<4864xf32, #tpu.memory_space<vmem>>, vector<16xf32>,
    tpu.vector_store %arg8[%swap3A_1269], %broadcast_in_dim3A_1268 {strides = array<i32>} : memref<4864xf32, #tpu.memory_space<vmem>>, vector<16xf32>,
    %slice3A_1271 = vector.extract_strided_slice %sub3A_1240 {offsets = [6], sizes = [1], strides = [1]} : vector<16xf32> to vector<1xf32>
    %squeeze3A_1272 = vector.extract %slice3A_1271[0] : f32 from vector<1xf32>
    %broadcast_in_dim3A_1273 = vector.broadcast %squeeze3A_1272 : f32 to vector<16xf32>
    %swap3A_1274 = arith.constant 3680 : index
    %swap3A_1275 = tpu.vector_load %arg8[%swap3A_1274] {strides = array<i32>} : memref<4864xf32, #tpu.memory_space<vmem>>, vector<16xf32>,
    tpu.vector_store %arg8[%swap3A_1274], %broadcast_in_dim3A_1273 {strides = array<i32>} : memref<4864xf32, #tpu.memory_space<vmem>>, vector<16xf32>,
    %slice3A_1276 = vector.extract_strided_slice %sub3A_1240 {offsets = [7], sizes = [1], strides = [1]} : vector<16xf32> to vector<1xf32>
    %squeeze3A_1277 = vector.extract %slice3A_1276[0] : f32 from vector<1xf32>
    %broadcast_in_dim3A_1278 = vector.broadcast %squeeze3A_1277 : f32 to vector<16xf32>
    %swap3A_1279 = arith.constant 3696 : index
    %swap3A_1280 = tpu.vector_load %arg8[%swap3A_1279] {strides = array<i32>} : memref<4864xf32, #tpu.memory_space<vmem>>, vector<16xf32>,
    tpu.vector_store %arg8[%swap3A_1279], %broadcast_in_dim3A_1278 {strides = array<i32>} : memref<4864xf32, #tpu.memory_space<vmem>>, vector<16xf32>,
    %slice3A_1281 = vector.extract_strided_slice %sub3A_1240 {offsets = [8], sizes = [1], strides = [1]} : vector<16xf32> to vector<1xf32>
    %squeeze3A_1282 = vector.extract %slice3A_1281[0] : f32 from vector<1xf32>
    %broadcast_in_dim3A_1283 = vector.broadcast %squeeze3A_1282 : f32 to vector<16xf32>
    %swap3A_1284 = arith.constant 3712 : index
    %swap3A_1285 = tpu.vector_load %arg8[%swap3A_1284] {strides = array<i32>} : memref<4864xf32, #tpu.memory_space<vmem>>, vector<16xf32>,
    tpu.vector_store %arg8[%swap3A_1284], %broadcast_in_dim3A_1283 {strides = array<i32>} : memref<4864xf32, #tpu.memory_space<vmem>>, vector<16xf32>,
    %slice3A_1286 = vector.extract_strided_slice %sub3A_1240 {offsets = [9], sizes = [1], strides = [1]} : vector<16xf32> to vector<1xf32>
    %squeeze3A_1287 = vector.extract %slice3A_1286[0] : f32 from vector<1xf32>
    %broadcast_in_dim3A_1288 = vector.broadcast %squeeze3A_1287 : f32 to vector<16xf32>
    %swap3A_1289 = arith.constant 3728 : index
    %swap3A_1290 = tpu.vector_load %arg8[%swap3A_1289] {strides = array<i32>} : memref<4864xf32, #tpu.memory_space<vmem>>, vector<16xf32>,
    tpu.vector_store %arg8[%swap3A_1289], %broadcast_in_dim3A_1288 {strides = array<i32>} : memref<4864xf32, #tpu.memory_space<vmem>>, vector<16xf32>,
    %slice3A_1291 = vector.extract_strided_slice %sub3A_1240 {offsets = [10], sizes = [1], strides = [1]} : vector<16xf32> to vector<1xf32>
    %squeeze3A_1292 = vector.extract %slice3A_1291[0] : f32 from vector<1xf32>
    %broadcast_in_dim3A_1293 = vector.broadcast %squeeze3A_1292 : f32 to vector<16xf32>
    %swap3A_1294 = arith.constant 3744 : index
    %swap3A_1295 = tpu.vector_load %arg8[%swap3A_1294] {strides = array<i32>} : memref<4864xf32, #tpu.memory_space<vmem>>, vector<16xf32>,
    tpu.vector_store %arg8[%swap3A_1294], %broadcast_in_dim3A_1293 {strides = array<i32>} : memref<4864xf32, #tpu.memory_space<vmem>>, vector<16xf32>,
    %slice3A_1296 = vector.extract_strided_slice %sub3A_1240 {offsets = [11], sizes = [1], strides = [1]} : vector<16xf32> to vector<1xf32>
    %squeeze3A_1297 = vector.extract %slice3A_1296[0] : f32 from vector<1xf32>
    %broadcast_in_dim3A_1298 = vector.broadcast %squeeze3A_1297 : f32 to vector<16xf32>
    %swap3A_1299 = arith.constant 3760 : index
    %swap3A_1300 = tpu.vector_load %arg8[%swap3A_1299] {strides = array<i32>} : memref<4864xf32, #tpu.memory_space<vmem>>, vector<16xf32>,
    tpu.vector_store %arg8[%swap3A_1299], %broadcast_in_dim3A_1298 {strides = array<i32>} : memref<4864xf32, #tpu.memory_space<vmem>>, vector<16xf32>,
    %slice3A_1301 = vector.extract_strided_slice %sub3A_1240 {offsets = [12], sizes = [1], strides = [1]} : vector<16xf32> to vector<1xf32>
    %squeeze3A_1302 = vector.extract %slice3A_1301[0] : f32 from vector<1xf32>
    %broadcast_in_dim3A_1303 = vector.broadcast %squeeze3A_1302 : f32 to vector<16xf32>
    %swap3A_1304 = arith.constant 3776 : index
    %swap3A_1305 = tpu.vector_load %arg8[%swap3A_1304] {strides = array<i32>} : memref<4864xf32, #tpu.memory_space<vmem>>, vector<16xf32>,
    tpu.vector_store %arg8[%swap3A_1304], %broadcast_in_dim3A_1303 {strides = array<i32>} : memref<4864xf32, #tpu.memory_space<vmem>>, vector<16xf32>,
    %slice3A_1306 = vector.extract_strided_slice %sub3A_1240 {offsets = [13], sizes = [1], strides = [1]} : vector<16xf32> to vector<1xf32>
    %squeeze3A_1307 = vector.extract %slice3A_1306[0] : f32 from vector<1xf32>
    %broadcast_in_dim3A_1308 = vector.broadcast %squeeze3A_1307 : f32 to vector<16xf32>
    %swap3A_1309 = arith.constant 3792 : index
    %swap3A_1310 = tpu.vector_load %arg8[%swap3A_1309] {strides = array<i32>} : memref<4864xf32, #tpu.memory_space<vmem>>, vector<16xf32>,
    tpu.vector_store %arg8[%swap3A_1309], %broadcast_in_dim3A_1308 {strides = array<i32>} : memref<4864xf32, #tpu.memory_space<vmem>>, vector<16xf32>,
    %slice3A_1311 = vector.extract_strided_slice %sub3A_1240 {offsets = [14], sizes = [1], strides = [1]} : vector<16xf32> to vector<1xf32>
    %squeeze3A_1312 = vector.extract %slice3A_1311[0] : f32 from vector<1xf32>
    %broadcast_in_dim3A_1313 = vector.broadcast %squeeze3A_1312 : f32 to vector<16xf32>
    %swap3A_1314 = arith.constant 3808 : index
    %swap3A_1315 = tpu.vector_load %arg8[%swap3A_1314] {strides = array<i32>} : memref<4864xf32, #tpu.memory_space<vmem>>, vector<16xf32>,
    tpu.vector_store %arg8[%swap3A_1314], %broadcast_in_dim3A_1313 {strides = array<i32>} : memref<4864xf32, #tpu.memory_space<vmem>>, vector<16xf32>,
    %slice3A_1316 = vector.extract_strided_slice %sub3A_1240 {offsets = [15], sizes = [1], strides = [1]} : vector<16xf32> to vector<1xf32>
    %squeeze3A_1317 = vector.extract %slice3A_1316[0] : f32 from vector<1xf32>
    %broadcast_in_dim3A_1318 = vector.broadcast %squeeze3A_1317 : f32 to vector<16xf32>
    %swap3A_1319 = arith.constant 3824 : index
    %swap3A_1320 = tpu.vector_load %arg8[%swap3A_1319] {strides = array<i32>} : memref<4864xf32, #tpu.memory_space<vmem>>, vector<16xf32>,
    tpu.vector_store %arg8[%swap3A_1319], %broadcast_in_dim3A_1318 {strides = array<i32>} : memref<4864xf32, #tpu.memory_space<vmem>>, vector<16xf32>,
    %get3A_1321 = arith.constant 240 : index
    %get3A_1322 = tpu.vector_load %arg7[%get3A_1321] {strides = array<i32>} : memref<300xf32, #tpu.memory_space<vmem>>, vector<16xf32>,
    %mul3A_1323 = arith.constant 6.553700e+04 : f32
    %mul3A_1324 = vector.broadcast %mul3A_1323 : f32 to vector<16xf32>
    %mul3A_1325 = arith.mulf %get3A_1322, %mul3A_1324 : vector<16xf32>
    %sub3A_1326 = arith.subf %mul3A_1325, %get3A_1322 : vector<16xf32>
    %sub3A_1327 = arith.subf %mul3A_1325, %sub3A_1326 : vector<16xf32>
    %slice3A_1328 = vector.extract_strided_slice %sub3A_1327 {offsets = [0], sizes = [1], strides = [1]} : vector<16xf32> to vector<1xf32>
    %squeeze3A_1329 = vector.extract %slice3A_1328[0] : f32 from vector<1xf32>
    %broadcast_in_dim3A_1330 = vector.broadcast %squeeze3A_1329 : f32 to vector<16xf32>
    %swap3A_1331 = arith.constant 3840 : index
    %swap3A_1332 = tpu.vector_load %arg8[%swap3A_1331] {strides = array<i32>} : memref<4864xf32, #tpu.memory_space<vmem>>, vector<16xf32>,
    tpu.vector_store %arg8[%swap3A_1331], %broadcast_in_dim3A_1330 {strides = array<i32>} : memref<4864xf32, #tpu.memory_space<vmem>>, vector<16xf32>,
    %slice3A_1333 = vector.extract_strided_slice %sub3A_1327 {offsets = [1], sizes = [1], strides = [1]} : vector<16xf32> to vector<1xf32>
    %squeeze3A_1334 = vector.extract %slice3A_1333[0] : f32 from vector<1xf32>
    %broadcast_in_dim3A_1335 = vector.broadcast %squeeze3A_1334 : f32 to vector<16xf32>
    %swap3A_1336 = arith.constant 3856 : index
    %swap3A_1337 = tpu.vector_load %arg8[%swap3A_1336] {strides = array<i32>} : memref<4864xf32, #tpu.memory_space<vmem>>, vector<16xf32>,
    tpu.vector_store %arg8[%swap3A_1336], %broadcast_in_dim3A_1335 {strides = array<i32>} : memref<4864xf32, #tpu.memory_space<vmem>>, vector<16xf32>,
    %slice3A_1338 = vector.extract_strided_slice %sub3A_1327 {offsets = [2], sizes = [1], strides = [1]} : vector<16xf32> to vector<1xf32>
    %squeeze3A_1339 = vector.extract %slice3A_1338[0] : f32 from vector<1xf32>
    %broadcast_in_dim3A_1340 = vector.broadcast %squeeze3A_1339 : f32 to vector<16xf32>
    %swap3A_1341 = arith.constant 3872 : index
    %swap3A_1342 = tpu.vector_load %arg8[%swap3A_1341] {strides = array<i32>} : memref<4864xf32, #tpu.memory_space<vmem>>, vector<16xf32>,
    tpu.vector_store %arg8[%swap3A_1341], %broadcast_in_dim3A_1340 {strides = array<i32>} : memref<4864xf32, #tpu.memory_space<vmem>>, vector<16xf32>,
    %slice3A_1343 = vector.extract_strided_slice %sub3A_1327 {offsets = [3], sizes = [1], strides = [1]} : vector<16xf32> to vector<1xf32>
    %squeeze3A_1344 = vector.extract %slice3A_1343[0] : f32 from vector<1xf32>
    %broadcast_in_dim3A_1345 = vector.broadcast %squeeze3A_1344 : f32 to vector<16xf32>
    %swap3A_1346 = arith.constant 3888 : index
    %swap3A_1347 = tpu.vector_load %arg8[%swap3A_1346] {strides = array<i32>} : memref<4864xf32, #tpu.memory_space<vmem>>, vector<16xf32>,
    tpu.vector_store %arg8[%swap3A_1346], %broadcast_in_dim3A_1345 {strides = array<i32>} : memref<4864xf32, #tpu.memory_space<vmem>>, vector<16xf32>,
    %slice3A_1348 = vector.extract_strided_slice %sub3A_1327 {offsets = [4], sizes = [1], strides = [1]} : vector<16xf32> to vector<1xf32>
    %squeeze3A_1349 = vector.extract %slice3A_1348[0] : f32 from vector<1xf32>
    %broadcast_in_dim3A_1350 = vector.broadcast %squeeze3A_1349 : f32 to vector<16xf32>
    %swap3A_1351 = arith.constant 3904 : index
    %swap3A_1352 = tpu.vector_load %arg8[%swap3A_1351] {strides = array<i32>} : memref<4864xf32, #tpu.memory_space<vmem>>, vector<16xf32>,
    tpu.vector_store %arg8[%swap3A_1351], %broadcast_in_dim3A_1350 {strides = array<i32>} : memref<4864xf32, #tpu.memory_space<vmem>>, vector<16xf32>,
    %slice3A_1353 = vector.extract_strided_slice %sub3A_1327 {offsets = [5], sizes = [1], strides = [1]} : vector<16xf32> to vector<1xf32>
    %squeeze3A_1354 = vector.extract %slice3A_1353[0] : f32 from vector<1xf32>
    %broadcast_in_dim3A_1355 = vector.broadcast %squeeze3A_1354 : f32 to vector<16xf32>
    %swap3A_1356 = arith.constant 3920 : index
    %swap3A_1357 = tpu.vector_load %arg8[%swap3A_1356] {strides = array<i32>} : memref<4864xf32, #tpu.memory_space<vmem>>, vector<16xf32>,
    tpu.vector_store %arg8[%swap3A_1356], %broadcast_in_dim3A_1355 {strides = array<i32>} : memref<4864xf32, #tpu.memory_space<vmem>>, vector<16xf32>,
    %slice3A_1358 = vector.extract_strided_slice %sub3A_1327 {offsets = [6], sizes = [1], strides = [1]} : vector<16xf32> to vector<1xf32>
    %squeeze3A_1359 = vector.extract %slice3A_1358[0] : f32 from vector<1xf32>
    %broadcast_in_dim3A_1360 = vector.broadcast %squeeze3A_1359 : f32 to vector<16xf32>
    %swap3A_1361 = arith.constant 3936 : index
    %swap3A_1362 = tpu.vector_load %arg8[%swap3A_1361] {strides = array<i32>} : memref<4864xf32, #tpu.memory_space<vmem>>, vector<16xf32>,
    tpu.vector_store %arg8[%swap3A_1361], %broadcast_in_dim3A_1360 {strides = array<i32>} : memref<4864xf32, #tpu.memory_space<vmem>>, vector<16xf32>,
    %slice3A_1363 = vector.extract_strided_slice %sub3A_1327 {offsets = [7], sizes = [1], strides = [1]} : vector<16xf32> to vector<1xf32>
    %squeeze3A_1364 = vector.extract %slice3A_1363[0] : f32 from vector<1xf32>
    %broadcast_in_dim3A_1365 = vector.broadcast %squeeze3A_1364 : f32 to vector<16xf32>
    %swap3A_1366 = arith.constant 3952 : index
    %swap3A_1367 = tpu.vector_load %arg8[%swap3A_1366] {strides = array<i32>} : memref<4864xf32, #tpu.memory_space<vmem>>, vector<16xf32>,
    tpu.vector_store %arg8[%swap3A_1366], %broadcast_in_dim3A_1365 {strides = array<i32>} : memref<4864xf32, #tpu.memory_space<vmem>>, vector<16xf32>,
    %slice3A_1368 = vector.extract_strided_slice %sub3A_1327 {offsets = [8], sizes = [1], strides = [1]} : vector<16xf32> to vector<1xf32>
    %squeeze3A_1369 = vector.extract %slice3A_1368[0] : f32 from vector<1xf32>
    %broadcast_in_dim3A_1370 = vector.broadcast %squeeze3A_1369 : f32 to vector<16xf32>
    %swap3A_1371 = arith.constant 3968 : index
    %swap3A_1372 = tpu.vector_load %arg8[%swap3A_1371] {strides = array<i32>} : memref<4864xf32, #tpu.memory_space<vmem>>, vector<16xf32>,
    tpu.vector_store %arg8[%swap3A_1371], %broadcast_in_dim3A_1370 {strides = array<i32>} : memref<4864xf32, #tpu.memory_space<vmem>>, vector<16xf32>,
    %slice3A_1373 = vector.extract_strided_slice %sub3A_1327 {offsets = [9], sizes = [1], strides = [1]} : vector<16xf32> to vector<1xf32>
    %squeeze3A_1374 = vector.extract %slice3A_1373[0] : f32 from vector<1xf32>
    %broadcast_in_dim3A_1375 = vector.broadcast %squeeze3A_1374 : f32 to vector<16xf32>
    %swap3A_1376 = arith.constant 3984 : index
    %swap3A_1377 = tpu.vector_load %arg8[%swap3A_1376] {strides = array<i32>} : memref<4864xf32, #tpu.memory_space<vmem>>, vector<16xf32>,
    tpu.vector_store %arg8[%swap3A_1376], %broadcast_in_dim3A_1375 {strides = array<i32>} : memref<4864xf32, #tpu.memory_space<vmem>>, vector<16xf32>,
    %slice3A_1378 = vector.extract_strided_slice %sub3A_1327 {offsets = [10], sizes = [1], strides = [1]} : vector<16xf32> to vector<1xf32>
    %squeeze3A_1379 = vector.extract %slice3A_1378[0] : f32 from vector<1xf32>
    %broadcast_in_dim3A_1380 = vector.broadcast %squeeze3A_1379 : f32 to vector<16xf32>
    %swap3A_1381 = arith.constant 4000 : index
    %swap3A_1382 = tpu.vector_load %arg8[%swap3A_1381] {strides = array<i32>} : memref<4864xf32, #tpu.memory_space<vmem>>, vector<16xf32>,
    tpu.vector_store %arg8[%swap3A_1381], %broadcast_in_dim3A_1380 {strides = array<i32>} : memref<4864xf32, #tpu.memory_space<vmem>>, vector<16xf32>,
    %slice3A_1383 = vector.extract_strided_slice %sub3A_1327 {offsets = [11], sizes = [1], strides = [1]} : vector<16xf32> to vector<1xf32>
    %squeeze3A_1384 = vector.extract %slice3A_1383[0] : f32 from vector<1xf32>
    %broadcast_in_dim3A_1385 = vector.broadcast %squeeze3A_1384 : f32 to vector<16xf32>
    %swap3A_1386 = arith.constant 4016 : index
    %swap3A_1387 = tpu.vector_load %arg8[%swap3A_1386] {strides = array<i32>} : memref<4864xf32, #tpu.memory_space<vmem>>, vector<16xf32>,
    tpu.vector_store %arg8[%swap3A_1386], %broadcast_in_dim3A_1385 {strides = array<i32>} : memref<4864xf32, #tpu.memory_space<vmem>>, vector<16xf32>,
    %slice3A_1388 = vector.extract_strided_slice %sub3A_1327 {offsets = [12], sizes = [1], strides = [1]} : vector<16xf32> to vector<1xf32>
    %squeeze3A_1389 = vector.extract %slice3A_1388[0] : f32 from vector<1xf32>
    %broadcast_in_dim3A_1390 = vector.broadcast %squeeze3A_1389 : f32 to vector<16xf32>
    %swap3A_1391 = arith.constant 4032 : index
    %swap3A_1392 = tpu.vector_load %arg8[%swap3A_1391] {strides = array<i32>} : memref<4864xf32, #tpu.memory_space<vmem>>, vector<16xf32>,
    tpu.vector_store %arg8[%swap3A_1391], %broadcast_in_dim3A_1390 {strides = array<i32>} : memref<4864xf32, #tpu.memory_space<vmem>>, vector<16xf32>,
    %slice3A_1393 = vector.extract_strided_slice %sub3A_1327 {offsets = [13], sizes = [1], strides = [1]} : vector<16xf32> to vector<1xf32>
    %squeeze3A_1394 = vector.extract %slice3A_1393[0] : f32 from vector<1xf32>
    %broadcast_in_dim3A_1395 = vector.broadcast %squeeze3A_1394 : f32 to vector<16xf32>
    %swap3A_1396 = arith.constant 4048 : index
    %swap3A_1397 = tpu.vector_load %arg8[%swap3A_1396] {strides = array<i32>} : memref<4864xf32, #tpu.memory_space<vmem>>, vector<16xf32>,
    tpu.vector_store %arg8[%swap3A_1396], %broadcast_in_dim3A_1395 {strides = array<i32>} : memref<4864xf32, #tpu.memory_space<vmem>>, vector<16xf32>,
    %slice3A_1398 = vector.extract_strided_slice %sub3A_1327 {offsets = [14], sizes = [1], strides = [1]} : vector<16xf32> to vector<1xf32>
    %squeeze3A_1399 = vector.extract %slice3A_1398[0] : f32 from vector<1xf32>
    %broadcast_in_dim3A_1400 = vector.broadcast %squeeze3A_1399 : f32 to vector<16xf32>
    %swap3A_1401 = arith.constant 4064 : index
    %swap3A_1402 = tpu.vector_load %arg8[%swap3A_1401] {strides = array<i32>} : memref<4864xf32, #tpu.memory_space<vmem>>, vector<16xf32>,
    tpu.vector_store %arg8[%swap3A_1401], %broadcast_in_dim3A_1400 {strides = array<i32>} : memref<4864xf32, #tpu.memory_space<vmem>>, vector<16xf32>,
    %slice3A_1403 = vector.extract_strided_slice %sub3A_1327 {offsets = [15], sizes = [1], strides = [1]} : vector<16xf32> to vector<1xf32>
    %squeeze3A_1404 = vector.extract %slice3A_1403[0] : f32 from vector<1xf32>
    %broadcast_in_dim3A_1405 = vector.broadcast %squeeze3A_1404 : f32 to vector<16xf32>
    %swap3A_1406 = arith.constant 4080 : index
    %swap3A_1407 = tpu.vector_load %arg8[%swap3A_1406] {strides = array<i32>} : memref<4864xf32, #tpu.memory_space<vmem>>, vector<16xf32>,
    tpu.vector_store %arg8[%swap3A_1406], %broadcast_in_dim3A_1405 {strides = array<i32>} : memref<4864xf32, #tpu.memory_space<vmem>>, vector<16xf32>,
    %get3A_1408 = arith.constant 256 : index
    %get3A_1409 = tpu.vector_load %arg7[%get3A_1408] {strides = array<i32>} : memref<300xf32, #tpu.memory_space<vmem>>, vector<16xf32>,
    %mul3A_1410 = arith.constant 6.553700e+04 : f32
    %mul3A_1411 = vector.broadcast %mul3A_1410 : f32 to vector<16xf32>
    %mul3A_1412 = arith.mulf %get3A_1409, %mul3A_1411 : vector<16xf32>
    %sub3A_1413 = arith.subf %mul3A_1412, %get3A_1409 : vector<16xf32>
    %sub3A_1414 = arith.subf %mul3A_1412, %sub3A_1413 : vector<16xf32>
    %slice3A_1415 = vector.extract_strided_slice %sub3A_1414 {offsets = [0], sizes = [1], strides = [1]} : vector<16xf32> to vector<1xf32>
    %squeeze3A_1416 = vector.extract %slice3A_1415[0] : f32 from vector<1xf32>
    %broadcast_in_dim3A_1417 = vector.broadcast %squeeze3A_1416 : f32 to vector<16xf32>
    %swap3A_1418 = arith.constant 4096 : index
    %swap3A_1419 = tpu.vector_load %arg8[%swap3A_1418] {strides = array<i32>} : memref<4864xf32, #tpu.memory_space<vmem>>, vector<16xf32>,
    tpu.vector_store %arg8[%swap3A_1418], %broadcast_in_dim3A_1417 {strides = array<i32>} : memref<4864xf32, #tpu.memory_space<vmem>>, vector<16xf32>,
    %slice3A_1420 = vector.extract_strided_slice %sub3A_1414 {offsets = [1], sizes = [1], strides = [1]} : vector<16xf32> to vector<1xf32>
    %squeeze3A_1421 = vector.extract %slice3A_1420[0] : f32 from vector<1xf32>
    %broadcast_in_dim3A_1422 = vector.broadcast %squeeze3A_1421 : f32 to vector<16xf32>
    %swap3A_1423 = arith.constant 4112 : index
    %swap3A_1424 = tpu.vector_load %arg8[%swap3A_1423] {strides = array<i32>} : memref<4864xf32, #tpu.memory_space<vmem>>, vector<16xf32>,
    tpu.vector_store %arg8[%swap3A_1423], %broadcast_in_dim3A_1422 {strides = array<i32>} : memref<4864xf32, #tpu.memory_space<vmem>>, vector<16xf32>,
    %slice3A_1425 = vector.extract_strided_slice %sub3A_1414 {offsets = [2], sizes = [1], strides = [1]} : vector<16xf32> to vector<1xf32>
    %squeeze3A_1426 = vector.extract %slice3A_1425[0] : f32 from vector<1xf32>
    %broadcast_in_dim3A_1427 = vector.broadcast %squeeze3A_1426 : f32 to vector<16xf32>
    %swap3A_1428 = arith.constant 4128 : index
    %swap3A_1429 = tpu.vector_load %arg8[%swap3A_1428] {strides = array<i32>} : memref<4864xf32, #tpu.memory_space<vmem>>, vector<16xf32>,
    tpu.vector_store %arg8[%swap3A_1428], %broadcast_in_dim3A_1427 {strides = array<i32>} : memref<4864xf32, #tpu.memory_space<vmem>>, vector<16xf32>,
    %slice3A_1430 = vector.extract_strided_slice %sub3A_1414 {offsets = [3], sizes = [1], strides = [1]} : vector<16xf32> to vector<1xf32>
    %squeeze3A_1431 = vector.extract %slice3A_1430[0] : f32 from vector<1xf32>
    %broadcast_in_dim3A_1432 = vector.broadcast %squeeze3A_1431 : f32 to vector<16xf32>
    %swap3A_1433 = arith.constant 4144 : index
    %swap3A_1434 = tpu.vector_load %arg8[%swap3A_1433] {strides = array<i32>} : memref<4864xf32, #tpu.memory_space<vmem>>, vector<16xf32>,
    tpu.vector_store %arg8[%swap3A_1433], %broadcast_in_dim3A_1432 {strides = array<i32>} : memref<4864xf32, #tpu.memory_space<vmem>>, vector<16xf32>,
    %slice3A_1435 = vector.extract_strided_slice %sub3A_1414 {offsets = [4], sizes = [1], strides = [1]} : vector<16xf32> to vector<1xf32>
    %squeeze3A_1436 = vector.extract %slice3A_1435[0] : f32 from vector<1xf32>
    %broadcast_in_dim3A_1437 = vector.broadcast %squeeze3A_1436 : f32 to vector<16xf32>
    %swap3A_1438 = arith.constant 4160 : index
    %swap3A_1439 = tpu.vector_load %arg8[%swap3A_1438] {strides = array<i32>} : memref<4864xf32, #tpu.memory_space<vmem>>, vector<16xf32>,
    tpu.vector_store %arg8[%swap3A_1438], %broadcast_in_dim3A_1437 {strides = array<i32>} : memref<4864xf32, #tpu.memory_space<vmem>>, vector<16xf32>,
    %slice3A_1440 = vector.extract_strided_slice %sub3A_1414 {offsets = [5], sizes = [1], strides = [1]} : vector<16xf32> to vector<1xf32>
    %squeeze3A_1441 = vector.extract %slice3A_1440[0] : f32 from vector<1xf32>
    %broadcast_in_dim3A_1442 = vector.broadcast %squeeze3A_1441 : f32 to vector<16xf32>
    %swap3A_1443 = arith.constant 4176 : index
    %swap3A_1444 = tpu.vector_load %arg8[%swap3A_1443] {strides = array<i32>} : memref<4864xf32, #tpu.memory_space<vmem>>, vector<16xf32>,
    tpu.vector_store %arg8[%swap3A_1443], %broadcast_in_dim3A_1442 {strides = array<i32>} : memref<4864xf32, #tpu.memory_space<vmem>>, vector<16xf32>,
    %slice3A_1445 = vector.extract_strided_slice %sub3A_1414 {offsets = [6], sizes = [1], strides = [1]} : vector<16xf32> to vector<1xf32>
    %squeeze3A_1446 = vector.extract %slice3A_1445[0] : f32 from vector<1xf32>
    %broadcast_in_dim3A_1447 = vector.broadcast %squeeze3A_1446 : f32 to vector<16xf32>
    %swap3A_1448 = arith.constant 4192 : index
    %swap3A_1449 = tpu.vector_load %arg8[%swap3A_1448] {strides = array<i32>} : memref<4864xf32, #tpu.memory_space<vmem>>, vector<16xf32>,
    tpu.vector_store %arg8[%swap3A_1448], %broadcast_in_dim3A_1447 {strides = array<i32>} : memref<4864xf32, #tpu.memory_space<vmem>>, vector<16xf32>,
    %slice3A_1450 = vector.extract_strided_slice %sub3A_1414 {offsets = [7], sizes = [1], strides = [1]} : vector<16xf32> to vector<1xf32>
    %squeeze3A_1451 = vector.extract %slice3A_1450[0] : f32 from vector<1xf32>
    %broadcast_in_dim3A_1452 = vector.broadcast %squeeze3A_1451 : f32 to vector<16xf32>
    %swap3A_1453 = arith.constant 4208 : index
    %swap3A_1454 = tpu.vector_load %arg8[%swap3A_1453] {strides = array<i32>} : memref<4864xf32, #tpu.memory_space<vmem>>, vector<16xf32>,
    tpu.vector_store %arg8[%swap3A_1453], %broadcast_in_dim3A_1452 {strides = array<i32>} : memref<4864xf32, #tpu.memory_space<vmem>>, vector<16xf32>,
    %slice3A_1455 = vector.extract_strided_slice %sub3A_1414 {offsets = [8], sizes = [1], strides = [1]} : vector<16xf32> to vector<1xf32>
    %squeeze3A_1456 = vector.extract %slice3A_1455[0] : f32 from vector<1xf32>
    %broadcast_in_dim3A_1457 = vector.broadcast %squeeze3A_1456 : f32 to vector<16xf32>
    %swap3A_1458 = arith.constant 4224 : index
    %swap3A_1459 = tpu.vector_load %arg8[%swap3A_1458] {strides = array<i32>} : memref<4864xf32, #tpu.memory_space<vmem>>, vector<16xf32>,
    tpu.vector_store %arg8[%swap3A_1458], %broadcast_in_dim3A_1457 {strides = array<i32>} : memref<4864xf32, #tpu.memory_space<vmem>>, vector<16xf32>,
    %slice3A_1460 = vector.extract_strided_slice %sub3A_1414 {offsets = [9], sizes = [1], strides = [1]} : vector<16xf32> to vector<1xf32>
    %squeeze3A_1461 = vector.extract %slice3A_1460[0] : f32 from vector<1xf32>
    %broadcast_in_dim3A_1462 = vector.broadcast %squeeze3A_1461 : f32 to vector<16xf32>
    %swap3A_1463 = arith.constant 4240 : index
    %swap3A_1464 = tpu.vector_load %arg8[%swap3A_1463] {strides = array<i32>} : memref<4864xf32, #tpu.memory_space<vmem>>, vector<16xf32>,
    tpu.vector_store %arg8[%swap3A_1463], %broadcast_in_dim3A_1462 {strides = array<i32>} : memref<4864xf32, #tpu.memory_space<vmem>>, vector<16xf32>,
    %slice3A_1465 = vector.extract_strided_slice %sub3A_1414 {offsets = [10], sizes = [1], strides = [1]} : vector<16xf32> to vector<1xf32>
    %squeeze3A_1466 = vector.extract %slice3A_1465[0] : f32 from vector<1xf32>
    %broadcast_in_dim3A_1467 = vector.broadcast %squeeze3A_1466 : f32 to vector<16xf32>
    %swap3A_1468 = arith.constant 4256 : index
    %swap3A_1469 = tpu.vector_load %arg8[%swap3A_1468] {strides = array<i32>} : memref<4864xf32, #tpu.memory_space<vmem>>, vector<16xf32>,
    tpu.vector_store %arg8[%swap3A_1468], %broadcast_in_dim3A_1467 {strides = array<i32>} : memref<4864xf32, #tpu.memory_space<vmem>>, vector<16xf32>,
    %slice3A_1470 = vector.extract_strided_slice %sub3A_1414 {offsets = [11], sizes = [1], strides = [1]} : vector<16xf32> to vector<1xf32>
    %squeeze3A_1471 = vector.extract %slice3A_1470[0] : f32 from vector<1xf32>
    %broadcast_in_dim3A_1472 = vector.broadcast %squeeze3A_1471 : f32 to vector<16xf32>
    %swap3A_1473 = arith.constant 4272 : index
    %swap3A_1474 = tpu.vector_load %arg8[%swap3A_1473] {strides = array<i32>} : memref<4864xf32, #tpu.memory_space<vmem>>, vector<16xf32>,
    tpu.vector_store %arg8[%swap3A_1473], %broadcast_in_dim3A_1472 {strides = array<i32>} : memref<4864xf32, #tpu.memory_space<vmem>>, vector<16xf32>,
    %slice3A_1475 = vector.extract_strided_slice %sub3A_1414 {offsets = [12], sizes = [1], strides = [1]} : vector<16xf32> to vector<1xf32>
    %squeeze3A_1476 = vector.extract %slice3A_1475[0] : f32 from vector<1xf32>
    %broadcast_in_dim3A_1477 = vector.broadcast %squeeze3A_1476 : f32 to vector<16xf32>
    %swap3A_1478 = arith.constant 4288 : index
    %swap3A_1479 = tpu.vector_load %arg8[%swap3A_1478] {strides = array<i32>} : memref<4864xf32, #tpu.memory_space<vmem>>, vector<16xf32>,
    tpu.vector_store %arg8[%swap3A_1478], %broadcast_in_dim3A_1477 {strides = array<i32>} : memref<4864xf32, #tpu.memory_space<vmem>>, vector<16xf32>,
    %slice3A_1480 = vector.extract_strided_slice %sub3A_1414 {offsets = [13], sizes = [1], strides = [1]} : vector<16xf32> to vector<1xf32>
    %squeeze3A_1481 = vector.extract %slice3A_1480[0] : f32 from vector<1xf32>
    %broadcast_in_dim3A_1482 = vector.broadcast %squeeze3A_1481 : f32 to vector<16xf32>
    %swap3A_1483 = arith.constant 4304 : index
    %swap3A_1484 = tpu.vector_load %arg8[%swap3A_1483] {strides = array<i32>} : memref<4864xf32, #tpu.memory_space<vmem>>, vector<16xf32>,
    tpu.vector_store %arg8[%swap3A_1483], %broadcast_in_dim3A_1482 {strides = array<i32>} : memref<4864xf32, #tpu.memory_space<vmem>>, vector<16xf32>,
    %slice3A_1485 = vector.extract_strided_slice %sub3A_1414 {offsets = [14], sizes = [1], strides = [1]} : vector<16xf32> to vector<1xf32>
    %squeeze3A_1486 = vector.extract %slice3A_1485[0] : f32 from vector<1xf32>
    %broadcast_in_dim3A_1487 = vector.broadcast %squeeze3A_1486 : f32 to vector<16xf32>
    %swap3A_1488 = arith.constant 4320 : index
    %swap3A_1489 = tpu.vector_load %arg8[%swap3A_1488] {strides = array<i32>} : memref<4864xf32, #tpu.memory_space<vmem>>, vector<16xf32>,
    tpu.vector_store %arg8[%swap3A_1488], %broadcast_in_dim3A_1487 {strides = array<i32>} : memref<4864xf32, #tpu.memory_space<vmem>>, vector<16xf32>,
    %slice3A_1490 = vector.extract_strided_slice %sub3A_1414 {offsets = [15], sizes = [1], strides = [1]} : vector<16xf32> to vector<1xf32>
    %squeeze3A_1491 = vector.extract %slice3A_1490[0] : f32 from vector<1xf32>
    %broadcast_in_dim3A_1492 = vector.broadcast %squeeze3A_1491 : f32 to vector<16xf32>
    %swap3A_1493 = arith.constant 4336 : index
    %swap3A_1494 = tpu.vector_load %arg8[%swap3A_1493] {strides = array<i32>} : memref<4864xf32, #tpu.memory_space<vmem>>, vector<16xf32>,
    tpu.vector_store %arg8[%swap3A_1493], %broadcast_in_dim3A_1492 {strides = array<i32>} : memref<4864xf32, #tpu.memory_space<vmem>>, vector<16xf32>,
    %get3A_1495 = arith.constant 272 : index
    %get3A_1496 = tpu.vector_load %arg7[%get3A_1495] {strides = array<i32>} : memref<300xf32, #tpu.memory_space<vmem>>, vector<16xf32>,
    %mul3A_1497 = arith.constant 6.553700e+04 : f32
    %mul3A_1498 = vector.broadcast %mul3A_1497 : f32 to vector<16xf32>
    %mul3A_1499 = arith.mulf %get3A_1496, %mul3A_1498 : vector<16xf32>
    %sub3A_1500 = arith.subf %mul3A_1499, %get3A_1496 : vector<16xf32>
    %sub3A_1501 = arith.subf %mul3A_1499, %sub3A_1500 : vector<16xf32>
    %slice3A_1502 = vector.extract_strided_slice %sub3A_1501 {offsets = [0], sizes = [1], strides = [1]} : vector<16xf32> to vector<1xf32>
    %squeeze3A_1503 = vector.extract %slice3A_1502[0] : f32 from vector<1xf32>
    %broadcast_in_dim3A_1504 = vector.broadcast %squeeze3A_1503 : f32 to vector<16xf32>
    %swap3A_1505 = arith.constant 4352 : index
    %swap3A_1506 = tpu.vector_load %arg8[%swap3A_1505] {strides = array<i32>} : memref<4864xf32, #tpu.memory_space<vmem>>, vector<16xf32>,
    tpu.vector_store %arg8[%swap3A_1505], %broadcast_in_dim3A_1504 {strides = array<i32>} : memref<4864xf32, #tpu.memory_space<vmem>>, vector<16xf32>,
    %slice3A_1507 = vector.extract_strided_slice %sub3A_1501 {offsets = [1], sizes = [1], strides = [1]} : vector<16xf32> to vector<1xf32>
    %squeeze3A_1508 = vector.extract %slice3A_1507[0] : f32 from vector<1xf32>
    %broadcast_in_dim3A_1509 = vector.broadcast %squeeze3A_1508 : f32 to vector<16xf32>
    %swap3A_1510 = arith.constant 4368 : index
    %swap3A_1511 = tpu.vector_load %arg8[%swap3A_1510] {strides = array<i32>} : memref<4864xf32, #tpu.memory_space<vmem>>, vector<16xf32>,
    tpu.vector_store %arg8[%swap3A_1510], %broadcast_in_dim3A_1509 {strides = array<i32>} : memref<4864xf32, #tpu.memory_space<vmem>>, vector<16xf32>,
    %slice3A_1512 = vector.extract_strided_slice %sub3A_1501 {offsets = [2], sizes = [1], strides = [1]} : vector<16xf32> to vector<1xf32>
    %squeeze3A_1513 = vector.extract %slice3A_1512[0] : f32 from vector<1xf32>
    %broadcast_in_dim3A_1514 = vector.broadcast %squeeze3A_1513 : f32 to vector<16xf32>
    %swap3A_1515 = arith.constant 4384 : index
    %swap3A_1516 = tpu.vector_load %arg8[%swap3A_1515] {strides = array<i32>} : memref<4864xf32, #tpu.memory_space<vmem>>, vector<16xf32>,
    tpu.vector_store %arg8[%swap3A_1515], %broadcast_in_dim3A_1514 {strides = array<i32>} : memref<4864xf32, #tpu.memory_space<vmem>>, vector<16xf32>,
    %slice3A_1517 = vector.extract_strided_slice %sub3A_1501 {offsets = [3], sizes = [1], strides = [1]} : vector<16xf32> to vector<1xf32>
    %squeeze3A_1518 = vector.extract %slice3A_1517[0] : f32 from vector<1xf32>
    %broadcast_in_dim3A_1519 = vector.broadcast %squeeze3A_1518 : f32 to vector<16xf32>
    %swap3A_1520 = arith.constant 4400 : index
    %swap3A_1521 = tpu.vector_load %arg8[%swap3A_1520] {strides = array<i32>} : memref<4864xf32, #tpu.memory_space<vmem>>, vector<16xf32>,
    tpu.vector_store %arg8[%swap3A_1520], %broadcast_in_dim3A_1519 {strides = array<i32>} : memref<4864xf32, #tpu.memory_space<vmem>>, vector<16xf32>,
    %slice3A_1522 = vector.extract_strided_slice %sub3A_1501 {offsets = [4], sizes = [1], strides = [1]} : vector<16xf32> to vector<1xf32>
    %squeeze3A_1523 = vector.extract %slice3A_1522[0] : f32 from vector<1xf32>
    %broadcast_in_dim3A_1524 = vector.broadcast %squeeze3A_1523 : f32 to vector<16xf32>
    %swap3A_1525 = arith.constant 4416 : index
    %swap3A_1526 = tpu.vector_load %arg8[%swap3A_1525] {strides = array<i32>} : memref<4864xf32, #tpu.memory_space<vmem>>, vector<16xf32>,
    tpu.vector_store %arg8[%swap3A_1525], %broadcast_in_dim3A_1524 {strides = array<i32>} : memref<4864xf32, #tpu.memory_space<vmem>>, vector<16xf32>,
    %slice3A_1527 = vector.extract_strided_slice %sub3A_1501 {offsets = [5], sizes = [1], strides = [1]} : vector<16xf32> to vector<1xf32>
    %squeeze3A_1528 = vector.extract %slice3A_1527[0] : f32 from vector<1xf32>
    %broadcast_in_dim3A_1529 = vector.broadcast %squeeze3A_1528 : f32 to vector<16xf32>
    %swap3A_1530 = arith.constant 4432 : index
    %swap3A_1531 = tpu.vector_load %arg8[%swap3A_1530] {strides = array<i32>} : memref<4864xf32, #tpu.memory_space<vmem>>, vector<16xf32>,
    tpu.vector_store %arg8[%swap3A_1530], %broadcast_in_dim3A_1529 {strides = array<i32>} : memref<4864xf32, #tpu.memory_space<vmem>>, vector<16xf32>,
    %slice3A_1532 = vector.extract_strided_slice %sub3A_1501 {offsets = [6], sizes = [1], strides = [1]} : vector<16xf32> to vector<1xf32>
    %squeeze3A_1533 = vector.extract %slice3A_1532[0] : f32 from vector<1xf32>
    %broadcast_in_dim3A_1534 = vector.broadcast %squeeze3A_1533 : f32 to vector<16xf32>
    %swap3A_1535 = arith.constant 4448 : index
    %swap3A_1536 = tpu.vector_load %arg8[%swap3A_1535] {strides = array<i32>} : memref<4864xf32, #tpu.memory_space<vmem>>, vector<16xf32>,
    tpu.vector_store %arg8[%swap3A_1535], %broadcast_in_dim3A_1534 {strides = array<i32>} : memref<4864xf32, #tpu.memory_space<vmem>>, vector<16xf32>,
    %slice3A_1537 = vector.extract_strided_slice %sub3A_1501 {offsets = [7], sizes = [1], strides = [1]} : vector<16xf32> to vector<1xf32>
    %squeeze3A_1538 = vector.extract %slice3A_1537[0] : f32 from vector<1xf32>
    %broadcast_in_dim3A_1539 = vector.broadcast %squeeze3A_1538 : f32 to vector<16xf32>
    %swap3A_1540 = arith.constant 4464 : index
    %swap3A_1541 = tpu.vector_load %arg8[%swap3A_1540] {strides = array<i32>} : memref<4864xf32, #tpu.memory_space<vmem>>, vector<16xf32>,
    tpu.vector_store %arg8[%swap3A_1540], %broadcast_in_dim3A_1539 {strides = array<i32>} : memref<4864xf32, #tpu.memory_space<vmem>>, vector<16xf32>,
    %slice3A_1542 = vector.extract_strided_slice %sub3A_1501 {offsets = [8], sizes = [1], strides = [1]} : vector<16xf32> to vector<1xf32>
    %squeeze3A_1543 = vector.extract %slice3A_1542[0] : f32 from vector<1xf32>
    %broadcast_in_dim3A_1544 = vector.broadcast %squeeze3A_1543 : f32 to vector<16xf32>
    %swap3A_1545 = arith.constant 4480 : index
    %swap3A_1546 = tpu.vector_load %arg8[%swap3A_1545] {strides = array<i32>} : memref<4864xf32, #tpu.memory_space<vmem>>, vector<16xf32>,
    tpu.vector_store %arg8[%swap3A_1545], %broadcast_in_dim3A_1544 {strides = array<i32>} : memref<4864xf32, #tpu.memory_space<vmem>>, vector<16xf32>,
    %slice3A_1547 = vector.extract_strided_slice %sub3A_1501 {offsets = [9], sizes = [1], strides = [1]} : vector<16xf32> to vector<1xf32>
    %squeeze3A_1548 = vector.extract %slice3A_1547[0] : f32 from vector<1xf32>
    %broadcast_in_dim3A_1549 = vector.broadcast %squeeze3A_1548 : f32 to vector<16xf32>
    %swap3A_1550 = arith.constant 4496 : index
    %swap3A_1551 = tpu.vector_load %arg8[%swap3A_1550] {strides = array<i32>} : memref<4864xf32, #tpu.memory_space<vmem>>, vector<16xf32>,
    tpu.vector_store %arg8[%swap3A_1550], %broadcast_in_dim3A_1549 {strides = array<i32>} : memref<4864xf32, #tpu.memory_space<vmem>>, vector<16xf32>,
    %slice3A_1552 = vector.extract_strided_slice %sub3A_1501 {offsets = [10], sizes = [1], strides = [1]} : vector<16xf32> to vector<1xf32>
    %squeeze3A_1553 = vector.extract %slice3A_1552[0] : f32 from vector<1xf32>
    %broadcast_in_dim3A_1554 = vector.broadcast %squeeze3A_1553 : f32 to vector<16xf32>
    %swap3A_1555 = arith.constant 4512 : index
    %swap3A_1556 = tpu.vector_load %arg8[%swap3A_1555] {strides = array<i32>} : memref<4864xf32, #tpu.memory_space<vmem>>, vector<16xf32>,
    tpu.vector_store %arg8[%swap3A_1555], %broadcast_in_dim3A_1554 {strides = array<i32>} : memref<4864xf32, #tpu.memory_space<vmem>>, vector<16xf32>,
    %slice3A_1557 = vector.extract_strided_slice %sub3A_1501 {offsets = [11], sizes = [1], strides = [1]} : vector<16xf32> to vector<1xf32>
    %squeeze3A_1558 = vector.extract %slice3A_1557[0] : f32 from vector<1xf32>
    %broadcast_in_dim3A_1559 = vector.broadcast %squeeze3A_1558 : f32 to vector<16xf32>
    %swap3A_1560 = arith.constant 4528 : index
    %swap3A_1561 = tpu.vector_load %arg8[%swap3A_1560] {strides = array<i32>} : memref<4864xf32, #tpu.memory_space<vmem>>, vector<16xf32>,
    tpu.vector_store %arg8[%swap3A_1560], %broadcast_in_dim3A_1559 {strides = array<i32>} : memref<4864xf32, #tpu.memory_space<vmem>>, vector<16xf32>,
    %slice3A_1562 = vector.extract_strided_slice %sub3A_1501 {offsets = [12], sizes = [1], strides = [1]} : vector<16xf32> to vector<1xf32>
    %squeeze3A_1563 = vector.extract %slice3A_1562[0] : f32 from vector<1xf32>
    %broadcast_in_dim3A_1564 = vector.broadcast %squeeze3A_1563 : f32 to vector<16xf32>
    %swap3A_1565 = arith.constant 4544 : index
    %swap3A_1566 = tpu.vector_load %arg8[%swap3A_1565] {strides = array<i32>} : memref<4864xf32, #tpu.memory_space<vmem>>, vector<16xf32>,
    tpu.vector_store %arg8[%swap3A_1565], %broadcast_in_dim3A_1564 {strides = array<i32>} : memref<4864xf32, #tpu.memory_space<vmem>>, vector<16xf32>,
    %slice3A_1567 = vector.extract_strided_slice %sub3A_1501 {offsets = [13], sizes = [1], strides = [1]} : vector<16xf32> to vector<1xf32>
    %squeeze3A_1568 = vector.extract %slice3A_1567[0] : f32 from vector<1xf32>
    %broadcast_in_dim3A_1569 = vector.broadcast %squeeze3A_1568 : f32 to vector<16xf32>
    %swap3A_1570 = arith.constant 4560 : index
    %swap3A_1571 = tpu.vector_load %arg8[%swap3A_1570] {strides = array<i32>} : memref<4864xf32, #tpu.memory_space<vmem>>, vector<16xf32>,
    tpu.vector_store %arg8[%swap3A_1570], %broadcast_in_dim3A_1569 {strides = array<i32>} : memref<4864xf32, #tpu.memory_space<vmem>>, vector<16xf32>,
    %slice3A_1572 = vector.extract_strided_slice %sub3A_1501 {offsets = [14], sizes = [1], strides = [1]} : vector<16xf32> to vector<1xf32>
    %squeeze3A_1573 = vector.extract %slice3A_1572[0] : f32 from vector<1xf32>
    %broadcast_in_dim3A_1574 = vector.broadcast %squeeze3A_1573 : f32 to vector<16xf32>
    %swap3A_1575 = arith.constant 4576 : index
    %swap3A_1576 = tpu.vector_load %arg8[%swap3A_1575] {strides = array<i32>} : memref<4864xf32, #tpu.memory_space<vmem>>, vector<16xf32>,
    tpu.vector_store %arg8[%swap3A_1575], %broadcast_in_dim3A_1574 {strides = array<i32>} : memref<4864xf32, #tpu.memory_space<vmem>>, vector<16xf32>,
    %slice3A_1577 = vector.extract_strided_slice %sub3A_1501 {offsets = [15], sizes = [1], strides = [1]} : vector<16xf32> to vector<1xf32>
    %squeeze3A_1578 = vector.extract %slice3A_1577[0] : f32 from vector<1xf32>
    %broadcast_in_dim3A_1579 = vector.broadcast %squeeze3A_1578 : f32 to vector<16xf32>
    %swap3A_1580 = arith.constant 4592 : index
    %swap3A_1581 = tpu.vector_load %arg8[%swap3A_1580] {strides = array<i32>} : memref<4864xf32, #tpu.memory_space<vmem>>, vector<16xf32>,
    tpu.vector_store %arg8[%swap3A_1580], %broadcast_in_dim3A_1579 {strides = array<i32>} : memref<4864xf32, #tpu.memory_space<vmem>>, vector<16xf32>,
    %get3A_1582 = arith.constant 284 : index
    %get3A_1583 = tpu.vector_load %arg7[%get3A_1582] {strides = array<i32>} : memref<300xf32, #tpu.memory_space<vmem>>, vector<16xf32>,
    %mul3A_1584 = arith.constant 6.553700e+04 : f32
    %mul3A_1585 = vector.broadcast %mul3A_1584 : f32 to vector<16xf32>
    %mul3A_1586 = arith.mulf %get3A_1583, %mul3A_1585 : vector<16xf32>
    %sub3A_1587 = arith.subf %mul3A_1586, %get3A_1583 : vector<16xf32>
    %sub3A_1588 = arith.subf %mul3A_1586, %sub3A_1587 : vector<16xf32>
    %slice3A_1589 = vector.extract_strided_slice %sub3A_1588 {offsets = [0], sizes = [1], strides = [1]} : vector<16xf32> to vector<1xf32>
    %squeeze3A_1590 = vector.extract %slice3A_1589[0] : f32 from vector<1xf32>
    %broadcast_in_dim3A_1591 = vector.broadcast %squeeze3A_1590 : f32 to vector<16xf32>
    %swap3A_1592 = arith.constant 4544 : index
    %swap3A_1593 = tpu.vector_load %arg8[%swap3A_1592] {strides = array<i32>} : memref<4864xf32, #tpu.memory_space<vmem>>, vector<16xf32>,
    tpu.vector_store %arg8[%swap3A_1592], %broadcast_in_dim3A_1591 {strides = array<i32>} : memref<4864xf32, #tpu.memory_space<vmem>>, vector<16xf32>,
    %slice3A_1594 = vector.extract_strided_slice %sub3A_1588 {offsets = [1], sizes = [1], strides = [1]} : vector<16xf32> to vector<1xf32>
    %squeeze3A_1595 = vector.extract %slice3A_1594[0] : f32 from vector<1xf32>
    %broadcast_in_dim3A_1596 = vector.broadcast %squeeze3A_1595 : f32 to vector<16xf32>
    %swap3A_1597 = arith.constant 4560 : index
    %swap3A_1598 = tpu.vector_load %arg8[%swap3A_1597] {strides = array<i32>} : memref<4864xf32, #tpu.memory_space<vmem>>, vector<16xf32>,
    tpu.vector_store %arg8[%swap3A_1597], %broadcast_in_dim3A_1596 {strides = array<i32>} : memref<4864xf32, #tpu.memory_space<vmem>>, vector<16xf32>,
    %slice3A_1599 = vector.extract_strided_slice %sub3A_1588 {offsets = [2], sizes = [1], strides = [1]} : vector<16xf32> to vector<1xf32>
    %squeeze3A_1600 = vector.extract %slice3A_1599[0] : f32 from vector<1xf32>
    %broadcast_in_dim3A_1601 = vector.broadcast %squeeze3A_1600 : f32 to vector<16xf32>
    %swap3A_1602 = arith.constant 4576 : index
    %swap3A_1603 = tpu.vector_load %arg8[%swap3A_1602] {strides = array<i32>} : memref<4864xf32, #tpu.memory_space<vmem>>, vector<16xf32>,
    tpu.vector_store %arg8[%swap3A_1602], %broadcast_in_dim3A_1601 {strides = array<i32>} : memref<4864xf32, #tpu.memory_space<vmem>>, vector<16xf32>,
    %slice3A_1604 = vector.extract_strided_slice %sub3A_1588 {offsets = [3], sizes = [1], strides = [1]} : vector<16xf32> to vector<1xf32>
    %squeeze3A_1605 = vector.extract %slice3A_1604[0] : f32 from vector<1xf32>
    %broadcast_in_dim3A_1606 = vector.broadcast %squeeze3A_1605 : f32 to vector<16xf32>
    %swap3A_1607 = arith.constant 4592 : index
    %swap3A_1608 = tpu.vector_load %arg8[%swap3A_1607] {strides = array<i32>} : memref<4864xf32, #tpu.memory_space<vmem>>, vector<16xf32>,
    tpu.vector_store %arg8[%swap3A_1607], %broadcast_in_dim3A_1606 {strides = array<i32>} : memref<4864xf32, #tpu.memory_space<vmem>>, vector<16xf32>,
    %slice3A_1609 = vector.extract_strided_slice %sub3A_1588 {offsets = [4], sizes = [1], strides = [1]} : vector<16xf32> to vector<1xf32>
    %squeeze3A_1610 = vector.extract %slice3A_1609[0] : f32 from vector<1xf32>
    %broadcast_in_dim3A_1611 = vector.broadcast %squeeze3A_1610 : f32 to vector<16xf32>
    %swap3A_1612 = arith.constant 4608 : index
    %swap3A_1613 = tpu.vector_load %arg8[%swap3A_1612] {strides = array<i32>} : memref<4864xf32, #tpu.memory_space<vmem>>, vector<16xf32>,
    tpu.vector_store %arg8[%swap3A_1612], %broadcast_in_dim3A_1611 {strides = array<i32>} : memref<4864xf32, #tpu.memory_space<vmem>>, vector<16xf32>,
    %slice3A_1614 = vector.extract_strided_slice %sub3A_1588 {offsets = [5], sizes = [1], strides = [1]} : vector<16xf32> to vector<1xf32>
    %squeeze3A_1615 = vector.extract %slice3A_1614[0] : f32 from vector<1xf32>
    %broadcast_in_dim3A_1616 = vector.broadcast %squeeze3A_1615 : f32 to vector<16xf32>
    %swap3A_1617 = arith.constant 4624 : index
    %swap3A_1618 = tpu.vector_load %arg8[%swap3A_1617] {strides = array<i32>} : memref<4864xf32, #tpu.memory_space<vmem>>, vector<16xf32>,
    tpu.vector_store %arg8[%swap3A_1617], %broadcast_in_dim3A_1616 {strides = array<i32>} : memref<4864xf32, #tpu.memory_space<vmem>>, vector<16xf32>,
    %slice3A_1619 = vector.extract_strided_slice %sub3A_1588 {offsets = [6], sizes = [1], strides = [1]} : vector<16xf32> to vector<1xf32>
    %squeeze3A_1620 = vector.extract %slice3A_1619[0] : f32 from vector<1xf32>
    %broadcast_in_dim3A_1621 = vector.broadcast %squeeze3A_1620 : f32 to vector<16xf32>
    %swap3A_1622 = arith.constant 4640 : index
    %swap3A_1623 = tpu.vector_load %arg8[%swap3A_1622] {strides = array<i32>} : memref<4864xf32, #tpu.memory_space<vmem>>, vector<16xf32>,
    tpu.vector_store %arg8[%swap3A_1622], %broadcast_in_dim3A_1621 {strides = array<i32>} : memref<4864xf32, #tpu.memory_space<vmem>>, vector<16xf32>,
    %slice3A_1624 = vector.extract_strided_slice %sub3A_1588 {offsets = [7], sizes = [1], strides = [1]} : vector<16xf32> to vector<1xf32>
    %squeeze3A_1625 = vector.extract %slice3A_1624[0] : f32 from vector<1xf32>
    %broadcast_in_dim3A_1626 = vector.broadcast %squeeze3A_1625 : f32 to vector<16xf32>
    %swap3A_1627 = arith.constant 4656 : index
    %swap3A_1628 = tpu.vector_load %arg8[%swap3A_1627] {strides = array<i32>} : memref<4864xf32, #tpu.memory_space<vmem>>, vector<16xf32>,
    tpu.vector_store %arg8[%swap3A_1627], %broadcast_in_dim3A_1626 {strides = array<i32>} : memref<4864xf32, #tpu.memory_space<vmem>>, vector<16xf32>,
    %slice3A_1629 = vector.extract_strided_slice %sub3A_1588 {offsets = [8], sizes = [1], strides = [1]} : vector<16xf32> to vector<1xf32>
    %squeeze3A_1630 = vector.extract %slice3A_1629[0] : f32 from vector<1xf32>
    %broadcast_in_dim3A_1631 = vector.broadcast %squeeze3A_1630 : f32 to vector<16xf32>
    %swap3A_1632 = arith.constant 4672 : index
    %swap3A_1633 = tpu.vector_load %arg8[%swap3A_1632] {strides = array<i32>} : memref<4864xf32, #tpu.memory_space<vmem>>, vector<16xf32>,
    tpu.vector_store %arg8[%swap3A_1632], %broadcast_in_dim3A_1631 {strides = array<i32>} : memref<4864xf32, #tpu.memory_space<vmem>>, vector<16xf32>,
    %slice3A_1634 = vector.extract_strided_slice %sub3A_1588 {offsets = [9], sizes = [1], strides = [1]} : vector<16xf32> to vector<1xf32>
    %squeeze3A_1635 = vector.extract %slice3A_1634[0] : f32 from vector<1xf32>
    %broadcast_in_dim3A_1636 = vector.broadcast %squeeze3A_1635 : f32 to vector<16xf32>
    %swap3A_1637 = arith.constant 4688 : index
    %swap3A_1638 = tpu.vector_load %arg8[%swap3A_1637] {strides = array<i32>} : memref<4864xf32, #tpu.memory_space<vmem>>, vector<16xf32>,
    tpu.vector_store %arg8[%swap3A_1637], %broadcast_in_dim3A_1636 {strides = array<i32>} : memref<4864xf32, #tpu.memory_space<vmem>>, vector<16xf32>,
    %slice3A_1639 = vector.extract_strided_slice %sub3A_1588 {offsets = [10], sizes = [1], strides = [1]} : vector<16xf32> to vector<1xf32>
    %squeeze3A_1640 = vector.extract %slice3A_1639[0] : f32 from vector<1xf32>
    %broadcast_in_dim3A_1641 = vector.broadcast %squeeze3A_1640 : f32 to vector<16xf32>
    %swap3A_1642 = arith.constant 4704 : index
    %swap3A_1643 = tpu.vector_load %arg8[%swap3A_1642] {strides = array<i32>} : memref<4864xf32, #tpu.memory_space<vmem>>, vector<16xf32>,
    tpu.vector_store %arg8[%swap3A_1642], %broadcast_in_dim3A_1641 {strides = array<i32>} : memref<4864xf32, #tpu.memory_space<vmem>>, vector<16xf32>,
    %slice3A_1644 = vector.extract_strided_slice %sub3A_1588 {offsets = [11], sizes = [1], strides = [1]} : vector<16xf32> to vector<1xf32>
    %squeeze3A_1645 = vector.extract %slice3A_1644[0] : f32 from vector<1xf32>
    %broadcast_in_dim3A_1646 = vector.broadcast %squeeze3A_1645 : f32 to vector<16xf32>
    %swap3A_1647 = arith.constant 4720 : index
    %swap3A_1648 = tpu.vector_load %arg8[%swap3A_1647] {strides = array<i32>} : memref<4864xf32, #tpu.memory_space<vmem>>, vector<16xf32>,
    tpu.vector_store %arg8[%swap3A_1647], %broadcast_in_dim3A_1646 {strides = array<i32>} : memref<4864xf32, #tpu.memory_space<vmem>>, vector<16xf32>,
    %slice3A_1649 = vector.extract_strided_slice %sub3A_1588 {offsets = [12], sizes = [1], strides = [1]} : vector<16xf32> to vector<1xf32>
    %squeeze3A_1650 = vector.extract %slice3A_1649[0] : f32 from vector<1xf32>
    %broadcast_in_dim3A_1651 = vector.broadcast %squeeze3A_1650 : f32 to vector<16xf32>
    %swap3A_1652 = arith.constant 4736 : index
    %swap3A_1653 = tpu.vector_load %arg8[%swap3A_1652] {strides = array<i32>} : memref<4864xf32, #tpu.memory_space<vmem>>, vector<16xf32>,
    tpu.vector_store %arg8[%swap3A_1652], %broadcast_in_dim3A_1651 {strides = array<i32>} : memref<4864xf32, #tpu.memory_space<vmem>>, vector<16xf32>,
    %slice3A_1654 = vector.extract_strided_slice %sub3A_1588 {offsets = [13], sizes = [1], strides = [1]} : vector<16xf32> to vector<1xf32>
    %squeeze3A_1655 = vector.extract %slice3A_1654[0] : f32 from vector<1xf32>
    %broadcast_in_dim3A_1656 = vector.broadcast %squeeze3A_1655 : f32 to vector<16xf32>
    %swap3A_1657 = arith.constant 4752 : index
    %swap3A_1658 = tpu.vector_load %arg8[%swap3A_1657] {strides = array<i32>} : memref<4864xf32, #tpu.memory_space<vmem>>, vector<16xf32>,
    tpu.vector_store %arg8[%swap3A_1657], %broadcast_in_dim3A_1656 {strides = array<i32>} : memref<4864xf32, #tpu.memory_space<vmem>>, vector<16xf32>,
    %slice3A_1659 = vector.extract_strided_slice %sub3A_1588 {offsets = [14], sizes = [1], strides = [1]} : vector<16xf32> to vector<1xf32>
    %squeeze3A_1660 = vector.extract %slice3A_1659[0] : f32 from vector<1xf32>
    %broadcast_in_dim3A_1661 = vector.broadcast %squeeze3A_1660 : f32 to vector<16xf32>
    %swap3A_1662 = arith.constant 4768 : index
    %swap3A_1663 = tpu.vector_load %arg8[%swap3A_1662] {strides = array<i32>} : memref<4864xf32, #tpu.memory_space<vmem>>, vector<16xf32>,
    tpu.vector_store %arg8[%swap3A_1662], %broadcast_in_dim3A_1661 {strides = array<i32>} : memref<4864xf32, #tpu.memory_space<vmem>>, vector<16xf32>,
    %slice3A_1664 = vector.extract_strided_slice %sub3A_1588 {offsets = [15], sizes = [1], strides = [1]} : vector<16xf32> to vector<1xf32>
    %squeeze3A_1665 = vector.extract %slice3A_1664[0] : f32 from vector<1xf32>
    %broadcast_in_dim3A_1666 = vector.broadcast %squeeze3A_1665 : f32 to vector<16xf32>
    %swap3A_1667 = arith.constant 4784 : index
    %swap3A_1668 = tpu.vector_load %arg8[%swap3A_1667] {strides = array<i32>} : memref<4864xf32, #tpu.memory_space<vmem>>, vector<16xf32>,
    tpu.vector_store %arg8[%swap3A_1667], %broadcast_in_dim3A_1666 {strides = array<i32>} : memref<4864xf32, #tpu.memory_space<vmem>>, vector<16xf32>,
    %broadcast_in_dim3A_1669 = arith.constant 0.000000e+00 : f32
    %broadcast_in_dim3A_1670 = vector.broadcast %broadcast_in_dim3A_1669 : f32 to vector<16xf32>
    %swap3A_1671 = arith.constant 4800 : index
    %swap3A_1672 = tpu.vector_load %arg8[%swap3A_1671] {strides = array<i32>} : memref<4864xf32, #tpu.memory_space<vmem>>, vector<16xf32>,
    tpu.vector_store %arg8[%swap3A_1671], %broadcast_in_dim3A_1670 {strides = array<i32>} : memref<4864xf32, #tpu.memory_space<vmem>>, vector<16xf32>,
    %broadcast_in_dim3A_1673 = arith.constant 0.000000e+00 : f32
    %broadcast_in_dim3A_1674 = vector.broadcast %broadcast_in_dim3A_1673 : f32 to vector<16xf32>
    %swap3A_1675 = arith.constant 4816 : index
    %swap3A_1676 = tpu.vector_load %arg8[%swap3A_1675] {strides = array<i32>} : memref<4864xf32, #tpu.memory_space<vmem>>, vector<16xf32>,
    tpu.vector_store %arg8[%swap3A_1675], %broadcast_in_dim3A_1674 {strides = array<i32>} : memref<4864xf32, #tpu.memory_space<vmem>>, vector<16xf32>,
    %broadcast_in_dim3A_1677 = arith.constant 0.000000e+00 : f32
    %broadcast_in_dim3A_1678 = vector.broadcast %broadcast_in_dim3A_1677 : f32 to vector<16xf32>
    %swap3A_1679 = arith.constant 4832 : index
    %swap3A_1680 = tpu.vector_load %arg8[%swap3A_1679] {strides = array<i32>} : memref<4864xf32, #tpu.memory_space<vmem>>, vector<16xf32>,
    tpu.vector_store %arg8[%swap3A_1679], %broadcast_in_dim3A_1678 {strides = array<i32>} : memref<4864xf32, #tpu.memory_space<vmem>>, vector<16xf32>,
    %broadcast_in_dim3A_1681 = arith.constant 0.000000e+00 : f32
    %broadcast_in_dim3A_1682 = vector.broadcast %broadcast_in_dim3A_1681 : f32 to vector<16xf32>
    %swap3A_1683 = arith.constant 4848 : index
    %swap3A_1684 = tpu.vector_load %arg8[%swap3A_1683] {strides = array<i32>} : memref<4864xf32, #tpu.memory_space<vmem>>, vector<16xf32>,
    tpu.vector_store %arg8[%swap3A_1683], %broadcast_in_dim3A_1682 {strides = array<i32>} : memref<4864xf32, #tpu.memory_space<vmem>>, vector<16xf32>,
    %add3A_1685 = arith.constant 0 : i32
    %add3A_1686 = arith.addi %add3A, %add3A_1685 : i32
    %mul3A_1687 = arith.constant 128 : i32
    %mul3A_1688 = arith.muli %add3A_1686, %mul3A_1687 : i32
    %add3A_1689 = arith.constant 245760 : i32
    %add3A_1690 = arith.addi %add3A_1689, %mul3A_1688 : i32
    %dma_start3A = arith.constant 0 : i32
    %dma_start3A_1691 = arith.constant 0 : i32
    %dma_start3A_1692 = arith.constant 0 : i32
    %dma_start3A_1693 = arith.constant 0 : i32
    %dma_start3A_1694 = tpu.memref_slice %arg9[%dma_start3A, %dma_start3A_1692, %dma_start3A_1693] : memref<2x304x128xf32, #tpu.memory_space<vmem>> -> memref<1x296x128xf32, #tpu.memory_space<vmem>>
    %dma_start3A_1695 = tpu.memref_squeeze %dma_start3A_1694 : memref<1x296x128xf32, #tpu.memory_space<vmem>> -> memref<296x128xf32, #tpu.memory_space<vmem>>
    %dma_start3A_1696 = arith.constant 0 : i32
    %dma_start3A_1697 = tpu.memref_slice %arg3[%dma_start3A_1696, %add3A_1690] : memref<300x400000xf32, #tpu.memory_space<hbm>> -> memref<296x128xf32, #tpu.memory_space<hbm>>
    %dma_start3A_1698 = tpu.memref_slice %arg12[%dma_start3A_1691] : memref<2x!tpu.dma_semaphore, #tpu.memory_space<semaphore_mem>> -> memref<1x!tpu.dma_semaphore, #tpu.memory_space<semaphore_mem>>
    %dma_start3A_1699 = tpu.memref_squeeze %dma_start3A_1698 : memref<1x!tpu.dma_semaphore, #tpu.memory_space<semaphore_mem>> -> memref<!tpu.dma_semaphore, #tpu.memory_space<semaphore_mem>>
    %dma_start3A_1700 = arith.constant 0 : i32
    %dma_start3A_1701 = arith.constant 0 : i32
    %dma_start3A_1702 = tpu.memref_slice %arg9[%dma_start3A, %dma_start3A_1700, %dma_start3A_1701] : memref<2x304x128xf32, #tpu.memory_space<vmem>> -> memref<1x296x128xf32, #tpu.memory_space<vmem>>
    %dma_start3A_1703 = tpu.memref_squeeze %dma_start3A_1702 : memref<1x296x128xf32, #tpu.memory_space<vmem>> -> memref<296x128xf32, #tpu.memory_space<vmem>>
    %dma_start3A_1704 = arith.constant 0 : i32
    %dma_start3A_1705 = tpu.memref_slice %arg3[%dma_start3A_1704, %add3A_1690] : memref<300x400000xf32, #tpu.memory_space<hbm>> -> memref<296x128xf32, #tpu.memory_space<hbm>>
    tpu.enqueue_dma source(%dma_start3A_1705 : memref<296x128xf32, #tpu.memory_space<hbm>>) target(%dma_start3A_1703 : memref<296x128xf32, #tpu.memory_space<vmem>>) target_semaphore(%dma_start3A_1699 : memref<!tpu.dma_semaphore, #tpu.memory_space<semaphore_mem>>)
    %add3A_1706 = arith.constant 0 : i32
    %add3A_1707 = arith.addi %add3A, %add3A_1706 : i32
    %mul3A_1708 = arith.constant 128 : i32
    %mul3A_1709 = arith.muli %add3A_1707, %mul3A_1708 : i32
    %add3A_1710 = arith.constant 245760 : i32
    %add3A_1711 = arith.addi %add3A_1710, %mul3A_1709 : i32
    %dma_start3A_1712 = arith.constant 0 : i32
    %dma_start3A_1713 = arith.constant 0 : i32
    %dma_start3A_1714 = arith.constant 296 : i32
    %dma_start3A_1715 = arith.constant 0 : i32
    %dma_start3A_1716 = tpu.memref_slice %arg9[%dma_start3A_1712, %dma_start3A_1714, %dma_start3A_1715] : memref<2x304x128xf32, #tpu.memory_space<vmem>> -> memref<1x8x128xf32, #tpu.memory_space<vmem>>
    %dma_start3A_1717 = tpu.memref_squeeze %dma_start3A_1716 : memref<1x8x128xf32, #tpu.memory_space<vmem>> -> memref<8x128xf32, #tpu.memory_space<vmem>>
    %dma_start3A_1718 = arith.constant 0 : i32
    %dma_start3A_1719 = tpu.memref_slice %arg4[%dma_start3A_1718, %add3A_1711] : memref<8x400000xf32, #tpu.memory_space<hbm>> -> memref<8x128xf32, #tpu.memory_space<hbm>>
    %dma_start3A_1720 = tpu.memref_slice %arg13[%dma_start3A_1713] : memref<2x!tpu.dma_semaphore, #tpu.memory_space<semaphore_mem>> -> memref<1x!tpu.dma_semaphore, #tpu.memory_space<semaphore_mem>>
    %dma_start3A_1721 = tpu.memref_squeeze %dma_start3A_1720 : memref<1x!tpu.dma_semaphore, #tpu.memory_space<semaphore_mem>> -> memref<!tpu.dma_semaphore, #tpu.memory_space<semaphore_mem>>
    %dma_start3A_1722 = arith.constant 296 : i32
    %dma_start3A_1723 = arith.constant 0 : i32
    %dma_start3A_1724 = tpu.memref_slice %arg9[%dma_start3A_1712, %dma_start3A_1722, %dma_start3A_1723] : memref<2x304x128xf32, #tpu.memory_space<vmem>> -> memref<1x8x128xf32, #tpu.memory_space<vmem>>
    %dma_start3A_1725 = tpu.memref_squeeze %dma_start3A_1724 : memref<1x8x128xf32, #tpu.memory_space<vmem>> -> memref<8x128xf32, #tpu.memory_space<vmem>>
    %dma_start3A_1726 = arith.constant 0 : i32
    %dma_start3A_1727 = tpu.memref_slice %arg4[%dma_start3A_1726, %add3A_1711] : memref<8x400000xf32, #tpu.memory_space<hbm>> -> memref<8x128xf32, #tpu.memory_space<hbm>>
    tpu.enqueue_dma source(%dma_start3A_1727 : memref<8x128xf32, #tpu.memory_space<hbm>>) target(%dma_start3A_1725 : memref<8x128xf32, #tpu.memory_space<vmem>>) target_semaphore(%dma_start3A_1721 : memref<!tpu.dma_semaphore, #tpu.memory_space<semaphore_mem>>)
    %while3A = arith.constant 0 : i32
    %while3A_1728 = arith.constant 0 : i32
    %while3A_1729 = arith.subi %add3A_20, %while3A_1728 : i32
    %while3A_1730 = arith.addi %while3A_1728, %while3A_1729 : i32
    %while3A_1731 = arith.constant 1 : i32
    %while3A_1732 = arith.divsi %while3A_1729, %while3A_1731 : i32
    %while3A_1733 = arith.muli %while3A_1732, %while3A_1731 : i32
    %while3A_1734 = arith.addi %while3A_1728, %while3A_1733 : i32
    %while3A_1735 = arith.constant 1 : i32
    scf.for %while3A_1737 = %while3A_1728 to %while3A_1734 step %while3A_1735  : i32 {
      %rem3A_1738 = arith.constant 2 : i32
      %rem3A_1739 = arith.remsi %while3A_1737, %rem3A_1738 : i32
      %mul3A_1740 = arith.constant 32 : i32
      %mul3A_1741 = arith.muli %mul3A_1740, %while3A_1737 : i32
      %add3A_1742 = arith.addi %add3A, %mul3A_1741 : i32
      %mul3A_1743 = arith.constant 32 : i32
      %mul3A_1744 = arith.muli %mul3A_1743, %while3A_1737 : i32
      %add3A_1745 = arith.addi %add3A, %mul3A_1744 : i32
      %mul3A_1746 = arith.constant 128 : i32
      %mul3A_1747 = arith.muli %add3A_1745, %mul3A_1746 : i32
      %add3A_1748 = arith.constant 245760 : i32
      %add3A_1749 = arith.addi %add3A_1748, %mul3A_1747 : i32
      %dma_wait3A = arith.constant 0 : i32
      %dma_wait3A_1750 = arith.constant 0 : i32
      %dma_wait3A_1751 = tpu.memref_slice %arg9[%rem3A_1739, %dma_wait3A, %dma_wait3A_1750] : memref<2x304x128xf32, #tpu.memory_space<vmem>> -> memref<1x296x128xf32, #tpu.memory_space<vmem>>
      %dma_wait3A_1752 = tpu.memref_squeeze %dma_wait3A_1751 : memref<1x296x128xf32, #tpu.memory_space<vmem>> -> memref<296x128xf32, #tpu.memory_space<vmem>>
      %dma_wait3A_1753 = arith.constant 0 : i32
      %dma_wait3A_1754 = tpu.memref_slice %arg3[%dma_wait3A_1753, %add3A_1749] : memref<300x400000xf32, #tpu.memory_space<hbm>> -> memref<296x128xf32, #tpu.memory_space<hbm>>
      %dma_wait3A_1755 = tpu.memref_slice %arg12[%rem3A_1739] : memref<2x!tpu.dma_semaphore, #tpu.memory_space<semaphore_mem>> -> memref<1x!tpu.dma_semaphore, #tpu.memory_space<semaphore_mem>>
      %dma_wait3A_1756 = tpu.memref_squeeze %dma_wait3A_1755 : memref<1x!tpu.dma_semaphore, #tpu.memory_space<semaphore_mem>> -> memref<!tpu.dma_semaphore, #tpu.memory_space<semaphore_mem>>
      %dma_wait3A_1757 = arith.constant 0 : i32
      %dma_wait3A_1758 = arith.constant 0 : i32
      %dma_wait3A_1759 = tpu.memref_slice %arg9[%rem3A_1739, %dma_wait3A_1757, %dma_wait3A_1758] : memref<2x304x128xf32, #tpu.memory_space<vmem>> -> memref<1x296x128xf32, #tpu.memory_space<vmem>>
      %dma_wait3A_1760 = tpu.memref_squeeze %dma_wait3A_1759 : memref<1x296x128xf32, #tpu.memory_space<vmem>> -> memref<296x128xf32, #tpu.memory_space<vmem>>
      %dma_wait3A_1761 = arith.constant 0 : i32
      %dma_wait3A_1762 = tpu.memref_slice %arg3[%dma_wait3A_1761, %add3A_1749] : memref<300x400000xf32, #tpu.memory_space<hbm>> -> memref<296x128xf32, #tpu.memory_space<hbm>>
      tpu.wait_dma2 semaphore(%dma_wait3A_1756 : memref<!tpu.dma_semaphore, #tpu.memory_space<semaphore_mem>>) src(%dma_wait3A_1762 : memref<296x128xf32, #tpu.memory_space<hbm>>) dst(%dma_wait3A_1760 : memref<296x128xf32, #tpu.memory_space<vmem>>)
      %mul3A_1763 = arith.constant 32 : i32
      %mul3A_1764 = arith.muli %mul3A_1763, %while3A_1737 : i32
      %add3A_1765 = arith.addi %add3A, %mul3A_1764 : i32
      %mul3A_1766 = arith.constant 128 : i32
      %mul3A_1767 = arith.muli %add3A_1765, %mul3A_1766 : i32
      %add3A_1768 = arith.constant 245760 : i32
      %add3A_1769 = arith.addi %add3A_1768, %mul3A_1767 : i32
      %dma_wait3A_1770 = arith.constant 296 : i32
      %dma_wait3A_1771 = arith.constant 0 : i32
      %dma_wait3A_1772 = tpu.memref_slice %arg9[%rem3A_1739, %dma_wait3A_1770, %dma_wait3A_1771] : memref<2x304x128xf32, #tpu.memory_space<vmem>> -> memref<1x8x128xf32, #tpu.memory_space<vmem>>
      %dma_wait3A_1773 = tpu.memref_squeeze %dma_wait3A_1772 : memref<1x8x128xf32, #tpu.memory_space<vmem>> -> memref<8x128xf32, #tpu.memory_space<vmem>>
      %dma_wait3A_1774 = arith.constant 0 : i32
      %dma_wait3A_1775 = tpu.memref_slice %arg4[%dma_wait3A_1774, %add3A_1769] : memref<8x400000xf32, #tpu.memory_space<hbm>> -> memref<8x128xf32, #tpu.memory_space<hbm>>
      %dma_wait3A_1776 = tpu.memref_slice %arg13[%rem3A_1739] : memref<2x!tpu.dma_semaphore, #tpu.memory_space<semaphore_mem>> -> memref<1x!tpu.dma_semaphore, #tpu.memory_space<semaphore_mem>>
      %dma_wait3A_1777 = tpu.memref_squeeze %dma_wait3A_1776 : memref<1x!tpu.dma_semaphore, #tpu.memory_space<semaphore_mem>> -> memref<!tpu.dma_semaphore, #tpu.memory_space<semaphore_mem>>
      %dma_wait3A_1778 = arith.constant 296 : i32
      %dma_wait3A_1779 = arith.constant 0 : i32
      %dma_wait3A_1780 = tpu.memref_slice %arg9[%rem3A_1739, %dma_wait3A_1778, %dma_wait3A_1779] : memref<2x304x128xf32, #tpu.memory_space<vmem>> -> memref<1x8x128xf32, #tpu.memory_space<vmem>>
      %dma_wait3A_1781 = tpu.memref_squeeze %dma_wait3A_1780 : memref<1x8x128xf32, #tpu.memory_space<vmem>> -> memref<8x128xf32, #tpu.memory_space<vmem>>
      %dma_wait3A_1782 = arith.constant 0 : i32
      %dma_wait3A_1783 = tpu.memref_slice %arg4[%dma_wait3A_1782, %add3A_1769] : memref<8x400000xf32, #tpu.memory_space<hbm>> -> memref<8x128xf32, #tpu.memory_space<hbm>>
      tpu.wait_dma2 semaphore(%dma_wait3A_1777 : memref<!tpu.dma_semaphore, #tpu.memory_space<semaphore_mem>>) src(%dma_wait3A_1783 : memref<8x128xf32, #tpu.memory_space<hbm>>) dst(%dma_wait3A_1781 : memref<8x128xf32, #tpu.memory_space<vmem>>)
      %add3A_1784 = arith.constant 1 : i32
      %add3A_1785 = arith.addi %while3A_1737, %add3A_1784 : i32
      %lt3A = arith.cmpi slt, %add3A_1785, %add3A_20 : i32
      %convert_element_type3A = arith.extui %lt3A : i1 to i32
      %cond3A = arith.constant 0 : i32
      %cond3A_1786 = arith.cmpi ne, %convert_element_type3A, %cond3A : i32
      scf.if %cond3A_1786 {
        %add3A_1886 = arith.constant 1 : i32
        %add3A_1887 = arith.addi %while3A_1737, %add3A_1886 : i32
        %sub3A_1888 = arith.constant 1 : i32
        %sub3A_1889 = arith.subi %sub3A_1888, %rem3A_1739 : i32
        %mul3A_1890 = arith.constant 32 : i32
        %mul3A_1891 = arith.muli %mul3A_1890, %add3A_1887 : i32
        %add3A_1892 = arith.addi %add3A, %mul3A_1891 : i32
        %mul3A_1893 = arith.constant 128 : i32
        %mul3A_1894 = arith.muli %add3A_1892, %mul3A_1893 : i32
        %add3A_1895 = arith.constant 245760 : i32
        %add3A_1896 = arith.addi %add3A_1895, %mul3A_1894 : i32
        %dma_start3A_1897 = arith.constant 0 : i32
        %dma_start3A_1898 = arith.constant 0 : i32
        %dma_start3A_1899 = tpu.memref_slice %arg9[%sub3A_1889, %dma_start3A_1897, %dma_start3A_1898] : memref<2x304x128xf32, #tpu.memory_space<vmem>> -> memref<1x296x128xf32, #tpu.memory_space<vmem>>
        %dma_start3A_1900 = tpu.memref_squeeze %dma_start3A_1899 : memref<1x296x128xf32, #tpu.memory_space<vmem>> -> memref<296x128xf32, #tpu.memory_space<vmem>>
        %dma_start3A_1901 = arith.constant 0 : i32
        %dma_start3A_1902 = tpu.memref_slice %arg3[%dma_start3A_1901, %add3A_1896] : memref<300x400000xf32, #tpu.memory_space<hbm>> -> memref<296x128xf32, #tpu.memory_space<hbm>>
        %dma_start3A_1903 = tpu.memref_slice %arg12[%sub3A_1889] : memref<2x!tpu.dma_semaphore, #tpu.memory_space<semaphore_mem>> -> memref<1x!tpu.dma_semaphore, #tpu.memory_space<semaphore_mem>>
        %dma_start3A_1904 = tpu.memref_squeeze %dma_start3A_1903 : memref<1x!tpu.dma_semaphore, #tpu.memory_space<semaphore_mem>> -> memref<!tpu.dma_semaphore, #tpu.memory_space<semaphore_mem>>
        %dma_start3A_1905 = arith.constant 0 : i32
        %dma_start3A_1906 = arith.constant 0 : i32
        %dma_start3A_1907 = tpu.memref_slice %arg9[%sub3A_1889, %dma_start3A_1905, %dma_start3A_1906] : memref<2x304x128xf32, #tpu.memory_space<vmem>> -> memref<1x296x128xf32, #tpu.memory_space<vmem>>
        %dma_start3A_1908 = tpu.memref_squeeze %dma_start3A_1907 : memref<1x296x128xf32, #tpu.memory_space<vmem>> -> memref<296x128xf32, #tpu.memory_space<vmem>>
        %dma_start3A_1909 = arith.constant 0 : i32
        %dma_start3A_1910 = tpu.memref_slice %arg3[%dma_start3A_1909, %add3A_1896] : memref<300x400000xf32, #tpu.memory_space<hbm>> -> memref<296x128xf32, #tpu.memory_space<hbm>>
        tpu.enqueue_dma source(%dma_start3A_1910 : memref<296x128xf32, #tpu.memory_space<hbm>>) target(%dma_start3A_1908 : memref<296x128xf32, #tpu.memory_space<vmem>>) target_semaphore(%dma_start3A_1904 : memref<!tpu.dma_semaphore, #tpu.memory_space<semaphore_mem>>)
        %add3A_1911 = arith.constant 1 : i32
        %add3A_1912 = arith.addi %while3A_1737, %add3A_1911 : i32
        %sub3A_1913 = arith.constant 1 : i32
        %sub3A_1914 = arith.subi %sub3A_1913, %rem3A_1739 : i32
        %mul3A_1915 = arith.constant 32 : i32
        %mul3A_1916 = arith.muli %mul3A_1915, %add3A_1912 : i32
        %add3A_1917 = arith.addi %add3A, %mul3A_1916 : i32
        %mul3A_1918 = arith.constant 128 : i32
        %mul3A_1919 = arith.muli %add3A_1917, %mul3A_1918 : i32
        %add3A_1920 = arith.constant 245760 : i32
        %add3A_1921 = arith.addi %add3A_1920, %mul3A_1919 : i32
        %dma_start3A_1922 = arith.constant 296 : i32
        %dma_start3A_1923 = arith.constant 0 : i32
        %dma_start3A_1924 = tpu.memref_slice %arg9[%sub3A_1914, %dma_start3A_1922, %dma_start3A_1923] : memref<2x304x128xf32, #tpu.memory_space<vmem>> -> memref<1x8x128xf32, #tpu.memory_space<vmem>>
        %dma_start3A_1925 = tpu.memref_squeeze %dma_start3A_1924 : memref<1x8x128xf32, #tpu.memory_space<vmem>> -> memref<8x128xf32, #tpu.memory_space<vmem>>
        %dma_start3A_1926 = arith.constant 0 : i32
        %dma_start3A_1927 = tpu.memref_slice %arg4[%dma_start3A_1926, %add3A_1921] : memref<8x400000xf32, #tpu.memory_space<hbm>> -> memref<8x128xf32, #tpu.memory_space<hbm>>
        %dma_start3A_1928 = tpu.memref_slice %arg13[%sub3A_1914] : memref<2x!tpu.dma_semaphore, #tpu.memory_space<semaphore_mem>> -> memref<1x!tpu.dma_semaphore, #tpu.memory_space<semaphore_mem>>
        %dma_start3A_1929 = tpu.memref_squeeze %dma_start3A_1928 : memref<1x!tpu.dma_semaphore, #tpu.memory_space<semaphore_mem>> -> memref<!tpu.dma_semaphore, #tpu.memory_space<semaphore_mem>>
        %dma_start3A_1930 = arith.constant 296 : i32
        %dma_start3A_1931 = arith.constant 0 : i32
        %dma_start3A_1932 = tpu.memref_slice %arg9[%sub3A_1914, %dma_start3A_1930, %dma_start3A_1931] : memref<2x304x128xf32, #tpu.memory_space<vmem>> -> memref<1x8x128xf32, #tpu.memory_space<vmem>>
        %dma_start3A_1933 = tpu.memref_squeeze %dma_start3A_1932 : memref<1x8x128xf32, #tpu.memory_space<vmem>> -> memref<8x128xf32, #tpu.memory_space<vmem>>
        %dma_start3A_1934 = arith.constant 0 : i32
        %dma_start3A_1935 = tpu.memref_slice %arg4[%dma_start3A_1934, %add3A_1921] : memref<8x400000xf32, #tpu.memory_space<hbm>> -> memref<8x128xf32, #tpu.memory_space<hbm>>
        tpu.enqueue_dma source(%dma_start3A_1935 : memref<8x128xf32, #tpu.memory_space<hbm>>) target(%dma_start3A_1933 : memref<8x128xf32, #tpu.memory_space<vmem>>) target_semaphore(%dma_start3A_1929 : memref<!tpu.dma_semaphore, #tpu.memory_space<semaphore_mem>>)
      } else {
      }
      %broadcast_in_dim3A_1787 = arith.constant 0.000000e+00 : f32
      %broadcast_in_dim3A_1788 = vector.broadcast %broadcast_in_dim3A_1787 : f32 to vector<16xf32>
      %parallel_loop3A = arith.constant 0 : i32
      %parallel_loop3A_1789 = arith.constant 304 : i32
      %parallel_loop3A_1790 = arith.constant 1 : i32
      %parallel_loop3A_1791:2 = scf.for %parallel_loop3A_1886 = %parallel_loop3A to %parallel_loop3A_1789 step %parallel_loop3A_1790 iter_args(%parallel_loop3A_1887 = %broadcast_in_dim3A_1788, %parallel_loop3A_1888 = %broadcast_in_dim3A_1788) -> (vector<16xf32>, vector<16xf32>)  : i32 {
        %parallel_loop3A_1889 = arith.constant 16 : i32
        %parallel_loop3A_1890 = arith.muli %parallel_loop3A_1889, %parallel_loop3A_1886 : i32
        %parallel_loop3A_1891 = arith.index_cast %parallel_loop3A_1890 : i32 to index
        %parallel_loop3A_1892 = tpu.vector_load %arg8[%parallel_loop3A_1891] {strides = array<i32>} : memref<4864xf32, #tpu.memory_space<vmem>>, vector<16xf32>,
        %parallel_loop3A_1893 = arith.index_cast %rem3A_1739 : i32 to index
        %parallel_loop3A_1894 = arith.index_cast %parallel_loop3A_1886 : i32 to index
        %parallel_loop3A_1895 = arith.constant 0 : index
        %parallel_loop3A_1896 = tpu.vector_load %arg9[%parallel_loop3A_1893, %parallel_loop3A_1894, %parallel_loop3A_1895] {strides = array<i32>} : memref<2x304x128xf32, #tpu.memory_space<vmem>>, vector<16xf32>,
        %parallel_loop3A_1897 = arith.constant 6.553700e+04 : f32
        %parallel_loop3A_1898 = vector.broadcast %parallel_loop3A_1897 : f32 to vector<16xf32>
        %parallel_loop3A_1899 = arith.mulf %parallel_loop3A_1896, %parallel_loop3A_1898 : vector<16xf32>
        %parallel_loop3A_1900 = arith.subf %parallel_loop3A_1899, %parallel_loop3A_1896 : vector<16xf32>
        %parallel_loop3A_1901 = arith.subf %parallel_loop3A_1899, %parallel_loop3A_1900 : vector<16xf32>
        %parallel_loop3A_1902 = arith.mulf %parallel_loop3A_1901, %parallel_loop3A_1892 : vector<16xf32>
        %parallel_loop3A_1903 = arith.addf %parallel_loop3A_1887, %parallel_loop3A_1902 : vector<16xf32>
        %parallel_loop3A_1904 = arith.mulf %parallel_loop3A_1896, %parallel_loop3A_1896 : vector<16xf32>
        %parallel_loop3A_1905 = arith.addf %parallel_loop3A_1888, %parallel_loop3A_1904 : vector<16xf32>
        scf.yield %parallel_loop3A_1903, %parallel_loop3A_1905 : vector<16xf32>, vector<16xf32>
      } {sc.loop_unroll_factor = 4 : i64, sc.parallel_access}
      %swap3A_1792 = arith.index_cast %rem3A_1739 : i32 to index
      %swap3A_1793 = arith.constant 0 : index
      %swap3A_1794 = tpu.vector_load %arg10[%swap3A_1792, %swap3A_1793] {strides = array<i32>} : memref<2x128xf32, #tpu.memory_space<vmem>>, vector<16xf32>,
      tpu.vector_store %arg10[%swap3A_1792, %swap3A_1793], %parallel_loop3A_1791#0 {strides = array<i32>} : memref<2x128xf32, #tpu.memory_space<vmem>>, vector<16xf32>,
      %swap3A_1795 = arith.index_cast %rem3A_1739 : i32 to index
      %swap3A_1796 = arith.constant 0 : index
      %swap3A_1797 = tpu.vector_load %arg11[%swap3A_1795, %swap3A_1796] {strides = array<i32>} : memref<2x128xf32, #tpu.memory_space<vmem>>, vector<16xf32>,
      tpu.vector_store %arg11[%swap3A_1795, %swap3A_1796], %parallel_loop3A_1791#1 {strides = array<i32>} : memref<2x128xf32, #tpu.memory_space<vmem>>, vector<16xf32>,
      %broadcast_in_dim3A_1798 = arith.constant 0.000000e+00 : f32
      %broadcast_in_dim3A_1799 = vector.broadcast %broadcast_in_dim3A_1798 : f32 to vector<16xf32>
      %parallel_loop3A_1800 = arith.constant 0 : i32
      %parallel_loop3A_1801 = arith.constant 304 : i32
      %parallel_loop3A_1802 = arith.constant 1 : i32
      %parallel_loop3A_1803:2 = scf.for %parallel_loop3A_1886 = %parallel_loop3A_1800 to %parallel_loop3A_1801 step %parallel_loop3A_1802 iter_args(%parallel_loop3A_1887 = %broadcast_in_dim3A_1799, %parallel_loop3A_1888 = %broadcast_in_dim3A_1799) -> (vector<16xf32>, vector<16xf32>)  : i32 {
        %parallel_loop3A_1889 = arith.constant 16 : i32
        %parallel_loop3A_1890 = arith.muli %parallel_loop3A_1889, %parallel_loop3A_1886 : i32
        %parallel_loop3A_1891 = arith.index_cast %parallel_loop3A_1890 : i32 to index
        %parallel_loop3A_1892 = tpu.vector_load %arg8[%parallel_loop3A_1891] {strides = array<i32>} : memref<4864xf32, #tpu.memory_space<vmem>>, vector<16xf32>,
        %parallel_loop3A_1893 = arith.index_cast %rem3A_1739 : i32 to index
        %parallel_loop3A_1894 = arith.index_cast %parallel_loop3A_1886 : i32 to index
        %parallel_loop3A_1895 = arith.constant 16 : index
        %parallel_loop3A_1896 = tpu.vector_load %arg9[%parallel_loop3A_1893, %parallel_loop3A_1894, %parallel_loop3A_1895] {strides = array<i32>} : memref<2x304x128xf32, #tpu.memory_space<vmem>>, vector<16xf32>,
        %parallel_loop3A_1897 = arith.constant 6.553700e+04 : f32
        %parallel_loop3A_1898 = vector.broadcast %parallel_loop3A_1897 : f32 to vector<16xf32>
        %parallel_loop3A_1899 = arith.mulf %parallel_loop3A_1896, %parallel_loop3A_1898 : vector<16xf32>
        %parallel_loop3A_1900 = arith.subf %parallel_loop3A_1899, %parallel_loop3A_1896 : vector<16xf32>
        %parallel_loop3A_1901 = arith.subf %parallel_loop3A_1899, %parallel_loop3A_1900 : vector<16xf32>
        %parallel_loop3A_1902 = arith.mulf %parallel_loop3A_1901, %parallel_loop3A_1892 : vector<16xf32>
        %parallel_loop3A_1903 = arith.addf %parallel_loop3A_1887, %parallel_loop3A_1902 : vector<16xf32>
        %parallel_loop3A_1904 = arith.mulf %parallel_loop3A_1896, %parallel_loop3A_1896 : vector<16xf32>
        %parallel_loop3A_1905 = arith.addf %parallel_loop3A_1888, %parallel_loop3A_1904 : vector<16xf32>
        scf.yield %parallel_loop3A_1903, %parallel_loop3A_1905 : vector<16xf32>, vector<16xf32>
      } {sc.loop_unroll_factor = 4 : i64, sc.parallel_access}
      %swap3A_1804 = arith.index_cast %rem3A_1739 : i32 to index
      %swap3A_1805 = arith.constant 16 : index
      %swap3A_1806 = tpu.vector_load %arg10[%swap3A_1804, %swap3A_1805] {strides = array<i32>} : memref<2x128xf32, #tpu.memory_space<vmem>>, vector<16xf32>,
      tpu.vector_store %arg10[%swap3A_1804, %swap3A_1805], %parallel_loop3A_1803#0 {strides = array<i32>} : memref<2x128xf32, #tpu.memory_space<vmem>>, vector<16xf32>,
      %swap3A_1807 = arith.index_cast %rem3A_1739 : i32 to index
      %swap3A_1808 = arith.constant 16 : index
      %swap3A_1809 = tpu.vector_load %arg11[%swap3A_1807, %swap3A_1808] {strides = array<i32>} : memref<2x128xf32, #tpu.memory_space<vmem>>, vector<16xf32>,
      tpu.vector_store %arg11[%swap3A_1807, %swap3A_1808], %parallel_loop3A_1803#1 {strides = array<i32>} : memref<2x128xf32, #tpu.memory_space<vmem>>, vector<16xf32>,
      %broadcast_in_dim3A_1810 = arith.constant 0.000000e+00 : f32
      %broadcast_in_dim3A_1811 = vector.broadcast %broadcast_in_dim3A_1810 : f32 to vector<16xf32>
      %parallel_loop3A_1812 = arith.constant 0 : i32
      %parallel_loop3A_1813 = arith.constant 304 : i32
      %parallel_loop3A_1814 = arith.constant 1 : i32
      %parallel_loop3A_1815:2 = scf.for %parallel_loop3A_1886 = %parallel_loop3A_1812 to %parallel_loop3A_1813 step %parallel_loop3A_1814 iter_args(%parallel_loop3A_1887 = %broadcast_in_dim3A_1811, %parallel_loop3A_1888 = %broadcast_in_dim3A_1811) -> (vector<16xf32>, vector<16xf32>)  : i32 {
        %parallel_loop3A_1889 = arith.constant 16 : i32
        %parallel_loop3A_1890 = arith.muli %parallel_loop3A_1889, %parallel_loop3A_1886 : i32
        %parallel_loop3A_1891 = arith.index_cast %parallel_loop3A_1890 : i32 to index
        %parallel_loop3A_1892 = tpu.vector_load %arg8[%parallel_loop3A_1891] {strides = array<i32>} : memref<4864xf32, #tpu.memory_space<vmem>>, vector<16xf32>,
        %parallel_loop3A_1893 = arith.index_cast %rem3A_1739 : i32 to index
        %parallel_loop3A_1894 = arith.index_cast %parallel_loop3A_1886 : i32 to index
        %parallel_loop3A_1895 = arith.constant 32 : index
        %parallel_loop3A_1896 = tpu.vector_load %arg9[%parallel_loop3A_1893, %parallel_loop3A_1894, %parallel_loop3A_1895] {strides = array<i32>} : memref<2x304x128xf32, #tpu.memory_space<vmem>>, vector<16xf32>,
        %parallel_loop3A_1897 = arith.constant 6.553700e+04 : f32
        %parallel_loop3A_1898 = vector.broadcast %parallel_loop3A_1897 : f32 to vector<16xf32>
        %parallel_loop3A_1899 = arith.mulf %parallel_loop3A_1896, %parallel_loop3A_1898 : vector<16xf32>
        %parallel_loop3A_1900 = arith.subf %parallel_loop3A_1899, %parallel_loop3A_1896 : vector<16xf32>
        %parallel_loop3A_1901 = arith.subf %parallel_loop3A_1899, %parallel_loop3A_1900 : vector<16xf32>
        %parallel_loop3A_1902 = arith.mulf %parallel_loop3A_1901, %parallel_loop3A_1892 : vector<16xf32>
        %parallel_loop3A_1903 = arith.addf %parallel_loop3A_1887, %parallel_loop3A_1902 : vector<16xf32>
        %parallel_loop3A_1904 = arith.mulf %parallel_loop3A_1896, %parallel_loop3A_1896 : vector<16xf32>
        %parallel_loop3A_1905 = arith.addf %parallel_loop3A_1888, %parallel_loop3A_1904 : vector<16xf32>
        scf.yield %parallel_loop3A_1903, %parallel_loop3A_1905 : vector<16xf32>, vector<16xf32>
      } {sc.loop_unroll_factor = 4 : i64, sc.parallel_access}
      %swap3A_1816 = arith.index_cast %rem3A_1739 : i32 to index
      %swap3A_1817 = arith.constant 32 : index
      %swap3A_1818 = tpu.vector_load %arg10[%swap3A_1816, %swap3A_1817] {strides = array<i32>} : memref<2x128xf32, #tpu.memory_space<vmem>>, vector<16xf32>,
      tpu.vector_store %arg10[%swap3A_1816, %swap3A_1817], %parallel_loop3A_1815#0 {strides = array<i32>} : memref<2x128xf32, #tpu.memory_space<vmem>>, vector<16xf32>,
      %swap3A_1819 = arith.index_cast %rem3A_1739 : i32 to index
      %swap3A_1820 = arith.constant 32 : index
      %swap3A_1821 = tpu.vector_load %arg11[%swap3A_1819, %swap3A_1820] {strides = array<i32>} : memref<2x128xf32, #tpu.memory_space<vmem>>, vector<16xf32>,
      tpu.vector_store %arg11[%swap3A_1819, %swap3A_1820], %parallel_loop3A_1815#1 {strides = array<i32>} : memref<2x128xf32, #tpu.memory_space<vmem>>, vector<16xf32>,
      %broadcast_in_dim3A_1822 = arith.constant 0.000000e+00 : f32
      %broadcast_in_dim3A_1823 = vector.broadcast %broadcast_in_dim3A_1822 : f32 to vector<16xf32>
      %parallel_loop3A_1824 = arith.constant 0 : i32
      %parallel_loop3A_1825 = arith.constant 304 : i32
      %parallel_loop3A_1826 = arith.constant 1 : i32
      %parallel_loop3A_1827:2 = scf.for %parallel_loop3A_1886 = %parallel_loop3A_1824 to %parallel_loop3A_1825 step %parallel_loop3A_1826 iter_args(%parallel_loop3A_1887 = %broadcast_in_dim3A_1823, %parallel_loop3A_1888 = %broadcast_in_dim3A_1823) -> (vector<16xf32>, vector<16xf32>)  : i32 {
        %parallel_loop3A_1889 = arith.constant 16 : i32
        %parallel_loop3A_1890 = arith.muli %parallel_loop3A_1889, %parallel_loop3A_1886 : i32
        %parallel_loop3A_1891 = arith.index_cast %parallel_loop3A_1890 : i32 to index
        %parallel_loop3A_1892 = tpu.vector_load %arg8[%parallel_loop3A_1891] {strides = array<i32>} : memref<4864xf32, #tpu.memory_space<vmem>>, vector<16xf32>,
        %parallel_loop3A_1893 = arith.index_cast %rem3A_1739 : i32 to index
        %parallel_loop3A_1894 = arith.index_cast %parallel_loop3A_1886 : i32 to index
        %parallel_loop3A_1895 = arith.constant 48 : index
        %parallel_loop3A_1896 = tpu.vector_load %arg9[%parallel_loop3A_1893, %parallel_loop3A_1894, %parallel_loop3A_1895] {strides = array<i32>} : memref<2x304x128xf32, #tpu.memory_space<vmem>>, vector<16xf32>,
        %parallel_loop3A_1897 = arith.constant 6.553700e+04 : f32
        %parallel_loop3A_1898 = vector.broadcast %parallel_loop3A_1897 : f32 to vector<16xf32>
        %parallel_loop3A_1899 = arith.mulf %parallel_loop3A_1896, %parallel_loop3A_1898 : vector<16xf32>
        %parallel_loop3A_1900 = arith.subf %parallel_loop3A_1899, %parallel_loop3A_1896 : vector<16xf32>
        %parallel_loop3A_1901 = arith.subf %parallel_loop3A_1899, %parallel_loop3A_1900 : vector<16xf32>
        %parallel_loop3A_1902 = arith.mulf %parallel_loop3A_1901, %parallel_loop3A_1892 : vector<16xf32>
        %parallel_loop3A_1903 = arith.addf %parallel_loop3A_1887, %parallel_loop3A_1902 : vector<16xf32>
        %parallel_loop3A_1904 = arith.mulf %parallel_loop3A_1896, %parallel_loop3A_1896 : vector<16xf32>
        %parallel_loop3A_1905 = arith.addf %parallel_loop3A_1888, %parallel_loop3A_1904 : vector<16xf32>
        scf.yield %parallel_loop3A_1903, %parallel_loop3A_1905 : vector<16xf32>, vector<16xf32>
      } {sc.loop_unroll_factor = 4 : i64, sc.parallel_access}
      %swap3A_1828 = arith.index_cast %rem3A_1739 : i32 to index
      %swap3A_1829 = arith.constant 48 : index
      %swap3A_1830 = tpu.vector_load %arg10[%swap3A_1828, %swap3A_1829] {strides = array<i32>} : memref<2x128xf32, #tpu.memory_space<vmem>>, vector<16xf32>,
      tpu.vector_store %arg10[%swap3A_1828, %swap3A_1829], %parallel_loop3A_1827#0 {strides = array<i32>} : memref<2x128xf32, #tpu.memory_space<vmem>>, vector<16xf32>,
      %swap3A_1831 = arith.index_cast %rem3A_1739 : i32 to index
      %swap3A_1832 = arith.constant 48 : index
      %swap3A_1833 = tpu.vector_load %arg11[%swap3A_1831, %swap3A_1832] {strides = array<i32>} : memref<2x128xf32, #tpu.memory_space<vmem>>, vector<16xf32>,
      tpu.vector_store %arg11[%swap3A_1831, %swap3A_1832], %parallel_loop3A_1827#1 {strides = array<i32>} : memref<2x128xf32, #tpu.memory_space<vmem>>, vector<16xf32>,
      %broadcast_in_dim3A_1834 = arith.constant 0.000000e+00 : f32
      %broadcast_in_dim3A_1835 = vector.broadcast %broadcast_in_dim3A_1834 : f32 to vector<16xf32>
      %parallel_loop3A_1836 = arith.constant 0 : i32
      %parallel_loop3A_1837 = arith.constant 304 : i32
      %parallel_loop3A_1838 = arith.constant 1 : i32
      %parallel_loop3A_1839:2 = scf.for %parallel_loop3A_1886 = %parallel_loop3A_1836 to %parallel_loop3A_1837 step %parallel_loop3A_1838 iter_args(%parallel_loop3A_1887 = %broadcast_in_dim3A_1835, %parallel_loop3A_1888 = %broadcast_in_dim3A_1835) -> (vector<16xf32>, vector<16xf32>)  : i32 {
        %parallel_loop3A_1889 = arith.constant 16 : i32
        %parallel_loop3A_1890 = arith.muli %parallel_loop3A_1889, %parallel_loop3A_1886 : i32
        %parallel_loop3A_1891 = arith.index_cast %parallel_loop3A_1890 : i32 to index
        %parallel_loop3A_1892 = tpu.vector_load %arg8[%parallel_loop3A_1891] {strides = array<i32>} : memref<4864xf32, #tpu.memory_space<vmem>>, vector<16xf32>,
        %parallel_loop3A_1893 = arith.index_cast %rem3A_1739 : i32 to index
        %parallel_loop3A_1894 = arith.index_cast %parallel_loop3A_1886 : i32 to index
        %parallel_loop3A_1895 = arith.constant 64 : index
        %parallel_loop3A_1896 = tpu.vector_load %arg9[%parallel_loop3A_1893, %parallel_loop3A_1894, %parallel_loop3A_1895] {strides = array<i32>} : memref<2x304x128xf32, #tpu.memory_space<vmem>>, vector<16xf32>,
        %parallel_loop3A_1897 = arith.constant 6.553700e+04 : f32
        %parallel_loop3A_1898 = vector.broadcast %parallel_loop3A_1897 : f32 to vector<16xf32>
        %parallel_loop3A_1899 = arith.mulf %parallel_loop3A_1896, %parallel_loop3A_1898 : vector<16xf32>
        %parallel_loop3A_1900 = arith.subf %parallel_loop3A_1899, %parallel_loop3A_1896 : vector<16xf32>
        %parallel_loop3A_1901 = arith.subf %parallel_loop3A_1899, %parallel_loop3A_1900 : vector<16xf32>
        %parallel_loop3A_1902 = arith.mulf %parallel_loop3A_1901, %parallel_loop3A_1892 : vector<16xf32>
        %parallel_loop3A_1903 = arith.addf %parallel_loop3A_1887, %parallel_loop3A_1902 : vector<16xf32>
        %parallel_loop3A_1904 = arith.mulf %parallel_loop3A_1896, %parallel_loop3A_1896 : vector<16xf32>
        %parallel_loop3A_1905 = arith.addf %parallel_loop3A_1888, %parallel_loop3A_1904 : vector<16xf32>
        scf.yield %parallel_loop3A_1903, %parallel_loop3A_1905 : vector<16xf32>, vector<16xf32>
      } {sc.loop_unroll_factor = 4 : i64, sc.parallel_access}
      %swap3A_1840 = arith.index_cast %rem3A_1739 : i32 to index
      %swap3A_1841 = arith.constant 64 : index
      %swap3A_1842 = tpu.vector_load %arg10[%swap3A_1840, %swap3A_1841] {strides = array<i32>} : memref<2x128xf32, #tpu.memory_space<vmem>>, vector<16xf32>,
      tpu.vector_store %arg10[%swap3A_1840, %swap3A_1841], %parallel_loop3A_1839#0 {strides = array<i32>} : memref<2x128xf32, #tpu.memory_space<vmem>>, vector<16xf32>,
      %swap3A_1843 = arith.index_cast %rem3A_1739 : i32 to index
      %swap3A_1844 = arith.constant 64 : index
      %swap3A_1845 = tpu.vector_load %arg11[%swap3A_1843, %swap3A_1844] {strides = array<i32>} : memref<2x128xf32, #tpu.memory_space<vmem>>, vector<16xf32>,
      tpu.vector_store %arg11[%swap3A_1843, %swap3A_1844], %parallel_loop3A_1839#1 {strides = array<i32>} : memref<2x128xf32, #tpu.memory_space<vmem>>, vector<16xf32>,
      %broadcast_in_dim3A_1846 = arith.constant 0.000000e+00 : f32
      %broadcast_in_dim3A_1847 = vector.broadcast %broadcast_in_dim3A_1846 : f32 to vector<16xf32>
      %parallel_loop3A_1848 = arith.constant 0 : i32
      %parallel_loop3A_1849 = arith.constant 304 : i32
      %parallel_loop3A_1850 = arith.constant 1 : i32
      %parallel_loop3A_1851:2 = scf.for %parallel_loop3A_1886 = %parallel_loop3A_1848 to %parallel_loop3A_1849 step %parallel_loop3A_1850 iter_args(%parallel_loop3A_1887 = %broadcast_in_dim3A_1847, %parallel_loop3A_1888 = %broadcast_in_dim3A_1847) -> (vector<16xf32>, vector<16xf32>)  : i32 {
        %parallel_loop3A_1889 = arith.constant 16 : i32
        %parallel_loop3A_1890 = arith.muli %parallel_loop3A_1889, %parallel_loop3A_1886 : i32
        %parallel_loop3A_1891 = arith.index_cast %parallel_loop3A_1890 : i32 to index
        %parallel_loop3A_1892 = tpu.vector_load %arg8[%parallel_loop3A_1891] {strides = array<i32>} : memref<4864xf32, #tpu.memory_space<vmem>>, vector<16xf32>,
        %parallel_loop3A_1893 = arith.index_cast %rem3A_1739 : i32 to index
        %parallel_loop3A_1894 = arith.index_cast %parallel_loop3A_1886 : i32 to index
        %parallel_loop3A_1895 = arith.constant 80 : index
        %parallel_loop3A_1896 = tpu.vector_load %arg9[%parallel_loop3A_1893, %parallel_loop3A_1894, %parallel_loop3A_1895] {strides = array<i32>} : memref<2x304x128xf32, #tpu.memory_space<vmem>>, vector<16xf32>,
        %parallel_loop3A_1897 = arith.constant 6.553700e+04 : f32
        %parallel_loop3A_1898 = vector.broadcast %parallel_loop3A_1897 : f32 to vector<16xf32>
        %parallel_loop3A_1899 = arith.mulf %parallel_loop3A_1896, %parallel_loop3A_1898 : vector<16xf32>
        %parallel_loop3A_1900 = arith.subf %parallel_loop3A_1899, %parallel_loop3A_1896 : vector<16xf32>
        %parallel_loop3A_1901 = arith.subf %parallel_loop3A_1899, %parallel_loop3A_1900 : vector<16xf32>
        %parallel_loop3A_1902 = arith.mulf %parallel_loop3A_1901, %parallel_loop3A_1892 : vector<16xf32>
        %parallel_loop3A_1903 = arith.addf %parallel_loop3A_1887, %parallel_loop3A_1902 : vector<16xf32>
        %parallel_loop3A_1904 = arith.mulf %parallel_loop3A_1896, %parallel_loop3A_1896 : vector<16xf32>
        %parallel_loop3A_1905 = arith.addf %parallel_loop3A_1888, %parallel_loop3A_1904 : vector<16xf32>
        scf.yield %parallel_loop3A_1903, %parallel_loop3A_1905 : vector<16xf32>, vector<16xf32>
      } {sc.loop_unroll_factor = 4 : i64, sc.parallel_access}
      %swap3A_1852 = arith.index_cast %rem3A_1739 : i32 to index
      %swap3A_1853 = arith.constant 80 : index
      %swap3A_1854 = tpu.vector_load %arg10[%swap3A_1852, %swap3A_1853] {strides = array<i32>} : memref<2x128xf32, #tpu.memory_space<vmem>>, vector<16xf32>,
      tpu.vector_store %arg10[%swap3A_1852, %swap3A_1853], %parallel_loop3A_1851#0 {strides = array<i32>} : memref<2x128xf32, #tpu.memory_space<vmem>>, vector<16xf32>,
      %swap3A_1855 = arith.index_cast %rem3A_1739 : i32 to index
      %swap3A_1856 = arith.constant 80 : index
      %swap3A_1857 = tpu.vector_load %arg11[%swap3A_1855, %swap3A_1856] {strides = array<i32>} : memref<2x128xf32, #tpu.memory_space<vmem>>, vector<16xf32>,
      tpu.vector_store %arg11[%swap3A_1855, %swap3A_1856], %parallel_loop3A_1851#1 {strides = array<i32>} : memref<2x128xf32, #tpu.memory_space<vmem>>, vector<16xf32>,
      %broadcast_in_dim3A_1858 = arith.constant 0.000000e+00 : f32
      %broadcast_in_dim3A_1859 = vector.broadcast %broadcast_in_dim3A_1858 : f32 to vector<16xf32>
      %parallel_loop3A_1860 = arith.constant 0 : i32
      %parallel_loop3A_1861 = arith.constant 304 : i32
      %parallel_loop3A_1862 = arith.constant 1 : i32
      %parallel_loop3A_1863:2 = scf.for %parallel_loop3A_1886 = %parallel_loop3A_1860 to %parallel_loop3A_1861 step %parallel_loop3A_1862 iter_args(%parallel_loop3A_1887 = %broadcast_in_dim3A_1859, %parallel_loop3A_1888 = %broadcast_in_dim3A_1859) -> (vector<16xf32>, vector<16xf32>)  : i32 {
        %parallel_loop3A_1889 = arith.constant 16 : i32
        %parallel_loop3A_1890 = arith.muli %parallel_loop3A_1889, %parallel_loop3A_1886 : i32
        %parallel_loop3A_1891 = arith.index_cast %parallel_loop3A_1890 : i32 to index
        %parallel_loop3A_1892 = tpu.vector_load %arg8[%parallel_loop3A_1891] {strides = array<i32>} : memref<4864xf32, #tpu.memory_space<vmem>>, vector<16xf32>,
        %parallel_loop3A_1893 = arith.index_cast %rem3A_1739 : i32 to index
        %parallel_loop3A_1894 = arith.index_cast %parallel_loop3A_1886 : i32 to index
        %parallel_loop3A_1895 = arith.constant 96 : index
        %parallel_loop3A_1896 = tpu.vector_load %arg9[%parallel_loop3A_1893, %parallel_loop3A_1894, %parallel_loop3A_1895] {strides = array<i32>} : memref<2x304x128xf32, #tpu.memory_space<vmem>>, vector<16xf32>,
        %parallel_loop3A_1897 = arith.constant 6.553700e+04 : f32
        %parallel_loop3A_1898 = vector.broadcast %parallel_loop3A_1897 : f32 to vector<16xf32>
        %parallel_loop3A_1899 = arith.mulf %parallel_loop3A_1896, %parallel_loop3A_1898 : vector<16xf32>
        %parallel_loop3A_1900 = arith.subf %parallel_loop3A_1899, %parallel_loop3A_1896 : vector<16xf32>
        %parallel_loop3A_1901 = arith.subf %parallel_loop3A_1899, %parallel_loop3A_1900 : vector<16xf32>
        %parallel_loop3A_1902 = arith.mulf %parallel_loop3A_1901, %parallel_loop3A_1892 : vector<16xf32>
        %parallel_loop3A_1903 = arith.addf %parallel_loop3A_1887, %parallel_loop3A_1902 : vector<16xf32>
        %parallel_loop3A_1904 = arith.mulf %parallel_loop3A_1896, %parallel_loop3A_1896 : vector<16xf32>
        %parallel_loop3A_1905 = arith.addf %parallel_loop3A_1888, %parallel_loop3A_1904 : vector<16xf32>
        scf.yield %parallel_loop3A_1903, %parallel_loop3A_1905 : vector<16xf32>, vector<16xf32>
      } {sc.loop_unroll_factor = 4 : i64, sc.parallel_access}
      %swap3A_1864 = arith.index_cast %rem3A_1739 : i32 to index
      %swap3A_1865 = arith.constant 96 : index
      %swap3A_1866 = tpu.vector_load %arg10[%swap3A_1864, %swap3A_1865] {strides = array<i32>} : memref<2x128xf32, #tpu.memory_space<vmem>>, vector<16xf32>,
      tpu.vector_store %arg10[%swap3A_1864, %swap3A_1865], %parallel_loop3A_1863#0 {strides = array<i32>} : memref<2x128xf32, #tpu.memory_space<vmem>>, vector<16xf32>,
      %swap3A_1867 = arith.index_cast %rem3A_1739 : i32 to index
      %swap3A_1868 = arith.constant 96 : index
      %swap3A_1869 = tpu.vector_load %arg11[%swap3A_1867, %swap3A_1868] {strides = array<i32>} : memref<2x128xf32, #tpu.memory_space<vmem>>, vector<16xf32>,
      tpu.vector_store %arg11[%swap3A_1867, %swap3A_1868], %parallel_loop3A_1863#1 {strides = array<i32>} : memref<2x128xf32, #tpu.memory_space<vmem>>, vector<16xf32>,
      %broadcast_in_dim3A_1870 = arith.constant 0.000000e+00 : f32
      %broadcast_in_dim3A_1871 = vector.broadcast %broadcast_in_dim3A_1870 : f32 to vector<16xf32>
      %parallel_loop3A_1872 = arith.constant 0 : i32
      %parallel_loop3A_1873 = arith.constant 304 : i32
      %parallel_loop3A_1874 = arith.constant 1 : i32
      %parallel_loop3A_1875:2 = scf.for %parallel_loop3A_1886 = %parallel_loop3A_1872 to %parallel_loop3A_1873 step %parallel_loop3A_1874 iter_args(%parallel_loop3A_1887 = %broadcast_in_dim3A_1871, %parallel_loop3A_1888 = %broadcast_in_dim3A_1871) -> (vector<16xf32>, vector<16xf32>)  : i32 {
        %parallel_loop3A_1889 = arith.constant 16 : i32
        %parallel_loop3A_1890 = arith.muli %parallel_loop3A_1889, %parallel_loop3A_1886 : i32
        %parallel_loop3A_1891 = arith.index_cast %parallel_loop3A_1890 : i32 to index
        %parallel_loop3A_1892 = tpu.vector_load %arg8[%parallel_loop3A_1891] {strides = array<i32>} : memref<4864xf32, #tpu.memory_space<vmem>>, vector<16xf32>,
        %parallel_loop3A_1893 = arith.index_cast %rem3A_1739 : i32 to index
        %parallel_loop3A_1894 = arith.index_cast %parallel_loop3A_1886 : i32 to index
        %parallel_loop3A_1895 = arith.constant 112 : index
        %parallel_loop3A_1896 = tpu.vector_load %arg9[%parallel_loop3A_1893, %parallel_loop3A_1894, %parallel_loop3A_1895] {strides = array<i32>} : memref<2x304x128xf32, #tpu.memory_space<vmem>>, vector<16xf32>,
        %parallel_loop3A_1897 = arith.constant 6.553700e+04 : f32
        %parallel_loop3A_1898 = vector.broadcast %parallel_loop3A_1897 : f32 to vector<16xf32>
        %parallel_loop3A_1899 = arith.mulf %parallel_loop3A_1896, %parallel_loop3A_1898 : vector<16xf32>
        %parallel_loop3A_1900 = arith.subf %parallel_loop3A_1899, %parallel_loop3A_1896 : vector<16xf32>
        %parallel_loop3A_1901 = arith.subf %parallel_loop3A_1899, %parallel_loop3A_1900 : vector<16xf32>
        %parallel_loop3A_1902 = arith.mulf %parallel_loop3A_1901, %parallel_loop3A_1892 : vector<16xf32>
        %parallel_loop3A_1903 = arith.addf %parallel_loop3A_1887, %parallel_loop3A_1902 : vector<16xf32>
        %parallel_loop3A_1904 = arith.mulf %parallel_loop3A_1896, %parallel_loop3A_1896 : vector<16xf32>
        %parallel_loop3A_1905 = arith.addf %parallel_loop3A_1888, %parallel_loop3A_1904 : vector<16xf32>
        scf.yield %parallel_loop3A_1903, %parallel_loop3A_1905 : vector<16xf32>, vector<16xf32>
      } {sc.loop_unroll_factor = 4 : i64, sc.parallel_access}
      %swap3A_1876 = arith.index_cast %rem3A_1739 : i32 to index
      %swap3A_1877 = arith.constant 112 : index
      %swap3A_1878 = tpu.vector_load %arg10[%swap3A_1876, %swap3A_1877] {strides = array<i32>} : memref<2x128xf32, #tpu.memory_space<vmem>>, vector<16xf32>,
      tpu.vector_store %arg10[%swap3A_1876, %swap3A_1877], %parallel_loop3A_1875#0 {strides = array<i32>} : memref<2x128xf32, #tpu.memory_space<vmem>>, vector<16xf32>,
      %swap3A_1879 = arith.index_cast %rem3A_1739 : i32 to index
      %swap3A_1880 = arith.constant 112 : index
      %swap3A_1881 = tpu.vector_load %arg11[%swap3A_1879, %swap3A_1880] {strides = array<i32>} : memref<2x128xf32, #tpu.memory_space<vmem>>, vector<16xf32>,
      tpu.vector_store %arg11[%swap3A_1879, %swap3A_1880], %parallel_loop3A_1875#1 {strides = array<i32>} : memref<2x128xf32, #tpu.memory_space<vmem>>, vector<16xf32>,
      %mul3A_1882 = arith.constant 128 : i32
      %mul3A_1883 = arith.muli %add3A_1742, %mul3A_1882 : i32
      "tpu.region"() ({
        %run_scoped3A = tpu.sem_alloc : memref<!tpu.dma_semaphore, #tpu.memory_space<semaphore_mem>>
        %dma_start3A_1886 = arith.constant 0 : i32
        %dma_start3A_1887 = tpu.memref_slice %arg10[%rem3A_1739, %dma_start3A_1886] : memref<2x128xf32, #tpu.memory_space<vmem>> -> memref<1x128xf32, #tpu.memory_space<vmem>>
        %dma_start3A_1888 = tpu.memref_squeeze %dma_start3A_1887 : memref<1x128xf32, #tpu.memory_space<vmem>> -> memref<128xf32, #tpu.memory_space<vmem>>
        %dma_start3A_1889 = tpu.memref_slice %arg5[%mul3A_1883] : memref<154240xf32, #tpu.memory_space<hbm>> -> memref<128xf32, #tpu.memory_space<hbm>>
        %dma_start3A_1890 = tpu.memref_slice %arg5[%mul3A_1883] : memref<154240xf32, #tpu.memory_space<hbm>> -> memref<128xf32, #tpu.memory_space<hbm>>
        %dma_start3A_1891 = arith.constant 0 : i32
        %dma_start3A_1892 = tpu.memref_slice %arg10[%rem3A_1739, %dma_start3A_1891] : memref<2x128xf32, #tpu.memory_space<vmem>> -> memref<1x128xf32, #tpu.memory_space<vmem>>
        %dma_start3A_1893 = tpu.memref_squeeze %dma_start3A_1892 : memref<1x128xf32, #tpu.memory_space<vmem>> -> memref<128xf32, #tpu.memory_space<vmem>>
        tpu.enqueue_dma source(%dma_start3A_1893 : memref<128xf32, #tpu.memory_space<vmem>>) target(%dma_start3A_1890 : memref<128xf32, #tpu.memory_space<hbm>>) target_semaphore(%run_scoped3A : memref<!tpu.dma_semaphore, #tpu.memory_space<semaphore_mem>>)
        %dma_wait3A_1894 = arith.constant 0 : i32
        %dma_wait3A_1895 = tpu.memref_slice %arg10[%rem3A_1739, %dma_wait3A_1894] : memref<2x128xf32, #tpu.memory_space<vmem>> -> memref<1x128xf32, #tpu.memory_space<vmem>>
        %dma_wait3A_1896 = tpu.memref_squeeze %dma_wait3A_1895 : memref<1x128xf32, #tpu.memory_space<vmem>> -> memref<128xf32, #tpu.memory_space<vmem>>
        %dma_wait3A_1897 = tpu.memref_slice %arg5[%mul3A_1883] : memref<154240xf32, #tpu.memory_space<hbm>> -> memref<128xf32, #tpu.memory_space<hbm>>
        %dma_wait3A_1898 = tpu.memref_slice %arg5[%mul3A_1883] : memref<154240xf32, #tpu.memory_space<hbm>> -> memref<128xf32, #tpu.memory_space<hbm>>
        %dma_wait3A_1899 = arith.constant 0 : i32
        %dma_wait3A_1900 = tpu.memref_slice %arg10[%rem3A_1739, %dma_wait3A_1899] : memref<2x128xf32, #tpu.memory_space<vmem>> -> memref<1x128xf32, #tpu.memory_space<vmem>>
        %dma_wait3A_1901 = tpu.memref_squeeze %dma_wait3A_1900 : memref<1x128xf32, #tpu.memory_space<vmem>> -> memref<128xf32, #tpu.memory_space<vmem>>
        tpu.wait_dma2 semaphore(%run_scoped3A : memref<!tpu.dma_semaphore, #tpu.memory_space<semaphore_mem>>) src(%dma_wait3A_1901 : memref<128xf32, #tpu.memory_space<vmem>>) dst(%dma_wait3A_1898 : memref<128xf32, #tpu.memory_space<hbm>>)
        tpu.yield
      }) : () -> ()
      %mul3A_1884 = arith.constant 128 : i32
      %mul3A_1885 = arith.muli %add3A_1742, %mul3A_1884 : i32
      "tpu.region"() ({
        %run_scoped3A = tpu.sem_alloc : memref<!tpu.dma_semaphore, #tpu.memory_space<semaphore_mem>>
        %dma_start3A_1886 = arith.constant 0 : i32
        %dma_start3A_1887 = tpu.memref_slice %arg11[%rem3A_1739, %dma_start3A_1886] : memref<2x128xf32, #tpu.memory_space<vmem>> -> memref<1x128xf32, #tpu.memory_space<vmem>>
        %dma_start3A_1888 = tpu.memref_squeeze %dma_start3A_1887 : memref<1x128xf32, #tpu.memory_space<vmem>> -> memref<128xf32, #tpu.memory_space<vmem>>
        %dma_start3A_1889 = tpu.memref_slice %arg6[%mul3A_1885] : memref<154240xf32, #tpu.memory_space<hbm>> -> memref<128xf32, #tpu.memory_space<hbm>>
        %dma_start3A_1890 = tpu.memref_slice %arg6[%mul3A_1885] : memref<154240xf32, #tpu.memory_space<hbm>> -> memref<128xf32, #tpu.memory_space<hbm>>
        %dma_start3A_1891 = arith.constant 0 : i32
        %dma_start3A_1892 = tpu.memref_slice %arg11[%rem3A_1739, %dma_start3A_1891] : memref<2x128xf32, #tpu.memory_space<vmem>> -> memref<1x128xf32, #tpu.memory_space<vmem>>
        %dma_start3A_1893 = tpu.memref_squeeze %dma_start3A_1892 : memref<1x128xf32, #tpu.memory_space<vmem>> -> memref<128xf32, #tpu.memory_space<vmem>>
        tpu.enqueue_dma source(%dma_start3A_1893 : memref<128xf32, #tpu.memory_space<vmem>>) target(%dma_start3A_1890 : memref<128xf32, #tpu.memory_space<hbm>>) target_semaphore(%run_scoped3A : memref<!tpu.dma_semaphore, #tpu.memory_space<semaphore_mem>>)
        %dma_wait3A_1894 = arith.constant 0 : i32
        %dma_wait3A_1895 = tpu.memref_slice %arg11[%rem3A_1739, %dma_wait3A_1894] : memref<2x128xf32, #tpu.memory_space<vmem>> -> memref<1x128xf32, #tpu.memory_space<vmem>>
        %dma_wait3A_1896 = tpu.memref_squeeze %dma_wait3A_1895 : memref<1x128xf32, #tpu.memory_space<vmem>> -> memref<128xf32, #tpu.memory_space<vmem>>
        %dma_wait3A_1897 = tpu.memref_slice %arg6[%mul3A_1885] : memref<154240xf32, #tpu.memory_space<hbm>> -> memref<128xf32, #tpu.memory_space<hbm>>
        %dma_wait3A_1898 = tpu.memref_slice %arg6[%mul3A_1885] : memref<154240xf32, #tpu.memory_space<hbm>> -> memref<128xf32, #tpu.memory_space<hbm>>
        %dma_wait3A_1899 = arith.constant 0 : i32
        %dma_wait3A_1900 = tpu.memref_slice %arg11[%rem3A_1739, %dma_wait3A_1899] : memref<2x128xf32, #tpu.memory_space<vmem>> -> memref<1x128xf32, #tpu.memory_space<vmem>>
        %dma_wait3A_1901 = tpu.memref_squeeze %dma_wait3A_1900 : memref<1x128xf32, #tpu.memory_space<vmem>> -> memref<128xf32, #tpu.memory_space<vmem>>
        tpu.wait_dma2 semaphore(%run_scoped3A : memref<!tpu.dma_semaphore, #tpu.memory_space<semaphore_mem>>) src(%dma_wait3A_1901 : memref<128xf32, #tpu.memory_space<vmem>>) dst(%dma_wait3A_1898 : memref<128xf32, #tpu.memory_space<hbm>>)
        tpu.yield
      }) : () -> ()
    }
    %while3A_1736 = arith.constant 1 : i32
    scf.for %while3A_1737 = %while3A_1734 to %while3A_1730 step %while3A_1736  : i32 {
      %rem3A_1738 = arith.constant 2 : i32
      %rem3A_1739 = arith.remsi %while3A_1737, %rem3A_1738 : i32
      %mul3A_1740 = arith.constant 32 : i32
      %mul3A_1741 = arith.muli %mul3A_1740, %while3A_1737 : i32
      %add3A_1742 = arith.addi %add3A, %mul3A_1741 : i32
      %mul3A_1743 = arith.constant 32 : i32
      %mul3A_1744 = arith.muli %mul3A_1743, %while3A_1737 : i32
      %add3A_1745 = arith.addi %add3A, %mul3A_1744 : i32
      %mul3A_1746 = arith.constant 128 : i32
      %mul3A_1747 = arith.muli %add3A_1745, %mul3A_1746 : i32
      %add3A_1748 = arith.constant 245760 : i32
      %add3A_1749 = arith.addi %add3A_1748, %mul3A_1747 : i32
      %dma_wait3A = arith.constant 0 : i32
      %dma_wait3A_1750 = arith.constant 0 : i32
      %dma_wait3A_1751 = tpu.memref_slice %arg9[%rem3A_1739, %dma_wait3A, %dma_wait3A_1750] : memref<2x304x128xf32, #tpu.memory_space<vmem>> -> memref<1x296x128xf32, #tpu.memory_space<vmem>>
      %dma_wait3A_1752 = tpu.memref_squeeze %dma_wait3A_1751 : memref<1x296x128xf32, #tpu.memory_space<vmem>> -> memref<296x128xf32, #tpu.memory_space<vmem>>
      %dma_wait3A_1753 = arith.constant 0 : i32
      %dma_wait3A_1754 = tpu.memref_slice %arg3[%dma_wait3A_1753, %add3A_1749] : memref<300x400000xf32, #tpu.memory_space<hbm>> -> memref<296x128xf32, #tpu.memory_space<hbm>>
      %dma_wait3A_1755 = tpu.memref_slice %arg12[%rem3A_1739] : memref<2x!tpu.dma_semaphore, #tpu.memory_space<semaphore_mem>> -> memref<1x!tpu.dma_semaphore, #tpu.memory_space<semaphore_mem>>
      %dma_wait3A_1756 = tpu.memref_squeeze %dma_wait3A_1755 : memref<1x!tpu.dma_semaphore, #tpu.memory_space<semaphore_mem>> -> memref<!tpu.dma_semaphore, #tpu.memory_space<semaphore_mem>>
      %dma_wait3A_1757 = arith.constant 0 : i32
      %dma_wait3A_1758 = arith.constant 0 : i32
      %dma_wait3A_1759 = tpu.memref_slice %arg9[%rem3A_1739, %dma_wait3A_1757, %dma_wait3A_1758] : memref<2x304x128xf32, #tpu.memory_space<vmem>> -> memref<1x296x128xf32, #tpu.memory_space<vmem>>
      %dma_wait3A_1760 = tpu.memref_squeeze %dma_wait3A_1759 : memref<1x296x128xf32, #tpu.memory_space<vmem>> -> memref<296x128xf32, #tpu.memory_space<vmem>>
      %dma_wait3A_1761 = arith.constant 0 : i32
      %dma_wait3A_1762 = tpu.memref_slice %arg3[%dma_wait3A_1761, %add3A_1749] : memref<300x400000xf32, #tpu.memory_space<hbm>> -> memref<296x128xf32, #tpu.memory_space<hbm>>
      tpu.wait_dma2 semaphore(%dma_wait3A_1756 : memref<!tpu.dma_semaphore, #tpu.memory_space<semaphore_mem>>) src(%dma_wait3A_1762 : memref<296x128xf32, #tpu.memory_space<hbm>>) dst(%dma_wait3A_1760 : memref<296x128xf32, #tpu.memory_space<vmem>>)
      %mul3A_1763 = arith.constant 32 : i32
      %mul3A_1764 = arith.muli %mul3A_1763, %while3A_1737 : i32
      %add3A_1765 = arith.addi %add3A, %mul3A_1764 : i32
      %mul3A_1766 = arith.constant 128 : i32
      %mul3A_1767 = arith.muli %add3A_1765, %mul3A_1766 : i32
      %add3A_1768 = arith.constant 245760 : i32
      %add3A_1769 = arith.addi %add3A_1768, %mul3A_1767 : i32
      %dma_wait3A_1770 = arith.constant 296 : i32
      %dma_wait3A_1771 = arith.constant 0 : i32
      %dma_wait3A_1772 = tpu.memref_slice %arg9[%rem3A_1739, %dma_wait3A_1770, %dma_wait3A_1771] : memref<2x304x128xf32, #tpu.memory_space<vmem>> -> memref<1x8x128xf32, #tpu.memory_space<vmem>>
      %dma_wait3A_1773 = tpu.memref_squeeze %dma_wait3A_1772 : memref<1x8x128xf32, #tpu.memory_space<vmem>> -> memref<8x128xf32, #tpu.memory_space<vmem>>
      %dma_wait3A_1774 = arith.constant 0 : i32
      %dma_wait3A_1775 = tpu.memref_slice %arg4[%dma_wait3A_1774, %add3A_1769] : memref<8x400000xf32, #tpu.memory_space<hbm>> -> memref<8x128xf32, #tpu.memory_space<hbm>>
      %dma_wait3A_1776 = tpu.memref_slice %arg13[%rem3A_1739] : memref<2x!tpu.dma_semaphore, #tpu.memory_space<semaphore_mem>> -> memref<1x!tpu.dma_semaphore, #tpu.memory_space<semaphore_mem>>
      %dma_wait3A_1777 = tpu.memref_squeeze %dma_wait3A_1776 : memref<1x!tpu.dma_semaphore, #tpu.memory_space<semaphore_mem>> -> memref<!tpu.dma_semaphore, #tpu.memory_space<semaphore_mem>>
      %dma_wait3A_1778 = arith.constant 296 : i32
      %dma_wait3A_1779 = arith.constant 0 : i32
      %dma_wait3A_1780 = tpu.memref_slice %arg9[%rem3A_1739, %dma_wait3A_1778, %dma_wait3A_1779] : memref<2x304x128xf32, #tpu.memory_space<vmem>> -> memref<1x8x128xf32, #tpu.memory_space<vmem>>
      %dma_wait3A_1781 = tpu.memref_squeeze %dma_wait3A_1780 : memref<1x8x128xf32, #tpu.memory_space<vmem>> -> memref<8x128xf32, #tpu.memory_space<vmem>>
      %dma_wait3A_1782 = arith.constant 0 : i32
      %dma_wait3A_1783 = tpu.memref_slice %arg4[%dma_wait3A_1782, %add3A_1769] : memref<8x400000xf32, #tpu.memory_space<hbm>> -> memref<8x128xf32, #tpu.memory_space<hbm>>
      tpu.wait_dma2 semaphore(%dma_wait3A_1777 : memref<!tpu.dma_semaphore, #tpu.memory_space<semaphore_mem>>) src(%dma_wait3A_1783 : memref<8x128xf32, #tpu.memory_space<hbm>>) dst(%dma_wait3A_1781 : memref<8x128xf32, #tpu.memory_space<vmem>>)
      %add3A_1784 = arith.constant 1 : i32
      %add3A_1785 = arith.addi %while3A_1737, %add3A_1784 : i32
      %lt3A = arith.cmpi slt, %add3A_1785, %add3A_20 : i32
      %convert_element_type3A = arith.extui %lt3A : i1 to i32
      %cond3A = arith.constant 0 : i32
      %cond3A_1786 = arith.cmpi ne, %convert_element_type3A, %cond3A : i32
      scf.if %cond3A_1786 {
        %add3A_1886 = arith.constant 1 : i32
        %add3A_1887 = arith.addi %while3A_1737, %add3A_1886 : i32
        %sub3A_1888 = arith.constant 1 : i32
        %sub3A_1889 = arith.subi %sub3A_1888, %rem3A_1739 : i32
        %mul3A_1890 = arith.constant 32 : i32
        %mul3A_1891 = arith.muli %mul3A_1890, %add3A_1887 : i32
        %add3A_1892 = arith.addi %add3A, %mul3A_1891 : i32
        %mul3A_1893 = arith.constant 128 : i32
        %mul3A_1894 = arith.muli %add3A_1892, %mul3A_1893 : i32
        %add3A_1895 = arith.constant 245760 : i32
        %add3A_1896 = arith.addi %add3A_1895, %mul3A_1894 : i32
        %dma_start3A_1897 = arith.constant 0 : i32
        %dma_start3A_1898 = arith.constant 0 : i32
        %dma_start3A_1899 = tpu.memref_slice %arg9[%sub3A_1889, %dma_start3A_1897, %dma_start3A_1898] : memref<2x304x128xf32, #tpu.memory_space<vmem>> -> memref<1x296x128xf32, #tpu.memory_space<vmem>>
        %dma_start3A_1900 = tpu.memref_squeeze %dma_start3A_1899 : memref<1x296x128xf32, #tpu.memory_space<vmem>> -> memref<296x128xf32, #tpu.memory_space<vmem>>
        %dma_start3A_1901 = arith.constant 0 : i32
        %dma_start3A_1902 = tpu.memref_slice %arg3[%dma_start3A_1901, %add3A_1896] : memref<300x400000xf32, #tpu.memory_space<hbm>> -> memref<296x128xf32, #tpu.memory_space<hbm>>
        %dma_start3A_1903 = tpu.memref_slice %arg12[%sub3A_1889] : memref<2x!tpu.dma_semaphore, #tpu.memory_space<semaphore_mem>> -> memref<1x!tpu.dma_semaphore, #tpu.memory_space<semaphore_mem>>
        %dma_start3A_1904 = tpu.memref_squeeze %dma_start3A_1903 : memref<1x!tpu.dma_semaphore, #tpu.memory_space<semaphore_mem>> -> memref<!tpu.dma_semaphore, #tpu.memory_space<semaphore_mem>>
        %dma_start3A_1905 = arith.constant 0 : i32
        %dma_start3A_1906 = arith.constant 0 : i32
        %dma_start3A_1907 = tpu.memref_slice %arg9[%sub3A_1889, %dma_start3A_1905, %dma_start3A_1906] : memref<2x304x128xf32, #tpu.memory_space<vmem>> -> memref<1x296x128xf32, #tpu.memory_space<vmem>>
        %dma_start3A_1908 = tpu.memref_squeeze %dma_start3A_1907 : memref<1x296x128xf32, #tpu.memory_space<vmem>> -> memref<296x128xf32, #tpu.memory_space<vmem>>
        %dma_start3A_1909 = arith.constant 0 : i32
        %dma_start3A_1910 = tpu.memref_slice %arg3[%dma_start3A_1909, %add3A_1896] : memref<300x400000xf32, #tpu.memory_space<hbm>> -> memref<296x128xf32, #tpu.memory_space<hbm>>
        tpu.enqueue_dma source(%dma_start3A_1910 : memref<296x128xf32, #tpu.memory_space<hbm>>) target(%dma_start3A_1908 : memref<296x128xf32, #tpu.memory_space<vmem>>) target_semaphore(%dma_start3A_1904 : memref<!tpu.dma_semaphore, #tpu.memory_space<semaphore_mem>>)
        %add3A_1911 = arith.constant 1 : i32
        %add3A_1912 = arith.addi %while3A_1737, %add3A_1911 : i32
        %sub3A_1913 = arith.constant 1 : i32
        %sub3A_1914 = arith.subi %sub3A_1913, %rem3A_1739 : i32
        %mul3A_1915 = arith.constant 32 : i32
        %mul3A_1916 = arith.muli %mul3A_1915, %add3A_1912 : i32
        %add3A_1917 = arith.addi %add3A, %mul3A_1916 : i32
        %mul3A_1918 = arith.constant 128 : i32
        %mul3A_1919 = arith.muli %add3A_1917, %mul3A_1918 : i32
        %add3A_1920 = arith.constant 245760 : i32
        %add3A_1921 = arith.addi %add3A_1920, %mul3A_1919 : i32
        %dma_start3A_1922 = arith.constant 296 : i32
        %dma_start3A_1923 = arith.constant 0 : i32
        %dma_start3A_1924 = tpu.memref_slice %arg9[%sub3A_1914, %dma_start3A_1922, %dma_start3A_1923] : memref<2x304x128xf32, #tpu.memory_space<vmem>> -> memref<1x8x128xf32, #tpu.memory_space<vmem>>
        %dma_start3A_1925 = tpu.memref_squeeze %dma_start3A_1924 : memref<1x8x128xf32, #tpu.memory_space<vmem>> -> memref<8x128xf32, #tpu.memory_space<vmem>>
        %dma_start3A_1926 = arith.constant 0 : i32
        %dma_start3A_1927 = tpu.memref_slice %arg4[%dma_start3A_1926, %add3A_1921] : memref<8x400000xf32, #tpu.memory_space<hbm>> -> memref<8x128xf32, #tpu.memory_space<hbm>>
        %dma_start3A_1928 = tpu.memref_slice %arg13[%sub3A_1914] : memref<2x!tpu.dma_semaphore, #tpu.memory_space<semaphore_mem>> -> memref<1x!tpu.dma_semaphore, #tpu.memory_space<semaphore_mem>>
        %dma_start3A_1929 = tpu.memref_squeeze %dma_start3A_1928 : memref<1x!tpu.dma_semaphore, #tpu.memory_space<semaphore_mem>> -> memref<!tpu.dma_semaphore, #tpu.memory_space<semaphore_mem>>
        %dma_start3A_1930 = arith.constant 296 : i32
        %dma_start3A_1931 = arith.constant 0 : i32
        %dma_start3A_1932 = tpu.memref_slice %arg9[%sub3A_1914, %dma_start3A_1930, %dma_start3A_1931] : memref<2x304x128xf32, #tpu.memory_space<vmem>> -> memref<1x8x128xf32, #tpu.memory_space<vmem>>
        %dma_start3A_1933 = tpu.memref_squeeze %dma_start3A_1932 : memref<1x8x128xf32, #tpu.memory_space<vmem>> -> memref<8x128xf32, #tpu.memory_space<vmem>>
        %dma_start3A_1934 = arith.constant 0 : i32
        %dma_start3A_1935 = tpu.memref_slice %arg4[%dma_start3A_1934, %add3A_1921] : memref<8x400000xf32, #tpu.memory_space<hbm>> -> memref<8x128xf32, #tpu.memory_space<hbm>>
        tpu.enqueue_dma source(%dma_start3A_1935 : memref<8x128xf32, #tpu.memory_space<hbm>>) target(%dma_start3A_1933 : memref<8x128xf32, #tpu.memory_space<vmem>>) target_semaphore(%dma_start3A_1929 : memref<!tpu.dma_semaphore, #tpu.memory_space<semaphore_mem>>)
      } else {
      }
      %broadcast_in_dim3A_1787 = arith.constant 0.000000e+00 : f32
      %broadcast_in_dim3A_1788 = vector.broadcast %broadcast_in_dim3A_1787 : f32 to vector<16xf32>
      %parallel_loop3A = arith.constant 0 : i32
      %parallel_loop3A_1789 = arith.constant 304 : i32
      %parallel_loop3A_1790 = arith.constant 1 : i32
      %parallel_loop3A_1791:2 = scf.for %parallel_loop3A_1886 = %parallel_loop3A to %parallel_loop3A_1789 step %parallel_loop3A_1790 iter_args(%parallel_loop3A_1887 = %broadcast_in_dim3A_1788, %parallel_loop3A_1888 = %broadcast_in_dim3A_1788) -> (vector<16xf32>, vector<16xf32>)  : i32 {
        %parallel_loop3A_1889 = arith.constant 16 : i32
        %parallel_loop3A_1890 = arith.muli %parallel_loop3A_1889, %parallel_loop3A_1886 : i32
        %parallel_loop3A_1891 = arith.index_cast %parallel_loop3A_1890 : i32 to index
        %parallel_loop3A_1892 = tpu.vector_load %arg8[%parallel_loop3A_1891] {strides = array<i32>} : memref<4864xf32, #tpu.memory_space<vmem>>, vector<16xf32>,
        %parallel_loop3A_1893 = arith.index_cast %rem3A_1739 : i32 to index
        %parallel_loop3A_1894 = arith.index_cast %parallel_loop3A_1886 : i32 to index
        %parallel_loop3A_1895 = arith.constant 0 : index
        %parallel_loop3A_1896 = tpu.vector_load %arg9[%parallel_loop3A_1893, %parallel_loop3A_1894, %parallel_loop3A_1895] {strides = array<i32>} : memref<2x304x128xf32, #tpu.memory_space<vmem>>, vector<16xf32>,
        %parallel_loop3A_1897 = arith.constant 6.553700e+04 : f32
        %parallel_loop3A_1898 = vector.broadcast %parallel_loop3A_1897 : f32 to vector<16xf32>
        %parallel_loop3A_1899 = arith.mulf %parallel_loop3A_1896, %parallel_loop3A_1898 : vector<16xf32>
        %parallel_loop3A_1900 = arith.subf %parallel_loop3A_1899, %parallel_loop3A_1896 : vector<16xf32>
        %parallel_loop3A_1901 = arith.subf %parallel_loop3A_1899, %parallel_loop3A_1900 : vector<16xf32>
        %parallel_loop3A_1902 = arith.mulf %parallel_loop3A_1901, %parallel_loop3A_1892 : vector<16xf32>
        %parallel_loop3A_1903 = arith.addf %parallel_loop3A_1887, %parallel_loop3A_1902 : vector<16xf32>
        %parallel_loop3A_1904 = arith.mulf %parallel_loop3A_1896, %parallel_loop3A_1896 : vector<16xf32>
        %parallel_loop3A_1905 = arith.addf %parallel_loop3A_1888, %parallel_loop3A_1904 : vector<16xf32>
        scf.yield %parallel_loop3A_1903, %parallel_loop3A_1905 : vector<16xf32>, vector<16xf32>
      } {sc.loop_unroll_factor = 4 : i64, sc.parallel_access}
      %swap3A_1792 = arith.index_cast %rem3A_1739 : i32 to index
      %swap3A_1793 = arith.constant 0 : index
      %swap3A_1794 = tpu.vector_load %arg10[%swap3A_1792, %swap3A_1793] {strides = array<i32>} : memref<2x128xf32, #tpu.memory_space<vmem>>, vector<16xf32>,
      tpu.vector_store %arg10[%swap3A_1792, %swap3A_1793], %parallel_loop3A_1791#0 {strides = array<i32>} : memref<2x128xf32, #tpu.memory_space<vmem>>, vector<16xf32>,
      %swap3A_1795 = arith.index_cast %rem3A_1739 : i32 to index
      %swap3A_1796 = arith.constant 0 : index
      %swap3A_1797 = tpu.vector_load %arg11[%swap3A_1795, %swap3A_1796] {strides = array<i32>} : memref<2x128xf32, #tpu.memory_space<vmem>>, vector<16xf32>,
      tpu.vector_store %arg11[%swap3A_1795, %swap3A_1796], %parallel_loop3A_1791#1 {strides = array<i32>} : memref<2x128xf32, #tpu.memory_space<vmem>>, vector<16xf32>,
      %broadcast_in_dim3A_1798 = arith.constant 0.000000e+00 : f32
      %broadcast_in_dim3A_1799 = vector.broadcast %broadcast_in_dim3A_1798 : f32 to vector<16xf32>
      %parallel_loop3A_1800 = arith.constant 0 : i32
      %parallel_loop3A_1801 = arith.constant 304 : i32
      %parallel_loop3A_1802 = arith.constant 1 : i32
      %parallel_loop3A_1803:2 = scf.for %parallel_loop3A_1886 = %parallel_loop3A_1800 to %parallel_loop3A_1801 step %parallel_loop3A_1802 iter_args(%parallel_loop3A_1887 = %broadcast_in_dim3A_1799, %parallel_loop3A_1888 = %broadcast_in_dim3A_1799) -> (vector<16xf32>, vector<16xf32>)  : i32 {
        %parallel_loop3A_1889 = arith.constant 16 : i32
        %parallel_loop3A_1890 = arith.muli %parallel_loop3A_1889, %parallel_loop3A_1886 : i32
        %parallel_loop3A_1891 = arith.index_cast %parallel_loop3A_1890 : i32 to index
        %parallel_loop3A_1892 = tpu.vector_load %arg8[%parallel_loop3A_1891] {strides = array<i32>} : memref<4864xf32, #tpu.memory_space<vmem>>, vector<16xf32>,
        %parallel_loop3A_1893 = arith.index_cast %rem3A_1739 : i32 to index
        %parallel_loop3A_1894 = arith.index_cast %parallel_loop3A_1886 : i32 to index
        %parallel_loop3A_1895 = arith.constant 16 : index
        %parallel_loop3A_1896 = tpu.vector_load %arg9[%parallel_loop3A_1893, %parallel_loop3A_1894, %parallel_loop3A_1895] {strides = array<i32>} : memref<2x304x128xf32, #tpu.memory_space<vmem>>, vector<16xf32>,
        %parallel_loop3A_1897 = arith.constant 6.553700e+04 : f32
        %parallel_loop3A_1898 = vector.broadcast %parallel_loop3A_1897 : f32 to vector<16xf32>
        %parallel_loop3A_1899 = arith.mulf %parallel_loop3A_1896, %parallel_loop3A_1898 : vector<16xf32>
        %parallel_loop3A_1900 = arith.subf %parallel_loop3A_1899, %parallel_loop3A_1896 : vector<16xf32>
        %parallel_loop3A_1901 = arith.subf %parallel_loop3A_1899, %parallel_loop3A_1900 : vector<16xf32>
        %parallel_loop3A_1902 = arith.mulf %parallel_loop3A_1901, %parallel_loop3A_1892 : vector<16xf32>
        %parallel_loop3A_1903 = arith.addf %parallel_loop3A_1887, %parallel_loop3A_1902 : vector<16xf32>
        %parallel_loop3A_1904 = arith.mulf %parallel_loop3A_1896, %parallel_loop3A_1896 : vector<16xf32>
        %parallel_loop3A_1905 = arith.addf %parallel_loop3A_1888, %parallel_loop3A_1904 : vector<16xf32>
        scf.yield %parallel_loop3A_1903, %parallel_loop3A_1905 : vector<16xf32>, vector<16xf32>
      } {sc.loop_unroll_factor = 4 : i64, sc.parallel_access}
      %swap3A_1804 = arith.index_cast %rem3A_1739 : i32 to index
      %swap3A_1805 = arith.constant 16 : index
      %swap3A_1806 = tpu.vector_load %arg10[%swap3A_1804, %swap3A_1805] {strides = array<i32>} : memref<2x128xf32, #tpu.memory_space<vmem>>, vector<16xf32>,
      tpu.vector_store %arg10[%swap3A_1804, %swap3A_1805], %parallel_loop3A_1803#0 {strides = array<i32>} : memref<2x128xf32, #tpu.memory_space<vmem>>, vector<16xf32>,
      %swap3A_1807 = arith.index_cast %rem3A_1739 : i32 to index
      %swap3A_1808 = arith.constant 16 : index
      %swap3A_1809 = tpu.vector_load %arg11[%swap3A_1807, %swap3A_1808] {strides = array<i32>} : memref<2x128xf32, #tpu.memory_space<vmem>>, vector<16xf32>,
      tpu.vector_store %arg11[%swap3A_1807, %swap3A_1808], %parallel_loop3A_1803#1 {strides = array<i32>} : memref<2x128xf32, #tpu.memory_space<vmem>>, vector<16xf32>,
      %broadcast_in_dim3A_1810 = arith.constant 0.000000e+00 : f32
      %broadcast_in_dim3A_1811 = vector.broadcast %broadcast_in_dim3A_1810 : f32 to vector<16xf32>
      %parallel_loop3A_1812 = arith.constant 0 : i32
      %parallel_loop3A_1813 = arith.constant 304 : i32
      %parallel_loop3A_1814 = arith.constant 1 : i32
      %parallel_loop3A_1815:2 = scf.for %parallel_loop3A_1886 = %parallel_loop3A_1812 to %parallel_loop3A_1813 step %parallel_loop3A_1814 iter_args(%parallel_loop3A_1887 = %broadcast_in_dim3A_1811, %parallel_loop3A_1888 = %broadcast_in_dim3A_1811) -> (vector<16xf32>, vector<16xf32>)  : i32 {
        %parallel_loop3A_1889 = arith.constant 16 : i32
        %parallel_loop3A_1890 = arith.muli %parallel_loop3A_1889, %parallel_loop3A_1886 : i32
        %parallel_loop3A_1891 = arith.index_cast %parallel_loop3A_1890 : i32 to index
        %parallel_loop3A_1892 = tpu.vector_load %arg8[%parallel_loop3A_1891] {strides = array<i32>} : memref<4864xf32, #tpu.memory_space<vmem>>, vector<16xf32>,
        %parallel_loop3A_1893 = arith.index_cast %rem3A_1739 : i32 to index
        %parallel_loop3A_1894 = arith.index_cast %parallel_loop3A_1886 : i32 to index
        %parallel_loop3A_1895 = arith.constant 32 : index
        %parallel_loop3A_1896 = tpu.vector_load %arg9[%parallel_loop3A_1893, %parallel_loop3A_1894, %parallel_loop3A_1895] {strides = array<i32>} : memref<2x304x128xf32, #tpu.memory_space<vmem>>, vector<16xf32>,
        %parallel_loop3A_1897 = arith.constant 6.553700e+04 : f32
        %parallel_loop3A_1898 = vector.broadcast %parallel_loop3A_1897 : f32 to vector<16xf32>
        %parallel_loop3A_1899 = arith.mulf %parallel_loop3A_1896, %parallel_loop3A_1898 : vector<16xf32>
        %parallel_loop3A_1900 = arith.subf %parallel_loop3A_1899, %parallel_loop3A_1896 : vector<16xf32>
        %parallel_loop3A_1901 = arith.subf %parallel_loop3A_1899, %parallel_loop3A_1900 : vector<16xf32>
        %parallel_loop3A_1902 = arith.mulf %parallel_loop3A_1901, %parallel_loop3A_1892 : vector<16xf32>
        %parallel_loop3A_1903 = arith.addf %parallel_loop3A_1887, %parallel_loop3A_1902 : vector<16xf32>
        %parallel_loop3A_1904 = arith.mulf %parallel_loop3A_1896, %parallel_loop3A_1896 : vector<16xf32>
        %parallel_loop3A_1905 = arith.addf %parallel_loop3A_1888, %parallel_loop3A_1904 : vector<16xf32>
        scf.yield %parallel_loop3A_1903, %parallel_loop3A_1905 : vector<16xf32>, vector<16xf32>
      } {sc.loop_unroll_factor = 4 : i64, sc.parallel_access}
      %swap3A_1816 = arith.index_cast %rem3A_1739 : i32 to index
      %swap3A_1817 = arith.constant 32 : index
      %swap3A_1818 = tpu.vector_load %arg10[%swap3A_1816, %swap3A_1817] {strides = array<i32>} : memref<2x128xf32, #tpu.memory_space<vmem>>, vector<16xf32>,
      tpu.vector_store %arg10[%swap3A_1816, %swap3A_1817], %parallel_loop3A_1815#0 {strides = array<i32>} : memref<2x128xf32, #tpu.memory_space<vmem>>, vector<16xf32>,
      %swap3A_1819 = arith.index_cast %rem3A_1739 : i32 to index
      %swap3A_1820 = arith.constant 32 : index
      %swap3A_1821 = tpu.vector_load %arg11[%swap3A_1819, %swap3A_1820] {strides = array<i32>} : memref<2x128xf32, #tpu.memory_space<vmem>>, vector<16xf32>,
      tpu.vector_store %arg11[%swap3A_1819, %swap3A_1820], %parallel_loop3A_1815#1 {strides = array<i32>} : memref<2x128xf32, #tpu.memory_space<vmem>>, vector<16xf32>,
      %broadcast_in_dim3A_1822 = arith.constant 0.000000e+00 : f32
      %broadcast_in_dim3A_1823 = vector.broadcast %broadcast_in_dim3A_1822 : f32 to vector<16xf32>
      %parallel_loop3A_1824 = arith.constant 0 : i32
      %parallel_loop3A_1825 = arith.constant 304 : i32
      %parallel_loop3A_1826 = arith.constant 1 : i32
      %parallel_loop3A_1827:2 = scf.for %parallel_loop3A_1886 = %parallel_loop3A_1824 to %parallel_loop3A_1825 step %parallel_loop3A_1826 iter_args(%parallel_loop3A_1887 = %broadcast_in_dim3A_1823, %parallel_loop3A_1888 = %broadcast_in_dim3A_1823) -> (vector<16xf32>, vector<16xf32>)  : i32 {
        %parallel_loop3A_1889 = arith.constant 16 : i32
        %parallel_loop3A_1890 = arith.muli %parallel_loop3A_1889, %parallel_loop3A_1886 : i32
        %parallel_loop3A_1891 = arith.index_cast %parallel_loop3A_1890 : i32 to index
        %parallel_loop3A_1892 = tpu.vector_load %arg8[%parallel_loop3A_1891] {strides = array<i32>} : memref<4864xf32, #tpu.memory_space<vmem>>, vector<16xf32>,
        %parallel_loop3A_1893 = arith.index_cast %rem3A_1739 : i32 to index
        %parallel_loop3A_1894 = arith.index_cast %parallel_loop3A_1886 : i32 to index
        %parallel_loop3A_1895 = arith.constant 48 : index
        %parallel_loop3A_1896 = tpu.vector_load %arg9[%parallel_loop3A_1893, %parallel_loop3A_1894, %parallel_loop3A_1895] {strides = array<i32>} : memref<2x304x128xf32, #tpu.memory_space<vmem>>, vector<16xf32>,
        %parallel_loop3A_1897 = arith.constant 6.553700e+04 : f32
        %parallel_loop3A_1898 = vector.broadcast %parallel_loop3A_1897 : f32 to vector<16xf32>
        %parallel_loop3A_1899 = arith.mulf %parallel_loop3A_1896, %parallel_loop3A_1898 : vector<16xf32>
        %parallel_loop3A_1900 = arith.subf %parallel_loop3A_1899, %parallel_loop3A_1896 : vector<16xf32>
        %parallel_loop3A_1901 = arith.subf %parallel_loop3A_1899, %parallel_loop3A_1900 : vector<16xf32>
        %parallel_loop3A_1902 = arith.mulf %parallel_loop3A_1901, %parallel_loop3A_1892 : vector<16xf32>
        %parallel_loop3A_1903 = arith.addf %parallel_loop3A_1887, %parallel_loop3A_1902 : vector<16xf32>
        %parallel_loop3A_1904 = arith.mulf %parallel_loop3A_1896, %parallel_loop3A_1896 : vector<16xf32>
        %parallel_loop3A_1905 = arith.addf %parallel_loop3A_1888, %parallel_loop3A_1904 : vector<16xf32>
        scf.yield %parallel_loop3A_1903, %parallel_loop3A_1905 : vector<16xf32>, vector<16xf32>
      } {sc.loop_unroll_factor = 4 : i64, sc.parallel_access}
      %swap3A_1828 = arith.index_cast %rem3A_1739 : i32 to index
      %swap3A_1829 = arith.constant 48 : index
      %swap3A_1830 = tpu.vector_load %arg10[%swap3A_1828, %swap3A_1829] {strides = array<i32>} : memref<2x128xf32, #tpu.memory_space<vmem>>, vector<16xf32>,
      tpu.vector_store %arg10[%swap3A_1828, %swap3A_1829], %parallel_loop3A_1827#0 {strides = array<i32>} : memref<2x128xf32, #tpu.memory_space<vmem>>, vector<16xf32>,
      %swap3A_1831 = arith.index_cast %rem3A_1739 : i32 to index
      %swap3A_1832 = arith.constant 48 : index
      %swap3A_1833 = tpu.vector_load %arg11[%swap3A_1831, %swap3A_1832] {strides = array<i32>} : memref<2x128xf32, #tpu.memory_space<vmem>>, vector<16xf32>,
      tpu.vector_store %arg11[%swap3A_1831, %swap3A_1832], %parallel_loop3A_1827#1 {strides = array<i32>} : memref<2x128xf32, #tpu.memory_space<vmem>>, vector<16xf32>,
      %broadcast_in_dim3A_1834 = arith.constant 0.000000e+00 : f32
      %broadcast_in_dim3A_1835 = vector.broadcast %broadcast_in_dim3A_1834 : f32 to vector<16xf32>
      %parallel_loop3A_1836 = arith.constant 0 : i32
      %parallel_loop3A_1837 = arith.constant 304 : i32
      %parallel_loop3A_1838 = arith.constant 1 : i32
      %parallel_loop3A_1839:2 = scf.for %parallel_loop3A_1886 = %parallel_loop3A_1836 to %parallel_loop3A_1837 step %parallel_loop3A_1838 iter_args(%parallel_loop3A_1887 = %broadcast_in_dim3A_1835, %parallel_loop3A_1888 = %broadcast_in_dim3A_1835) -> (vector<16xf32>, vector<16xf32>)  : i32 {
        %parallel_loop3A_1889 = arith.constant 16 : i32
        %parallel_loop3A_1890 = arith.muli %parallel_loop3A_1889, %parallel_loop3A_1886 : i32
        %parallel_loop3A_1891 = arith.index_cast %parallel_loop3A_1890 : i32 to index
        %parallel_loop3A_1892 = tpu.vector_load %arg8[%parallel_loop3A_1891] {strides = array<i32>} : memref<4864xf32, #tpu.memory_space<vmem>>, vector<16xf32>,
        %parallel_loop3A_1893 = arith.index_cast %rem3A_1739 : i32 to index
        %parallel_loop3A_1894 = arith.index_cast %parallel_loop3A_1886 : i32 to index
        %parallel_loop3A_1895 = arith.constant 64 : index
        %parallel_loop3A_1896 = tpu.vector_load %arg9[%parallel_loop3A_1893, %parallel_loop3A_1894, %parallel_loop3A_1895] {strides = array<i32>} : memref<2x304x128xf32, #tpu.memory_space<vmem>>, vector<16xf32>,
        %parallel_loop3A_1897 = arith.constant 6.553700e+04 : f32
        %parallel_loop3A_1898 = vector.broadcast %parallel_loop3A_1897 : f32 to vector<16xf32>
        %parallel_loop3A_1899 = arith.mulf %parallel_loop3A_1896, %parallel_loop3A_1898 : vector<16xf32>
        %parallel_loop3A_1900 = arith.subf %parallel_loop3A_1899, %parallel_loop3A_1896 : vector<16xf32>
        %parallel_loop3A_1901 = arith.subf %parallel_loop3A_1899, %parallel_loop3A_1900 : vector<16xf32>
        %parallel_loop3A_1902 = arith.mulf %parallel_loop3A_1901, %parallel_loop3A_1892 : vector<16xf32>
        %parallel_loop3A_1903 = arith.addf %parallel_loop3A_1887, %parallel_loop3A_1902 : vector<16xf32>
        %parallel_loop3A_1904 = arith.mulf %parallel_loop3A_1896, %parallel_loop3A_1896 : vector<16xf32>
        %parallel_loop3A_1905 = arith.addf %parallel_loop3A_1888, %parallel_loop3A_1904 : vector<16xf32>
        scf.yield %parallel_loop3A_1903, %parallel_loop3A_1905 : vector<16xf32>, vector<16xf32>
      } {sc.loop_unroll_factor = 4 : i64, sc.parallel_access}
      %swap3A_1840 = arith.index_cast %rem3A_1739 : i32 to index
      %swap3A_1841 = arith.constant 64 : index
      %swap3A_1842 = tpu.vector_load %arg10[%swap3A_1840, %swap3A_1841] {strides = array<i32>} : memref<2x128xf32, #tpu.memory_space<vmem>>, vector<16xf32>,
      tpu.vector_store %arg10[%swap3A_1840, %swap3A_1841], %parallel_loop3A_1839#0 {strides = array<i32>} : memref<2x128xf32, #tpu.memory_space<vmem>>, vector<16xf32>,
      %swap3A_1843 = arith.index_cast %rem3A_1739 : i32 to index
      %swap3A_1844 = arith.constant 64 : index
      %swap3A_1845 = tpu.vector_load %arg11[%swap3A_1843, %swap3A_1844] {strides = array<i32>} : memref<2x128xf32, #tpu.memory_space<vmem>>, vector<16xf32>,
      tpu.vector_store %arg11[%swap3A_1843, %swap3A_1844], %parallel_loop3A_1839#1 {strides = array<i32>} : memref<2x128xf32, #tpu.memory_space<vmem>>, vector<16xf32>,
      %broadcast_in_dim3A_1846 = arith.constant 0.000000e+00 : f32
      %broadcast_in_dim3A_1847 = vector.broadcast %broadcast_in_dim3A_1846 : f32 to vector<16xf32>
      %parallel_loop3A_1848 = arith.constant 0 : i32
      %parallel_loop3A_1849 = arith.constant 304 : i32
      %parallel_loop3A_1850 = arith.constant 1 : i32
      %parallel_loop3A_1851:2 = scf.for %parallel_loop3A_1886 = %parallel_loop3A_1848 to %parallel_loop3A_1849 step %parallel_loop3A_1850 iter_args(%parallel_loop3A_1887 = %broadcast_in_dim3A_1847, %parallel_loop3A_1888 = %broadcast_in_dim3A_1847) -> (vector<16xf32>, vector<16xf32>)  : i32 {
        %parallel_loop3A_1889 = arith.constant 16 : i32
        %parallel_loop3A_1890 = arith.muli %parallel_loop3A_1889, %parallel_loop3A_1886 : i32
        %parallel_loop3A_1891 = arith.index_cast %parallel_loop3A_1890 : i32 to index
        %parallel_loop3A_1892 = tpu.vector_load %arg8[%parallel_loop3A_1891] {strides = array<i32>} : memref<4864xf32, #tpu.memory_space<vmem>>, vector<16xf32>,
        %parallel_loop3A_1893 = arith.index_cast %rem3A_1739 : i32 to index
        %parallel_loop3A_1894 = arith.index_cast %parallel_loop3A_1886 : i32 to index
        %parallel_loop3A_1895 = arith.constant 80 : index
        %parallel_loop3A_1896 = tpu.vector_load %arg9[%parallel_loop3A_1893, %parallel_loop3A_1894, %parallel_loop3A_1895] {strides = array<i32>} : memref<2x304x128xf32, #tpu.memory_space<vmem>>, vector<16xf32>,
        %parallel_loop3A_1897 = arith.constant 6.553700e+04 : f32
        %parallel_loop3A_1898 = vector.broadcast %parallel_loop3A_1897 : f32 to vector<16xf32>
        %parallel_loop3A_1899 = arith.mulf %parallel_loop3A_1896, %parallel_loop3A_1898 : vector<16xf32>
        %parallel_loop3A_1900 = arith.subf %parallel_loop3A_1899, %parallel_loop3A_1896 : vector<16xf32>
        %parallel_loop3A_1901 = arith.subf %parallel_loop3A_1899, %parallel_loop3A_1900 : vector<16xf32>
        %parallel_loop3A_1902 = arith.mulf %parallel_loop3A_1901, %parallel_loop3A_1892 : vector<16xf32>
        %parallel_loop3A_1903 = arith.addf %parallel_loop3A_1887, %parallel_loop3A_1902 : vector<16xf32>
        %parallel_loop3A_1904 = arith.mulf %parallel_loop3A_1896, %parallel_loop3A_1896 : vector<16xf32>
        %parallel_loop3A_1905 = arith.addf %parallel_loop3A_1888, %parallel_loop3A_1904 : vector<16xf32>
        scf.yield %parallel_loop3A_1903, %parallel_loop3A_1905 : vector<16xf32>, vector<16xf32>
      } {sc.loop_unroll_factor = 4 : i64, sc.parallel_access}
      %swap3A_1852 = arith.index_cast %rem3A_1739 : i32 to index
      %swap3A_1853 = arith.constant 80 : index
      %swap3A_1854 = tpu.vector_load %arg10[%swap3A_1852, %swap3A_1853] {strides = array<i32>} : memref<2x128xf32, #tpu.memory_space<vmem>>, vector<16xf32>,
      tpu.vector_store %arg10[%swap3A_1852, %swap3A_1853], %parallel_loop3A_1851#0 {strides = array<i32>} : memref<2x128xf32, #tpu.memory_space<vmem>>, vector<16xf32>,
      %swap3A_1855 = arith.index_cast %rem3A_1739 : i32 to index
      %swap3A_1856 = arith.constant 80 : index
      %swap3A_1857 = tpu.vector_load %arg11[%swap3A_1855, %swap3A_1856] {strides = array<i32>} : memref<2x128xf32, #tpu.memory_space<vmem>>, vector<16xf32>,
      tpu.vector_store %arg11[%swap3A_1855, %swap3A_1856], %parallel_loop3A_1851#1 {strides = array<i32>} : memref<2x128xf32, #tpu.memory_space<vmem>>, vector<16xf32>,
      %broadcast_in_dim3A_1858 = arith.constant 0.000000e+00 : f32
      %broadcast_in_dim3A_1859 = vector.broadcast %broadcast_in_dim3A_1858 : f32 to vector<16xf32>
      %parallel_loop3A_1860 = arith.constant 0 : i32
      %parallel_loop3A_1861 = arith.constant 304 : i32
      %parallel_loop3A_1862 = arith.constant 1 : i32
      %parallel_loop3A_1863:2 = scf.for %parallel_loop3A_1886 = %parallel_loop3A_1860 to %parallel_loop3A_1861 step %parallel_loop3A_1862 iter_args(%parallel_loop3A_1887 = %broadcast_in_dim3A_1859, %parallel_loop3A_1888 = %broadcast_in_dim3A_1859) -> (vector<16xf32>, vector<16xf32>)  : i32 {
        %parallel_loop3A_1889 = arith.constant 16 : i32
        %parallel_loop3A_1890 = arith.muli %parallel_loop3A_1889, %parallel_loop3A_1886 : i32
        %parallel_loop3A_1891 = arith.index_cast %parallel_loop3A_1890 : i32 to index
        %parallel_loop3A_1892 = tpu.vector_load %arg8[%parallel_loop3A_1891] {strides = array<i32>} : memref<4864xf32, #tpu.memory_space<vmem>>, vector<16xf32>,
        %parallel_loop3A_1893 = arith.index_cast %rem3A_1739 : i32 to index
        %parallel_loop3A_1894 = arith.index_cast %parallel_loop3A_1886 : i32 to index
        %parallel_loop3A_1895 = arith.constant 96 : index
        %parallel_loop3A_1896 = tpu.vector_load %arg9[%parallel_loop3A_1893, %parallel_loop3A_1894, %parallel_loop3A_1895] {strides = array<i32>} : memref<2x304x128xf32, #tpu.memory_space<vmem>>, vector<16xf32>,
        %parallel_loop3A_1897 = arith.constant 6.553700e+04 : f32
        %parallel_loop3A_1898 = vector.broadcast %parallel_loop3A_1897 : f32 to vector<16xf32>
        %parallel_loop3A_1899 = arith.mulf %parallel_loop3A_1896, %parallel_loop3A_1898 : vector<16xf32>
        %parallel_loop3A_1900 = arith.subf %parallel_loop3A_1899, %parallel_loop3A_1896 : vector<16xf32>
        %parallel_loop3A_1901 = arith.subf %parallel_loop3A_1899, %parallel_loop3A_1900 : vector<16xf32>
        %parallel_loop3A_1902 = arith.mulf %parallel_loop3A_1901, %parallel_loop3A_1892 : vector<16xf32>
        %parallel_loop3A_1903 = arith.addf %parallel_loop3A_1887, %parallel_loop3A_1902 : vector<16xf32>
        %parallel_loop3A_1904 = arith.mulf %parallel_loop3A_1896, %parallel_loop3A_1896 : vector<16xf32>
        %parallel_loop3A_1905 = arith.addf %parallel_loop3A_1888, %parallel_loop3A_1904 : vector<16xf32>
        scf.yield %parallel_loop3A_1903, %parallel_loop3A_1905 : vector<16xf32>, vector<16xf32>
      } {sc.loop_unroll_factor = 4 : i64, sc.parallel_access}
      %swap3A_1864 = arith.index_cast %rem3A_1739 : i32 to index
      %swap3A_1865 = arith.constant 96 : index
      %swap3A_1866 = tpu.vector_load %arg10[%swap3A_1864, %swap3A_1865] {strides = array<i32>} : memref<2x128xf32, #tpu.memory_space<vmem>>, vector<16xf32>,
      tpu.vector_store %arg10[%swap3A_1864, %swap3A_1865], %parallel_loop3A_1863#0 {strides = array<i32>} : memref<2x128xf32, #tpu.memory_space<vmem>>, vector<16xf32>,
      %swap3A_1867 = arith.index_cast %rem3A_1739 : i32 to index
      %swap3A_1868 = arith.constant 96 : index
      %swap3A_1869 = tpu.vector_load %arg11[%swap3A_1867, %swap3A_1868] {strides = array<i32>} : memref<2x128xf32, #tpu.memory_space<vmem>>, vector<16xf32>,
      tpu.vector_store %arg11[%swap3A_1867, %swap3A_1868], %parallel_loop3A_1863#1 {strides = array<i32>} : memref<2x128xf32, #tpu.memory_space<vmem>>, vector<16xf32>,
      %broadcast_in_dim3A_1870 = arith.constant 0.000000e+00 : f32
      %broadcast_in_dim3A_1871 = vector.broadcast %broadcast_in_dim3A_1870 : f32 to vector<16xf32>
      %parallel_loop3A_1872 = arith.constant 0 : i32
      %parallel_loop3A_1873 = arith.constant 304 : i32
      %parallel_loop3A_1874 = arith.constant 1 : i32
      %parallel_loop3A_1875:2 = scf.for %parallel_loop3A_1886 = %parallel_loop3A_1872 to %parallel_loop3A_1873 step %parallel_loop3A_1874 iter_args(%parallel_loop3A_1887 = %broadcast_in_dim3A_1871, %parallel_loop3A_1888 = %broadcast_in_dim3A_1871) -> (vector<16xf32>, vector<16xf32>)  : i32 {
        %parallel_loop3A_1889 = arith.constant 16 : i32
        %parallel_loop3A_1890 = arith.muli %parallel_loop3A_1889, %parallel_loop3A_1886 : i32
        %parallel_loop3A_1891 = arith.index_cast %parallel_loop3A_1890 : i32 to index
        %parallel_loop3A_1892 = tpu.vector_load %arg8[%parallel_loop3A_1891] {strides = array<i32>} : memref<4864xf32, #tpu.memory_space<vmem>>, vector<16xf32>,
        %parallel_loop3A_1893 = arith.index_cast %rem3A_1739 : i32 to index
        %parallel_loop3A_1894 = arith.index_cast %parallel_loop3A_1886 : i32 to index
        %parallel_loop3A_1895 = arith.constant 112 : index
        %parallel_loop3A_1896 = tpu.vector_load %arg9[%parallel_loop3A_1893, %parallel_loop3A_1894, %parallel_loop3A_1895] {strides = array<i32>} : memref<2x304x128xf32, #tpu.memory_space<vmem>>, vector<16xf32>,
        %parallel_loop3A_1897 = arith.constant 6.553700e+04 : f32
        %parallel_loop3A_1898 = vector.broadcast %parallel_loop3A_1897 : f32 to vector<16xf32>
        %parallel_loop3A_1899 = arith.mulf %parallel_loop3A_1896, %parallel_loop3A_1898 : vector<16xf32>
        %parallel_loop3A_1900 = arith.subf %parallel_loop3A_1899, %parallel_loop3A_1896 : vector<16xf32>
        %parallel_loop3A_1901 = arith.subf %parallel_loop3A_1899, %parallel_loop3A_1900 : vector<16xf32>
        %parallel_loop3A_1902 = arith.mulf %parallel_loop3A_1901, %parallel_loop3A_1892 : vector<16xf32>
        %parallel_loop3A_1903 = arith.addf %parallel_loop3A_1887, %parallel_loop3A_1902 : vector<16xf32>
        %parallel_loop3A_1904 = arith.mulf %parallel_loop3A_1896, %parallel_loop3A_1896 : vector<16xf32>
        %parallel_loop3A_1905 = arith.addf %parallel_loop3A_1888, %parallel_loop3A_1904 : vector<16xf32>
        scf.yield %parallel_loop3A_1903, %parallel_loop3A_1905 : vector<16xf32>, vector<16xf32>
      } {sc.loop_unroll_factor = 4 : i64, sc.parallel_access}
      %swap3A_1876 = arith.index_cast %rem3A_1739 : i32 to index
      %swap3A_1877 = arith.constant 112 : index
      %swap3A_1878 = tpu.vector_load %arg10[%swap3A_1876, %swap3A_1877] {strides = array<i32>} : memref<2x128xf32, #tpu.memory_space<vmem>>, vector<16xf32>,
      tpu.vector_store %arg10[%swap3A_1876, %swap3A_1877], %parallel_loop3A_1875#0 {strides = array<i32>} : memref<2x128xf32, #tpu.memory_space<vmem>>, vector<16xf32>,
      %swap3A_1879 = arith.index_cast %rem3A_1739 : i32 to index
      %swap3A_1880 = arith.constant 112 : index
      %swap3A_1881 = tpu.vector_load %arg11[%swap3A_1879, %swap3A_1880] {strides = array<i32>} : memref<2x128xf32, #tpu.memory_space<vmem>>, vector<16xf32>,
      tpu.vector_store %arg11[%swap3A_1879, %swap3A_1880], %parallel_loop3A_1875#1 {strides = array<i32>} : memref<2x128xf32, #tpu.memory_space<vmem>>, vector<16xf32>,
      %mul3A_1882 = arith.constant 128 : i32
      %mul3A_1883 = arith.muli %add3A_1742, %mul3A_1882 : i32
      "tpu.region"() ({
        %run_scoped3A = tpu.sem_alloc : memref<!tpu.dma_semaphore, #tpu.memory_space<semaphore_mem>>
        %dma_start3A_1886 = arith.constant 0 : i32
        %dma_start3A_1887 = tpu.memref_slice %arg10[%rem3A_1739, %dma_start3A_1886] : memref<2x128xf32, #tpu.memory_space<vmem>> -> memref<1x128xf32, #tpu.memory_space<vmem>>
        %dma_start3A_1888 = tpu.memref_squeeze %dma_start3A_1887 : memref<1x128xf32, #tpu.memory_space<vmem>> -> memref<128xf32, #tpu.memory_space<vmem>>
        %dma_start3A_1889 = tpu.memref_slice %arg5[%mul3A_1883] : memref<154240xf32, #tpu.memory_space<hbm>> -> memref<128xf32, #tpu.memory_space<hbm>>
        %dma_start3A_1890 = tpu.memref_slice %arg5[%mul3A_1883] : memref<154240xf32, #tpu.memory_space<hbm>> -> memref<128xf32, #tpu.memory_space<hbm>>
        %dma_start3A_1891 = arith.constant 0 : i32
        %dma_start3A_1892 = tpu.memref_slice %arg10[%rem3A_1739, %dma_start3A_1891] : memref<2x128xf32, #tpu.memory_space<vmem>> -> memref<1x128xf32, #tpu.memory_space<vmem>>
        %dma_start3A_1893 = tpu.memref_squeeze %dma_start3A_1892 : memref<1x128xf32, #tpu.memory_space<vmem>> -> memref<128xf32, #tpu.memory_space<vmem>>
        tpu.enqueue_dma source(%dma_start3A_1893 : memref<128xf32, #tpu.memory_space<vmem>>) target(%dma_start3A_1890 : memref<128xf32, #tpu.memory_space<hbm>>) target_semaphore(%run_scoped3A : memref<!tpu.dma_semaphore, #tpu.memory_space<semaphore_mem>>)
        %dma_wait3A_1894 = arith.constant 0 : i32
        %dma_wait3A_1895 = tpu.memref_slice %arg10[%rem3A_1739, %dma_wait3A_1894] : memref<2x128xf32, #tpu.memory_space<vmem>> -> memref<1x128xf32, #tpu.memory_space<vmem>>
        %dma_wait3A_1896 = tpu.memref_squeeze %dma_wait3A_1895 : memref<1x128xf32, #tpu.memory_space<vmem>> -> memref<128xf32, #tpu.memory_space<vmem>>
        %dma_wait3A_1897 = tpu.memref_slice %arg5[%mul3A_1883] : memref<154240xf32, #tpu.memory_space<hbm>> -> memref<128xf32, #tpu.memory_space<hbm>>
        %dma_wait3A_1898 = tpu.memref_slice %arg5[%mul3A_1883] : memref<154240xf32, #tpu.memory_space<hbm>> -> memref<128xf32, #tpu.memory_space<hbm>>
        %dma_wait3A_1899 = arith.constant 0 : i32
        %dma_wait3A_1900 = tpu.memref_slice %arg10[%rem3A_1739, %dma_wait3A_1899] : memref<2x128xf32, #tpu.memory_space<vmem>> -> memref<1x128xf32, #tpu.memory_space<vmem>>
        %dma_wait3A_1901 = tpu.memref_squeeze %dma_wait3A_1900 : memref<1x128xf32, #tpu.memory_space<vmem>> -> memref<128xf32, #tpu.memory_space<vmem>>
        tpu.wait_dma2 semaphore(%run_scoped3A : memref<!tpu.dma_semaphore, #tpu.memory_space<semaphore_mem>>) src(%dma_wait3A_1901 : memref<128xf32, #tpu.memory_space<vmem>>) dst(%dma_wait3A_1898 : memref<128xf32, #tpu.memory_space<hbm>>)
        tpu.yield
      }) : () -> ()
      %mul3A_1884 = arith.constant 128 : i32
      %mul3A_1885 = arith.muli %add3A_1742, %mul3A_1884 : i32
      "tpu.region"() ({
        %run_scoped3A = tpu.sem_alloc : memref<!tpu.dma_semaphore, #tpu.memory_space<semaphore_mem>>
        %dma_start3A_1886 = arith.constant 0 : i32
        %dma_start3A_1887 = tpu.memref_slice %arg11[%rem3A_1739, %dma_start3A_1886] : memref<2x128xf32, #tpu.memory_space<vmem>> -> memref<1x128xf32, #tpu.memory_space<vmem>>
        %dma_start3A_1888 = tpu.memref_squeeze %dma_start3A_1887 : memref<1x128xf32, #tpu.memory_space<vmem>> -> memref<128xf32, #tpu.memory_space<vmem>>
        %dma_start3A_1889 = tpu.memref_slice %arg6[%mul3A_1885] : memref<154240xf32, #tpu.memory_space<hbm>> -> memref<128xf32, #tpu.memory_space<hbm>>
        %dma_start3A_1890 = tpu.memref_slice %arg6[%mul3A_1885] : memref<154240xf32, #tpu.memory_space<hbm>> -> memref<128xf32, #tpu.memory_space<hbm>>
        %dma_start3A_1891 = arith.constant 0 : i32
        %dma_start3A_1892 = tpu.memref_slice %arg11[%rem3A_1739, %dma_start3A_1891] : memref<2x128xf32, #tpu.memory_space<vmem>> -> memref<1x128xf32, #tpu.memory_space<vmem>>
        %dma_start3A_1893 = tpu.memref_squeeze %dma_start3A_1892 : memref<1x128xf32, #tpu.memory_space<vmem>> -> memref<128xf32, #tpu.memory_space<vmem>>
        tpu.enqueue_dma source(%dma_start3A_1893 : memref<128xf32, #tpu.memory_space<vmem>>) target(%dma_start3A_1890 : memref<128xf32, #tpu.memory_space<hbm>>) target_semaphore(%run_scoped3A : memref<!tpu.dma_semaphore, #tpu.memory_space<semaphore_mem>>)
        %dma_wait3A_1894 = arith.constant 0 : i32
        %dma_wait3A_1895 = tpu.memref_slice %arg11[%rem3A_1739, %dma_wait3A_1894] : memref<2x128xf32, #tpu.memory_space<vmem>> -> memref<1x128xf32, #tpu.memory_space<vmem>>
        %dma_wait3A_1896 = tpu.memref_squeeze %dma_wait3A_1895 : memref<1x128xf32, #tpu.memory_space<vmem>> -> memref<128xf32, #tpu.memory_space<vmem>>
        %dma_wait3A_1897 = tpu.memref_slice %arg6[%mul3A_1885] : memref<154240xf32, #tpu.memory_space<hbm>> -> memref<128xf32, #tpu.memory_space<hbm>>
        %dma_wait3A_1898 = tpu.memref_slice %arg6[%mul3A_1885] : memref<154240xf32, #tpu.memory_space<hbm>> -> memref<128xf32, #tpu.memory_space<hbm>>
        %dma_wait3A_1899 = arith.constant 0 : i32
        %dma_wait3A_1900 = tpu.memref_slice %arg11[%rem3A_1739, %dma_wait3A_1899] : memref<2x128xf32, #tpu.memory_space<vmem>> -> memref<1x128xf32, #tpu.memory_space<vmem>>
        %dma_wait3A_1901 = tpu.memref_squeeze %dma_wait3A_1900 : memref<1x128xf32, #tpu.memory_space<vmem>> -> memref<128xf32, #tpu.memory_space<vmem>>
        tpu.wait_dma2 semaphore(%run_scoped3A : memref<!tpu.dma_semaphore, #tpu.memory_space<semaphore_mem>>) src(%dma_wait3A_1901 : memref<128xf32, #tpu.memory_space<vmem>>) dst(%dma_wait3A_1898 : memref<128xf32, #tpu.memory_space<hbm>>)
        tpu.yield
      }) : () -> ()
    }
    return
  }
}

module attributes {stable_mosaic.version = 14 : i64} {
  func.func @_tc_score_kernel(%arg0: i32, %arg1: memref<1x300xf32, #tpu.memory_space<vmem>>, %arg2: memref<300x4096xf32, #tpu.memory_space<vmem>>, %arg3: memref<1x1x4096xf32, #tpu.memory_space<vmem>>, %arg4: memref<1x1x4096xf32, #tpu.memory_space<vmem>>) attributes {dimension_semantics = [#tpu.dimension_semantics<arbitrary>], iteration_bounds = array<i64: 60>, scalar_prefetch = 0 : i64, scratch_operands = 0 : i64, tpu.core_type = #tpu.core_type<tc>, window_params = [{pipeline_mode = #tpu.pipeline_mode<synchronous>, transform_indices = @transform_0, window_bounds = array<i64: 1, 300>}, {transform_indices = @transform_1, window_bounds = array<i64: 300, 4096>}, {transform_indices = @transform_2, window_bounds = array<i64: 1, 1, 4096>}, {transform_indices = @transform_3, window_bounds = array<i64: 1, 1, 4096>}]} {
    %get3A = arith.constant 0 : index
    %get3A_0 = arith.constant 0 : index
    %get3A_1 = vector.load %arg2[%get3A, %get3A_0] : memref<300x4096xf32, #tpu.memory_space<vmem>>, vector<300x4096xf32>
    %get3A_2 = arith.constant 0 : index
    %get3A_3 = arith.constant 0 : index
    %get3A_4 = vector.load %arg1[%get3A_2, %get3A_3] : memref<1x300xf32, #tpu.memory_space<vmem>>, vector<1x300xf32>
    %convert_element_type3A = arith.truncf %get3A_4 : vector<1x300xf32> to vector<1x300xbf16>
    %convert_element_type3A_5 = arith.truncf %get3A_1 : vector<300x4096xf32> to vector<300x4096xbf16>
    %dot_general3A = arith.constant dense<0.000000e+00> : vector<1x4096xf32>
    %dot_general3A_6 = tpu.matmul %convert_element_type3A, %convert_element_type3A_5, %dot_general3A {dimension_numbers = #tpu.dot_dimension_numbers<[1], [0], [0], [1], [0, 0, 1, 1], [], []>, transpose_lhs_hint = false} : vector<1x300xbf16>, vector<300x4096xbf16>, vector<1x4096xf32> -> vector<1x4096xf32>
    %mul3A = arith.mulf %get3A_1, %get3A_1 : vector<300x4096xf32>
    %reduce_sum3A = arith.constant dense<0.000000e+00> : vector<4096xf32>
    %reduce_sum3A_7 = vector.multi_reduction <add>, %mul3A, %reduce_sum3A [0] : vector<300x4096xf32> to vector<4096xf32>
    %broadcast_in_dim3A = vector.shape_cast %reduce_sum3A_7 : vector<4096xf32> to vector<1x4096xf32>
    %reshape3A = vector.shape_cast %dot_general3A_6 : vector<1x4096xf32> to vector<1x1x4096xf32>
    %swap3A = arith.constant 0 : index
    %swap3A_8 = arith.constant 0 : index
    %swap3A_9 = arith.constant 0 : index
    %swap3A_10 = vector.load %arg3[%swap3A, %swap3A_8, %swap3A_9] : memref<1x1x4096xf32, #tpu.memory_space<vmem>>, vector<1x1x4096xf32>
    tpu.vector_store %arg3[%swap3A, %swap3A_8, %swap3A_9], %reshape3A {strides = array<i32>} : memref<1x1x4096xf32, #tpu.memory_space<vmem>>, vector<1x1x4096xf32>,
    %reshape3A_11 = vector.shape_cast %broadcast_in_dim3A : vector<1x4096xf32> to vector<1x1x4096xf32>
    %swap3A_12 = arith.constant 0 : index
    %swap3A_13 = arith.constant 0 : index
    %swap3A_14 = arith.constant 0 : index
    %swap3A_15 = vector.load %arg4[%swap3A_12, %swap3A_13, %swap3A_14] : memref<1x1x4096xf32, #tpu.memory_space<vmem>>, vector<1x1x4096xf32>
    tpu.vector_store %arg4[%swap3A_12, %swap3A_13, %swap3A_14], %reshape3A_11 {strides = array<i32>} : memref<1x1x4096xf32, #tpu.memory_space<vmem>>, vector<1x1x4096xf32>,
    return
  }
  func.func @transform_0(%arg0: i32) -> (i32, i32) {
    %c0_i32 = arith.constant 0 : i32
    %c0_i32_0 = arith.constant 0 : i32
    %c0_i32_1 = arith.constant 0 : i32
    return %c0_i32, %c0_i32_0 : i32, i32
  }
  func.func @transform_1(%arg0: i32) -> (i32, i32) {
    %c0_i32 = arith.constant 0 : i32
    %c0_i32_0 = arith.constant 0 : i32
    return %c0_i32, %arg0 : i32, i32
  }
  func.func @transform_2(%arg0: i32) -> (i32, i32, i32) {
    %c0_i32 = arith.constant 0 : i32
    %c0_i32_0 = arith.constant 0 : i32
    %c0_i32_1 = arith.constant 0 : i32
    return %arg0, %c0_i32, %c0_i32_0 : i32, i32, i32
  }
  func.func @transform_3(%arg0: i32) -> (i32, i32, i32) {
    %c0_i32 = arith.constant 0 : i32
    %c0_i32_0 = arith.constant 0 : i32
    %c0_i32_1 = arith.constant 0 : i32
    return %arg0, %c0_i32, %c0_i32_0 : i32, i32, i32
  }
}

module attributes {stable_mosaic.version = 14 : i64} {
  func.func @_topk_kernel(%arg0: memref<300x1xf32, #tpu.memory_space<vmem>>, %arg1: memref<3125x128xf32, #tpu.memory_space<vmem>>, %arg2: memref<3125x128xf32, #tpu.memory_space<vmem>>, %arg3: memref<10xi32, #tpu.memory_space<smem>>) attributes {dimension_semantics = [], scalar_prefetch = 0 : i64, scratch_operands = 0 : i64, tpu.core_type = #tpu.core_type<tc>} {
    %get3A = arith.constant 0 : index
    %get3A_0 = arith.constant 0 : index
    %get3A_1 = vector.load %arg0[%get3A, %get3A_0] : memref<300x1xf32, #tpu.memory_space<vmem>>, vector<300x1xf32>
    %get3A_2 = arith.constant 0 : index
    %get3A_3 = arith.constant 0 : index
    %get3A_4 = vector.load %arg0[%get3A_2, %get3A_3] : memref<300x1xf32, #tpu.memory_space<vmem>>, vector<300x1xf32>
    %mul3A = arith.mulf %get3A_1, %get3A_4 : vector<300x1xf32>
    %reduce_sum3A = vector.shape_cast %mul3A : vector<300x1xf32> to vector<1x300x1xf32>
    %reduce_sum3A_5 = arith.constant dense<0.000000e+00> : vector<1xf32>
    %reduce_sum3A_6 = vector.multi_reduction <add>, %reduce_sum3A, %reduce_sum3A_5 [1, 2] : vector<1x300x1xf32> to vector<1xf32>
    %reduce_sum3A_7 = vector.shape_cast %reduce_sum3A_6 : vector<1xf32> to vector<1x1x1xf32>
    %reduce_sum3A_8 = vector.extract %reduce_sum3A_7[0, 0, 0] : f32 from vector<1x1x1xf32>
    %get3A_9 = arith.constant 0 : index
    %get3A_10 = arith.constant 0 : index
    %get3A_11 = vector.load %arg1[%get3A_9, %get3A_10] : memref<3125x128xf32, #tpu.memory_space<vmem>>, vector<3125x128xf32>
    %get3A_12 = arith.constant 0 : index
    %get3A_13 = arith.constant 0 : index
    %get3A_14 = vector.load %arg2[%get3A_12, %get3A_13] : memref<3125x128xf32, #tpu.memory_space<vmem>>, vector<3125x128xf32>
    %add3A = arith.constant 9.99999971E-10 : f32
    %add3A_15 = vector.broadcast %add3A : f32 to vector<3125x128xf32>
    %add3A_16 = arith.addf %get3A_14, %add3A_15 : vector<3125x128xf32>
    %sqrt3A = math.sqrt %add3A_16 : vector<3125x128xf32>
    %sqrt3A_17 = math.sqrt %reduce_sum3A_8 : f32
    %mul3A_18 = vector.broadcast %sqrt3A_17 : f32 to vector<3125x128xf32>
    %mul3A_19 = arith.mulf %sqrt3A, %mul3A_18 : vector<3125x128xf32>
    %div3A = arith.divf %get3A_11, %mul3A_19 : vector<3125x128xf32>
    %iota3A = tpu.iota {dimensions = array<i32: 0>} : vector<3125x128xi32>
    %iota3A_20 = tpu.iota {dimensions = array<i32: 1>} : vector<3125x128xi32>
    %mul3A_21 = arith.constant 128 : i32
    %mul3A_22 = vector.broadcast %mul3A_21 : i32 to vector<3125x128xi32>
    %mul3A_23 = arith.muli %iota3A, %mul3A_22 : vector<3125x128xi32>
    %add3A_24 = arith.addi %mul3A_23, %iota3A_20 : vector<3125x128xi32>
    %reduce_max3A = vector.shape_cast %div3A : vector<3125x128xf32> to vector<1x3125x128xf32>
    %reduce_max3A_25 = arith.constant dense<0xFF800000> : vector<1xf32>
    %reduce_max3A_26 = vector.multi_reduction <maximumf>, %reduce_max3A, %reduce_max3A_25 [1, 2] : vector<1x3125x128xf32> to vector<1xf32>
    %reduce_max3A_27 = vector.shape_cast %reduce_max3A_26 : vector<1xf32> to vector<1x1x1xf32>
    %reduce_max3A_28 = vector.extract %reduce_max3A_27[0, 0, 0] : f32 from vector<1x1x1xf32>
    %eq3A = vector.broadcast %reduce_max3A_28 : f32 to vector<3125x128xf32>
    %eq3A_29 = arith.cmpf oeq, %div3A, %eq3A : vector<3125x128xf32>
    %jit3A = arith.constant 2147483647 : i32
    %broadcast_in_dim3A = vector.broadcast %jit3A : i32 to vector<3125x128xi32>
    %select_n3A = arith.select %eq3A_29, %add3A_24, %broadcast_in_dim3A : vector<3125x128xi1>, vector<3125x128xi32>
    %reduce_min3A = vector.shape_cast %select_n3A : vector<3125x128xi32> to vector<1x3125x128xi32>
    %reduce_min3A_30 = arith.constant dense<2147483647> : vector<1xi32>
    %reduce_min3A_31 = vector.multi_reduction <minsi>, %reduce_min3A, %reduce_min3A_30 [1, 2] : vector<1x3125x128xi32> to vector<1xi32>
    %reduce_min3A_32 = vector.shape_cast %reduce_min3A_31 : vector<1xi32> to vector<1x1x1xi32>
    %reduce_min3A_33 = vector.extract %reduce_min3A_32[0, 0, 0] : i32 from vector<1x1x1xi32>
    %swap3A = arith.constant 0 : index
    %swap3A_34 = memref.load %arg3[%swap3A] : memref<10xi32, #tpu.memory_space<smem>>
    memref.store %reduce_min3A_33, %arg3[%swap3A] : memref<10xi32, #tpu.memory_space<smem>>
    %eq3A_35 = vector.broadcast %reduce_min3A_33 : i32 to vector<3125x128xi32>
    %eq3A_36 = arith.cmpi eq, %add3A_24, %eq3A_35 : vector<3125x128xi32>
    %jit3A_37 = arith.constant 0xFF800000 : f32
    %broadcast_in_dim3A_38 = vector.broadcast %jit3A_37 : f32 to vector<3125x128xf32>
    %select_n3A_39 = arith.select %eq3A_36, %broadcast_in_dim3A_38, %div3A : vector<3125x128xi1>, vector<3125x128xf32>
    %reduce_max3A_40 = vector.shape_cast %select_n3A_39 : vector<3125x128xf32> to vector<1x3125x128xf32>
    %reduce_max3A_41 = arith.constant dense<0xFF800000> : vector<1xf32>
    %reduce_max3A_42 = vector.multi_reduction <maximumf>, %reduce_max3A_40, %reduce_max3A_41 [1, 2] : vector<1x3125x128xf32> to vector<1xf32>
    %reduce_max3A_43 = vector.shape_cast %reduce_max3A_42 : vector<1xf32> to vector<1x1x1xf32>
    %reduce_max3A_44 = vector.extract %reduce_max3A_43[0, 0, 0] : f32 from vector<1x1x1xf32>
    %eq3A_45 = vector.broadcast %reduce_max3A_44 : f32 to vector<3125x128xf32>
    %eq3A_46 = arith.cmpf oeq, %select_n3A_39, %eq3A_45 : vector<3125x128xf32>
    %jit3A_47 = arith.constant 2147483647 : i32
    %broadcast_in_dim3A_48 = vector.broadcast %jit3A_47 : i32 to vector<3125x128xi32>
    %select_n3A_49 = arith.select %eq3A_46, %add3A_24, %broadcast_in_dim3A_48 : vector<3125x128xi1>, vector<3125x128xi32>
    %reduce_min3A_50 = vector.shape_cast %select_n3A_49 : vector<3125x128xi32> to vector<1x3125x128xi32>
    %reduce_min3A_51 = arith.constant dense<2147483647> : vector<1xi32>
    %reduce_min3A_52 = vector.multi_reduction <minsi>, %reduce_min3A_50, %reduce_min3A_51 [1, 2] : vector<1x3125x128xi32> to vector<1xi32>
    %reduce_min3A_53 = vector.shape_cast %reduce_min3A_52 : vector<1xi32> to vector<1x1x1xi32>
    %reduce_min3A_54 = vector.extract %reduce_min3A_53[0, 0, 0] : i32 from vector<1x1x1xi32>
    %swap3A_55 = arith.constant 1 : index
    %swap3A_56 = memref.load %arg3[%swap3A_55] : memref<10xi32, #tpu.memory_space<smem>>
    memref.store %reduce_min3A_54, %arg3[%swap3A_55] : memref<10xi32, #tpu.memory_space<smem>>
    %eq3A_57 = vector.broadcast %reduce_min3A_54 : i32 to vector<3125x128xi32>
    %eq3A_58 = arith.cmpi eq, %add3A_24, %eq3A_57 : vector<3125x128xi32>
    %jit3A_59 = arith.constant 0xFF800000 : f32
    %broadcast_in_dim3A_60 = vector.broadcast %jit3A_59 : f32 to vector<3125x128xf32>
    %select_n3A_61 = arith.select %eq3A_58, %broadcast_in_dim3A_60, %select_n3A_39 : vector<3125x128xi1>, vector<3125x128xf32>
    %reduce_max3A_62 = vector.shape_cast %select_n3A_61 : vector<3125x128xf32> to vector<1x3125x128xf32>
    %reduce_max3A_63 = arith.constant dense<0xFF800000> : vector<1xf32>
    %reduce_max3A_64 = vector.multi_reduction <maximumf>, %reduce_max3A_62, %reduce_max3A_63 [1, 2] : vector<1x3125x128xf32> to vector<1xf32>
    %reduce_max3A_65 = vector.shape_cast %reduce_max3A_64 : vector<1xf32> to vector<1x1x1xf32>
    %reduce_max3A_66 = vector.extract %reduce_max3A_65[0, 0, 0] : f32 from vector<1x1x1xf32>
    %eq3A_67 = vector.broadcast %reduce_max3A_66 : f32 to vector<3125x128xf32>
    %eq3A_68 = arith.cmpf oeq, %select_n3A_61, %eq3A_67 : vector<3125x128xf32>
    %jit3A_69 = arith.constant 2147483647 : i32
    %broadcast_in_dim3A_70 = vector.broadcast %jit3A_69 : i32 to vector<3125x128xi32>
    %select_n3A_71 = arith.select %eq3A_68, %add3A_24, %broadcast_in_dim3A_70 : vector<3125x128xi1>, vector<3125x128xi32>
    %reduce_min3A_72 = vector.shape_cast %select_n3A_71 : vector<3125x128xi32> to vector<1x3125x128xi32>
    %reduce_min3A_73 = arith.constant dense<2147483647> : vector<1xi32>
    %reduce_min3A_74 = vector.multi_reduction <minsi>, %reduce_min3A_72, %reduce_min3A_73 [1, 2] : vector<1x3125x128xi32> to vector<1xi32>
    %reduce_min3A_75 = vector.shape_cast %reduce_min3A_74 : vector<1xi32> to vector<1x1x1xi32>
    %reduce_min3A_76 = vector.extract %reduce_min3A_75[0, 0, 0] : i32 from vector<1x1x1xi32>
    %swap3A_77 = arith.constant 2 : index
    %swap3A_78 = memref.load %arg3[%swap3A_77] : memref<10xi32, #tpu.memory_space<smem>>
    memref.store %reduce_min3A_76, %arg3[%swap3A_77] : memref<10xi32, #tpu.memory_space<smem>>
    %eq3A_79 = vector.broadcast %reduce_min3A_76 : i32 to vector<3125x128xi32>
    %eq3A_80 = arith.cmpi eq, %add3A_24, %eq3A_79 : vector<3125x128xi32>
    %jit3A_81 = arith.constant 0xFF800000 : f32
    %broadcast_in_dim3A_82 = vector.broadcast %jit3A_81 : f32 to vector<3125x128xf32>
    %select_n3A_83 = arith.select %eq3A_80, %broadcast_in_dim3A_82, %select_n3A_61 : vector<3125x128xi1>, vector<3125x128xf32>
    %reduce_max3A_84 = vector.shape_cast %select_n3A_83 : vector<3125x128xf32> to vector<1x3125x128xf32>
    %reduce_max3A_85 = arith.constant dense<0xFF800000> : vector<1xf32>
    %reduce_max3A_86 = vector.multi_reduction <maximumf>, %reduce_max3A_84, %reduce_max3A_85 [1, 2] : vector<1x3125x128xf32> to vector<1xf32>
    %reduce_max3A_87 = vector.shape_cast %reduce_max3A_86 : vector<1xf32> to vector<1x1x1xf32>
    %reduce_max3A_88 = vector.extract %reduce_max3A_87[0, 0, 0] : f32 from vector<1x1x1xf32>
    %eq3A_89 = vector.broadcast %reduce_max3A_88 : f32 to vector<3125x128xf32>
    %eq3A_90 = arith.cmpf oeq, %select_n3A_83, %eq3A_89 : vector<3125x128xf32>
    %jit3A_91 = arith.constant 2147483647 : i32
    %broadcast_in_dim3A_92 = vector.broadcast %jit3A_91 : i32 to vector<3125x128xi32>
    %select_n3A_93 = arith.select %eq3A_90, %add3A_24, %broadcast_in_dim3A_92 : vector<3125x128xi1>, vector<3125x128xi32>
    %reduce_min3A_94 = vector.shape_cast %select_n3A_93 : vector<3125x128xi32> to vector<1x3125x128xi32>
    %reduce_min3A_95 = arith.constant dense<2147483647> : vector<1xi32>
    %reduce_min3A_96 = vector.multi_reduction <minsi>, %reduce_min3A_94, %reduce_min3A_95 [1, 2] : vector<1x3125x128xi32> to vector<1xi32>
    %reduce_min3A_97 = vector.shape_cast %reduce_min3A_96 : vector<1xi32> to vector<1x1x1xi32>
    %reduce_min3A_98 = vector.extract %reduce_min3A_97[0, 0, 0] : i32 from vector<1x1x1xi32>
    %swap3A_99 = arith.constant 3 : index
    %swap3A_100 = memref.load %arg3[%swap3A_99] : memref<10xi32, #tpu.memory_space<smem>>
    memref.store %reduce_min3A_98, %arg3[%swap3A_99] : memref<10xi32, #tpu.memory_space<smem>>
    %eq3A_101 = vector.broadcast %reduce_min3A_98 : i32 to vector<3125x128xi32>
    %eq3A_102 = arith.cmpi eq, %add3A_24, %eq3A_101 : vector<3125x128xi32>
    %jit3A_103 = arith.constant 0xFF800000 : f32
    %broadcast_in_dim3A_104 = vector.broadcast %jit3A_103 : f32 to vector<3125x128xf32>
    %select_n3A_105 = arith.select %eq3A_102, %broadcast_in_dim3A_104, %select_n3A_83 : vector<3125x128xi1>, vector<3125x128xf32>
    %reduce_max3A_106 = vector.shape_cast %select_n3A_105 : vector<3125x128xf32> to vector<1x3125x128xf32>
    %reduce_max3A_107 = arith.constant dense<0xFF800000> : vector<1xf32>
    %reduce_max3A_108 = vector.multi_reduction <maximumf>, %reduce_max3A_106, %reduce_max3A_107 [1, 2] : vector<1x3125x128xf32> to vector<1xf32>
    %reduce_max3A_109 = vector.shape_cast %reduce_max3A_108 : vector<1xf32> to vector<1x1x1xf32>
    %reduce_max3A_110 = vector.extract %reduce_max3A_109[0, 0, 0] : f32 from vector<1x1x1xf32>
    %eq3A_111 = vector.broadcast %reduce_max3A_110 : f32 to vector<3125x128xf32>
    %eq3A_112 = arith.cmpf oeq, %select_n3A_105, %eq3A_111 : vector<3125x128xf32>
    %jit3A_113 = arith.constant 2147483647 : i32
    %broadcast_in_dim3A_114 = vector.broadcast %jit3A_113 : i32 to vector<3125x128xi32>
    %select_n3A_115 = arith.select %eq3A_112, %add3A_24, %broadcast_in_dim3A_114 : vector<3125x128xi1>, vector<3125x128xi32>
    %reduce_min3A_116 = vector.shape_cast %select_n3A_115 : vector<3125x128xi32> to vector<1x3125x128xi32>
    %reduce_min3A_117 = arith.constant dense<2147483647> : vector<1xi32>
    %reduce_min3A_118 = vector.multi_reduction <minsi>, %reduce_min3A_116, %reduce_min3A_117 [1, 2] : vector<1x3125x128xi32> to vector<1xi32>
    %reduce_min3A_119 = vector.shape_cast %reduce_min3A_118 : vector<1xi32> to vector<1x1x1xi32>
    %reduce_min3A_120 = vector.extract %reduce_min3A_119[0, 0, 0] : i32 from vector<1x1x1xi32>
    %swap3A_121 = arith.constant 4 : index
    %swap3A_122 = memref.load %arg3[%swap3A_121] : memref<10xi32, #tpu.memory_space<smem>>
    memref.store %reduce_min3A_120, %arg3[%swap3A_121] : memref<10xi32, #tpu.memory_space<smem>>
    %eq3A_123 = vector.broadcast %reduce_min3A_120 : i32 to vector<3125x128xi32>
    %eq3A_124 = arith.cmpi eq, %add3A_24, %eq3A_123 : vector<3125x128xi32>
    %jit3A_125 = arith.constant 0xFF800000 : f32
    %broadcast_in_dim3A_126 = vector.broadcast %jit3A_125 : f32 to vector<3125x128xf32>
    %select_n3A_127 = arith.select %eq3A_124, %broadcast_in_dim3A_126, %select_n3A_105 : vector<3125x128xi1>, vector<3125x128xf32>
    %reduce_max3A_128 = vector.shape_cast %select_n3A_127 : vector<3125x128xf32> to vector<1x3125x128xf32>
    %reduce_max3A_129 = arith.constant dense<0xFF800000> : vector<1xf32>
    %reduce_max3A_130 = vector.multi_reduction <maximumf>, %reduce_max3A_128, %reduce_max3A_129 [1, 2] : vector<1x3125x128xf32> to vector<1xf32>
    %reduce_max3A_131 = vector.shape_cast %reduce_max3A_130 : vector<1xf32> to vector<1x1x1xf32>
    %reduce_max3A_132 = vector.extract %reduce_max3A_131[0, 0, 0] : f32 from vector<1x1x1xf32>
    %eq3A_133 = vector.broadcast %reduce_max3A_132 : f32 to vector<3125x128xf32>
    %eq3A_134 = arith.cmpf oeq, %select_n3A_127, %eq3A_133 : vector<3125x128xf32>
    %jit3A_135 = arith.constant 2147483647 : i32
    %broadcast_in_dim3A_136 = vector.broadcast %jit3A_135 : i32 to vector<3125x128xi32>
    %select_n3A_137 = arith.select %eq3A_134, %add3A_24, %broadcast_in_dim3A_136 : vector<3125x128xi1>, vector<3125x128xi32>
    %reduce_min3A_138 = vector.shape_cast %select_n3A_137 : vector<3125x128xi32> to vector<1x3125x128xi32>
    %reduce_min3A_139 = arith.constant dense<2147483647> : vector<1xi32>
    %reduce_min3A_140 = vector.multi_reduction <minsi>, %reduce_min3A_138, %reduce_min3A_139 [1, 2] : vector<1x3125x128xi32> to vector<1xi32>
    %reduce_min3A_141 = vector.shape_cast %reduce_min3A_140 : vector<1xi32> to vector<1x1x1xi32>
    %reduce_min3A_142 = vector.extract %reduce_min3A_141[0, 0, 0] : i32 from vector<1x1x1xi32>
    %swap3A_143 = arith.constant 5 : index
    %swap3A_144 = memref.load %arg3[%swap3A_143] : memref<10xi32, #tpu.memory_space<smem>>
    memref.store %reduce_min3A_142, %arg3[%swap3A_143] : memref<10xi32, #tpu.memory_space<smem>>
    %eq3A_145 = vector.broadcast %reduce_min3A_142 : i32 to vector<3125x128xi32>
    %eq3A_146 = arith.cmpi eq, %add3A_24, %eq3A_145 : vector<3125x128xi32>
    %jit3A_147 = arith.constant 0xFF800000 : f32
    %broadcast_in_dim3A_148 = vector.broadcast %jit3A_147 : f32 to vector<3125x128xf32>
    %select_n3A_149 = arith.select %eq3A_146, %broadcast_in_dim3A_148, %select_n3A_127 : vector<3125x128xi1>, vector<3125x128xf32>
    %reduce_max3A_150 = vector.shape_cast %select_n3A_149 : vector<3125x128xf32> to vector<1x3125x128xf32>
    %reduce_max3A_151 = arith.constant dense<0xFF800000> : vector<1xf32>
    %reduce_max3A_152 = vector.multi_reduction <maximumf>, %reduce_max3A_150, %reduce_max3A_151 [1, 2] : vector<1x3125x128xf32> to vector<1xf32>
    %reduce_max3A_153 = vector.shape_cast %reduce_max3A_152 : vector<1xf32> to vector<1x1x1xf32>
    %reduce_max3A_154 = vector.extract %reduce_max3A_153[0, 0, 0] : f32 from vector<1x1x1xf32>
    %eq3A_155 = vector.broadcast %reduce_max3A_154 : f32 to vector<3125x128xf32>
    %eq3A_156 = arith.cmpf oeq, %select_n3A_149, %eq3A_155 : vector<3125x128xf32>
    %jit3A_157 = arith.constant 2147483647 : i32
    %broadcast_in_dim3A_158 = vector.broadcast %jit3A_157 : i32 to vector<3125x128xi32>
    %select_n3A_159 = arith.select %eq3A_156, %add3A_24, %broadcast_in_dim3A_158 : vector<3125x128xi1>, vector<3125x128xi32>
    %reduce_min3A_160 = vector.shape_cast %select_n3A_159 : vector<3125x128xi32> to vector<1x3125x128xi32>
    %reduce_min3A_161 = arith.constant dense<2147483647> : vector<1xi32>
    %reduce_min3A_162 = vector.multi_reduction <minsi>, %reduce_min3A_160, %reduce_min3A_161 [1, 2] : vector<1x3125x128xi32> to vector<1xi32>
    %reduce_min3A_163 = vector.shape_cast %reduce_min3A_162 : vector<1xi32> to vector<1x1x1xi32>
    %reduce_min3A_164 = vector.extract %reduce_min3A_163[0, 0, 0] : i32 from vector<1x1x1xi32>
    %swap3A_165 = arith.constant 6 : index
    %swap3A_166 = memref.load %arg3[%swap3A_165] : memref<10xi32, #tpu.memory_space<smem>>
    memref.store %reduce_min3A_164, %arg3[%swap3A_165] : memref<10xi32, #tpu.memory_space<smem>>
    %eq3A_167 = vector.broadcast %reduce_min3A_164 : i32 to vector<3125x128xi32>
    %eq3A_168 = arith.cmpi eq, %add3A_24, %eq3A_167 : vector<3125x128xi32>
    %jit3A_169 = arith.constant 0xFF800000 : f32
    %broadcast_in_dim3A_170 = vector.broadcast %jit3A_169 : f32 to vector<3125x128xf32>
    %select_n3A_171 = arith.select %eq3A_168, %broadcast_in_dim3A_170, %select_n3A_149 : vector<3125x128xi1>, vector<3125x128xf32>
    %reduce_max3A_172 = vector.shape_cast %select_n3A_171 : vector<3125x128xf32> to vector<1x3125x128xf32>
    %reduce_max3A_173 = arith.constant dense<0xFF800000> : vector<1xf32>
    %reduce_max3A_174 = vector.multi_reduction <maximumf>, %reduce_max3A_172, %reduce_max3A_173 [1, 2] : vector<1x3125x128xf32> to vector<1xf32>
    %reduce_max3A_175 = vector.shape_cast %reduce_max3A_174 : vector<1xf32> to vector<1x1x1xf32>
    %reduce_max3A_176 = vector.extract %reduce_max3A_175[0, 0, 0] : f32 from vector<1x1x1xf32>
    %eq3A_177 = vector.broadcast %reduce_max3A_176 : f32 to vector<3125x128xf32>
    %eq3A_178 = arith.cmpf oeq, %select_n3A_171, %eq3A_177 : vector<3125x128xf32>
    %jit3A_179 = arith.constant 2147483647 : i32
    %broadcast_in_dim3A_180 = vector.broadcast %jit3A_179 : i32 to vector<3125x128xi32>
    %select_n3A_181 = arith.select %eq3A_178, %add3A_24, %broadcast_in_dim3A_180 : vector<3125x128xi1>, vector<3125x128xi32>
    %reduce_min3A_182 = vector.shape_cast %select_n3A_181 : vector<3125x128xi32> to vector<1x3125x128xi32>
    %reduce_min3A_183 = arith.constant dense<2147483647> : vector<1xi32>
    %reduce_min3A_184 = vector.multi_reduction <minsi>, %reduce_min3A_182, %reduce_min3A_183 [1, 2] : vector<1x3125x128xi32> to vector<1xi32>
    %reduce_min3A_185 = vector.shape_cast %reduce_min3A_184 : vector<1xi32> to vector<1x1x1xi32>
    %reduce_min3A_186 = vector.extract %reduce_min3A_185[0, 0, 0] : i32 from vector<1x1x1xi32>
    %swap3A_187 = arith.constant 7 : index
    %swap3A_188 = memref.load %arg3[%swap3A_187] : memref<10xi32, #tpu.memory_space<smem>>
    memref.store %reduce_min3A_186, %arg3[%swap3A_187] : memref<10xi32, #tpu.memory_space<smem>>
    %eq3A_189 = vector.broadcast %reduce_min3A_186 : i32 to vector<3125x128xi32>
    %eq3A_190 = arith.cmpi eq, %add3A_24, %eq3A_189 : vector<3125x128xi32>
    %jit3A_191 = arith.constant 0xFF800000 : f32
    %broadcast_in_dim3A_192 = vector.broadcast %jit3A_191 : f32 to vector<3125x128xf32>
    %select_n3A_193 = arith.select %eq3A_190, %broadcast_in_dim3A_192, %select_n3A_171 : vector<3125x128xi1>, vector<3125x128xf32>
    %reduce_max3A_194 = vector.shape_cast %select_n3A_193 : vector<3125x128xf32> to vector<1x3125x128xf32>
    %reduce_max3A_195 = arith.constant dense<0xFF800000> : vector<1xf32>
    %reduce_max3A_196 = vector.multi_reduction <maximumf>, %reduce_max3A_194, %reduce_max3A_195 [1, 2] : vector<1x3125x128xf32> to vector<1xf32>
    %reduce_max3A_197 = vector.shape_cast %reduce_max3A_196 : vector<1xf32> to vector<1x1x1xf32>
    %reduce_max3A_198 = vector.extract %reduce_max3A_197[0, 0, 0] : f32 from vector<1x1x1xf32>
    %eq3A_199 = vector.broadcast %reduce_max3A_198 : f32 to vector<3125x128xf32>
    %eq3A_200 = arith.cmpf oeq, %select_n3A_193, %eq3A_199 : vector<3125x128xf32>
    %jit3A_201 = arith.constant 2147483647 : i32
    %broadcast_in_dim3A_202 = vector.broadcast %jit3A_201 : i32 to vector<3125x128xi32>
    %select_n3A_203 = arith.select %eq3A_200, %add3A_24, %broadcast_in_dim3A_202 : vector<3125x128xi1>, vector<3125x128xi32>
    %reduce_min3A_204 = vector.shape_cast %select_n3A_203 : vector<3125x128xi32> to vector<1x3125x128xi32>
    %reduce_min3A_205 = arith.constant dense<2147483647> : vector<1xi32>
    %reduce_min3A_206 = vector.multi_reduction <minsi>, %reduce_min3A_204, %reduce_min3A_205 [1, 2] : vector<1x3125x128xi32> to vector<1xi32>
    %reduce_min3A_207 = vector.shape_cast %reduce_min3A_206 : vector<1xi32> to vector<1x1x1xi32>
    %reduce_min3A_208 = vector.extract %reduce_min3A_207[0, 0, 0] : i32 from vector<1x1x1xi32>
    %swap3A_209 = arith.constant 8 : index
    %swap3A_210 = memref.load %arg3[%swap3A_209] : memref<10xi32, #tpu.memory_space<smem>>
    memref.store %reduce_min3A_208, %arg3[%swap3A_209] : memref<10xi32, #tpu.memory_space<smem>>
    %eq3A_211 = vector.broadcast %reduce_min3A_208 : i32 to vector<3125x128xi32>
    %eq3A_212 = arith.cmpi eq, %add3A_24, %eq3A_211 : vector<3125x128xi32>
    %jit3A_213 = arith.constant 0xFF800000 : f32
    %broadcast_in_dim3A_214 = vector.broadcast %jit3A_213 : f32 to vector<3125x128xf32>
    %select_n3A_215 = arith.select %eq3A_212, %broadcast_in_dim3A_214, %select_n3A_193 : vector<3125x128xi1>, vector<3125x128xf32>
    %reduce_max3A_216 = vector.shape_cast %select_n3A_215 : vector<3125x128xf32> to vector<1x3125x128xf32>
    %reduce_max3A_217 = arith.constant dense<0xFF800000> : vector<1xf32>
    %reduce_max3A_218 = vector.multi_reduction <maximumf>, %reduce_max3A_216, %reduce_max3A_217 [1, 2] : vector<1x3125x128xf32> to vector<1xf32>
    %reduce_max3A_219 = vector.shape_cast %reduce_max3A_218 : vector<1xf32> to vector<1x1x1xf32>
    %reduce_max3A_220 = vector.extract %reduce_max3A_219[0, 0, 0] : f32 from vector<1x1x1xf32>
    %eq3A_221 = vector.broadcast %reduce_max3A_220 : f32 to vector<3125x128xf32>
    %eq3A_222 = arith.cmpf oeq, %select_n3A_215, %eq3A_221 : vector<3125x128xf32>
    %jit3A_223 = arith.constant 2147483647 : i32
    %broadcast_in_dim3A_224 = vector.broadcast %jit3A_223 : i32 to vector<3125x128xi32>
    %select_n3A_225 = arith.select %eq3A_222, %add3A_24, %broadcast_in_dim3A_224 : vector<3125x128xi1>, vector<3125x128xi32>
    %reduce_min3A_226 = vector.shape_cast %select_n3A_225 : vector<3125x128xi32> to vector<1x3125x128xi32>
    %reduce_min3A_227 = arith.constant dense<2147483647> : vector<1xi32>
    %reduce_min3A_228 = vector.multi_reduction <minsi>, %reduce_min3A_226, %reduce_min3A_227 [1, 2] : vector<1x3125x128xi32> to vector<1xi32>
    %reduce_min3A_229 = vector.shape_cast %reduce_min3A_228 : vector<1xi32> to vector<1x1x1xi32>
    %reduce_min3A_230 = vector.extract %reduce_min3A_229[0, 0, 0] : i32 from vector<1x1x1xi32>
    %swap3A_231 = arith.constant 9 : index
    %swap3A_232 = memref.load %arg3[%swap3A_231] : memref<10xi32, #tpu.memory_space<smem>>
    memref.store %reduce_min3A_230, %arg3[%swap3A_231] : memref<10xi32, #tpu.memory_space<smem>>
    return
  }
}

</mosaic_0001>

<sc_bundles>
// kernel: kernel.5.cloned.1.call-start
scs
__scs_entry_jumppad:
0x0: {  	(pc) =	sbr.rel $0x88, $3  }
0x1: {  	(tag) =	ssettag $0x0;
	lr =	simm.s32 $0x1  }
0x2: {  	[smem:$0x3F9F] =	sst lr;
	_ =	strace $0xD0000000  }
0x3: {  	_ = 	snop  }
0x4: {  	_ = 	snop  }
0x5: {  	_ = 	snop  }
0x6: {  	_ = 	snop  }
0x7: {  	_ = 	snop  }
__scs_overlays_trampoline_lowered:
0x8: {  	[smem:$0x3FAE] =	sst s0  }
0x9: {  	[smem:$0x3FAF] =	sst s1  }
0xa: {  	[smem:$0x3FB0] =	sst s2  }
0xb: {  	[smem:$0x3FB1] =	sst s3  }
0xc: {  	[smem:$0x3FB2] =	sst s4  }
0xd: {  	[smem:$0x3FB3] =	sst s5  }
0xe: {  	[smem:$0x3FB4] =	sst s6  }
0xf: {  	[smem:$0x3FB5] =	sst s7  }
0x10: {  	[smem:$0x3FB6] =	sst s8  }
0x11: {  	[smem:$0x3FB7] =	sst s9;
	s0 =	simm.s32 @!p0 $0x0  }
0x12: {  	s1 =	sld [smem:$0x3F9D];
	s0 =	simm.s32 @p0 $0x1  }
0x13: {  	[smem:$0x3FB8] =	sst s0;
	s0 =	simm.s32 @!p1 $0x0  }
0x14: {  	s2 =	sld [smem:$0x3F9C];
	s0 =	simm.s32 @p1 $0x1  }
0x15: {  	[smem:$0x3FB9] =	sst s0;
	s0 =	simm.s32 @!p2 $0x0  }
0x16: {  	s3 =	sld [smem:$0x3FDB];
	s0 =	simm.s32 @p2 $0x1  }
0x17: {  	s4 =	simm.s32 $0x1BF5;
	[smem:$0x3FBB] =	sst s0  }
0x18: {  	s0 =	sld [smem:$0x3F9E];
	_ =	swait.ge [sflag:s4], $0x0  }
0x19: {  	s7 =	sld [smem:$0x3F9F]  }
0x1a: {  	s8 =	sadd.s32 $0xFFFFE003, lr  }
0x1b: {  	s9 =	sadd.s32 $0xFFFFFEF7, lr;
	s5 =	simm.s32 $0xFFFFFFFF;
	p2 =	slt.u32 s8, $0xFFFFF086  }
0x1c: {  	p1 =	slt.u32 s9, $0xF7A;
	s5 =	simm.s32 @!p2 $0x0  }
0x1d: {  	s5 =	simm.s32 @p1 $0x1;
	p0 =	seq.s32 s7, s2  }
0x1e: {  	s7 =	smul.u32 @!p0 $0xF7A, s2;
	p2 =	seq.s32 @!p0 s5, $0x0  }
0x1f: {  	s9 =	smul.u32 $0xF7A, s1;
	s8 =	simm.s32 @!p0 $0x1BF5;
	p2 =	por !p2, p0  }
0x20: {  	[sflag:s8] =	ssyncset.s32 @!p0 $0xFFFFF086;
	s6 =	sadd.s32 @!p0 s3, s7;
	s7 =	simm.s32 @!p0 $0x108  }
0x21: {  	s3 =	sadd.s32 s3, s9;
	s6 =	sadd.s32 @!p0 $0x88, s6;
	s7 =	simm.s32 @p2 $0x1082  }
0x22: {  	[simem:s7], [sflag:s8] =	dma.local @!p0 [hbm:s6], $0xF7A  }
0x23: {  	s9 =	sor.u32 $0xD0000000, s2;
	s6 =	simm.s32 $0x108;
	_ =	swait.ge @!p0 [sflag:s8], $0x0  }
0x24: {  	s3 =	sadd.s32 $0x88, s3;
	s6 =	simm.s32 @!p1 $0x1082;
	[sflag:s4] =	ssyncset.s32 $0xFFFFF086  }
0x25: {  	[simem:s6], [sflag:s4] =	dma.local [hbm:s3], $0xF7A  }
0x26: {  	[smem:$0x3F9F] =	sst s1;
	(tag) =	ssettag s2;
	_ =	strace s9  }
0x27: {  	s1 =	sld [smem:$0x3FAF]  }
0x28: {  	s2 =	sld [smem:$0x3FB0]  }
0x29: {  	s4 =	sld [smem:$0x3FB2]  }
0x2a: {  	p0 =	seq.s32 s5, $0x0;
	s5 =	sld [smem:$0x3FB3]  }
0x2b: {  	s6 =	sld [smem:$0x3FB4]  }
0x2c: {  	s7 =	sld [smem:$0x3FB5]  }
0x2d: {  	s3 =	simm.s32 $0x108;
	s8 =	sld [smem:$0x3FB6]  }
0x2e: {  	s3 =	simm.s32 @!p0 $0x1082;
	s9 =	sld [smem:$0x3FB7]  }
0x2f: {  	lr =	sadd.s32 s0, s3;
	s0 =	sld [smem:$0x3FAE]  }
0x30: {  	s3 =	sld [smem:$0x3FB1]  }
0x31: {  	[smem:$0x3FBA] =	sst s10  }
0x32: {  	s10 =	sld [smem:$0x3FB8];
	_ =	sdelay $0x3  }
0x33: {  	p0 =	seq.s32 s10, $0x1;
	s10 =	sld [smem:$0x3FBA];
	_ =	sdelay $0x3  }
0x34: {  	[smem:$0x3FBA] =	sst s10  }
0x35: {  	s10 =	sld [smem:$0x3FB9];
	_ =	sdelay $0x3  }
0x36: {  	p1 =	seq.s32 s10, $0x1;
	s10 =	sld [smem:$0x3FBA];
	_ =	sdelay $0x3  }
0x37: {  	[smem:$0x3FBA] =	sst s10  }
0x38: {  	s10 =	sld [smem:$0x3FBB]  }
0x39: {  	_ = 	snop;
	(pc) =	sbr.ind lr, $3  }
0x3a: {  	_ = 	snop  }
0x3b: {  	_ = 	snop  }
0x3c: {  	p2 =	seq.s32 s10, $0x1;
	s10 =	sld [smem:$0x3FBA]  }
0x3d: {  	_ =	shalt  }
0x3e: {  	_ =	shalt  }
0x3f: {  	_ =	shalt  }
0x40: {  	_ =	shalt  }
0x41: {  	_ =	shalt  }
0x42: {  	_ =	shalt  }
0x43: {  	_ =	shalt  }
0x44: {  	_ =	shalt  }
0x45: {  	_ =	shalt  }
0x46: {  	_ =	shalt  }
0x47: {  	_ =	shalt  }
0x48: {  	_ =	shalt  }
0x49: {  	_ =	shalt  }
0x4a: {  	_ =	shalt  }
0x4b: {  	_ =	shalt  }
0x4c: {  	_ =	shalt  }
0x4d: {  	_ =	shalt  }
0x4e: {  	_ =	shalt  }
0x4f: {  	_ =	shalt  }
0x50: {  	_ =	shalt  }
0x51: {  	_ =	shalt  }
0x52: {  	_ =	shalt  }
0x53: {  	_ =	shalt  }
0x54: {  	_ =	shalt  }
0x55: {  	_ =	shalt  }
0x56: {  	_ =	shalt  }
0x57: {  	_ =	shalt  }
0x58: {  	_ =	shalt  }
0x59: {  	_ =	shalt  }
0x5a: {  	_ =	shalt  }
0x5b: {  	_ =	shalt  }
0x5c: {  	_ =	shalt  }
0x5d: {  	_ =	shalt  }
0x5e: {  	_ =	shalt  }
0x5f: {  	_ =	shalt  }
0x60: {  	_ =	shalt  }
0x61: {  	_ =	shalt  }
0x62: {  	_ =	shalt  }
0x63: {  	_ =	shalt  }
0x64: {  	_ =	shalt  }
0x65: {  	_ =	shalt  }
0x66: {  	_ =	shalt  }
0x67: {  	_ =	shalt  }
0x68: {  	_ =	shalt  }
0x69: {  	_ =	shalt  }
0x6a: {  	_ =	shalt  }
0x6b: {  	_ =	shalt  }
0x6c: {  	_ =	shalt  }
0x6d: {  	_ =	shalt  }
0x6e: {  	_ =	shalt  }
0x6f: {  	_ =	shalt  }
0x70: {  	_ =	shalt  }
0x71: {  	_ =	shalt  }
0x72: {  	_ =	shalt  }
0x73: {  	_ =	shalt  }
0x74: {  	_ =	shalt  }
0x75: {  	_ =	shalt  }
0x76: {  	_ =	shalt  }
0x77: {  	_ =	shalt  }
0x78: {  	_ =	shalt  }
0x79: {  	_ =	shalt  }
0x7a: {  	_ =	shalt  }
0x7b: {  	_ =	shalt  }
0x7c: {  	_ =	shalt  }
0x7d: {  	_ =	shalt  }
0x7e: {  	_ =	shalt  }
0x7f: {  	_ =	shalt  }
0x80: {  	_ =	shalt  }
0x81: {  	_ =	shalt  }
0x82: {  	_ =	shalt  }
0x83: {  	_ =	shalt  }
0x84: {  	_ =	shalt  }
0x85: {  	_ =	shalt  }
0x86: {  	_ =	shalt  }
0x87: {  	_ =	shalt  }
.Lfunc_end0:
.L_simem_size_0:
called_computation_lowered:
.L_overlay_start_0:
0x88: {  	s2 =	sld [smem:$0x3FD9]  }
0x89: {  	s3 =	sld [smem:$0x3FFE];
	_ =	sdelay $0x1  }
0x8a: {  	s1 =	srdreg.scid  }
0x8b: {  	s0 =	sand.u32 $0x1, s1  }
0x8c: {  	s17 =	sshll.u32 s0, $0xA;
	s2 =	sadd.s32 s3, s2  }
0x8d: {  	s2 =	sadd.s32 s2, s17  }
0x8e: {  	[smem:$0x3FC6] =	sst s2  }
0x8f: {  	_ = 	snop  }
0x90: {  	s2 =	sld [smem:$0x3FC9]  }
0x91: {  	s18 =	sld [smem:$0x3FC8];
	(tm) =	ssettm $0x1  }
0x92: {  	s4 =	sld [smem:$0x3FFB];
	_ =	sdelay $0x3  }
0x93: {  	_ =	strace s4  }
0x94: {  	s4 =	sld [smem:$0x3FFC];
	_ =	sdelay $0x3  }
0x95: {  	_ =	strace s4  }
0x96: {  	s4 =	sld [smem:$0x3FFD];
	_ =	sdelay $0x3  }
0x97: {  	_ =	strace s4  }
0x98: {  	_ =	strace $0x8FFFFFFF  }
0x99: {  	s19 =	sld [smem:$0x3FDB];
	_ =	sdelay $0x1  }
0x9a: {  	s5 =	simm.s32 $_scs_section_size  }
0x9b: {  	s6 =	simm.s32 $_size__tile_overlayer_lowered;
	s7 =	simm.s32 $_tile_overlayer_lowered  }
0x9c: {  	s22 =	simm.s32 $0x1BFF;
	s21 =	sshll.u32 s7, $0x1;
	s4 =	sadd.s32 s5, s19  }
0x9d: {  	s8 =	simm.s32 $0x0;
	s20 =	sshll.u32 s6, $0x1;
	s6 =	sadd.s32 s21, s4  }
0x9e: {  	[timem:s8], [sflag:s22] =	dma.local [hbm:s6], s20  }
0x9f: {  	_ =	swait.ge [sflag:s22], s20  }
0xa0: {  	s5 =	ssub.s32 $0x0, s20;
	[sflag:s22] =	ssyncset.done $0x0  }
0xa1: {  	[sflag:s22] =	ssyncadd.s32 s5;
	_ =	sdelay $0x1  }
0xa2: {  	s23 =	simm.s32 $0x1B8B  }
0xa3: {  	_ =	swait.ge [sflag:s23], $0x1  }
0xa4: {  	[sflag:s23] =	ssyncset.done $0x0  }
0xa5: {  	s25 =	simm.s32 $0x1B8E;
	s24 =	sld [smem:$0x3FFE];
	[sflag:s23] =	ssyncadd.s32 $0xFFFFFFFF  }
0xa6: {  	s26 =	simm.s32 $execute0_lowered;
	[smem:$0x3FD2] =	sst s25  }
0xa7: {  	s6 =	sshll.u32 s26, $0x1;
	_ =	strace $0x80000046;
	[dreg:$0x1] =	wrdreg $0xFFFFFFFF  }
0xa8: {  	s28 =	simm.s32 $_size_execute0_lowered;
	s4 =	sadd.s32 s4, s6;
	[dreg:$0x0] =	wrdreg $0x0  }
0xa9: {  	s6 =	sshll.u32 s28, $0x1;
	[dreg:$0x2] =	wrdreg s4  }
0xaa: {  	[dreg:$0x3] =	wrdreg s6  }
0xab: {  	[dreg:$0x4] =	wrdreg $0xC0  }
0xac: {  	_ =	task [dreg:s8], $0x5FFFF  }
0xad: {  	[dreg:$0x1] =	wrdreg $0xFFFFFFFF  }
0xae: {  	[dreg:$0x0] =	wrdreg $0x60  }
0xaf: {  	[dreg:$0x2] =	wrdreg s2  }
0xb0: {  	[dreg:$0x3] =	wrdreg s18  }
0xb1: {  	[dreg:$0x4] =	wrdreg s24  }
0xb2: {  	[dreg:$0x5] =	wrdreg $0x9  }
0xb3: {  	_ =	task.clear_ibuf [dreg:s8], $0x6FFFF;
	_ =	strace $0x90000046  }
0xb4: {  	s29 =	simm.s32 $0x9;
	_ =	strace $0x80000048  }
0xb5: {  	_ =	swait.ge [sflag:s29], $0x1  }
0xb6: {  	[sflag:s29] =	ssyncadd.s32 $0xFFFFFFFF  }
0xb7: {  	_ =	strace $0x90000048  }
0xb8: {  	_ =	sfence  }
0xb9: {  	s30 =	sld [smem:$0x0];
	_ =	sdelay $0x2  }
0xba: {  	s31 =	sshll.u32 s1, $0xD;
	s1 =	sshrl.u32 s1, $0x2  }
0xbb: {  	s3 =	sand.u32 $0x4000, s31;
	s1 =	sadd.s32 s1, s30  }
0xbc: {  	s0 =	sor.u32 s3, s0;
	s1 =	sshll.u32 s1, $0x11  }
0xbd: {  	s0 =	sor.u32 s1, s0  }
0xbe: {  	s0 =	sadd.s32 $0x8F2B, s0  }
0xbf: {  	[sflag:s0] =	ssyncadd.remote.s32 $0x1  }
0xc0: {  	_ =	sfence.sel $0xFFFF  }
0xc1: {  	[dreg:$0x0] =	wrdreg $0xFFFFFFFF;
	(pc) =	sbr.abs _section_cstart, $3  }
0xc2: {  	[dreg:$0x1] =	wrdreg $0xFFFFFFFF  }
0xc3: {  	_ =	task.clear_ibuf [dreg:s8], $0x2FFFF;
	_ =	strace $0x9FFFFFFF  }
0xc4: {  	(tm) =	ssettm $0x7FFFFFFF  }
0xc5: {  	_ =	shalt  }
tec
execute0_lowered:
.L_overlay_start_1:
0x0: {  	(tag) =	ssettag $0x1  }
0x1: {  	s2 =	rddreg [dreg:$0x1]  }
0x2: {  	s0 =	rddreg [dreg:$0x2];
	s4 =	simm.s32 $0x0;
	s1 =	srdreg.scid  }
0x3: {  	s3 =	stileid.u32;
	s14 =	simm.s32 $0x5;
	s15 =	simm.s32 $0x400  }
0x4: {  	s16 =	simm.s32 $0x30D400;
	s17 =	simm.s32 $0x1480;
	s18 =	simm.s32 $0xA880  }
0x5: {  	s19 =	simm.s32 $0x0;
	[smem:$0x7FF] =	sst s4;
	s5 =	sadd.s32 $0xE00, s0  }
0x6: {  	s1 =	sand.u32 $0x1, s1;
	s3 =	sshll.u32 s3, $0x1;
	s6 =	sadd.s32 $0x62A00, s0  }
0x7: {  	s7 =	sadd.s32 $0x67600, s0;
	s9 =	ssub.s32 $0x2, s1;
	s1 =	sor.u32 s1, s3  }
0x8: {  	_ =	strace $0x80000047;
	s31 =	sshrl.u32 s9, $0x1;
	s8 =	sshll.u32 s1, $0x7  }
0x9: {  	s3 =	ssub.s32 $0x4B4, s1;
	s1 =	sshll.u32 s1, $0xA;
	s0 =	ssub.s32 s9, s31  }
0xa: {  	s11 =	sor.u32 $0x3C000, s8;
	s9 =	sshrl.u32 s3, $0x5;
	s12 =	sor.u32 $0x1E0000, s1  }
0xb: {  	v0 =	vimm.f32 $0.0e+00;
	s10 =	sadd.s32 s2, s11;
	s11 =	sadd.s32 s5, s11;
	s13 =	smax.u32 s0, $0x1  }
.LBB2_1:
0xc: {  	s0 =	rddreg [dreg:$0x0]  }
0xd: {  	[tilespmem:s4], [sflag:$0x5] =	stream.linear.gather [hbm4b:s0+s4], $0x180, $0x38;
	[tilespmem:$0x14680] =	vst v63  }
0xe: {  	_ =	swait.ge [sflag:s14], $0x180  }
0xf: {  	[sflag:s14] =	ssyncset.done $0x0  }
0x10: {  	[sflag:s14] =	ssyncadd.s32 $0xFFFFFE80  }
0x11: {  	v1 =	vld [tilespmem:$0x0];
	_ =	sdelay $0x4  }
0x12: {  	v2 =	vmul.f32 $6.553700000e+04, v1;
	_ =	sdelay $0x1  }
0x13: {  	v1 =	vsub.f32 v2, v1;
	_ =	sdelay $0x1  }
0x14: {  	[tilespmem:$0x1440] =	vst v0;
	v1 =	vsub.f32 v2, v1  }
0x15: {  	[tilespmem:$0x1450] =	vst v0  }
0x16: {  	[tilespmem:$0x1460] =	vst v0;
	v2 =	vbroadcast v1, $0x0  }
0x17: {  	[tilespmem:$0x1470] =	vst v0;
	v3 =	vbroadcast v1, $0x1  }
0x18: {  	[tilespmem:$0x180] =	vst v2;
	v2 =	vbroadcast v1, $0x2  }
0x19: {  	[tilespmem:$0x190] =	vst v3;
	v3 =	vbroadcast v1, $0x3  }
0x1a: {  	[tilespmem:$0x1A0] =	vst v2;
	v2 =	vbroadcast v1, $0x4  }
0x1b: {  	v4 =	vld [tilespmem:$0x10];
	[tilespmem:$0x1B0] =	vst v3;
	v3 =	vbroadcast v1, $0x5  }
0x1c: {  	[tilespmem:$0x1C0] =	vst v2;
	v2 =	vbroadcast v1, $0x6  }
0x1d: {  	[tilespmem:$0x1D0] =	vst v3;
	v3 =	vbroadcast v1, $0x7  }
0x1e: {  	[tilespmem:$0x1E0] =	vst v2;
	v2 =	vbroadcast v1, $0x8  }
0x1f: {  	[tilespmem:$0x1F0] =	vst v3;
	v3 =	vbroadcast v1, $0x9  }
0x20: {  	v5 =	vmul.f32 $6.553700000e+04, v4;
	[tilespmem:$0x200] =	vst v2;
	v2 =	vbroadcast v1, $0xA  }
0x21: {  	[tilespmem:$0x210] =	vst v3;
	v3 =	vbroadcast v1, $0xB  }
0x22: {  	v4 =	vsub.f32 v5, v4;
	[tilespmem:$0x220] =	vst v2;
	v2 =	vbroadcast v1, $0xC  }
0x23: {  	[tilespmem:$0x230] =	vst v3;
	v3 =	vbroadcast v1, $0xD  }
0x24: {  	v4 =	vsub.f32 v5, v4;
	[tilespmem:$0x240] =	vst v2;
	v2 =	vbroadcast v1, $0xE  }
0x25: {  	[tilespmem:$0x250] =	vst v3;
	v1 =	vbroadcast v1, $0xF  }
0x26: {  	[tilespmem:$0x260] =	vst v2;
	v2 =	vbroadcast v4, $0x0  }
0x27: {  	[tilespmem:$0x270] =	vst v1;
	v1 =	vbroadcast v4, $0x1  }
0x28: {  	[tilespmem:$0x280] =	vst v2;
	v2 =	vbroadcast v4, $0x2  }
0x29: {  	[tilespmem:$0x290] =	vst v1;
	v1 =	vbroadcast v4, $0x3  }
0x2a: {  	[tilespmem:$0x2A0] =	vst v2;
	v2 =	vbroadcast v4, $0x4  }
0x2b: {  	v3 =	vld [tilespmem:$0x20];
	[tilespmem:$0x2B0] =	vst v1;
	v1 =	vbroadcast v4, $0x5  }
0x2c: {  	[tilespmem:$0x2C0] =	vst v2;
	v2 =	vbroadcast v4, $0x6  }
0x2d: {  	[tilespmem:$0x2D0] =	vst v1;
	v1 =	vbroadcast v4, $0x7  }
0x2e: {  	[tilespmem:$0x2E0] =	vst v2;
	v2 =	vbroadcast v4, $0x8  }
0x2f: {  	[tilespmem:$0x2F0] =	vst v1;
	v1 =	vbroadcast v4, $0x9  }
0x30: {  	v13 =	vmul.f32 $6.553700000e+04, v3;
	[tilespmem:$0x300] =	vst v2;
	v2 =	vbroadcast v4, $0xA  }
0x31: {  	[tilespmem:$0x310] =	vst v1;
	v1 =	vbroadcast v4, $0xB  }
0x32: {  	v3 =	vsub.f32 v13, v3;
	[tilespmem:$0x320] =	vst v2;
	v2 =	vbroadcast v4, $0xC  }
0x33: {  	[tilespmem:$0x330] =	vst v1;
	v1 =	vbroadcast v4, $0xD  }
0x34: {  	v3 =	vsub.f32 v13, v3;
	[tilespmem:$0x340] =	vst v2;
	v2 =	vbroadcast v4, $0xE  }
0x35: {  	[tilespmem:$0x350] =	vst v1;
	v1 =	vbroadcast v4, $0xF  }
0x36: {  	[tilespmem:$0x360] =	vst v2;
	v2 =	vbroadcast v3, $0x0  }
0x37: {  	[tilespmem:$0x370] =	vst v1;
	v1 =	vbroadcast v3, $0x1  }
0x38: {  	[tilespmem:$0x380] =	vst v2;
	v2 =	vbroadcast v3, $0x2  }
0x39: {  	[tilespmem:$0x390] =	vst v1;
	v1 =	vbroadcast v3, $0x3  }
0x3a: {  	[tilespmem:$0x3A0] =	vst v2;
	v2 =	vbroadcast v3, $0x4  }
0x3b: {  	v14 =	vld [tilespmem:$0x30];
	[tilespmem:$0x3B0] =	vst v1;
	v1 =	vbroadcast v3, $0x5  }
0x3c: {  	[tilespmem:$0x3C0] =	vst v2;
	v2 =	vbroadcast v3, $0x6  }
0x3d: {  	[tilespmem:$0x3D0] =	vst v1;
	v1 =	vbroadcast v3, $0x7  }
0x3e: {  	[tilespmem:$0x3E0] =	vst v2;
	v2 =	vbroadcast v3, $0x8  }
0x3f: {  	[tilespmem:$0x3F0] =	vst v1;
	v1 =	vbroadcast v3, $0x9  }
0x40: {  	v15 =	vmul.f32 $6.553700000e+04, v14;
	[tilespmem:$0x400] =	vst v2;
	v2 =	vbroadcast v3, $0xA  }
0x41: {  	[tilespmem:$0x410] =	vst v1;
	v1 =	vbroadcast v3, $0xB  }
0x42: {  	v4 =	vsub.f32 v15, v14;
	[tilespmem:$0x420] =	vst v2;
	v2 =	vbroadcast v3, $0xC  }
0x43: {  	[tilespmem:$0x430] =	vst v1;
	v1 =	vbroadcast v3, $0xD  }
0x44: {  	v4 =	vsub.f32 v15, v4;
	[tilespmem:$0x440] =	vst v2;
	v2 =	vbroadcast v3, $0xE  }
0x45: {  	[tilespmem:$0x450] =	vst v1;
	v1 =	vbroadcast v3, $0xF  }
0x46: {  	[tilespmem:$0x460] =	vst v2;
	v2 =	vbroadcast v4, $0x0  }
0x47: {  	[tilespmem:$0x470] =	vst v1;
	v1 =	vbroadcast v4, $0x1  }
0x48: {  	[tilespmem:$0x480] =	vst v2;
	v2 =	vbroadcast v4, $0x2  }
0x49: {  	[tilespmem:$0x490] =	vst v1;
	v1 =	vbroadcast v4, $0x3  }
0x4a: {  	[tilespmem:$0x4A0] =	vst v2;
	v2 =	vbroadcast v4, $0x4  }
0x4b: {  	v3 =	vld [tilespmem:$0x40];
	[tilespmem:$0x4B0] =	vst v1;
	v1 =	vbroadcast v4, $0x5  }
0x4c: {  	[tilespmem:$0x4C0] =	vst v2;
	v2 =	vbroadcast v4, $0x6  }
0x4d: {  	[tilespmem:$0x4D0] =	vst v1;
	v1 =	vbroadcast v4, $0x7  }
0x4e: {  	[tilespmem:$0x4E0] =	vst v2;
	v2 =	vbroadcast v4, $0x8  }
0x4f: {  	[tilespmem:$0x4F0] =	vst v1;
	v1 =	vbroadcast v4, $0x9  }
0x50: {  	v16 =	vmul.f32 $6.553700000e+04, v3;
	[tilespmem:$0x500] =	vst v2;
	v2 =	vbroadcast v4, $0xA  }
0x51: {  	[tilespmem:$0x510] =	vst v1;
	v1 =	vbroadcast v4, $0xB  }
0x52: {  	v3 =	vsub.f32 v16, v3;
	[tilespmem:$0x520] =	vst v2;
	v2 =	vbroadcast v4, $0xC  }
0x53: {  	[tilespmem:$0x530] =	vst v1;
	v1 =	vbroadcast v4, $0xD  }
0x54: {  	v3 =	vsub.f32 v16, v3;
	[tilespmem:$0x540] =	vst v2;
	v2 =	vbroadcast v4, $0xE  }
0x55: {  	[tilespmem:$0x550] =	vst v1;
	v1 =	vbroadcast v4, $0xF  }
0x56: {  	[tilespmem:$0x560] =	vst v2;
	v2 =	vbroadcast v3, $0x0  }
0x57: {  	[tilespmem:$0x570] =	vst v1;
	v1 =	vbroadcast v3, $0x1  }
0x58: {  	[tilespmem:$0x580] =	vst v2;
	v2 =	vbroadcast v3, $0x2  }
0x59: {  	[tilespmem:$0x590] =	vst v1;
	v1 =	vbroadcast v3, $0x3  }
0x5a: {  	[tilespmem:$0x5A0] =	vst v2;
	v2 =	vbroadcast v3, $0x4  }
0x5b: {  	v17 =	vld [tilespmem:$0x50];
	[tilespmem:$0x5B0] =	vst v1;
	v1 =	vbroadcast v3, $0x5  }
0x5c: {  	[tilespmem:$0x5C0] =	vst v2;
	v2 =	vbroadcast v3, $0x6  }
0x5d: {  	[tilespmem:$0x5D0] =	vst v1;
	v1 =	vbroadcast v3, $0x7  }
0x5e: {  	[tilespmem:$0x5E0] =	vst v2;
	v2 =	vbroadcast v3, $0x8  }
0x5f: {  	[tilespmem:$0x5F0] =	vst v1;
	v1 =	vbroadcast v3, $0x9  }
0x60: {  	v18 =	vmul.f32 $6.553700000e+04, v17;
	[tilespmem:$0x600] =	vst v2;
	v2 =	vbroadcast v3, $0xA  }
0x61: {  	[tilespmem:$0x610] =	vst v1;
	v1 =	vbroadcast v3, $0xB  }
0x62: {  	v4 =	vsub.f32 v18, v17;
	[tilespmem:$0x620] =	vst v2;
	v2 =	vbroadcast v3, $0xC  }
0x63: {  	[tilespmem:$0x630] =	vst v1;
	v1 =	vbroadcast v3, $0xD  }
0x64: {  	v4 =	vsub.f32 v18, v4;
	[tilespmem:$0x640] =	vst v2;
	v2 =	vbroadcast v3, $0xE  }
0x65: {  	[tilespmem:$0x650] =	vst v1;
	v1 =	vbroadcast v3, $0xF  }
0x66: {  	[tilespmem:$0x660] =	vst v2;
	v2 =	vbroadcast v4, $0x0  }
0x67: {  	[tilespmem:$0x670] =	vst v1;
	v1 =	vbroadcast v4, $0x1  }
0x68: {  	[tilespmem:$0x680] =	vst v2;
	v2 =	vbroadcast v4, $0x2  }
0x69: {  	[tilespmem:$0x690] =	vst v1;
	v1 =	vbroadcast v4, $0x3  }
0x6a: {  	[tilespmem:$0x6A0] =	vst v2;
	v2 =	vbroadcast v4, $0x4  }
0x6b: {  	v3 =	vld [tilespmem:$0x60];
	[tilespmem:$0x6B0] =	vst v1;
	v1 =	vbroadcast v4, $0x5  }
0x6c: {  	[tilespmem:$0x6C0] =	vst v2;
	v2 =	vbroadcast v4, $0x6  }
0x6d: {  	[tilespmem:$0x6D0] =	vst v1;
	v1 =	vbroadcast v4, $0x7  }
0x6e: {  	[tilespmem:$0x6E0] =	vst v2;
	v2 =	vbroadcast v4, $0x8  }
0x6f: {  	[tilespmem:$0x6F0] =	vst v1;
	v1 =	vbroadcast v4, $0x9  }
0x70: {  	v19 =	vmul.f32 $6.553700000e+04, v3;
	[tilespmem:$0x700] =	vst v2;
	v2 =	vbroadcast v4, $0xA  }
0x71: {  	[tilespmem:$0x710] =	vst v1;
	v1 =	vbroadcast v4, $0xB  }
0x72: {  	v3 =	vsub.f32 v19, v3;
	[tilespmem:$0x720] =	vst v2;
	v2 =	vbroadcast v4, $0xC  }
0x73: {  	[tilespmem:$0x730] =	vst v1;
	v1 =	vbroadcast v4, $0xD  }
0x74: {  	v3 =	vsub.f32 v19, v3;
	[tilespmem:$0x740] =	vst v2;
	v2 =	vbroadcast v4, $0xE  }
0x75: {  	[tilespmem:$0x750] =	vst v1;
	v1 =	vbroadcast v4, $0xF  }
0x76: {  	[tilespmem:$0x760] =	vst v2;
	v2 =	vbroadcast v3, $0x0  }
0x77: {  	[tilespmem:$0x770] =	vst v1;
	v1 =	vbroadcast v3, $0x1  }
0x78: {  	[tilespmem:$0x780] =	vst v2;
	v2 =	vbroadcast v3, $0x2  }
0x79: {  	[tilespmem:$0x790] =	vst v1;
	v1 =	vbroadcast v3, $0x3  }
0x7a: {  	[tilespmem:$0x7A0] =	vst v2;
	v2 =	vbroadcast v3, $0x4  }
0x7b: {  	v20 =	vld [tilespmem:$0x70];
	[tilespmem:$0x7B0] =	vst v1;
	v1 =	vbroadcast v3, $0x5  }
0x7c: {  	[tilespmem:$0x7C0] =	vst v2;
	v2 =	vbroadcast v3, $0x6  }
0x7d: {  	[tilespmem:$0x7D0] =	vst v1;
	v1 =	vbroadcast v3, $0x7  }
0x7e: {  	[tilespmem:$0x7E0] =	vst v2;
	v2 =	vbroadcast v3, $0x8  }
0x7f: {  	[tilespmem:$0x7F0] =	vst v1;
	v1 =	vbroadcast v3, $0x9  }
0x80: {  	v21 =	vmul.f32 $6.553700000e+04, v20;
	[tilespmem:$0x800] =	vst v2;
	v2 =	vbroadcast v3, $0xA  }
0x81: {  	[tilespmem:$0x810] =	vst v1;
	v1 =	vbroadcast v3, $0xB  }
0x82: {  	v4 =	vsub.f32 v21, v20;
	[tilespmem:$0x820] =	vst v2;
	v2 =	vbroadcast v3, $0xC  }
0x83: {  	[tilespmem:$0x830] =	vst v1;
	v1 =	vbroadcast v3, $0xD  }
0x84: {  	v4 =	vsub.f32 v21, v4;
	[tilespmem:$0x840] =	vst v2;
	v2 =	vbroadcast v3, $0xE  }
0x85: {  	[tilespmem:$0x850] =	vst v1;
	v1 =	vbroadcast v3, $0xF  }
0x86: {  	[tilespmem:$0x860] =	vst v2;
	v2 =	vbroadcast v4, $0x0  }
0x87: {  	[tilespmem:$0x870] =	vst v1;
	v1 =	vbroadcast v4, $0x1  }
0x88: {  	[tilespmem:$0x880] =	vst v2;
	v2 =	vbroadcast v4, $0x2  }
0x89: {  	[tilespmem:$0x890] =	vst v1;
	v1 =	vbroadcast v4, $0x3  }
0x8a: {  	[tilespmem:$0x8A0] =	vst v2;
	v2 =	vbroadcast v4, $0x4  }
0x8b: {  	v3 =	vld [tilespmem:$0x80];
	[tilespmem:$0x8B0] =	vst v1;
	v1 =	vbroadcast v4, $0x5  }
0x8c: {  	[tilespmem:$0x8C0] =	vst v2;
	v2 =	vbroadcast v4, $0x6  }
0x8d: {  	[tilespmem:$0x8D0] =	vst v1;
	v1 =	vbroadcast v4, $0x7  }
0x8e: {  	[tilespmem:$0x8E0] =	vst v2;
	v2 =	vbroadcast v4, $0x8  }
0x8f: {  	[tilespmem:$0x8F0] =	vst v1;
	v1 =	vbroadcast v4, $0x9  }
0x90: {  	v22 =	vmul.f32 $6.553700000e+04, v3;
	[tilespmem:$0x900] =	vst v2;
	v2 =	vbroadcast v4, $0xA  }
0x91: {  	[tilespmem:$0x910] =	vst v1;
	v1 =	vbroadcast v4, $0xB  }
0x92: {  	v3 =	vsub.f32 v22, v3;
	[tilespmem:$0x920] =	vst v2;
	v2 =	vbroadcast v4, $0xC  }
0x93: {  	[tilespmem:$0x930] =	vst v1;
	v1 =	vbroadcast v4, $0xD  }
0x94: {  	v3 =	vsub.f32 v22, v3;
	[tilespmem:$0x940] =	vst v2;
	v2 =	vbroadcast v4, $0xE  }
0x95: {  	[tilespmem:$0x950] =	vst v1;
	v1 =	vbroadcast v4, $0xF  }
0x96: {  	[tilespmem:$0x960] =	vst v2;
	v2 =	vbroadcast v3, $0x0  }
0x97: {  	[tilespmem:$0x970] =	vst v1;
	v1 =	vbroadcast v3, $0x1  }
0x98: {  	[tilespmem:$0x980] =	vst v2;
	v2 =	vbroadcast v3, $0x2  }
0x99: {  	[tilespmem:$0x990] =	vst v1;
	v1 =	vbroadcast v3, $0x3  }
0x9a: {  	[tilespmem:$0x9A0] =	vst v2;
	v2 =	vbroadcast v3, $0x4  }
0x9b: {  	v23 =	vld [tilespmem:$0x90];
	[tilespmem:$0x9B0] =	vst v1;
	v1 =	vbroadcast v3, $0x5  }
0x9c: {  	[tilespmem:$0x9C0] =	vst v2;
	v2 =	vbroadcast v3, $0x6  }
0x9d: {  	[tilespmem:$0x9D0] =	vst v1;
	v1 =	vbroadcast v3, $0x7  }
0x9e: {  	[tilespmem:$0x9E0] =	vst v2;
	v2 =	vbroadcast v3, $0x8  }
0x9f: {  	[tilespmem:$0x9F0] =	vst v1;
	v1 =	vbroadcast v3, $0x9  }
0xa0: {  	v24 =	vmul.f32 $6.553700000e+04, v23;
	[tilespmem:$0xA00] =	vst v2;
	v2 =	vbroadcast v3, $0xA  }
0xa1: {  	[tilespmem:$0xA10] =	vst v1;
	v1 =	vbroadcast v3, $0xB  }
0xa2: {  	v4 =	vsub.f32 v24, v23;
	[tilespmem:$0xA20] =	vst v2;
	v2 =	vbroadcast v3, $0xC  }
0xa3: {  	[tilespmem:$0xA30] =	vst v1;
	v1 =	vbroadcast v3, $0xD  }
0xa4: {  	v4 =	vsub.f32 v24, v4;
	[tilespmem:$0xA40] =	vst v2;
	v2 =	vbroadcast v3, $0xE  }
0xa5: {  	[tilespmem:$0xA50] =	vst v1;
	v1 =	vbroadcast v3, $0xF  }
0xa6: {  	[tilespmem:$0xA60] =	vst v2;
	v2 =	vbroadcast v4, $0x0  }
0xa7: {  	[tilespmem:$0xA70] =	vst v1;
	v1 =	vbroadcast v4, $0x1  }
0xa8: {  	[tilespmem:$0xA80] =	vst v2;
	v2 =	vbroadcast v4, $0x2  }
0xa9: {  	[tilespmem:$0xA90] =	vst v1;
	v1 =	vbroadcast v4, $0x3  }
0xaa: {  	[tilespmem:$0xAA0] =	vst v2;
	v2 =	vbroadcast v4, $0x4  }
0xab: {  	v3 =	vld [tilespmem:$0xA0];
	[tilespmem:$0xAB0] =	vst v1;
	v1 =	vbroadcast v4, $0x5  }
0xac: {  	[tilespmem:$0xAC0] =	vst v2;
	v2 =	vbroadcast v4, $0x6  }
0xad: {  	[tilespmem:$0xAD0] =	vst v1;
	v1 =	vbroadcast v4, $0x7  }
0xae: {  	[tilespmem:$0xAE0] =	vst v2;
	v2 =	vbroadcast v4, $0x8  }
0xaf: {  	[tilespmem:$0xAF0] =	vst v1;
	v1 =	vbroadcast v4, $0x9  }
0xb0: {  	v25 =	vmul.f32 $6.553700000e+04, v3;
	[tilespmem:$0xB00] =	vst v2;
	v2 =	vbroadcast v4, $0xA  }
0xb1: {  	[tilespmem:$0xB10] =	vst v1;
	v1 =	vbroadcast v4, $0xB  }
0xb2: {  	v3 =	vsub.f32 v25, v3;
	[tilespmem:$0xB20] =	vst v2;
	v2 =	vbroadcast v4, $0xC  }
0xb3: {  	[tilespmem:$0xB30] =	vst v1;
	v1 =	vbroadcast v4, $0xD  }
0xb4: {  	v3 =	vsub.f32 v25, v3;
	[tilespmem:$0xB40] =	vst v2;
	v2 =	vbroadcast v4, $0xE  }
0xb5: {  	[tilespmem:$0xB50] =	vst v1;
	v1 =	vbroadcast v4, $0xF  }
0xb6: {  	[tilespmem:$0xB60] =	vst v2;
	v2 =	vbroadcast v3, $0x0  }
0xb7: {  	[tilespmem:$0xB70] =	vst v1;
	v1 =	vbroadcast v3, $0x1  }
0xb8: {  	[tilespmem:$0xB80] =	vst v2;
	v2 =	vbroadcast v3, $0x2  }
0xb9: {  	[tilespmem:$0xB90] =	vst v1;
	v1 =	vbroadcast v3, $0x3  }
0xba: {  	[tilespmem:$0xBA0] =	vst v2;
	v2 =	vbroadcast v3, $0x4  }
0xbb: {  	v26 =	vld [tilespmem:$0xB0];
	[tilespmem:$0xBB0] =	vst v1;
	v1 =	vbroadcast v3, $0x5  }
0xbc: {  	[tilespmem:$0xBC0] =	vst v2;
	v2 =	vbroadcast v3, $0x6  }
0xbd: {  	[tilespmem:$0xBD0] =	vst v1;
	v1 =	vbroadcast v3, $0x7  }
0xbe: {  	[tilespmem:$0xBE0] =	vst v2;
	v2 =	vbroadcast v3, $0x8  }
0xbf: {  	[tilespmem:$0xBF0] =	vst v1;
	v1 =	vbroadcast v3, $0x9  }
0xc0: {  	v27 =	vmul.f32 $6.553700000e+04, v26;
	[tilespmem:$0xC00] =	vst v2;
	v2 =	vbroadcast v3, $0xA  }
0xc1: {  	[tilespmem:$0xC10] =	vst v1;
	v1 =	vbroadcast v3, $0xB  }
0xc2: {  	v4 =	vsub.f32 v27, v26;
	[tilespmem:$0xC20] =	vst v2;
	v2 =	vbroadcast v3, $0xC  }
0xc3: {  	[tilespmem:$0xC30] =	vst v1;
	v1 =	vbroadcast v3, $0xD  }
0xc4: {  	v4 =	vsub.f32 v27, v4;
	[tilespmem:$0xC40] =	vst v2;
	v2 =	vbroadcast v3, $0xE  }
0xc5: {  	[tilespmem:$0xC50] =	vst v1;
	v1 =	vbroadcast v3, $0xF  }
0xc6: {  	[tilespmem:$0xC60] =	vst v2;
	v2 =	vbroadcast v4, $0x0  }
0xc7: {  	[tilespmem:$0xC70] =	vst v1;
	v1 =	vbroadcast v4, $0x1  }
0xc8: {  	[tilespmem:$0xC80] =	vst v2;
	v2 =	vbroadcast v4, $0x2  }
0xc9: {  	[tilespmem:$0xC90] =	vst v1;
	v1 =	vbroadcast v4, $0x3  }
0xca: {  	[tilespmem:$0xCA0] =	vst v2;
	v2 =	vbroadcast v4, $0x4  }
0xcb: {  	v3 =	vld [tilespmem:$0xC0];
	[tilespmem:$0xCB0] =	vst v1;
	v1 =	vbroadcast v4, $0x5  }
0xcc: {  	[tilespmem:$0xCC0] =	vst v2;
	v2 =	vbroadcast v4, $0x6  }
0xcd: {  	[tilespmem:$0xCD0] =	vst v1;
	v1 =	vbroadcast v4, $0x7  }
0xce: {  	[tilespmem:$0xCE0] =	vst v2;
	v2 =	vbroadcast v4, $0x8  }
0xcf: {  	[tilespmem:$0xCF0] =	vst v1;
	v1 =	vbroadcast v4, $0x9  }
0xd0: {  	v28 =	vmul.f32 $6.553700000e+04, v3;
	[tilespmem:$0xD00] =	vst v2;
	v2 =	vbroadcast v4, $0xA  }
0xd1: {  	[tilespmem:$0xD10] =	vst v1;
	v1 =	vbroadcast v4, $0xB  }
0xd2: {  	v3 =	vsub.f32 v28, v3;
	[tilespmem:$0xD20] =	vst v2;
	v2 =	vbroadcast v4, $0xC  }
0xd3: {  	[tilespmem:$0xD30] =	vst v1;
	v1 =	vbroadcast v4, $0xD  }
0xd4: {  	v3 =	vsub.f32 v28, v3;
	[tilespmem:$0xD40] =	vst v2;
	v2 =	vbroadcast v4, $0xE  }
0xd5: {  	[tilespmem:$0xD50] =	vst v1;
	v1 =	vbroadcast v4, $0xF  }
0xd6: {  	[tilespmem:$0xD60] =	vst v2;
	v2 =	vbroadcast v3, $0x0  }
0xd7: {  	[tilespmem:$0xD70] =	vst v1;
	v1 =	vbroadcast v3, $0x1  }
0xd8: {  	[tilespmem:$0xD80] =	vst v2;
	v2 =	vbroadcast v3, $0x2  }
0xd9: {  	[tilespmem:$0xD90] =	vst v1;
	v1 =	vbroadcast v3, $0x3  }
0xda: {  	[tilespmem:$0xDA0] =	vst v2;
	v2 =	vbroadcast v3, $0x4  }
0xdb: {  	v29 =	vld [tilespmem:$0xD0];
	[tilespmem:$0xDB0] =	vst v1;
	v1 =	vbroadcast v3, $0x5  }
0xdc: {  	[tilespmem:$0xDC0] =	vst v2;
	v2 =	vbroadcast v3, $0x6  }
0xdd: {  	[tilespmem:$0xDD0] =	vst v1;
	v1 =	vbroadcast v3, $0x7  }
0xde: {  	[tilespmem:$0xDE0] =	vst v2;
	v2 =	vbroadcast v3, $0x8  }
0xdf: {  	[tilespmem:$0xDF0] =	vst v1;
	v1 =	vbroadcast v3, $0x9  }
0xe0: {  	v30 =	vmul.f32 $6.553700000e+04, v29;
	[tilespmem:$0xE00] =	vst v2;
	v2 =	vbroadcast v3, $0xA  }
0xe1: {  	[tilespmem:$0xE10] =	vst v1;
	v1 =	vbroadcast v3, $0xB  }
0xe2: {  	v4 =	vsub.f32 v30, v29;
	[tilespmem:$0xE20] =	vst v2;
	v2 =	vbroadcast v3, $0xC  }
0xe3: {  	[tilespmem:$0xE30] =	vst v1;
	v1 =	vbroadcast v3, $0xD  }
0xe4: {  	v4 =	vsub.f32 v30, v4;
	[tilespmem:$0xE40] =	vst v2;
	v2 =	vbroadcast v3, $0xE  }
0xe5: {  	[tilespmem:$0xE50] =	vst v1;
	v1 =	vbroadcast v3, $0xF  }
0xe6: {  	[tilespmem:$0xE60] =	vst v2;
	v2 =	vbroadcast v4, $0x0  }
0xe7: {  	[tilespmem:$0xE70] =	vst v1;
	v1 =	vbroadcast v4, $0x1  }
0xe8: {  	[tilespmem:$0xE80] =	vst v2;
	v2 =	vbroadcast v4, $0x2  }
0xe9: {  	[tilespmem:$0xE90] =	vst v1;
	v1 =	vbroadcast v4, $0x3  }
0xea: {  	[tilespmem:$0xEA0] =	vst v2;
	v2 =	vbroadcast v4, $0x4  }
0xeb: {  	v3 =	vld [tilespmem:$0xE0];
	[tilespmem:$0xEB0] =	vst v1;
	v1 =	vbroadcast v4, $0x5  }
0xec: {  	[tilespmem:$0xEC0] =	vst v2;
	v2 =	vbroadcast v4, $0x6  }
0xed: {  	[tilespmem:$0xED0] =	vst v1;
	v1 =	vbroadcast v4, $0x7  }
0xee: {  	[tilespmem:$0xEE0] =	vst v2;
	v2 =	vbroadcast v4, $0x8  }
0xef: {  	[tilespmem:$0xEF0] =	vst v1;
	v1 =	vbroadcast v4, $0x9  }
0xf0: {  	v31 =	vmul.f32 $6.553700000e+04, v3;
	[tilespmem:$0xF00] =	vst v2;
	v2 =	vbroadcast v4, $0xA  }
0xf1: {  	[tilespmem:$0xF10] =	vst v1;
	v1 =	vbroadcast v4, $0xB  }
0xf2: {  	v3 =	vsub.f32 v31, v3;
	[tilespmem:$0xF20] =	vst v2;
	v2 =	vbroadcast v4, $0xC  }
0xf3: {  	[tilespmem:$0xF30] =	vst v1;
	v1 =	vbroadcast v4, $0xD  }
0xf4: {  	v3 =	vsub.f32 v31, v3;
	[tilespmem:$0xF40] =	vst v2;
	v2 =	vbroadcast v4, $0xE  }
0xf5: {  	[tilespmem:$0xF50] =	vst v1;
	v1 =	vbroadcast v4, $0xF  }
0xf6: {  	[tilespmem:$0xF60] =	vst v2;
	v2 =	vbroadcast v3, $0x0  }
0xf7: {  	[tilespmem:$0xF70] =	vst v1;
	v1 =	vbroadcast v3, $0x1  }
0xf8: {  	v35 =	vld [tilespmem:$0x11C];
	[tilespmem:$0xF80] =	vst v2;
	v2 =	vbroadcast v3, $0x2  }
0xf9: {  	[tilespmem:$0xF90] =	vst v1;
	v1 =	vbroadcast v3, $0x3  }
0xfa: {  	[tilespmem:$0xFA0] =	vst v2;
	v2 =	vbroadcast v3, $0x4  }
0xfb: {  	v32 =	vld [tilespmem:$0xF0];
	[tilespmem:$0xFB0] =	vst v1;
	v1 =	vbroadcast v3, $0x5  }
0xfc: {  	[tilespmem:$0xFC0] =	vst v2;
	v2 =	vbroadcast v3, $0x6  }
0xfd: {  	v7 =	vmul.f32 $6.553700000e+04, v35;
	[tilespmem:$0xFD0] =	vst v1;
	v1 =	vbroadcast v3, $0x7  }
0xfe: {  	[tilespmem:$0xFE0] =	vst v2;
	v2 =	vbroadcast v3, $0x8  }
0xff: {  	v5 =	vsub.f32 v7, v35;
	[tilespmem:$0xFF0] =	vst v1;
	v1 =	vbroadcast v3, $0x9  }
0x100: {  	v33 =	vmul.f32 $6.553700000e+04, v32;
	[tilespmem:$0x1000] =	vst v2;
	v2 =	vbroadcast v3, $0xA  }
0x101: {  	v5 =	vsub.f32 v7, v5;
	[tilespmem:$0x1010] =	vst v1;
	v1 =	vbroadcast v3, $0xB  }
0x102: {  	v4 =	vsub.f32 v33, v32;
	[tilespmem:$0x1020] =	vst v2;
	v2 =	vbroadcast v3, $0xC  }
0x103: {  	v39 =	vbroadcast v5, $0xE;
	[tilespmem:$0x1030] =	vst v1  }
0x104: {  	v1 =	vsub.f32 v33, v4;
	[tilespmem:$0x1040] =	vst v2;
	v2 =	vbroadcast v3, $0xE  }
0x105: {  	v40 =	vbroadcast v5, $0xC;
	[tilespmem:$0x1420] =	vst v39  }
0x106: {  	[tilespmem:$0x1060] =	vst v2;
	v2 =	vbroadcast v1, $0x0  }
0x107: {  	v41 =	vbroadcast v5, $0xA;
	[tilespmem:$0x1400] =	vst v40  }
0x108: {  	[tilespmem:$0x1080] =	vst v2;
	v2 =	vbroadcast v1, $0x2  }
0x109: {  	v42 =	vbroadcast v5, $0x8;
	[tilespmem:$0x13E0] =	vst v41  }
0x10a: {  	[tilespmem:$0x10A0] =	vst v2;
	v2 =	vbroadcast v1, $0x4  }
0x10b: {  	v43 =	vbroadcast v5, $0x6;
	[tilespmem:$0x13C0] =	vst v42  }
0x10c: {  	[tilespmem:$0x10C0] =	vst v2;
	v2 =	vbroadcast v1, $0x6  }
0x10d: {  	v44 =	vbroadcast v5, $0x4;
	[tilespmem:$0x13A0] =	vst v43  }
0x10e: {  	[tilespmem:$0x10E0] =	vst v2;
	v2 =	vbroadcast v1, $0x8  }
0x10f: {  	[tilespmem:$0x1380] =	vst v44;
	v6 =	vbroadcast v3, $0xD  }
0x110: {  	[tilespmem:$0x1100] =	vst v2;
	v2 =	vbroadcast v1, $0xA  }
0x111: {  	[tilespmem:$0x1050] =	vst v6;
	v3 =	vbroadcast v3, $0xF  }
0x112: {  	[tilespmem:$0x1120] =	vst v2;
	v2 =	vbroadcast v1, $0xC  }
0x113: {  	[tilespmem:$0x1070] =	vst v3;
	v3 =	vbroadcast v1, $0x1  }
0x114: {  	[tilespmem:$0x1140] =	vst v2;
	v2 =	vbroadcast v1, $0xE  }
0x115: {  	[tilespmem:$0x1090] =	vst v3;
	v3 =	vbroadcast v1, $0x3  }
0x116: {  	v34 =	vld [tilespmem:$0x110];
	[tilespmem:$0x1160] =	vst v2;
	v2 =	vbroadcast v5, $0xF  }
0x117: {  	[tilespmem:$0x10B0] =	vst v3;
	v3 =	vbroadcast v1, $0x5  }
0x118: {  	[tilespmem:$0x1430] =	vst v2;
	v2 =	vbroadcast v5, $0xD  }
0x119: {  	[tilespmem:$0x10D0] =	vst v3;
	v3 =	vbroadcast v1, $0x7  }
0x11a: {  	[tilespmem:$0x1410] =	vst v2;
	v2 =	vbroadcast v5, $0xB  }
0x11b: {  	v36 =	vmul.f32 $6.553700000e+04, v34;
	[tilespmem:$0x10F0] =	vst v3;
	v3 =	vbroadcast v1, $0x9  }
0x11c: {  	[tilespmem:$0x13F0] =	vst v2;
	v2 =	vbroadcast v5, $0x9  }
0x11d: {  	v4 =	vsub.f32 v36, v34;
	[tilespmem:$0x1110] =	vst v3;
	v3 =	vbroadcast v1, $0xB  }
0x11e: {  	[tilespmem:$0x13D0] =	vst v2;
	v2 =	vbroadcast v5, $0x7  }
0x11f: {  	v37 =	vbroadcast v1, $0xD;
	[tilespmem:$0x1130] =	vst v3;
	v3 =	vsub.f32 v36, v4  }
0x120: {  	[tilespmem:$0x13B0] =	vst v2;
	v2 =	vbroadcast v5, $0x5  }
0x121: {  	[tilespmem:$0x1150] =	vst v37;
	v38 =	vbroadcast v3, $0xB  }
0x122: {  	[tilespmem:$0x1390] =	vst v2;
	v2 =	vbroadcast v3, $0xF  }
0x123: {  	v50 =	vbroadcast v3, $0x9;
	[tilespmem:$0x1330] =	vst v38  }
0x124: {  	[tilespmem:$0x1370] =	vst v2;
	v2 =	vbroadcast v3, $0xE  }
0x125: {  	v51 =	vbroadcast v3, $0x6;
	[tilespmem:$0x1310] =	vst v50  }
0x126: {  	[tilespmem:$0x1360] =	vst v2;
	v2 =	vbroadcast v3, $0xD  }
0x127: {  	v52 =	vbroadcast v3, $0x5;
	[tilespmem:$0x12E0] =	vst v51  }
0x128: {  	[tilespmem:$0x1350] =	vst v2;
	v2 =	vbroadcast v3, $0xC  }
0x129: {  	v6 =	vbroadcast v3, $0x2;
	[tilespmem:$0x12D0] =	vst v52  }
0x12a: {  	[tilespmem:$0x1340] =	vst v2;
	v2 =	vbroadcast v3, $0xA  }
0x12b: {  	v49 =	vld [tilespmem:$0x100];
	v53 =	vbroadcast v3, $0x4;
	[tilespmem:$0x12A0] =	vst v6  }
0x12c: {  	[tilespmem:$0x1320] =	vst v2;
	v2 =	vbroadcast v3, $0x8  }
0x12d: {  	v54 =	vbroadcast v3, $0x3;
	[tilespmem:$0x12C0] =	vst v53  }
0x12e: {  	[tilespmem:$0x1300] =	vst v2;
	v2 =	vbroadcast v3, $0x7  }
0x12f: {  	v55 =	vbroadcast v3, $0x1;
	[tilespmem:$0x12B0] =	vst v54  }
0x130: {  	v1 =	vbroadcast v1, $0xF;
	[tilespmem:$0x12F0] =	vst v2;
	v2 =	vmul.f32 $6.553700000e+04, v49  }
0x131: {  	v45 =	vbroadcast v5, $0x3;
	[tilespmem:$0x1290] =	vst v55  }
0x132: {  	v46 =	vbroadcast v5, $0x2;
	[tilespmem:$0x1170] =	vst v1;
	v4 =	vsub.f32 v2, v49  }
0x133: {  	v47 =	vbroadcast v5, $0x1;
	[tilespmem:$0x1370] =	vst v45  }
0x134: {  	v48 =	vbroadcast v5, $0x0;
	[tilespmem:$0x1360] =	vst v46;
	v2 =	vsub.f32 v2, v4  }
0x135: {  	[tilespmem:$0x1350] =	vst v47;
	v3 =	vbroadcast v3, $0x0  }
0x136: {  	[tilespmem:$0x1340] =	vst v48;
	v56 =	vbroadcast v2, $0xF  }
0x137: {  	[tilespmem:$0x1280] =	vst v3;
	v3 =	vbroadcast v2, $0xE  }
0x138: {  	v57 =	vbroadcast v2, $0xD;
	[tilespmem:$0x1270] =	vst v56  }
0x139: {  	v58 =	vbroadcast v2, $0xB;
	[tilespmem:$0x1260] =	vst v3  }
0x13a: {  	v3 =	vbroadcast v2, $0xC;
	[tilespmem:$0x1250] =	vst v57  }
0x13b: {  	v59 =	vbroadcast v2, $0x9;
	[tilespmem:$0x1230] =	vst v58  }
0x13c: {  	[tilespmem:$0x1240] =	vst v3;
	v3 =	vbroadcast v2, $0xA  }
0x13d: {  	v60 =	vbroadcast v2, $0x7;
	[tilespmem:$0x1210] =	vst v59  }
0x13e: {  	[tilespmem:$0x1220] =	vst v3;
	v3 =	vbroadcast v2, $0x8  }
0x13f: {  	v61 =	vbroadcast v2, $0x5;
	[tilespmem:$0x11F0] =	vst v60  }
0x140: {  	[tilespmem:$0x1200] =	vst v3;
	v3 =	vbroadcast v2, $0x6  }
0x141: {  	v62 =	vbroadcast v2, $0x1;
	[tilespmem:$0x11D0] =	vst v61  }
0x142: {  	[tilespmem:$0x11E0] =	vst v3;
	v3 =	vbroadcast v2, $0x4  }
0x143: {  	v63 =	vbroadcast v2, $0x2;
	[tilespmem:$0x1190] =	vst v62  }
0x144: {  	[tilespmem:$0x11C0] =	vst v3;
	v3 =	vbroadcast v2, $0x3  }
0x145: {  	[tilespmem:$0x11A0] =	vst v63;
	v2 =	vbroadcast v2, $0x0  }
0x146: {  	[tilespmem:$0x11B0] =	vst v3  }
0x147: {  	[tilespmem:$0x1180] =	vst v2  }
0x148: {  	[tilespmem:s17], [sflag:$0x1] =	stream.strided.gather [hbm4b:s10+s15], $0x9400, s16, s15, $0x38;
	[tilespmem:$0x14680] =	vst v63  }
0x149: {  	p0 =	por $0x0, $0x0;
	s20 =	simm.s32 $0x0  }
0x14a: {  	[tilespmem:s18], [sflag:$0x3] =	stream.linear.gather [hbm4b:s11+s4], $0x400, $0x38;
	[tilespmem:$0x14680] =	vst v63  }
.LBB2_2:
0x14b: {  	s22 =	sand.u32 $0x1, s20  }
0x14c: {  	s0 =	simm.s32 $0x1;
	p1 =	sge.u32 s20, s9;
	s21 =	sadd.s32 $0x1, s20  }
0x14d: {  	s1 =	sadd.s32 $0x1, s22;
	s0 =	simm.s32 @!p0 $0x0;
	s25 =	sadd.s32 $0x3, s22  }
0x14e: {  	s3 =	sxor.u32 @!p1 $0x1, s22;
	_ =	swait.ge [sflag:s1], $0x9400;
	s0 =	smul.u32 $0x26000, s0  }
0x14f: {  	s24 =	sshll.u32 @!p1 s21, $0xF;
	s23 =	smul.u32 @!p1 $0x26000, s3;
	[sflag:s1] =	ssyncset.done $0x0  }
0x150: {  	s28 =	simm.s32 @!p1 $0x400;
	s29 =	simm.s32 @!p1 $0x30D400;
	[sflag:s1] =	ssyncadd.s32 $0xFFFF6C00  }
0x151: {  	s0 =	sshrl.u32 s0, $0x2;
	s1 =	sshrl.u32 @!p1 s23, $0x2;
	s23 =	sadd.s32 @!p1 s24, s12  }
0x152: {  	_ =	swait.ge [sflag:s25], $0x400;
	s24 =	sadd.s32 @!p1 $0x1480, s1;
	s23 =	sshrl.u32 @!p1 s23, $0x3  }
0x153: {  	s1 =	sadd.s32 @!p1 $0xA880, s1;
	[sflag:s25] =	ssyncset.done $0x0;
	s26 =	sadd.s32 @!p1 s2, s23  }
0x154: {  	s23 =	sadd.s32 @!p1 s5, s23;
	[sflag:s25] =	ssyncadd.s32 $0xFFFFFC00;
	s25 =	sadd.s32 @!p1 $0x1, s3  }
0x155: {  	[tilespmem:s24], [sflag:s25] =	stream.strided.gather @!p1 [hbm4b:s26+s28], $0x9400, s29, s28, $0x38;
	[tilespmem:$0x14680] =	vst v63  }
0x156: {  	s3 =	sadd.s32 @!p1 $0x3, s3;
	s24 =	sadd.s32 $0x1580, s0;
	s25 =	simm.s32 @!p1 $0x0  }
0x157: {  	[tilespmem:s1], [sflag:s3] =	stream.linear.gather @!p1 [hbm4b:s23+s25], $0x400, $0x38;
	[tilespmem:$0x14680] =	vst v63  }
0x158: {  	v3 =	vld [tilespmem:s24+$0xFFFFFF00];
	_ =	sdelay $0x1  }
0x159: {  	v4 =	vld [tilespmem:s24+$0xFFFFFF80]  }
0x15a: {  	v5 =	vld [tilespmem:s24+$0x0];
	_ =	sdelay $0x1  }
0x15b: {  	s26 =	simm.s32 $0x1A0;
	v6 =	vld [tilespmem:s24+$0x80];
	v1 =	vmul.f32 $6.553700000e+04, v3  }
0x15c: {  	v7 =	vld [tilespmem:s26+$0xFFFFFFE0]  }
0x15d: {  	v9 =	vld [tilespmem:s26+$0xFFFFFFF0];
	v8 =	vmul.f32 $6.553700000e+04, v4;
	v2 =	vsub.f32 v1, v3  }
0x15e: {  	s3 =	sadd.s32 $0x200, s24;
	v14 =	vld [tilespmem:s26+$0x0];
	v10 =	vmul.f32 $6.553700000e+04, v5  }
0x15f: {  	v12 =	vsub.f32 v8, v4;
	v11 =	vsub.f32 v1, v2;
	v1 =	vld [tilespmem:s3+$0xFFFFFF00]  }
0x160: {  	v13 =	vimm.f32 $0.0e+00;
	v16 =	vmul.f32 $6.553700000e+04, v6;
	v15 =	vsub.f32 v10, v5;
	v2 =	vld [tilespmem:s3+$0xFFFFFF80]  }
0x161: {  	v8 =	vsub.f32 v8, v12;
	v12 =	vld [tilespmem:s26+$0x10];
	v7 =	vmul.f32 v11, v7;
	v11 =	vmul.f32 v3, v3  }
0x162: {  	v4 =	vmul.f32 v4, v4;
	v10 =	vsub.f32 v10, v15;
	v15 =	vsub.f32 v16, v6  }
0x163: {  	v3 =	vld [tilespmem:s3+$0x0];
	v8 =	vmul.f32 v8, v9;
	v7 =	vadd.f32 v7, v13;
	v11 =	vadd.f32 v11, v13  }
0x164: {  	v17 =	vmul.f32 v5, v5;
	v15 =	vsub.f32 v16, v15;
	v9 =	vmul.f32 $6.553700000e+04, v1  }
0x165: {  	s30 =	sadd.s32 $0x15B0, s0;
	s25 =	simm.s32 $0x1E0;
	v10 =	vmul.f32 v10, v14;
	v13 =	vadd.f32 v8, v7;
	v11 =	vadd.f32 v4, v11;
	v4 =	vld [tilespmem:s3+$0x80]  }
0x166: {  	s31 =	sadd.s32 $0x15A0, s0;
	s28 =	sadd.s32 $0x15D0, s0;
	v5 =	vmul.f32 $6.553700000e+04, v2;
	v14 =	vmul.f32 v15, v12;
	v7 =	vld [tilespmem:s25+$0xFFFFFFE0];
	v63 =	vsub.f32 v9, v1  }
0x167: {  	s29 =	sadd.s32 $0x15C0, s0;
	s23 =	sadd.s32 $0x15F0, s0;
	s24 =	sadd.s32 $0x1590, s0;
	v8 =	vmul.f32 v6, v6;
	v13 =	vadd.f32 v10, v13;
	v11 =	vadd.f32 v17, v11  }
0x168: {  	s26 =	sadd.s32 $0x15E0, s0;
	s0 =	simm.s32 $0x4;
	v6 =	vld [tilespmem:s25+$0xFFFFFFF0];
	s3 =	sadd.s32 $0x200, s3;
	v12 =	vsub.f32 v5, v2;
	v10 =	vsub.f32 v9, v63;
	v9 =	vmul.f32 $6.553700000e+04, v3  }
.LBB2_3:
0x169: {  	v15 =	vld [tilespmem:s3+$0xFFFFFF00];
	v13 =	vadd.f32 v14, v13;
	v8 =	vadd.f32 v8, v11  }
0x16a: {  	s0 =	sadd.s32 $0x4, s0;
	v11 =	vld [tilespmem:s25+$0x0];
	v14 =	vsub.f32 v9, v3;
	v16 =	vmul.f32 $6.553700000e+04, v4;
	v17 =	vmov v4  }
0x16b: {  	v20 =	vmul.f32 v1, v1;
	p1 =	slt.u32 s0, $0x12C;
	v5 =	vsub.f32 v5, v12;
	v18 =	vld [tilespmem:s3+$0xFFFFFF80];
	v4 =	vmul.f32 v10, v7  }
0x16c: {  	v2 =	vmul.f32 v2, v2;
	v7 =	vsub.f32 v9, v14;
	v9 =	vld [tilespmem:s25+$0x10];
	v10 =	vsub.f32 v16, v17  }
0x16d: {  	v8 =	vadd.f32 v20, v8;
	v19 =	vld [tilespmem:s3+$0x0];
	v12 =	vadd.f32 v4, v13;
	v5 =	vmul.f32 v5, v6  }
.Ltmp0:
0x16e: {  	v3 =	vmul.f32 v3, v3;
	v6 =	vmul.f32 $6.553700000e+04, v15;
	v10 =	vsub.f32 v16, v10;
	v1 =	vmovc v15;
	(pc) =	sbr.rel @p1 .LBB2_3-.Ltmp0, $4  }
0x16f: {  	s25 =	sadd.s32 $0x40, s25;
	v14 =	vadd.f32 v2, v8;
	v4 =	vld [tilespmem:s3+$0x80];
	v12 =	vadd.f32 v5, v12;
	v11 =	vmul.f32 v7, v11  }
0x170: {  	v8 =	vmul.f32 v17, v17;
	v7 =	vld [tilespmem:s25+$0xFFFFFFE0];
	v15 =	vsub.f32 v6, v1;
	v5 =	vmul.f32 $6.553700000e+04, v18;
	v2 =	vmovc v18  }
0x171: {  	v13 =	vadd.f32 v11, v12;
	v11 =	vadd.f32 v3, v14;
	v14 =	vmul.f32 v10, v9  }
0x172: {  	s3 =	sadd.s32 $0x200, s3;
	v10 =	vsub.f32 v6, v15;
	v6 =	vld [tilespmem:s25+$0xFFFFFFF0];
	v12 =	vsub.f32 v5, v2;
	v9 =	vmul.f32 $6.553700000e+04, v19;
	v3 =	vmovc v19  }
0x173: {  	v13 =	vadd.f32 v14, v13  }
0x174: {  	v14 =	vld [tilespmem:s25+$0x0];
	v8 =	vadd.f32 v8, v11;
	v1 =	vmul.f32 v1, v1;
	v15 =	vsub.f32 v9, v3  }
0x175: {  	v16 =	vmul.f32 $6.553700000e+04, v4;
	v5 =	vsub.f32 v5, v12;
	v7 =	vmul.f32 v10, v7  }
0x176: {  	v2 =	vmul.f32 v2, v2;
	v10 =	vld [tilespmem:s25+$0x10];
	v1 =	vadd.f32 v1, v8;
	v9 =	vsub.f32 v9, v15  }
0x177: {  	v11 =	vsub.f32 v16, v4;
	v7 =	vadd.f32 v7, v13;
	v5 =	vmul.f32 v5, v6  }
0x178: {  	v3 =	vmul.f32 v3, v3;
	v1 =	vadd.f32 v2, v1  }
0x179: {  	v6 =	vsub.f32 v16, v11;
	v5 =	vadd.f32 v5, v7;
	v7 =	vmul.f32 v9, v14  }
0x17a: {  	v4 =	vmul.f32 v4, v4;
	v1 =	vadd.f32 v3, v1  }
0x17b: {  	v2 =	vadd.f32 v7, v5;
	v5 =	vmul.f32 v6, v10  }
0x17c: {  	v1 =	vadd.f32 v4, v1  }
0x17d: {  	s22 =	sshll.u32 s22, $0x7;
	v2 =	vadd.f32 v5, v2  }
0x17e: {  	[tilespmem:s22+$0x14580] =	vst v1  }
0x17f: {  	[tilespmem:s22+$0x14480] =	vst v2  }
0x180: {  	v3 =	vld [tilespmem:s24+$0xFFFFFF00];
	_ =	sdelay $0x1  }
0x181: {  	v4 =	vld [tilespmem:s24+$0xFFFFFF80]  }
0x182: {  	v5 =	vld [tilespmem:s24+$0x0];
	_ =	sdelay $0x1  }
0x183: {  	s0 =	simm.s32 $0x1A0;
	v6 =	vld [tilespmem:s24+$0x80];
	v1 =	vmul.f32 $6.553700000e+04, v3  }
0x184: {  	v7 =	vld [tilespmem:s0+$0xFFFFFFE0]  }
0x185: {  	v9 =	vld [tilespmem:s0+$0xFFFFFFF0];
	v8 =	vmul.f32 $6.553700000e+04, v4;
	v2 =	vsub.f32 v1, v3  }
0x186: {  	s1 =	sadd.s32 $0x200, s24;
	v14 =	vld [tilespmem:s0+$0x0];
	v10 =	vmul.f32 $6.553700000e+04, v5  }
0x187: {  	v12 =	vsub.f32 v8, v4;
	v11 =	vsub.f32 v1, v2;
	v1 =	vld [tilespmem:s1+$0xFFFFFF00]  }
0x188: {  	v13 =	vimm.f32 $0.0e+00;
	v62 =	vmul.f32 $6.553700000e+04, v6;
	v15 =	vsub.f32 v10, v5;
	v2 =	vld [tilespmem:s1+$0xFFFFFF80]  }
0x189: {  	v8 =	vsub.f32 v8, v12;
	v12 =	vld [tilespmem:s0+$0x10];
	v7 =	vmul.f32 v11, v7;
	v11 =	vmul.f32 v3, v3  }
0x18a: {  	v4 =	vmul.f32 v4, v4;
	v10 =	vsub.f32 v10, v15;
	v15 =	vsub.f32 v62, v6  }
0x18b: {  	v3 =	vld [tilespmem:s1+$0x0];
	v8 =	vmul.f32 v8, v9;
	v7 =	vadd.f32 v7, v13;
	v11 =	vadd.f32 v11, v13  }
0x18c: {  	v17 =	vmul.f32 v5, v5;
	v15 =	vsub.f32 v62, v15;
	v9 =	vmul.f32 $6.553700000e+04, v1  }
0x18d: {  	s0 =	simm.s32 $0x1E0;
	v10 =	vmul.f32 v10, v14;
	v13 =	vadd.f32 v8, v7;
	v11 =	vadd.f32 v4, v11;
	v4 =	vld [tilespmem:s1+$0x80]  }
0x18e: {  	v5 =	vmul.f32 $6.553700000e+04, v2;
	v14 =	vmul.f32 v15, v12;
	v7 =	vld [tilespmem:s0+$0xFFFFFFE0];
	v63 =	vsub.f32 v9, v1  }
0x18f: {  	s3 =	simm.s32 $0x4;
	v8 =	vmul.f32 v6, v6;
	v13 =	vadd.f32 v10, v13;
	v11 =	vadd.f32 v17, v11  }
0x190: {  	s25 =	sadd.s32 $0x14580, s22;
	s24 =	sadd.s32 $0x14480, s22;
	v6 =	vld [tilespmem:s0+$0xFFFFFFF0];
	s1 =	sadd.s32 $0x200, s1;
	v12 =	vsub.f32 v5, v2;
	v10 =	vsub.f32 v9, v63;
	v9 =	vmul.f32 $6.553700000e+04, v3  }
.LBB2_5:
0x191: {  	v15 =	vld [tilespmem:s1+$0xFFFFFF00];
	v13 =	vadd.f32 v14, v13;
	v8 =	vadd.f32 v8, v11  }
0x192: {  	s3 =	sadd.s32 $0x4, s3;
	v11 =	vld [tilespmem:s0+$0x0];
	v14 =	vsub.f32 v9, v3;
	v16 =	vmul.f32 $6.553700000e+04, v4;
	v17 =	vmov v4  }
0x193: {  	v20 =	vmul.f32 v1, v1;
	p1 =	slt.u32 s3, $0x12C;
	v5 =	vsub.f32 v5, v12;
	v18 =	vld [tilespmem:s1+$0xFFFFFF80];
	v4 =	vmul.f32 v10, v7  }
0x194: {  	v2 =	vmul.f32 v2, v2;
	v7 =	vsub.f32 v9, v14;
	v9 =	vld [tilespmem:s0+$0x10];
	v10 =	vsub.f32 v16, v17  }
0x195: {  	v8 =	vadd.f32 v20, v8;
	v19 =	vld [tilespmem:s1+$0x0];
	v12 =	vadd.f32 v4, v13;
	v5 =	vmul.f32 v5, v6  }
.Ltmp1:
0x196: {  	v3 =	vmul.f32 v3, v3;
	v6 =	vmul.f32 $6.553700000e+04, v15;
	v10 =	vsub.f32 v16, v10;
	v1 =	vmovc v15;
	(pc) =	sbr.rel @p1 .LBB2_5-.Ltmp1, $4  }
0x197: {  	s0 =	sadd.s32 $0x40, s0;
	v14 =	vadd.f32 v2, v8;
	v4 =	vld [tilespmem:s1+$0x80];
	v12 =	vadd.f32 v5, v12;
	v11 =	vmul.f32 v7, v11  }
0x198: {  	v8 =	vmul.f32 v17, v17;
	v7 =	vld [tilespmem:s0+$0xFFFFFFE0];
	v15 =	vsub.f32 v6, v1;
	v5 =	vmul.f32 $6.553700000e+04, v18;
	v2 =	vmovc v18  }
0x199: {  	v13 =	vadd.f32 v11, v12;
	v11 =	vadd.f32 v3, v14;
	v14 =	vmul.f32 v10, v9  }
0x19a: {  	s1 =	sadd.s32 $0x200, s1;
	v10 =	vsub.f32 v6, v15;
	v6 =	vld [tilespmem:s0+$0xFFFFFFF0];
	v12 =	vsub.f32 v5, v2;
	v9 =	vmul.f32 $6.553700000e+04, v19;
	v3 =	vmovc v19  }
0x19b: {  	v13 =	vadd.f32 v14, v13  }
0x19c: {  	v14 =	vld [tilespmem:s0+$0x0];
	v8 =	vadd.f32 v8, v11;
	v1 =	vmul.f32 v1, v1;
	v15 =	vsub.f32 v9, v3  }
0x19d: {  	v16 =	vmul.f32 $6.553700000e+04, v4;
	v5 =	vsub.f32 v5, v12;
	v7 =	vmul.f32 v10, v7  }
0x19e: {  	v2 =	vmul.f32 v2, v2;
	v10 =	vld [tilespmem:s0+$0x10];
	v1 =	vadd.f32 v1, v8;
	v9 =	vsub.f32 v9, v15  }
0x19f: {  	v11 =	vsub.f32 v16, v4;
	v7 =	vadd.f32 v7, v13;
	v5 =	vmul.f32 v5, v6  }
0x1a0: {  	v3 =	vmul.f32 v3, v3;
	v1 =	vadd.f32 v2, v1  }
0x1a1: {  	v6 =	vsub.f32 v16, v11;
	v5 =	vadd.f32 v5, v7;
	v7 =	vmul.f32 v9, v14  }
0x1a2: {  	v4 =	vmul.f32 v4, v4;
	v1 =	vadd.f32 v3, v1  }
0x1a3: {  	v2 =	vadd.f32 v7, v5;
	v5 =	vmul.f32 v6, v10  }
0x1a4: {  	v1 =	vadd.f32 v4, v1  }
0x1a5: {  	v2 =	vadd.f32 v5, v2  }
0x1a6: {  	[tilespmem:s22+$0x14590] =	vst v1  }
0x1a7: {  	[tilespmem:s22+$0x14490] =	vst v2  }
0x1a8: {  	v3 =	vld [tilespmem:s31+$0xFFFFFF00]  }
0x1a9: {  	v4 =	vld [tilespmem:s31+$0xFFFFFF80]  }
0x1aa: {  	v5 =	vld [tilespmem:s31+$0x0];
	_ =	sdelay $0x2  }
0x1ab: {  	s3 =	simm.s32 $0x1A0;
	v6 =	vld [tilespmem:s31+$0x80];
	v1 =	vmul.f32 $6.553700000e+04, v3  }
0x1ac: {  	v7 =	vld [tilespmem:s3+$0xFFFFFFE0];
	v8 =	vmul.f32 $6.553700000e+04, v4  }
0x1ad: {  	v9 =	vld [tilespmem:s3+$0xFFFFFFF0];
	v10 =	vmul.f32 $6.553700000e+04, v5;
	v2 =	vsub.f32 v1, v3  }
0x1ae: {  	s1 =	sadd.s32 $0x200, s31;
	v14 =	vld [tilespmem:s3+$0x0];
	v12 =	vsub.f32 v8, v4  }
0x1af: {  	v15 =	vsub.f32 v10, v5;
	v11 =	vsub.f32 v1, v2;
	v1 =	vld [tilespmem:s1+$0xFFFFFF00]  }
0x1b0: {  	v63 =	vmul.f32 $6.553700000e+04, v6;
	v2 =	vld [tilespmem:s1+$0xFFFFFF80];
	v8 =	vsub.f32 v8, v12  }
0x1b1: {  	v10 =	vsub.f32 v10, v15;
	v15 =	vld [tilespmem:s3+$0x10];
	v7 =	vmul.f32 v11, v7;
	v11 =	vmul.f32 v3, v3  }
0x1b2: {  	v13 =	vimm.f32 $0.0e+00;
	v4 =	vmul.f32 v4, v4;
	v12 =	vsub.f32 v63, v6  }
0x1b3: {  	v3 =	vld [tilespmem:s1+$0x0];
	v8 =	vmul.f32 v8, v9;
	v7 =	vadd.f32 v7, v13;
	v11 =	vadd.f32 v11, v13  }
0x1b4: {  	v17 =	vmul.f32 v5, v5;
	v16 =	vsub.f32 v63, v12;
	v9 =	vmul.f32 $6.553700000e+04, v1  }
0x1b5: {  	s0 =	simm.s32 $0x1E0;
	v10 =	vmul.f32 v10, v14;
	v12 =	vadd.f32 v8, v7;
	v11 =	vadd.f32 v4, v11;
	v4 =	vld [tilespmem:s1+$0x80]  }
0x1b6: {  	v5 =	vmul.f32 $6.553700000e+04, v2;
	v14 =	vmul.f32 v16, v15;
	v7 =	vld [tilespmem:s0+$0xFFFFFFE0];
	v18 =	vsub.f32 v9, v1  }
0x1b7: {  	v8 =	vmul.f32 v6, v6;
	v13 =	vadd.f32 v10, v12;
	v12 =	vadd.f32 v17, v11  }
0x1b8: {  	s3 =	simm.s32 $0x4;
	v6 =	vld [tilespmem:s0+$0xFFFFFFF0];
	s1 =	sadd.s32 $0x200, s1;
	v11 =	vsub.f32 v5, v2;
	v10 =	vsub.f32 v9, v18;
	v9 =	vmul.f32 $6.553700000e+04, v3  }
.LBB2_7:
0x1b9: {  	v15 =	vld [tilespmem:s1+$0xFFFFFF00];
	v13 =	vadd.f32 v14, v13;
	v8 =	vadd.f32 v8, v12  }
0x1ba: {  	s3 =	sadd.s32 $0x4, s3;
	v12 =	vld [tilespmem:s0+$0x0];
	v14 =	vsub.f32 v9, v3;
	v16 =	vmul.f32 $6.553700000e+04, v4;
	v17 =	vmov v4  }
0x1bb: {  	v20 =	vmul.f32 v1, v1;
	p1 =	slt.u32 s3, $0x12C;
	v5 =	vsub.f32 v5, v11;
	v18 =	vld [tilespmem:s1+$0xFFFFFF80];
	v4 =	vmul.f32 v10, v7  }
0x1bc: {  	v2 =	vmul.f32 v2, v2;
	v7 =	vsub.f32 v9, v14;
	v9 =	vld [tilespmem:s0+$0x10];
	v10 =	vsub.f32 v16, v17  }
0x1bd: {  	v8 =	vadd.f32 v20, v8;
	v19 =	vld [tilespmem:s1+$0x0];
	v11 =	vadd.f32 v4, v13;
	v5 =	vmul.f32 v5, v6  }
.Ltmp2:
0x1be: {  	v3 =	vmul.f32 v3, v3;
	v6 =	vmul.f32 $6.553700000e+04, v15;
	v10 =	vsub.f32 v16, v10;
	v1 =	vmovc v15;
	(pc) =	sbr.rel @p1 .LBB2_7-.Ltmp2, $4  }
0x1bf: {  	s0 =	sadd.s32 $0x40, s0;
	v14 =	vadd.f32 v2, v8;
	v4 =	vld [tilespmem:s1+$0x80];
	v11 =	vadd.f32 v5, v11;
	v12 =	vmul.f32 v7, v12  }
0x1c0: {  	v8 =	vmul.f32 v17, v17;
	v7 =	vld [tilespmem:s0+$0xFFFFFFE0];
	v15 =	vsub.f32 v6, v1;
	v5 =	vmul.f32 $6.553700000e+04, v18;
	v2 =	vmovc v18  }
0x1c1: {  	v13 =	vadd.f32 v12, v11;
	v12 =	vadd.f32 v3, v14;
	v14 =	vmul.f32 v10, v9  }
0x1c2: {  	s1 =	sadd.s32 $0x200, s1;
	v10 =	vsub.f32 v6, v15;
	v6 =	vld [tilespmem:s0+$0xFFFFFFF0];
	v11 =	vsub.f32 v5, v2;
	v9 =	vmul.f32 $6.553700000e+04, v19;
	v3 =	vmovc v19  }
0x1c3: {  	v13 =	vadd.f32 v14, v13  }
0x1c4: {  	v14 =	vld [tilespmem:s0+$0x0];
	v8 =	vadd.f32 v8, v12;
	v1 =	vmul.f32 v1, v1;
	v15 =	vsub.f32 v9, v3  }
0x1c5: {  	v16 =	vmul.f32 $6.553700000e+04, v4;
	v5 =	vsub.f32 v5, v11;
	v7 =	vmul.f32 v10, v7  }
0x1c6: {  	v2 =	vmul.f32 v2, v2;
	v10 =	vld [tilespmem:s0+$0x10];
	v1 =	vadd.f32 v1, v8;
	v9 =	vsub.f32 v9, v15  }
0x1c7: {  	v11 =	vsub.f32 v16, v4;
	v7 =	vadd.f32 v7, v13;
	v5 =	vmul.f32 v5, v6  }
0x1c8: {  	v3 =	vmul.f32 v3, v3;
	v1 =	vadd.f32 v2, v1  }
0x1c9: {  	v6 =	vsub.f32 v16, v11;
	v5 =	vadd.f32 v5, v7;
	v7 =	vmul.f32 v9, v14  }
0x1ca: {  	v4 =	vmul.f32 v4, v4;
	v1 =	vadd.f32 v3, v1  }
0x1cb: {  	v2 =	vadd.f32 v7, v5;
	v5 =	vmul.f32 v6, v10  }
0x1cc: {  	v1 =	vadd.f32 v4, v1  }
0x1cd: {  	v2 =	vadd.f32 v5, v2  }
0x1ce: {  	[tilespmem:s22+$0x145A0] =	vst v1  }
0x1cf: {  	[tilespmem:s22+$0x144A0] =	vst v2  }
0x1d0: {  	v3 =	vld [tilespmem:s30+$0xFFFFFF00]  }
0x1d1: {  	v4 =	vld [tilespmem:s30+$0xFFFFFF80]  }
0x1d2: {  	v5 =	vld [tilespmem:s30+$0x0];
	_ =	sdelay $0x2  }
0x1d3: {  	s31 =	simm.s32 $0x1A0;
	v6 =	vld [tilespmem:s30+$0x80];
	v1 =	vmul.f32 $6.553700000e+04, v3  }
0x1d4: {  	v7 =	vld [tilespmem:s31+$0xFFFFFFE0];
	v8 =	vmul.f32 $6.553700000e+04, v4  }
0x1d5: {  	v9 =	vld [tilespmem:s31+$0xFFFFFFF0];
	v10 =	vmul.f32 $6.553700000e+04, v5;
	v2 =	vsub.f32 v1, v3  }
0x1d6: {  	s1 =	sadd.s32 $0x200, s30;
	v14 =	vld [tilespmem:s31+$0x0];
	v12 =	vsub.f32 v8, v4  }
0x1d7: {  	v15 =	vsub.f32 v10, v5;
	v11 =	vsub.f32 v1, v2;
	v1 =	vld [tilespmem:s1+$0xFFFFFF00]  }
0x1d8: {  	v63 =	vmul.f32 $6.553700000e+04, v6;
	v2 =	vld [tilespmem:s1+$0xFFFFFF80];
	v8 =	vsub.f32 v8, v12  }
0x1d9: {  	v10 =	vsub.f32 v10, v15;
	v15 =	vld [tilespmem:s31+$0x10];
	v7 =	vmul.f32 v11, v7;
	v11 =	vmul.f32 v3, v3  }
0x1da: {  	v13 =	vimm.f32 $0.0e+00;
	v4 =	vmul.f32 v4, v4;
	v12 =	vsub.f32 v63, v6  }
0x1db: {  	v3 =	vld [tilespmem:s1+$0x0];
	v8 =	vmul.f32 v8, v9;
	v7 =	vadd.f32 v7, v13;
	v11 =	vadd.f32 v11, v13  }
0x1dc: {  	v17 =	vmul.f32 v5, v5;
	v16 =	vsub.f32 v63, v12;
	v9 =	vmul.f32 $6.553700000e+04, v1  }
0x1dd: {  	s0 =	simm.s32 $0x1E0;
	v10 =	vmul.f32 v10, v14;
	v12 =	vadd.f32 v8, v7;
	v11 =	vadd.f32 v4, v11;
	v4 =	vld [tilespmem:s1+$0x80]  }
0x1de: {  	v5 =	vmul.f32 $6.553700000e+04, v2;
	v14 =	vmul.f32 v16, v15;
	v7 =	vld [tilespmem:s0+$0xFFFFFFE0];
	v18 =	vsub.f32 v9, v1  }
0x1df: {  	v8 =	vmul.f32 v6, v6;
	v13 =	vadd.f32 v10, v12;
	v12 =	vadd.f32 v17, v11  }
0x1e0: {  	s3 =	simm.s32 $0x4;
	v6 =	vld [tilespmem:s0+$0xFFFFFFF0];
	s1 =	sadd.s32 $0x200, s1;
	v11 =	vsub.f32 v5, v2;
	v10 =	vsub.f32 v9, v18;
	v9 =	vmul.f32 $6.553700000e+04, v3  }
.LBB2_9:
0x1e1: {  	v15 =	vld [tilespmem:s1+$0xFFFFFF00];
	v13 =	vadd.f32 v14, v13;
	v8 =	vadd.f32 v8, v12  }
0x1e2: {  	s3 =	sadd.s32 $0x4, s3;
	v12 =	vld [tilespmem:s0+$0x0];
	v14 =	vsub.f32 v9, v3;
	v16 =	vmul.f32 $6.553700000e+04, v4;
	v17 =	vmov v4  }
0x1e3: {  	v20 =	vmul.f32 v1, v1;
	p1 =	slt.u32 s3, $0x12C;
	v5 =	vsub.f32 v5, v11;
	v18 =	vld [tilespmem:s1+$0xFFFFFF80];
	v4 =	vmul.f32 v10, v7  }
0x1e4: {  	v2 =	vmul.f32 v2, v2;
	v7 =	vsub.f32 v9, v14;
	v9 =	vld [tilespmem:s0+$0x10];
	v10 =	vsub.f32 v16, v17  }
0x1e5: {  	v8 =	vadd.f32 v20, v8;
	v19 =	vld [tilespmem:s1+$0x0];
	v11 =	vadd.f32 v4, v13;
	v5 =	vmul.f32 v5, v6  }
.Ltmp3:
0x1e6: {  	v3 =	vmul.f32 v3, v3;
	v6 =	vmul.f32 $6.553700000e+04, v15;
	v10 =	vsub.f32 v16, v10;
	v1 =	vmovc v15;
	(pc) =	sbr.rel @p1 .LBB2_9-.Ltmp3, $4  }
0x1e7: {  	s0 =	sadd.s32 $0x40, s0;
	v14 =	vadd.f32 v2, v8;
	v4 =	vld [tilespmem:s1+$0x80];
	v11 =	vadd.f32 v5, v11;
	v12 =	vmul.f32 v7, v12  }
0x1e8: {  	v8 =	vmul.f32 v17, v17;
	v7 =	vld [tilespmem:s0+$0xFFFFFFE0];
	v15 =	vsub.f32 v6, v1;
	v5 =	vmul.f32 $6.553700000e+04, v18;
	v2 =	vmovc v18  }
0x1e9: {  	v13 =	vadd.f32 v12, v11;
	v12 =	vadd.f32 v3, v14;
	v14 =	vmul.f32 v10, v9  }
0x1ea: {  	s1 =	sadd.s32 $0x200, s1;
	v10 =	vsub.f32 v6, v15;
	v6 =	vld [tilespmem:s0+$0xFFFFFFF0];
	v11 =	vsub.f32 v5, v2;
	v9 =	vmul.f32 $6.553700000e+04, v19;
	v3 =	vmovc v19  }
0x1eb: {  	v13 =	vadd.f32 v14, v13  }
0x1ec: {  	v14 =	vld [tilespmem:s0+$0x0];
	v8 =	vadd.f32 v8, v12;
	v1 =	vmul.f32 v1, v1;
	v15 =	vsub.f32 v9, v3  }
0x1ed: {  	v16 =	vmul.f32 $6.553700000e+04, v4;
	v5 =	vsub.f32 v5, v11;
	v7 =	vmul.f32 v10, v7  }
0x1ee: {  	v2 =	vmul.f32 v2, v2;
	v10 =	vld [tilespmem:s0+$0x10];
	v1 =	vadd.f32 v1, v8;
	v9 =	vsub.f32 v9, v15  }
0x1ef: {  	v11 =	vsub.f32 v16, v4;
	v7 =	vadd.f32 v7, v13;
	v5 =	vmul.f32 v5, v6  }
0x1f0: {  	v3 =	vmul.f32 v3, v3;
	v1 =	vadd.f32 v2, v1  }
0x1f1: {  	v6 =	vsub.f32 v16, v11;
	v5 =	vadd.f32 v5, v7;
	v7 =	vmul.f32 v9, v14  }
0x1f2: {  	v4 =	vmul.f32 v4, v4;
	v1 =	vadd.f32 v3, v1  }
0x1f3: {  	v2 =	vadd.f32 v7, v5;
	v5 =	vmul.f32 v6, v10  }
0x1f4: {  	v1 =	vadd.f32 v4, v1  }
0x1f5: {  	v2 =	vadd.f32 v5, v2  }
0x1f6: {  	[tilespmem:s22+$0x145B0] =	vst v1  }
0x1f7: {  	[tilespmem:s22+$0x144B0] =	vst v2  }
0x1f8: {  	v3 =	vld [tilespmem:s29+$0xFFFFFF00]  }
0x1f9: {  	v4 =	vld [tilespmem:s29+$0xFFFFFF80]  }
0x1fa: {  	v5 =	vld [tilespmem:s29+$0x0];
	_ =	sdelay $0x2  }
0x1fb: {  	s31 =	simm.s32 $0x1A0;
	v6 =	vld [tilespmem:s29+$0x80];
	v1 =	vmul.f32 $6.553700000e+04, v3  }
0x1fc: {  	v7 =	vld [tilespmem:s31+$0xFFFFFFE0];
	v8 =	vmul.f32 $6.553700000e+04, v4  }
0x1fd: {  	v9 =	vld [tilespmem:s31+$0xFFFFFFF0];
	v10 =	vmul.f32 $6.553700000e+04, v5;
	v2 =	vsub.f32 v1, v3  }
0x1fe: {  	s1 =	sadd.s32 $0x200, s29;
	v14 =	vld [tilespmem:s31+$0x0];
	v12 =	vsub.f32 v8, v4  }
0x1ff: {  	v15 =	vsub.f32 v10, v5;
	v11 =	vsub.f32 v1, v2;
	v1 =	vld [tilespmem:s1+$0xFFFFFF00]  }
0x200: {  	v63 =	vmul.f32 $6.553700000e+04, v6;
	v2 =	vld [tilespmem:s1+$0xFFFFFF80];
	v8 =	vsub.f32 v8, v12  }
0x201: {  	v10 =	vsub.f32 v10, v15;
	v15 =	vld [tilespmem:s31+$0x10];
	v7 =	vmul.f32 v11, v7;
	v11 =	vmul.f32 v3, v3  }
0x202: {  	v13 =	vimm.f32 $0.0e+00;
	v4 =	vmul.f32 v4, v4;
	v12 =	vsub.f32 v63, v6  }
0x203: {  	v3 =	vld [tilespmem:s1+$0x0];
	v8 =	vmul.f32 v8, v9;
	v7 =	vadd.f32 v7, v13;
	v11 =	vadd.f32 v11, v13  }
0x204: {  	v17 =	vmul.f32 v5, v5;
	v16 =	vsub.f32 v63, v12;
	v9 =	vmul.f32 $6.553700000e+04, v1  }
0x205: {  	s0 =	simm.s32 $0x1E0;
	v10 =	vmul.f32 v10, v14;
	v12 =	vadd.f32 v8, v7;
	v11 =	vadd.f32 v4, v11;
	v4 =	vld [tilespmem:s1+$0x80]  }
0x206: {  	v5 =	vmul.f32 $6.553700000e+04, v2;
	v14 =	vmul.f32 v16, v15;
	v7 =	vld [tilespmem:s0+$0xFFFFFFE0];
	v18 =	vsub.f32 v9, v1  }
0x207: {  	v8 =	vmul.f32 v6, v6;
	v13 =	vadd.f32 v10, v12;
	v12 =	vadd.f32 v17, v11  }
0x208: {  	s3 =	simm.s32 $0x4;
	v6 =	vld [tilespmem:s0+$0xFFFFFFF0];
	s1 =	sadd.s32 $0x200, s1;
	v11 =	vsub.f32 v5, v2;
	v10 =	vsub.f32 v9, v18;
	v9 =	vmul.f32 $6.553700000e+04, v3  }
.LBB2_11:
0x209: {  	v15 =	vld [tilespmem:s1+$0xFFFFFF00];
	v13 =	vadd.f32 v14, v13;
	v8 =	vadd.f32 v8, v12  }
0x20a: {  	s3 =	sadd.s32 $0x4, s3;
	v12 =	vld [tilespmem:s0+$0x0];
	v14 =	vsub.f32 v9, v3;
	v16 =	vmul.f32 $6.553700000e+04, v4;
	v17 =	vmov v4  }
0x20b: {  	v20 =	vmul.f32 v1, v1;
	p1 =	slt.u32 s3, $0x12C;
	v5 =	vsub.f32 v5, v11;
	v18 =	vld [tilespmem:s1+$0xFFFFFF80];
	v4 =	vmul.f32 v10, v7  }
0x20c: {  	v2 =	vmul.f32 v2, v2;
	v7 =	vsub.f32 v9, v14;
	v9 =	vld [tilespmem:s0+$0x10];
	v10 =	vsub.f32 v16, v17  }
0x20d: {  	v8 =	vadd.f32 v20, v8;
	v19 =	vld [tilespmem:s1+$0x0];
	v11 =	vadd.f32 v4, v13;
	v5 =	vmul.f32 v5, v6  }
.Ltmp4:
0x20e: {  	v3 =	vmul.f32 v3, v3;
	v6 =	vmul.f32 $6.553700000e+04, v15;
	v10 =	vsub.f32 v16, v10;
	v1 =	vmovc v15;
	(pc) =	sbr.rel @p1 .LBB2_11-.Ltmp4, $4  }
0x20f: {  	s0 =	sadd.s32 $0x40, s0;
	v14 =	vadd.f32 v2, v8;
	v4 =	vld [tilespmem:s1+$0x80];
	v11 =	vadd.f32 v5, v11;
	v12 =	vmul.f32 v7, v12  }
0x210: {  	v8 =	vmul.f32 v17, v17;
	v7 =	vld [tilespmem:s0+$0xFFFFFFE0];
	v15 =	vsub.f32 v6, v1;
	v5 =	vmul.f32 $6.553700000e+04, v18;
	v2 =	vmovc v18  }
0x211: {  	v13 =	vadd.f32 v12, v11;
	v12 =	vadd.f32 v3, v14;
	v14 =	vmul.f32 v10, v9  }
0x212: {  	s1 =	sadd.s32 $0x200, s1;
	v10 =	vsub.f32 v6, v15;
	v6 =	vld [tilespmem:s0+$0xFFFFFFF0];
	v11 =	vsub.f32 v5, v2;
	v9 =	vmul.f32 $6.553700000e+04, v19;
	v3 =	vmovc v19  }
0x213: {  	v13 =	vadd.f32 v14, v13  }
0x214: {  	v14 =	vld [tilespmem:s0+$0x0];
	v8 =	vadd.f32 v8, v12;
	v1 =	vmul.f32 v1, v1;
	v15 =	vsub.f32 v9, v3  }
0x215: {  	v16 =	vmul.f32 $6.553700000e+04, v4;
	v5 =	vsub.f32 v5, v11;
	v7 =	vmul.f32 v10, v7  }
0x216: {  	v2 =	vmul.f32 v2, v2;
	v10 =	vld [tilespmem:s0+$0x10];
	v1 =	vadd.f32 v1, v8;
	v9 =	vsub.f32 v9, v15  }
0x217: {  	v11 =	vsub.f32 v16, v4;
	v7 =	vadd.f32 v7, v13;
	v5 =	vmul.f32 v5, v6  }
0x218: {  	v3 =	vmul.f32 v3, v3;
	v1 =	vadd.f32 v2, v1  }
0x219: {  	v6 =	vsub.f32 v16, v11;
	v5 =	vadd.f32 v5, v7;
	v7 =	vmul.f32 v9, v14  }
0x21a: {  	v4 =	vmul.f32 v4, v4;
	v1 =	vadd.f32 v3, v1  }
0x21b: {  	v2 =	vadd.f32 v7, v5;
	v5 =	vmul.f32 v6, v10  }
0x21c: {  	v1 =	vadd.f32 v4, v1  }
0x21d: {  	v2 =	vadd.f32 v5, v2  }
0x21e: {  	[tilespmem:s22+$0x145C0] =	vst v1  }
0x21f: {  	[tilespmem:s22+$0x144C0] =	vst v2  }
0x220: {  	v3 =	vld [tilespmem:s28+$0xFFFFFF00]  }
0x221: {  	v4 =	vld [tilespmem:s28+$0xFFFFFF80]  }
0x222: {  	v5 =	vld [tilespmem:s28+$0x0];
	_ =	sdelay $0x2  }
0x223: {  	s31 =	simm.s32 $0x1A0;
	v6 =	vld [tilespmem:s28+$0x80];
	v1 =	vmul.f32 $6.553700000e+04, v3  }
0x224: {  	v7 =	vld [tilespmem:s31+$0xFFFFFFE0];
	v8 =	vmul.f32 $6.553700000e+04, v4  }
0x225: {  	v9 =	vld [tilespmem:s31+$0xFFFFFFF0];
	v10 =	vmul.f32 $6.553700000e+04, v5;
	v2 =	vsub.f32 v1, v3  }
0x226: {  	s1 =	sadd.s32 $0x200, s28;
	v14 =	vld [tilespmem:s31+$0x0];
	v12 =	vsub.f32 v8, v4  }
0x227: {  	v15 =	vsub.f32 v10, v5;
	v11 =	vsub.f32 v1, v2;
	v1 =	vld [tilespmem:s1+$0xFFFFFF00]  }
0x228: {  	v63 =	vmul.f32 $6.553700000e+04, v6;
	v2 =	vld [tilespmem:s1+$0xFFFFFF80];
	v8 =	vsub.f32 v8, v12  }
0x229: {  	v10 =	vsub.f32 v10, v15;
	v15 =	vld [tilespmem:s31+$0x10];
	v7 =	vmul.f32 v11, v7;
	v11 =	vmul.f32 v3, v3  }
0x22a: {  	v13 =	vimm.f32 $0.0e+00;
	v4 =	vmul.f32 v4, v4;
	v12 =	vsub.f32 v63, v6  }
0x22b: {  	v3 =	vld [tilespmem:s1+$0x0];
	v8 =	vmul.f32 v8, v9;
	v7 =	vadd.f32 v7, v13;
	v11 =	vadd.f32 v11, v13  }
0x22c: {  	v17 =	vmul.f32 v5, v5;
	v16 =	vsub.f32 v63, v12;
	v9 =	vmul.f32 $6.553700000e+04, v1  }
0x22d: {  	s0 =	simm.s32 $0x1E0;
	v10 =	vmul.f32 v10, v14;
	v12 =	vadd.f32 v8, v7;
	v11 =	vadd.f32 v4, v11;
	v4 =	vld [tilespmem:s1+$0x80]  }
0x22e: {  	v5 =	vmul.f32 $6.553700000e+04, v2;
	v14 =	vmul.f32 v16, v15;
	v7 =	vld [tilespmem:s0+$0xFFFFFFE0];
	v18 =	vsub.f32 v9, v1  }
0x22f: {  	v8 =	vmul.f32 v6, v6;
	v13 =	vadd.f32 v10, v12;
	v12 =	vadd.f32 v17, v11  }
0x230: {  	s3 =	simm.s32 $0x4;
	v6 =	vld [tilespmem:s0+$0xFFFFFFF0];
	s1 =	sadd.s32 $0x200, s1;
	v11 =	vsub.f32 v5, v2;
	v10 =	vsub.f32 v9, v18;
	v9 =	vmul.f32 $6.553700000e+04, v3  }
.LBB2_13:
0x231: {  	v15 =	vld [tilespmem:s1+$0xFFFFFF00];
	v13 =	vadd.f32 v14, v13;
	v8 =	vadd.f32 v8, v12  }
0x232: {  	s3 =	sadd.s32 $0x4, s3;
	v12 =	vld [tilespmem:s0+$0x0];
	v14 =	vsub.f32 v9, v3;
	v16 =	vmul.f32 $6.553700000e+04, v4;
	v17 =	vmov v4  }
0x233: {  	v20 =	vmul.f32 v1, v1;
	p1 =	slt.u32 s3, $0x12C;
	v5 =	vsub.f32 v5, v11;
	v18 =	vld [tilespmem:s1+$0xFFFFFF80];
	v4 =	vmul.f32 v10, v7  }
0x234: {  	v2 =	vmul.f32 v2, v2;
	v7 =	vsub.f32 v9, v14;
	v9 =	vld [tilespmem:s0+$0x10];
	v10 =	vsub.f32 v16, v17  }
0x235: {  	v8 =	vadd.f32 v20, v8;
	v19 =	vld [tilespmem:s1+$0x0];
	v11 =	vadd.f32 v4, v13;
	v5 =	vmul.f32 v5, v6  }
.Ltmp5:
0x236: {  	v3 =	vmul.f32 v3, v3;
	v6 =	vmul.f32 $6.553700000e+04, v15;
	v10 =	vsub.f32 v16, v10;
	v1 =	vmovc v15;
	(pc) =	sbr.rel @p1 .LBB2_13-.Ltmp5, $4  }
0x237: {  	s0 =	sadd.s32 $0x40, s0;
	v14 =	vadd.f32 v2, v8;
	v4 =	vld [tilespmem:s1+$0x80];
	v11 =	vadd.f32 v5, v11;
	v12 =	vmul.f32 v7, v12  }
0x238: {  	v8 =	vmul.f32 v17, v17;
	v7 =	vld [tilespmem:s0+$0xFFFFFFE0];
	v15 =	vsub.f32 v6, v1;
	v5 =	vmul.f32 $6.553700000e+04, v18;
	v2 =	vmovc v18  }
0x239: {  	v13 =	vadd.f32 v12, v11;
	v12 =	vadd.f32 v3, v14;
	v14 =	vmul.f32 v10, v9  }
0x23a: {  	s1 =	sadd.s32 $0x200, s1;
	v10 =	vsub.f32 v6, v15;
	v6 =	vld [tilespmem:s0+$0xFFFFFFF0];
	v11 =	vsub.f32 v5, v2;
	v9 =	vmul.f32 $6.553700000e+04, v19;
	v3 =	vmovc v19  }
0x23b: {  	v13 =	vadd.f32 v14, v13  }
0x23c: {  	v14 =	vld [tilespmem:s0+$0x0];
	v8 =	vadd.f32 v8, v12;
	v1 =	vmul.f32 v1, v1;
	v15 =	vsub.f32 v9, v3  }
0x23d: {  	v16 =	vmul.f32 $6.553700000e+04, v4;
	v5 =	vsub.f32 v5, v11;
	v7 =	vmul.f32 v10, v7  }
0x23e: {  	v2 =	vmul.f32 v2, v2;
	v10 =	vld [tilespmem:s0+$0x10];
	v1 =	vadd.f32 v1, v8;
	v9 =	vsub.f32 v9, v15  }
0x23f: {  	v11 =	vsub.f32 v16, v4;
	v7 =	vadd.f32 v7, v13;
	v5 =	vmul.f32 v5, v6  }
0x240: {  	v3 =	vmul.f32 v3, v3;
	v1 =	vadd.f32 v2, v1  }
0x241: {  	v6 =	vsub.f32 v16, v11;
	v5 =	vadd.f32 v5, v7;
	v7 =	vmul.f32 v9, v14  }
0x242: {  	v4 =	vmul.f32 v4, v4;
	v1 =	vadd.f32 v3, v1  }
0x243: {  	v2 =	vadd.f32 v7, v5;
	v5 =	vmul.f32 v6, v10  }
0x244: {  	v1 =	vadd.f32 v4, v1  }
0x245: {  	v2 =	vadd.f32 v5, v2  }
0x246: {  	[tilespmem:s22+$0x145D0] =	vst v1  }
0x247: {  	[tilespmem:s22+$0x144D0] =	vst v2  }
0x248: {  	v3 =	vld [tilespmem:s26+$0xFFFFFF00]  }
0x249: {  	v4 =	vld [tilespmem:s26+$0xFFFFFF80]  }
0x24a: {  	v5 =	vld [tilespmem:s26+$0x0];
	_ =	sdelay $0x2  }
0x24b: {  	s31 =	simm.s32 $0x1A0;
	v6 =	vld [tilespmem:s26+$0x80];
	v1 =	vmul.f32 $6.553700000e+04, v3  }
0x24c: {  	v7 =	vld [tilespmem:s31+$0xFFFFFFE0];
	v8 =	vmul.f32 $6.553700000e+04, v4  }
0x24d: {  	v9 =	vld [tilespmem:s31+$0xFFFFFFF0];
	v10 =	vmul.f32 $6.553700000e+04, v5;
	v2 =	vsub.f32 v1, v3  }
0x24e: {  	s1 =	sadd.s32 $0x200, s26;
	v14 =	vld [tilespmem:s31+$0x0];
	v12 =	vsub.f32 v8, v4  }
0x24f: {  	v15 =	vsub.f32 v10, v5;
	v11 =	vsub.f32 v1, v2;
	v1 =	vld [tilespmem:s1+$0xFFFFFF00]  }
0x250: {  	v63 =	vmul.f32 $6.553700000e+04, v6;
	v2 =	vld [tilespmem:s1+$0xFFFFFF80];
	v8 =	vsub.f32 v8, v12  }
0x251: {  	v10 =	vsub.f32 v10, v15;
	v15 =	vld [tilespmem:s31+$0x10];
	v7 =	vmul.f32 v11, v7;
	v11 =	vmul.f32 v3, v3  }
0x252: {  	v13 =	vimm.f32 $0.0e+00;
	v4 =	vmul.f32 v4, v4;
	v12 =	vsub.f32 v63, v6  }
0x253: {  	v3 =	vld [tilespmem:s1+$0x0];
	v8 =	vmul.f32 v8, v9;
	v7 =	vadd.f32 v7, v13;
	v11 =	vadd.f32 v11, v13  }
0x254: {  	v17 =	vmul.f32 v5, v5;
	v16 =	vsub.f32 v63, v12;
	v9 =	vmul.f32 $6.553700000e+04, v1  }
0x255: {  	s0 =	simm.s32 $0x1E0;
	v10 =	vmul.f32 v10, v14;
	v12 =	vadd.f32 v8, v7;
	v11 =	vadd.f32 v4, v11;
	v4 =	vld [tilespmem:s1+$0x80]  }
0x256: {  	v5 =	vmul.f32 $6.553700000e+04, v2;
	v14 =	vmul.f32 v16, v15;
	v7 =	vld [tilespmem:s0+$0xFFFFFFE0];
	v18 =	vsub.f32 v9, v1  }
0x257: {  	v8 =	vmul.f32 v6, v6;
	v13 =	vadd.f32 v10, v12;
	v12 =	vadd.f32 v17, v11  }
0x258: {  	s3 =	simm.s32 $0x4;
	v6 =	vld [tilespmem:s0+$0xFFFFFFF0];
	s1 =	sadd.s32 $0x200, s1;
	v11 =	vsub.f32 v5, v2;
	v10 =	vsub.f32 v9, v18;
	v9 =	vmul.f32 $6.553700000e+04, v3  }
.LBB2_15:
0x259: {  	v15 =	vld [tilespmem:s1+$0xFFFFFF00];
	v13 =	vadd.f32 v14, v13;
	v8 =	vadd.f32 v8, v12  }
0x25a: {  	s3 =	sadd.s32 $0x4, s3;
	v12 =	vld [tilespmem:s0+$0x0];
	v14 =	vsub.f32 v9, v3;
	v16 =	vmul.f32 $6.553700000e+04, v4;
	v17 =	vmov v4  }
0x25b: {  	v20 =	vmul.f32 v1, v1;
	p1 =	slt.u32 s3, $0x12C;
	v5 =	vsub.f32 v5, v11;
	v18 =	vld [tilespmem:s1+$0xFFFFFF80];
	v4 =	vmul.f32 v10, v7  }
0x25c: {  	v2 =	vmul.f32 v2, v2;
	v7 =	vsub.f32 v9, v14;
	v9 =	vld [tilespmem:s0+$0x10];
	v10 =	vsub.f32 v16, v17  }
0x25d: {  	v8 =	vadd.f32 v20, v8;
	v19 =	vld [tilespmem:s1+$0x0];
	v11 =	vadd.f32 v4, v13;
	v5 =	vmul.f32 v5, v6  }
.Ltmp6:
0x25e: {  	v3 =	vmul.f32 v3, v3;
	v6 =	vmul.f32 $6.553700000e+04, v15;
	v10 =	vsub.f32 v16, v10;
	v1 =	vmovc v15;
	(pc) =	sbr.rel @p1 .LBB2_15-.Ltmp6, $4  }
0x25f: {  	s0 =	sadd.s32 $0x40, s0;
	v14 =	vadd.f32 v2, v8;
	v4 =	vld [tilespmem:s1+$0x80];
	v11 =	vadd.f32 v5, v11;
	v12 =	vmul.f32 v7, v12  }
0x260: {  	v8 =	vmul.f32 v17, v17;
	v7 =	vld [tilespmem:s0+$0xFFFFFFE0];
	v15 =	vsub.f32 v6, v1;
	v5 =	vmul.f32 $6.553700000e+04, v18;
	v2 =	vmovc v18  }
0x261: {  	v13 =	vadd.f32 v12, v11;
	v12 =	vadd.f32 v3, v14;
	v14 =	vmul.f32 v10, v9  }
0x262: {  	s1 =	sadd.s32 $0x200, s1;
	v10 =	vsub.f32 v6, v15;
	v6 =	vld [tilespmem:s0+$0xFFFFFFF0];
	v11 =	vsub.f32 v5, v2;
	v9 =	vmul.f32 $6.553700000e+04, v19;
	v3 =	vmovc v19  }
0x263: {  	v13 =	vadd.f32 v14, v13  }
0x264: {  	v14 =	vld [tilespmem:s0+$0x0];
	v8 =	vadd.f32 v8, v12;
	v1 =	vmul.f32 v1, v1;
	v15 =	vsub.f32 v9, v3  }
0x265: {  	v16 =	vmul.f32 $6.553700000e+04, v4;
	v5 =	vsub.f32 v5, v11;
	v7 =	vmul.f32 v10, v7  }
0x266: {  	v2 =	vmul.f32 v2, v2;
	v10 =	vld [tilespmem:s0+$0x10];
	v1 =	vadd.f32 v1, v8;
	v9 =	vsub.f32 v9, v15  }
0x267: {  	v11 =	vsub.f32 v16, v4;
	v7 =	vadd.f32 v7, v13;
	v5 =	vmul.f32 v5, v6  }
0x268: {  	v3 =	vmul.f32 v3, v3;
	v1 =	vadd.f32 v2, v1  }
0x269: {  	v6 =	vsub.f32 v16, v11;
	v5 =	vadd.f32 v5, v7;
	v7 =	vmul.f32 v9, v14  }
0x26a: {  	v4 =	vmul.f32 v4, v4;
	v1 =	vadd.f32 v3, v1  }
0x26b: {  	v2 =	vadd.f32 v7, v5;
	v5 =	vmul.f32 v6, v10  }
0x26c: {  	v1 =	vadd.f32 v4, v1  }
0x26d: {  	v2 =	vadd.f32 v5, v2  }
0x26e: {  	[tilespmem:s22+$0x145E0] =	vst v1  }
0x26f: {  	[tilespmem:s22+$0x144E0] =	vst v2  }
0x270: {  	v3 =	vld [tilespmem:s23+$0xFFFFFF00]  }
0x271: {  	v4 =	vld [tilespmem:s23+$0xFFFFFF80]  }
0x272: {  	v5 =	vld [tilespmem:s23+$0x0];
	_ =	sdelay $0x2  }
0x273: {  	s31 =	simm.s32 $0x1A0;
	v6 =	vld [tilespmem:s23+$0x80];
	v1 =	vmul.f32 $6.553700000e+04, v3  }
0x274: {  	v7 =	vld [tilespmem:s31+$0xFFFFFFE0];
	v8 =	vmul.f32 $6.553700000e+04, v4  }
0x275: {  	v9 =	vld [tilespmem:s31+$0xFFFFFFF0];
	v10 =	vmul.f32 $6.553700000e+04, v5;
	v2 =	vsub.f32 v1, v3  }
0x276: {  	s1 =	sadd.s32 $0x200, s23;
	v14 =	vld [tilespmem:s31+$0x0];
	v12 =	vsub.f32 v8, v4  }
0x277: {  	v15 =	vsub.f32 v10, v5;
	v11 =	vsub.f32 v1, v2;
	v1 =	vld [tilespmem:s1+$0xFFFFFF00]  }
0x278: {  	v63 =	vmul.f32 $6.553700000e+04, v6;
	v2 =	vld [tilespmem:s1+$0xFFFFFF80];
	v8 =	vsub.f32 v8, v12  }
0x279: {  	v10 =	vsub.f32 v10, v15;
	v15 =	vld [tilespmem:s31+$0x10];
	v7 =	vmul.f32 v11, v7;
	v11 =	vmul.f32 v3, v3  }
0x27a: {  	v13 =	vimm.f32 $0.0e+00;
	v4 =	vmul.f32 v4, v4;
	v12 =	vsub.f32 v63, v6  }
0x27b: {  	v3 =	vld [tilespmem:s1+$0x0];
	v8 =	vmul.f32 v8, v9;
	v7 =	vadd.f32 v7, v13;
	v11 =	vadd.f32 v11, v13  }
0x27c: {  	v17 =	vmul.f32 v5, v5;
	v16 =	vsub.f32 v63, v12;
	v9 =	vmul.f32 $6.553700000e+04, v1  }
0x27d: {  	s0 =	simm.s32 $0x1E0;
	v10 =	vmul.f32 v10, v14;
	v12 =	vadd.f32 v8, v7;
	v11 =	vadd.f32 v4, v11;
	v4 =	vld [tilespmem:s1+$0x80]  }
0x27e: {  	v5 =	vmul.f32 $6.553700000e+04, v2;
	v14 =	vmul.f32 v16, v15;
	v7 =	vld [tilespmem:s0+$0xFFFFFFE0];
	v18 =	vsub.f32 v9, v1  }
0x27f: {  	v8 =	vmul.f32 v6, v6;
	v13 =	vadd.f32 v10, v12;
	v12 =	vadd.f32 v17, v11  }
0x280: {  	s3 =	simm.s32 $0x4;
	v6 =	vld [tilespmem:s0+$0xFFFFFFF0];
	s1 =	sadd.s32 $0x200, s1;
	v11 =	vsub.f32 v5, v2;
	v10 =	vsub.f32 v9, v18;
	v9 =	vmul.f32 $6.553700000e+04, v3  }
.LBB2_17:
0x281: {  	v15 =	vld [tilespmem:s1+$0xFFFFFF00];
	v13 =	vadd.f32 v14, v13;
	v8 =	vadd.f32 v8, v12  }
0x282: {  	s3 =	sadd.s32 $0x4, s3;
	v12 =	vld [tilespmem:s0+$0x0];
	v14 =	vsub.f32 v9, v3;
	v16 =	vmul.f32 $6.553700000e+04, v4;
	v17 =	vmov v4  }
0x283: {  	v20 =	vmul.f32 v1, v1;
	p1 =	slt.u32 s3, $0x12C;
	v5 =	vsub.f32 v5, v11;
	v18 =	vld [tilespmem:s1+$0xFFFFFF80];
	v4 =	vmul.f32 v10, v7  }
0x284: {  	v2 =	vmul.f32 v2, v2;
	v7 =	vsub.f32 v9, v14;
	v9 =	vld [tilespmem:s0+$0x10];
	v10 =	vsub.f32 v16, v17  }
0x285: {  	v8 =	vadd.f32 v20, v8;
	v19 =	vld [tilespmem:s1+$0x0];
	v11 =	vadd.f32 v4, v13;
	v5 =	vmul.f32 v5, v6  }
.Ltmp7:
0x286: {  	v3 =	vmul.f32 v3, v3;
	v6 =	vmul.f32 $6.553700000e+04, v15;
	v10 =	vsub.f32 v16, v10;
	v1 =	vmovc v15;
	(pc) =	sbr.rel @p1 .LBB2_17-.Ltmp7, $4  }
0x287: {  	s0 =	sadd.s32 $0x40, s0;
	v14 =	vadd.f32 v2, v8;
	v4 =	vld [tilespmem:s1+$0x80];
	v11 =	vadd.f32 v5, v11;
	v12 =	vmul.f32 v7, v12  }
0x288: {  	v8 =	vmul.f32 v17, v17;
	v7 =	vld [tilespmem:s0+$0xFFFFFFE0];
	v15 =	vsub.f32 v6, v1;
	v5 =	vmul.f32 $6.553700000e+04, v18;
	v2 =	vmovc v18  }
0x289: {  	v13 =	vadd.f32 v12, v11;
	v12 =	vadd.f32 v3, v14;
	v14 =	vmul.f32 v10, v9  }
0x28a: {  	s1 =	sadd.s32 $0x200, s1;
	v10 =	vsub.f32 v6, v15;
	v6 =	vld [tilespmem:s0+$0xFFFFFFF0];
	v11 =	vsub.f32 v5, v2;
	v9 =	vmul.f32 $6.553700000e+04, v19;
	v3 =	vmovc v19  }
0x28b: {  	v13 =	vadd.f32 v14, v13  }
0x28c: {  	v56 =	vld [tilespmem:s0+$0x0];
	v8 =	vadd.f32 v8, v12;
	v1 =	vmul.f32 v1, v1;
	v15 =	vsub.f32 v9, v3  }
0x28d: {  	v57 =	vmul.f32 $6.553700000e+04, v4;
	v5 =	vsub.f32 v5, v11;
	v7 =	vmul.f32 v10, v7  }
0x28e: {  	v58 =	vld [tilespmem:s0+$0x10];
	v2 =	vmul.f32 v2, v2;
	v1 =	vadd.f32 v1, v8;
	v9 =	vsub.f32 v9, v15  }
0x28f: {  	v59 =	vsub.f32 v57, v4;
	v7 =	vadd.f32 v7, v13;
	v5 =	vmul.f32 v5, v6  }
0x290: {  	v3 =	vmul.f32 v3, v3;
	v1 =	vadd.f32 v2, v1  }
0x291: {  	v60 =	vsub.f32 v57, v59;
	v61 =	vmul.f32 v9, v56;
	v5 =	vadd.f32 v5, v7  }
0x292: {  	v63 =	vmul.f32 v4, v4;
	v1 =	vadd.f32 v3, v1  }
0x293: {  	v62 =	vmul.f32 v60, v58;
	v2 =	vadd.f32 v61, v5  }
0x294: {  	s31 =	sshll.u32 s20, $0xC;
	v1 =	vadd.f32 v63, v1  }
0x295: {  	s0 =	sor.u32 s8, s31;
	v2 =	vadd.f32 v62, v2  }
0x296: {  	s0 =	sshrl.u32 s0, $0x3;
	[tilespmem:s22+$0x145F0] =	vst v1  }
0x297: {  	s1 =	sadd.s32 s6, s0;
	[tilespmem:s22+$0x144F0] =	vst v2  }
0x298: {  	[hbm4b:s1+s4] =	stream.linear.scatter [tilespmem:s24], [sflag:$0x5], $0x80, $0x38;
	[tilespmem:$0x14680] =	vst v63  }
0x299: {  	_ =	swait.ge [sflag:s14], $0x80  }
0x29a: {  	p1 =	sne.s32 s20, s9;
	[sflag:s14] =	ssyncset.done $0x0  }
.Ltmp8:
0x29b: {  	s0 =	sadd.s32 s7, s0;
	[sflag:s14] =	ssyncadd.s32 $0xFFFFFF80;
	(pc) =	sbr.rel @p1 .LBB2_2-.Ltmp8, $4  }
0x29c: {  	[hbm4b:s0+s4] =	stream.linear.scatter [tilespmem:s25], [sflag:$0x5], $0x80, $0x38;
	[tilespmem:$0x14680] =	vst v63  }
0x29d: {  	_ =	swait.ge [sflag:s14], $0x80  }
0x29e: {  	[sflag:s14] =	ssyncset.done $0x0  }
0x29f: {  	p0 =	por !p0, !p0;
	s20 =	smov.u32 s21;
	[sflag:s14] =	ssyncadd.s32 $0xFFFFFF80  }
0x2a0: {  	s19 =	sadd.s32 $0x1, s19  }
0x2a1: {  	p0 =	sne.s32 s19, s13  }
.Ltmp9:
0x2a2: {  	_ = 	snop;
	(pc) =	sbr.rel @p0 .LBB2_1-.Ltmp9, $1  }
0x2a3: {  	_ =	sdelay $0x3  }
0x2a4: {  	_ =	sfence.sel $0x180000  }
0x2a5: {  	[bflag:$0x0] =	sbarrier.arrive $0xFFFF  }
0x2a6: {  	_ =	strace $0x90000047  }
0x2a7: {  	s0 =	stileid.u32;
	[bflag:$0x2] =	sbarrier.arrive $0xFFFF  }
0x2a8: {  	p0 =	sne.s32 s0, $0x0;
	s0 =	rddreg [dreg:$0x3]  }
0x2a9: {  	s0 =	sadd.s32 @!p0 $0x100000, s0  }
0x2aa: {  	[sflag:s0] =	ssyncadd.tile.s32 @!p0 $0x1;
	_ =	shalt  }
.Lfunc_end2:
_tile_overlayer_lowered:
.L_overlay_start_2:
0x2ab: {  	(tag) =	ssettag $0x2  }
0x2ac: {  	s0 =	rddreg [dreg:$0x0];
	s2 =	stileid.u32  }
0x2ad: {  	s1 =	rddreg [dreg:$0x1];
	p0 =	sne.s32 s2, $0x0  }
0x2ae: {  	s3 =	rddreg [dreg:$0x2];
	[bflag:$0x3] =	sbarrier.arrive $0xFFFF;
	s2 =	simm.s32 @!p0 $0x1C05  }
0x2af: {  	[timem:s3], [sflag:s2] =	dma.local @!p0 [hbm:s0], s1  }
0x2b0: {  	s0 =	simm.s32 @!p0 $0x5  }
0x2b1: {  	_ =	swait.ge @!p0 [sflag:s0], s1  }
0x2b2: {  	s1 =	ssub.s32 @!p0 $0x0, s1;
	[sflag:s0] =	ssyncset.done @!p0 $0x0  }
0x2b3: {  	[sflag:s0] =	ssyncadd.s32 @!p0 s1  }
0x2b4: {  	[bflag:$0x3] =	sbarrier.arrive $0xFFFF  }
0x2b5: {  	_ =	shalt  }

</sc_bundles>
